<compile_context>
chip_gen: v7x
topology: tpu7x:2x2x1
jax: 0.10.2.dev20260603
libtpu: 0.0.44.dev20260713+nightly
codegen_flags: <defaults>
</compile_context>

<pallas_src>
import functools

import jax
import jax.numpy as jnp
from jax import lax
from jax.experimental import pallas as pl
from jax.experimental.pallas import tpu as pltpu
from jax.experimental.pallas import tpu_sc as plsc

_N = 10000
_E = 160000
_G = 32
_D = 128

_NSC = 2
_NSUB = 16
_CHUNK = 128
_EPAD = 163840
_CPT = _EPAD // (_NSC * _NSUB * _CHUNK)
_NPAD = 10240
_RPT = _NPAD // _NSUB

_mesh = plsc.VectorSubcoreMesh(core_axis_name="c", subcore_axis_name="s")
_cp = pltpu.CompilerParams(use_tc_tiling_on_sc=False)



@functools.partial(
    pl.kernel,
    out_type=jax.ShapeDtypeStruct((_NSC, _NPAD, 16), jnp.float32),
    mesh=_mesh,
    compiler_params=_cp,
    scratch_types=[
        pltpu.VMEM((_CPT, _CHUNK), jnp.int32),
        pltpu.VMEM((_CHUNK, 16), jnp.float32),
        pltpu.SemaphoreType.DMA,
        pltpu.SemaphoreType.DMA,
        pltpu.VMEM_SHARED((_NPAD, 16), jnp.float32),
    ],
)
def _sc_degree(dst_hbm, ones_hbm, zeros_hbm, out_hbm, dst_v, ones_v, sem, ssem,
               acc_sh):
    cid = lax.axis_index("c")
    sid = lax.axis_index("s")
    tile = cid * _NSUB + sid
    pltpu.async_copy(dst_hbm.at[pl.ds(tile * _CPT, _CPT)], dst_v, sem)
    pltpu.sync_copy(ones_hbm, ones_v)
    pltpu.sync_copy(zeros_hbm, acc_sh.at[pl.ds(sid * _RPT, _RPT)])
    pltpu.make_async_copy(dst_hbm.at[pl.ds(tile * _CPT, _CPT)], dst_v, sem).wait()
    plsc.subcore_barrier()

    pltpu.async_copy(ones_v, acc_sh.at[dst_v.at[0]], ssem, add=True)

    @pl.loop(1, _CPT)
    def _(j):
        pltpu.async_copy(ones_v, acc_sh.at[dst_v.at[j]], ssem, add=True)
        pltpu.make_async_copy(ones_v, acc_sh.at[dst_v.at[j - 1]], ssem).wait()

    pltpu.make_async_copy(ones_v, acc_sh.at[dst_v.at[_CPT - 1]], ssem).wait()
    plsc.subcore_barrier()
    pltpu.sync_copy(
        acc_sh.at[pl.ds(sid * _RPT, _RPT)],
        out_hbm.at[cid, pl.ds(sid * _RPT, _RPT)],
    )


@functools.cache
def _make_seg(dout):
    nbuf = 2 if dout > 96 else 4

    @functools.partial(
        pl.kernel,
        out_type=jax.ShapeDtypeStruct((_NSC, _NPAD, dout), jnp.float32),
        mesh=_mesh,
        compiler_params=_cp,
        scratch_types=[
            pltpu.VMEM((_CPT, _CHUNK), jnp.int32),
            pltpu.VMEM((_CPT, _CHUNK), jnp.int32),
            [pltpu.VMEM((_CHUNK, dout), jnp.float32)] * nbuf,
            [pltpu.SemaphoreType.DMA] * nbuf,
            [pltpu.SemaphoreType.DMA] * nbuf,
            pltpu.SemaphoreType.DMA,
            pltpu.VMEM_SHARED((_NPAD, dout), jnp.float32),
        ],
    )
    def seg(u_hbm, src_hbm, dst_hbm, zeros_hbm, out_hbm,
            src_v, dst_v, bufs, gsems, ssems, sem, acc_sh):
        cid = lax.axis_index("c")
        sid = lax.axis_index("s")
        tile = cid * _NSUB + sid
        pltpu.async_copy(src_hbm.at[pl.ds(tile * _CPT, _CPT)], src_v, sem).wait()
        pltpu.async_copy(u_hbm.at[src_v.at[0]], bufs[0], gsems[0])
        pltpu.async_copy(dst_hbm.at[pl.ds(tile * _CPT, _CPT)], dst_v, sem)
        pltpu.sync_copy(zeros_hbm.at[pl.ds(sid * _RPT, _RPT)],
                        acc_sh.at[pl.ds(sid * _RPT, _RPT)])
        pltpu.make_async_copy(dst_hbm.at[pl.ds(tile * _CPT, _CPT)], dst_v,
                              sem).wait()
        pltpu.async_copy(u_hbm.at[src_v.at[1]], bufs[1], gsems[1])
        plsc.subcore_barrier()

        if nbuf == 2:
            @pl.loop(0, _CPT, step=2)
            def _(j):
                for t in range(2):
                    pltpu.make_async_copy(
                        u_hbm.at[src_v.at[j + t]], bufs[t], gsems[t]).wait()
                    pltpu.async_copy(bufs[t], acc_sh.at[dst_v.at[j + t]],
                                     ssems[t], add=True)
                for t in range(2):
                    @pl.when(j + t + 2 < _CPT)
                    def _(t=t, j=j):
                        pltpu.make_async_copy(
                            bufs[t], acc_sh.at[dst_v.at[j + t]],
                            ssems[t]).wait()
                        pltpu.async_copy(
                            u_hbm.at[src_v.at[j + t + 2]], bufs[t], gsems[t])
        else:
            @pl.loop(0, _CPT, step=4)
            def _(j):
                for t in range(4):
                    t2 = (t + 2) % 4
                    pltpu.make_async_copy(
                        u_hbm.at[src_v.at[j + t]], bufs[t], gsems[t]).wait()
                    pltpu.async_copy(bufs[t], acc_sh.at[dst_v.at[j + t]],
                                     ssems[t], add=True)

                    @pl.when(j + t + 2 < _CPT)
                    def _(t=t, t2=t2, j=j):
                        @pl.when(j + t >= 2)
                        def _(t2=t2, j=j, t=t):
                            pltpu.make_async_copy(
                                bufs[t2], acc_sh.at[dst_v.at[j + t]],
                                ssems[t2]).wait()

                        pltpu.async_copy(
                            u_hbm.at[src_v.at[j + t + 2]], bufs[t2],
                            gsems[t2])

        for t in range(nbuf):
            pltpu.make_async_copy(bufs[t], acc_sh.at[dst_v.at[0]],
                                  ssems[t]).wait()
        plsc.subcore_barrier()
        pltpu.sync_copy(
            acc_sh.at[pl.ds(sid * _RPT, _RPT)],
            out_hbm.at[cid, pl.ds(sid * _RPT, _RPT)],
        )

    return seg



def _tc_first(hist, x, W1):
    def body(hist_r, x_r, w_r, dis_o, u_o):
        deg = hist_r[0, :_N, 0:1] + hist_r[1, :_N, 0:1] + 1.0
        dis = lax.rsqrt(deg)
        dis_o[...] = dis
        u_o[...] = jnp.dot(x_r[:, :64], w_r[...],
                           preferred_element_type=jnp.float32) * dis

    return pl.pallas_call(
        body,
        out_shape=(
            jax.ShapeDtypeStruct((_N, 1), jnp.float32),
            jax.ShapeDtypeStruct((_N, W1.shape[1]), jnp.float32),
        ),
    )(hist, x, W1)


def _tc_mid(y, u, dis, b, W):
    def body(y_r, u_r, dis_r, b_r, w_r, u_o):
        s = y_r[0, :_N, :] + y_r[1, :_N, :] + u_r[...]
        h = jax.nn.relu(dis_r[...] * s + b_r[...])
        u_o[...] = jnp.dot(h, w_r[...],
                           preferred_element_type=jnp.float32) * dis_r[...]

    return pl.pallas_call(
        body,
        out_shape=jax.ShapeDtypeStruct((_N, W.shape[1]), jnp.float32),
    )(y, u, dis, b, W)


def _tc_epilogue(y, u, dis, b, batch2d, Wl1, bl1, Wl2, bl2):
    def body(y_r, u_r, dis_r, b_r, bat_r, wl1_r, bl1_r, wl2_r, bl2_r, o):
        s = y_r[0, :_N, :] + y_r[1, :_N, :] + u_r[...]
        h = jax.nn.relu(dis_r[...] * s + b_r[...])
        gid = lax.broadcasted_iota(jnp.int32, (1, _G), 1)
        onehot = (bat_r[...] == gid).astype(jnp.float32)
        sums = lax.dot_general(onehot, h, (((0,), (0,)), ((), ())),
                               preferred_element_type=jnp.float32)
        cnt = jnp.sum(onehot, axis=0)[:, None]
        g = sums / jnp.clip(cnt, 1.0, None)
        g = jax.nn.relu(jnp.dot(g, wl1_r[...],
                                preferred_element_type=jnp.float32) + bl1_r[...])
        o[...] = jnp.dot(g, wl2_r[...],
                         preferred_element_type=jnp.float32) + bl2_r[...]

    return pl.pallas_call(
        body,
        out_shape=jax.ShapeDtypeStruct((_G, Wl2.shape[1]), jnp.float32),
    )(y, u, dis, b, batch2d, Wl1, bl1, Wl2, bl2)



def kernel(x, edge_index, batch, W1, b1, W2, b2, W3, b3, W4, b4, W5, b5,
           W6, b6, Wl1, bl1, Wl2, bl2):
    pad = _EPAD - _E
    pad_iota = jnp.arange(pad, dtype=jnp.int32)
    src = jnp.concatenate([edge_index[0], pad_iota % _N])
    dst = jnp.concatenate([edge_index[1], _N + pad_iota % (_NPAD - _N)])
    src = src.reshape(_EPAD // _CHUNK, _CHUNK)
    dst = dst.reshape(_EPAD // _CHUNK, _CHUNK)

    hist = _sc_degree(dst, jnp.ones((_CHUNK, 16), jnp.float32),
                      jnp.zeros((_RPT, 16), jnp.float32))
    dis, u = _tc_first(hist, x, W1)

    layers = [(b1, W2), (b2, W3), (b3, W4), (b4, W5), (b5, W6), (b6, None)]
    for b, Wn in layers:
        dout = u.shape[1]
        y = _make_seg(dout)(u, src, dst,
                            jnp.zeros((_NPAD, dout), jnp.float32))
        if Wn is None:
            return _tc_epilogue(y, u, dis, b, batch.reshape(_N, 1),
                                Wl1, bl1, Wl2, bl2)
        u = _tc_mid(y, u, dis, b, Wn)

# --- scband reference (transcript-rebuilt; emitter-appended) ---
"""Pipeline reference for scband-first-path-49641232007465 (READ-ONLY COPY).

The authoritative reference and input builder live on the scoring server;
editing this copy changes nothing except your own understanding.
"""

import jax, jax.numpy as jnp
import numpy as np

N = 10000
E = 160000
D_FEAT = 128
NUM_GRAPHS = 32
SELECT = jnp.arange(64)
CONV_DIMS = [(64, 32), (32, 32), (32, 48), (48, 64), (64, 96), (96, 128)]


def setup_inputs(seed: int = 0) -> dict:
    key = jax.random.key(seed)
    ks = jax.random.split(key, 40)
    inp = {}
    inp['x'] = jax.random.normal(ks[0], (N, D_FEAT), dtype=jnp.float32)
    inp['edge_index'] = jax.random.randint(ks[1], (2, E), 0, N, dtype=jnp.int32)
    inp['batch'] = jnp.sort(jax.random.randint(ks[2], (N,), 0, NUM_GRAPHS, dtype=jnp.int32))
    for i, (din, dout) in enumerate(CONV_DIMS):
        inp['W%d' % (i + 1)] = jax.random.normal(ks[3 + 2 * i], (din, dout), dtype=jnp.float32) / np.sqrt(float(din))
        inp['b%d' % (i + 1)] = jnp.zeros((dout,), dtype=jnp.float32)
    inp['Wl1'] = jax.random.normal(ks[20], (128, 64), dtype=jnp.float32) / np.sqrt(128.0)
    inp['bl1'] = jnp.zeros((64,), dtype=jnp.float32)
    inp['Wl2'] = jax.random.normal(ks[21], (64, 32), dtype=jnp.float32) / np.sqrt(64.0)
    inp['bl2'] = jnp.zeros((32,), dtype=jnp.float32)
    return inp


def _norm(edge_index):
    # GCNConv normalization with added self loops: D^{-1/2} (A + I) D^{-1/2}
    loop = jnp.arange(N, dtype=edge_index.dtype)
    src = jnp.concatenate([edge_index[0], loop])
    dst = jnp.concatenate([edge_index[1], loop])
    deg = jax.ops.segment_sum(jnp.ones(src.shape[0], jnp.float32), dst, num_segments=N)
    dis = jnp.where(deg > 0, jax.lax.rsqrt(jnp.maximum(deg, 1e-12)), 0.0)
    return src, dst, dis[src] * dis[dst]


def _gcn(h, src, dst, norm, W, b):
    m = (h @ W)[src] * norm[:, None]
    return jax.ops.segment_sum(m, dst, num_segments=N) + b


def reference(x, edge_index, batch, W1, b1, W2, b2, W3, b3, W4, b4, W5, b5, W6, b6, Wl1, bl1, Wl2, bl2):
    src, dst, norm = _norm(edge_index)
    h = jnp.take(x, SELECT, axis=1)
    for (W, b) in [(W1, b1), (W2, b2), (W3, b3), (W4, b4), (W5, b5), (W6, b6)]:
        h = jax.nn.relu(_gcn(h, src, dst, norm, W, b))
    sums = jax.ops.segment_sum(h, batch, num_segments=NUM_GRAPHS)
    cnt = jax.ops.segment_sum(jnp.ones((N,), jnp.float32), batch, num_segments=NUM_GRAPHS)
    g = sums / jnp.clip(cnt, 1.0, None)[:, None]
    g = jax.nn.relu(g @ Wl1 + bl1)
    return g @ Wl2 + bl2

if __name__ == "__main__":
    import jax
    _d = setup_inputs()
    print(jax.jit(kernel)(*tuple(_d.values())))

</pallas_src>

<mosaic_0001>
#map = affine_map<(d0, d1) -> (0, 0)>
#map1 = affine_map<(d0, d1) -> (0, 0, 0)>
module attributes {stable_mosaic.version = 14 : i64} {
  func.func @_sc_degree(%arg0: i32, %arg1: i32, %arg2: memref<1280x128xi32, #tpu.memory_space<hbm>>, %arg3: memref<128x16xf32, #tpu.memory_space<hbm>>, %arg4: memref<640x16xf32, #tpu.memory_space<hbm>>, %arg5: memref<2x10240x16xf32, #tpu.memory_space<hbm>>, %arg6: memref<40x128xi32, #tpu.memory_space<vmem>>, %arg7: memref<128x16xf32, #tpu.memory_space<vmem>>, %arg8: memref<!tpu.dma_semaphore, #tpu.memory_space<semaphore_mem>>, %arg9: memref<!tpu.dma_semaphore, #tpu.memory_space<semaphore_mem>>, %arg10: memref<10240x16xf32, #tpu.memory_space<vmem_shared>>) attributes {dimension_semantics = [#tpu.dimension_semantics<core_parallel>, #tpu.dimension_semantics<subcore_parallel>], iteration_bounds = array<i64: 2, 16>, scalar_prefetch = 0 : i64, scratch_operands = 5 : i64, tpu.core_type = #tpu.core_type<sc_vector_subcore>, window_params = [{transform_indices = #map}, {transform_indices = #map}, {transform_indices = #map}, {transform_indices = #map1}]} {
    %mul3A = arith.constant 16 : i32
    %mul3A_0 = arith.muli %arg0, %mul3A : i32
    %add3A = arith.addi %mul3A_0, %arg1 : i32
    %mul3A_1 = arith.constant 40 : i32
    %mul3A_2 = arith.muli %add3A, %mul3A_1 : i32
    %dma_start3A = arith.constant 0 : i32
    %dma_start3A_3 = tpu.memref_slice %arg2[%mul3A_2, %dma_start3A] : memref<1280x128xi32, #tpu.memory_space<hbm>> -> memref<40x128xi32, #tpu.memory_space<hbm>>
    %dma_start3A_4 = arith.constant 0 : i32
    %dma_start3A_5 = tpu.memref_slice %arg2[%mul3A_2, %dma_start3A_4] : memref<1280x128xi32, #tpu.memory_space<hbm>> -> memref<40x128xi32, #tpu.memory_space<hbm>>
    tpu.enqueue_dma source(%dma_start3A_5 : memref<40x128xi32, #tpu.memory_space<hbm>>) target(%arg6 : memref<40x128xi32, #tpu.memory_space<vmem>>) target_semaphore(%arg8 : memref<!tpu.dma_semaphore, #tpu.memory_space<semaphore_mem>>)
    "tpu.region"() ({
      %run_scoped3A = tpu.sem_alloc : memref<!tpu.dma_semaphore, #tpu.memory_space<semaphore_mem>>
      tpu.enqueue_dma source(%arg3 : memref<128x16xf32, #tpu.memory_space<hbm>>) target(%arg7 : memref<128x16xf32, #tpu.memory_space<vmem>>) target_semaphore(%run_scoped3A : memref<!tpu.dma_semaphore, #tpu.memory_space<semaphore_mem>>)
      tpu.wait_dma2 semaphore(%run_scoped3A : memref<!tpu.dma_semaphore, #tpu.memory_space<semaphore_mem>>) src(%arg3 : memref<128x16xf32, #tpu.memory_space<hbm>>) dst(%arg7 : memref<128x16xf32, #tpu.memory_space<vmem>>)
      tpu.yield
    }) : () -> ()
    %mul3A_6 = arith.constant 640 : i32
    %mul3A_7 = arith.muli %arg1, %mul3A_6 : i32
    "tpu.region"() ({
      %run_scoped3A = tpu.sem_alloc : memref<!tpu.dma_semaphore, #tpu.memory_space<semaphore_mem>>
      %dma_start3A_36 = arith.constant 0 : i32
      %dma_start3A_37 = tpu.memref_slice %arg10[%mul3A_7, %dma_start3A_36] : memref<10240x16xf32, #tpu.memory_space<vmem_shared>> -> memref<640x16xf32, #tpu.memory_space<vmem_shared>>
      tpu.enqueue_dma source(%arg4 : memref<640x16xf32, #tpu.memory_space<hbm>>) target(%dma_start3A_37 : memref<640x16xf32, #tpu.memory_space<vmem_shared>>) target_semaphore(%run_scoped3A : memref<!tpu.dma_semaphore, #tpu.memory_space<semaphore_mem>>)
      %dma_wait3A_38 = arith.constant 0 : i32
      %dma_wait3A_39 = tpu.memref_slice %arg10[%mul3A_7, %dma_wait3A_38] : memref<10240x16xf32, #tpu.memory_space<vmem_shared>> -> memref<640x16xf32, #tpu.memory_space<vmem_shared>>
      tpu.wait_dma2 semaphore(%run_scoped3A : memref<!tpu.dma_semaphore, #tpu.memory_space<semaphore_mem>>) src(%arg4 : memref<640x16xf32, #tpu.memory_space<hbm>>) dst(%dma_wait3A_39 : memref<640x16xf32, #tpu.memory_space<vmem_shared>>)
      tpu.yield
    }) : () -> ()
    %mul3A_8 = arith.constant 40 : i32
    %mul3A_9 = arith.muli %add3A, %mul3A_8 : i32
    %dma_wait3A = arith.constant 0 : i32
    %dma_wait3A_10 = tpu.memref_slice %arg2[%mul3A_9, %dma_wait3A] : memref<1280x128xi32, #tpu.memory_space<hbm>> -> memref<40x128xi32, #tpu.memory_space<hbm>>
    %dma_wait3A_11 = arith.constant 0 : i32
    %dma_wait3A_12 = tpu.memref_slice %arg2[%mul3A_9, %dma_wait3A_11] : memref<1280x128xi32, #tpu.memory_space<hbm>> -> memref<40x128xi32, #tpu.memory_space<hbm>>
    tpu.wait_dma2 semaphore(%arg8 : memref<!tpu.dma_semaphore, #tpu.memory_space<semaphore_mem>>) src(%dma_wait3A_12 : memref<40x128xi32, #tpu.memory_space<hbm>>) dst(%arg6 : memref<40x128xi32, #tpu.memory_space<vmem>>)
    %barrier3A = arith.constant 0 : index
    tpu.barrier barrier_id(%barrier3A)
    %dma_start3A_13 = arith.constant 0 : i32
    %dma_start3A_14 = arith.constant 0 : i32
    %dma_start3A_15 = tpu.memref_slice %arg6[%dma_start3A_13, %dma_start3A_14] : memref<40x128xi32, #tpu.memory_space<vmem>> -> memref<1x128xi32, #tpu.memory_space<vmem>>
    %dma_start3A_16 = tpu.memref_squeeze %dma_start3A_15 : memref<1x128xi32, #tpu.memory_space<vmem>> -> memref<128xi32, #tpu.memory_space<vmem>>
    %dma_start3A_17 = arith.constant 0 : i32
    %dma_start3A_18 = arith.constant 0 : i32
    %dma_start3A_19 = tpu.memref_slice %arg10[%dma_start3A_17, %dma_start3A_18] : memref<10240x16xf32, #tpu.memory_space<vmem_shared>> -> memref<10240x16xf32, #tpu.memory_space<vmem_shared>>
    tpu.enqueue_indirect_dma source(%arg7 : memref<128x16xf32, #tpu.memory_space<vmem>>) target(%dma_start3A_19 : memref<10240x16xf32, #tpu.memory_space<vmem_shared>>) offsets(%dma_start3A_16 : memref<128xi32, #tpu.memory_space<vmem>>) semaphore(%arg9 : memref<!tpu.dma_semaphore, #tpu.memory_space<semaphore_mem>>) {add = true}
    %scan3A = arith.constant 0 : i32
    %scan3A_20 = arith.constant 39 : i32
    %scan3A_21 = arith.addi %scan3A, %scan3A_20 : i32
    %scan3A_22 = arith.constant 1 : i32
    scf.for %scan3A_36 = %scan3A to %scan3A_21 step %scan3A_22  : i32 {
      %mul3A_37 = arith.constant 1 : i32
      %mul3A_38 = arith.muli %scan3A_36, %mul3A_37 : i32
      %add3A_39 = arith.constant 1 : i32
      %add3A_40 = arith.addi %add3A_39, %mul3A_38 : i32
      %dma_start3A_41 = arith.constant 0 : i32
      %dma_start3A_42 = tpu.memref_slice %arg6[%add3A_40, %dma_start3A_41] : memref<40x128xi32, #tpu.memory_space<vmem>> -> memref<1x128xi32, #tpu.memory_space<vmem>>
      %dma_start3A_43 = tpu.memref_squeeze %dma_start3A_42 : memref<1x128xi32, #tpu.memory_space<vmem>> -> memref<128xi32, #tpu.memory_space<vmem>>
      %dma_start3A_44 = arith.constant 0 : i32
      %dma_start3A_45 = arith.constant 0 : i32
      %dma_start3A_46 = tpu.memref_slice %arg10[%dma_start3A_44, %dma_start3A_45] : memref<10240x16xf32, #tpu.memory_space<vmem_shared>> -> memref<10240x16xf32, #tpu.memory_space<vmem_shared>>
      tpu.enqueue_indirect_dma source(%arg7 : memref<128x16xf32, #tpu.memory_space<vmem>>) target(%dma_start3A_46 : memref<10240x16xf32, #tpu.memory_space<vmem_shared>>) offsets(%dma_start3A_43 : memref<128xi32, #tpu.memory_space<vmem>>) semaphore(%arg9 : memref<!tpu.dma_semaphore, #tpu.memory_space<semaphore_mem>>) {add = true}
      %sub3A = arith.constant 1 : i32
      %sub3A_47 = arith.subi %add3A_40, %sub3A : i32
      %dma_wait3A_48 = arith.constant 0 : i32
      %dma_wait3A_49 = tpu.memref_slice %arg6[%sub3A_47, %dma_wait3A_48] : memref<40x128xi32, #tpu.memory_space<vmem>> -> memref<1x128xi32, #tpu.memory_space<vmem>>
      %dma_wait3A_50 = tpu.memref_squeeze %dma_wait3A_49 : memref<1x128xi32, #tpu.memory_space<vmem>> -> memref<128xi32, #tpu.memory_space<vmem>>
      %dma_wait3A_51 = arith.constant 0 : i32
      %dma_wait3A_52 = arith.constant 0 : i32
      %dma_wait3A_53 = tpu.memref_slice %arg10[%dma_wait3A_51, %dma_wait3A_52] : memref<10240x16xf32, #tpu.memory_space<vmem_shared>> -> memref<10240x16xf32, #tpu.memory_space<vmem_shared>>
      tpu.wait_indirect_dma semaphore(%arg9 : memref<!tpu.dma_semaphore, #tpu.memory_space<semaphore_mem>>) src(%arg7 : memref<128x16xf32, #tpu.memory_space<vmem>>) dst(%dma_wait3A_53 : memref<10240x16xf32, #tpu.memory_space<vmem_shared>>)
    }
    %scan3A_23 = arith.constant 39 : i32
    %dma_wait3A_24 = arith.constant 39 : i32
    %dma_wait3A_25 = arith.constant 0 : i32
    %dma_wait3A_26 = tpu.memref_slice %arg6[%dma_wait3A_24, %dma_wait3A_25] : memref<40x128xi32, #tpu.memory_space<vmem>> -> memref<1x128xi32, #tpu.memory_space<vmem>>
    %dma_wait3A_27 = tpu.memref_squeeze %dma_wait3A_26 : memref<1x128xi32, #tpu.memory_space<vmem>> -> memref<128xi32, #tpu.memory_space<vmem>>
    %dma_wait3A_28 = arith.constant 0 : i32
    %dma_wait3A_29 = arith.constant 0 : i32
    %dma_wait3A_30 = tpu.memref_slice %arg10[%dma_wait3A_28, %dma_wait3A_29] : memref<10240x16xf32, #tpu.memory_space<vmem_shared>> -> memref<10240x16xf32, #tpu.memory_space<vmem_shared>>
    tpu.wait_indirect_dma semaphore(%arg9 : memref<!tpu.dma_semaphore, #tpu.memory_space<semaphore_mem>>) src(%arg7 : memref<128x16xf32, #tpu.memory_space<vmem>>) dst(%dma_wait3A_30 : memref<10240x16xf32, #tpu.memory_space<vmem_shared>>)
    %barrier3A_31 = arith.constant 0 : index
    tpu.barrier barrier_id(%barrier3A_31)
    %mul3A_32 = arith.constant 640 : i32
    %mul3A_33 = arith.muli %arg1, %mul3A_32 : i32
    %mul3A_34 = arith.constant 640 : i32
    %mul3A_35 = arith.muli %arg1, %mul3A_34 : i32
    "tpu.region"() ({
      %run_scoped3A = tpu.sem_alloc : memref<!tpu.dma_semaphore, #tpu.memory_space<semaphore_mem>>
      %dma_start3A_36 = arith.constant 0 : i32
      %dma_start3A_37 = tpu.memref_slice %arg5[%arg0, %mul3A_35, %dma_start3A_36] : memref<2x10240x16xf32, #tpu.memory_space<hbm>> -> memref<1x640x16xf32, #tpu.memory_space<hbm>>
      %dma_start3A_38 = tpu.memref_squeeze %dma_start3A_37 : memref<1x640x16xf32, #tpu.memory_space<hbm>> -> memref<640x16xf32, #tpu.memory_space<hbm>>
      %dma_start3A_39 = arith.constant 0 : i32
      %dma_start3A_40 = tpu.memref_slice %arg10[%mul3A_33, %dma_start3A_39] : memref<10240x16xf32, #tpu.memory_space<vmem_shared>> -> memref<640x16xf32, #tpu.memory_space<vmem_shared>>
      tpu.enqueue_dma source(%dma_start3A_40 : memref<640x16xf32, #tpu.memory_space<vmem_shared>>) target(%dma_start3A_38 : memref<640x16xf32, #tpu.memory_space<hbm>>) target_semaphore(%run_scoped3A : memref<!tpu.dma_semaphore, #tpu.memory_space<semaphore_mem>>)
      %dma_wait3A_41 = arith.constant 0 : i32
      %dma_wait3A_42 = tpu.memref_slice %arg5[%arg0, %mul3A_35, %dma_wait3A_41] : memref<2x10240x16xf32, #tpu.memory_space<hbm>> -> memref<1x640x16xf32, #tpu.memory_space<hbm>>
      %dma_wait3A_43 = tpu.memref_squeeze %dma_wait3A_42 : memref<1x640x16xf32, #tpu.memory_space<hbm>> -> memref<640x16xf32, #tpu.memory_space<hbm>>
      %dma_wait3A_44 = arith.constant 0 : i32
      %dma_wait3A_45 = tpu.memref_slice %arg10[%mul3A_33, %dma_wait3A_44] : memref<10240x16xf32, #tpu.memory_space<vmem_shared>> -> memref<640x16xf32, #tpu.memory_space<vmem_shared>>
      tpu.wait_dma2 semaphore(%run_scoped3A : memref<!tpu.dma_semaphore, #tpu.memory_space<semaphore_mem>>) src(%dma_wait3A_45 : memref<640x16xf32, #tpu.memory_space<vmem_shared>>) dst(%dma_wait3A_43 : memref<640x16xf32, #tpu.memory_space<hbm>>)
      tpu.yield
    }) : () -> ()
    return
  }
}

#map = affine_map<(d0, d1) -> (0, 0)>
#map1 = affine_map<(d0, d1) -> (0, 0, 0)>
module attributes {stable_mosaic.version = 14 : i64} {
  func.func @seg(%arg0: i32, %arg1: i32, %arg2: memref<10000x48xf32, #tpu.memory_space<hbm>>, %arg3: memref<1280x128xi32, #tpu.memory_space<hbm>>, %arg4: memref<1280x128xi32, #tpu.memory_space<hbm>>, %arg5: memref<10240x48xf32, #tpu.memory_space<hbm>>, %arg6: memref<2x10240x48xf32, #tpu.memory_space<hbm>>, %arg7: memref<40x128xi32, #tpu.memory_space<vmem>>, %arg8: memref<40x128xi32, #tpu.memory_space<vmem>>, %arg9: memref<128x48xf32, #tpu.memory_space<vmem>>, %arg10: memref<128x48xf32, #tpu.memory_space<vmem>>, %arg11: memref<128x48xf32, #tpu.memory_space<vmem>>, %arg12: memref<128x48xf32, #tpu.memory_space<vmem>>, %arg13: memref<!tpu.dma_semaphore, #tpu.memory_space<semaphore_mem>>, %arg14: memref<!tpu.dma_semaphore, #tpu.memory_space<semaphore_mem>>, %arg15: memref<!tpu.dma_semaphore, #tpu.memory_space<semaphore_mem>>, %arg16: memref<!tpu.dma_semaphore, #tpu.memory_space<semaphore_mem>>, %arg17: memref<!tpu.dma_semaphore, #tpu.memory_space<semaphore_mem>>, %arg18: memref<!tpu.dma_semaphore, #tpu.memory_space<semaphore_mem>>, %arg19: memref<!tpu.dma_semaphore, #tpu.memory_space<semaphore_mem>>, %arg20: memref<!tpu.dma_semaphore, #tpu.memory_space<semaphore_mem>>, %arg21: memref<!tpu.dma_semaphore, #tpu.memory_space<semaphore_mem>>, %arg22: memref<10240x48xf32, #tpu.memory_space<vmem_shared>>) attributes {dimension_semantics = [#tpu.dimension_semantics<core_parallel>, #tpu.dimension_semantics<subcore_parallel>], iteration_bounds = array<i64: 2, 16>, scalar_prefetch = 0 : i64, scratch_operands = 16 : i64, tpu.core_type = #tpu.core_type<sc_vector_subcore>, window_params = [{transform_indices = #map}, {transform_indices = #map}, {transform_indices = #map}, {transform_indices = #map}, {transform_indices = #map1}]} {
    %mul3A = arith.constant 16 : i32
    %mul3A_0 = arith.muli %arg0, %mul3A : i32
    %add3A = arith.addi %mul3A_0, %arg1 : i32
    %mul3A_1 = arith.constant 40 : i32
    %mul3A_2 = arith.muli %add3A, %mul3A_1 : i32
    %dma_start3A = arith.constant 0 : i32
    %dma_start3A_3 = tpu.memref_slice %arg3[%mul3A_2, %dma_start3A] : memref<1280x128xi32, #tpu.memory_space<hbm>> -> memref<40x128xi32, #tpu.memory_space<hbm>>
    %dma_start3A_4 = arith.constant 0 : i32
    %dma_start3A_5 = tpu.memref_slice %arg3[%mul3A_2, %dma_start3A_4] : memref<1280x128xi32, #tpu.memory_space<hbm>> -> memref<40x128xi32, #tpu.memory_space<hbm>>
    tpu.enqueue_dma source(%dma_start3A_5 : memref<40x128xi32, #tpu.memory_space<hbm>>) target(%arg7 : memref<40x128xi32, #tpu.memory_space<vmem>>) target_semaphore(%arg21 : memref<!tpu.dma_semaphore, #tpu.memory_space<semaphore_mem>>)
    %dma_wait3A = arith.constant 0 : i32
    %dma_wait3A_6 = tpu.memref_slice %arg3[%mul3A_2, %dma_wait3A] : memref<1280x128xi32, #tpu.memory_space<hbm>> -> memref<40x128xi32, #tpu.memory_space<hbm>>
    %dma_wait3A_7 = arith.constant 0 : i32
    %dma_wait3A_8 = tpu.memref_slice %arg3[%mul3A_2, %dma_wait3A_7] : memref<1280x128xi32, #tpu.memory_space<hbm>> -> memref<40x128xi32, #tpu.memory_space<hbm>>
    tpu.wait_dma2 semaphore(%arg21 : memref<!tpu.dma_semaphore, #tpu.memory_space<semaphore_mem>>) src(%dma_wait3A_8 : memref<40x128xi32, #tpu.memory_space<hbm>>) dst(%arg7 : memref<40x128xi32, #tpu.memory_space<vmem>>)
    %dma_start3A_9 = arith.constant 0 : i32
    %dma_start3A_10 = arith.constant 0 : i32
    %dma_start3A_11 = tpu.memref_slice %arg7[%dma_start3A_9, %dma_start3A_10] : memref<40x128xi32, #tpu.memory_space<vmem>> -> memref<1x128xi32, #tpu.memory_space<vmem>>
    %dma_start3A_12 = tpu.memref_squeeze %dma_start3A_11 : memref<1x128xi32, #tpu.memory_space<vmem>> -> memref<128xi32, #tpu.memory_space<vmem>>
    %dma_start3A_13 = arith.constant 0 : i32
    %dma_start3A_14 = arith.constant 0 : i32
    %dma_start3A_15 = tpu.memref_slice %arg2[%dma_start3A_13, %dma_start3A_14] : memref<10000x48xf32, #tpu.memory_space<hbm>> -> memref<10000x48xf32, #tpu.memory_space<hbm>>
    tpu.enqueue_indirect_dma source(%dma_start3A_15 : memref<10000x48xf32, #tpu.memory_space<hbm>>) target(%arg9 : memref<128x48xf32, #tpu.memory_space<vmem>>) offsets(%dma_start3A_12 : memref<128xi32, #tpu.memory_space<vmem>>) semaphore(%arg13 : memref<!tpu.dma_semaphore, #tpu.memory_space<semaphore_mem>>)
    %mul3A_16 = arith.constant 40 : i32
    %mul3A_17 = arith.muli %add3A, %mul3A_16 : i32
    %dma_start3A_18 = arith.constant 0 : i32
    %dma_start3A_19 = tpu.memref_slice %arg4[%mul3A_17, %dma_start3A_18] : memref<1280x128xi32, #tpu.memory_space<hbm>> -> memref<40x128xi32, #tpu.memory_space<hbm>>
    %dma_start3A_20 = arith.constant 0 : i32
    %dma_start3A_21 = tpu.memref_slice %arg4[%mul3A_17, %dma_start3A_20] : memref<1280x128xi32, #tpu.memory_space<hbm>> -> memref<40x128xi32, #tpu.memory_space<hbm>>
    tpu.enqueue_dma source(%dma_start3A_21 : memref<40x128xi32, #tpu.memory_space<hbm>>) target(%arg8 : memref<40x128xi32, #tpu.memory_space<vmem>>) target_semaphore(%arg21 : memref<!tpu.dma_semaphore, #tpu.memory_space<semaphore_mem>>)
    %mul3A_22 = arith.constant 640 : i32
    %mul3A_23 = arith.muli %arg1, %mul3A_22 : i32
    %mul3A_24 = arith.constant 640 : i32
    %mul3A_25 = arith.muli %arg1, %mul3A_24 : i32
    "tpu.region"() ({
      %run_scoped3A = tpu.sem_alloc : memref<!tpu.dma_semaphore, #tpu.memory_space<semaphore_mem>>
      %dma_start3A_76 = arith.constant 0 : i32
      %dma_start3A_77 = tpu.memref_slice %arg22[%mul3A_25, %dma_start3A_76] : memref<10240x48xf32, #tpu.memory_space<vmem_shared>> -> memref<640x48xf32, #tpu.memory_space<vmem_shared>>
      %dma_start3A_78 = arith.constant 0 : i32
      %dma_start3A_79 = tpu.memref_slice %arg5[%mul3A_23, %dma_start3A_78] : memref<10240x48xf32, #tpu.memory_space<hbm>> -> memref<640x48xf32, #tpu.memory_space<hbm>>
      tpu.enqueue_dma source(%dma_start3A_79 : memref<640x48xf32, #tpu.memory_space<hbm>>) target(%dma_start3A_77 : memref<640x48xf32, #tpu.memory_space<vmem_shared>>) target_semaphore(%run_scoped3A : memref<!tpu.dma_semaphore, #tpu.memory_space<semaphore_mem>>)
      %dma_wait3A_80 = arith.constant 0 : i32
      %dma_wait3A_81 = tpu.memref_slice %arg22[%mul3A_25, %dma_wait3A_80] : memref<10240x48xf32, #tpu.memory_space<vmem_shared>> -> memref<640x48xf32, #tpu.memory_space<vmem_shared>>
      %dma_wait3A_82 = arith.constant 0 : i32
      %dma_wait3A_83 = tpu.memref_slice %arg5[%mul3A_23, %dma_wait3A_82] : memref<10240x48xf32, #tpu.memory_space<hbm>> -> memref<640x48xf32, #tpu.memory_space<hbm>>
      tpu.wait_dma2 semaphore(%run_scoped3A : memref<!tpu.dma_semaphore, #tpu.memory_space<semaphore_mem>>) src(%dma_wait3A_83 : memref<640x48xf32, #tpu.memory_space<hbm>>) dst(%dma_wait3A_81 : memref<640x48xf32, #tpu.memory_space<vmem_shared>>)
      tpu.yield
    }) : () -> ()
    %mul3A_26 = arith.constant 40 : i32
    %mul3A_27 = arith.muli %add3A, %mul3A_26 : i32
    %dma_wait3A_28 = arith.constant 0 : i32
    %dma_wait3A_29 = tpu.memref_slice %arg4[%mul3A_27, %dma_wait3A_28] : memref<1280x128xi32, #tpu.memory_space<hbm>> -> memref<40x128xi32, #tpu.memory_space<hbm>>
    %dma_wait3A_30 = arith.constant 0 : i32
    %dma_wait3A_31 = tpu.memref_slice %arg4[%mul3A_27, %dma_wait3A_30] : memref<1280x128xi32, #tpu.memory_space<hbm>> -> memref<40x128xi32, #tpu.memory_space<hbm>>
    tpu.wait_dma2 semaphore(%arg21 : memref<!tpu.dma_semaphore, #tpu.memory_space<semaphore_mem>>) src(%dma_wait3A_31 : memref<40x128xi32, #tpu.memory_space<hbm>>) dst(%arg8 : memref<40x128xi32, #tpu.memory_space<vmem>>)
    %dma_start3A_32 = arith.constant 1 : i32
    %dma_start3A_33 = arith.constant 0 : i32
    %dma_start3A_34 = tpu.memref_slice %arg7[%dma_start3A_32, %dma_start3A_33] : memref<40x128xi32, #tpu.memory_space<vmem>> -> memref<1x128xi32, #tpu.memory_space<vmem>>
    %dma_start3A_35 = tpu.memref_squeeze %dma_start3A_34 : memref<1x128xi32, #tpu.memory_space<vmem>> -> memref<128xi32, #tpu.memory_space<vmem>>
    %dma_start3A_36 = arith.constant 0 : i32
    %dma_start3A_37 = arith.constant 0 : i32
    %dma_start3A_38 = tpu.memref_slice %arg2[%dma_start3A_36, %dma_start3A_37] : memref<10000x48xf32, #tpu.memory_space<hbm>> -> memref<10000x48xf32, #tpu.memory_space<hbm>>
    tpu.enqueue_indirect_dma source(%dma_start3A_38 : memref<10000x48xf32, #tpu.memory_space<hbm>>) target(%arg10 : memref<128x48xf32, #tpu.memory_space<vmem>>) offsets(%dma_start3A_35 : memref<128xi32, #tpu.memory_space<vmem>>) semaphore(%arg14 : memref<!tpu.dma_semaphore, #tpu.memory_space<semaphore_mem>>)
    %barrier3A = arith.constant 0 : index
    tpu.barrier barrier_id(%barrier3A)
    %scan3A = arith.constant 0 : i32
    %scan3A_39 = arith.constant 10 : i32
    %scan3A_40 = arith.addi %scan3A, %scan3A_39 : i32
    %scan3A_41 = arith.constant 1 : i32
    scf.for %scan3A_76 = %scan3A to %scan3A_40 step %scan3A_41  : i32 {
      %mul3A_77 = arith.constant 4 : i32
      %mul3A_78 = arith.muli %scan3A_76, %mul3A_77 : i32
      %add3A_79 = arith.constant 0 : i32
      %add3A_80 = arith.addi %add3A_79, %mul3A_78 : i32
      %add3A_81 = arith.constant 0 : i32
      %add3A_82 = arith.addi %add3A_80, %add3A_81 : i32
      %dma_wait3A_83 = arith.constant 0 : i32
      %dma_wait3A_84 = tpu.memref_slice %arg7[%add3A_82, %dma_wait3A_83] : memref<40x128xi32, #tpu.memory_space<vmem>> -> memref<1x128xi32, #tpu.memory_space<vmem>>
      %dma_wait3A_85 = tpu.memref_squeeze %dma_wait3A_84 : memref<1x128xi32, #tpu.memory_space<vmem>> -> memref<128xi32, #tpu.memory_space<vmem>>
      %dma_wait3A_86 = arith.constant 0 : i32
      %dma_wait3A_87 = arith.constant 0 : i32
      %dma_wait3A_88 = tpu.memref_slice %arg2[%dma_wait3A_86, %dma_wait3A_87] : memref<10000x48xf32, #tpu.memory_space<hbm>> -> memref<10000x48xf32, #tpu.memory_space<hbm>>
      tpu.wait_indirect_dma semaphore(%arg13 : memref<!tpu.dma_semaphore, #tpu.memory_space<semaphore_mem>>) src(%dma_wait3A_88 : memref<10000x48xf32, #tpu.memory_space<hbm>>) dst(%arg9 : memref<128x48xf32, #tpu.memory_space<vmem>>)
      %add3A_89 = arith.constant 0 : i32
      %add3A_90 = arith.addi %add3A_80, %add3A_89 : i32
      %dma_start3A_91 = arith.constant 0 : i32
      %dma_start3A_92 = tpu.memref_slice %arg8[%add3A_90, %dma_start3A_91] : memref<40x128xi32, #tpu.memory_space<vmem>> -> memref<1x128xi32, #tpu.memory_space<vmem>>
      %dma_start3A_93 = tpu.memref_squeeze %dma_start3A_92 : memref<1x128xi32, #tpu.memory_space<vmem>> -> memref<128xi32, #tpu.memory_space<vmem>>
      %dma_start3A_94 = arith.constant 0 : i32
      %dma_start3A_95 = arith.constant 0 : i32
      %dma_start3A_96 = tpu.memref_slice %arg22[%dma_start3A_94, %dma_start3A_95] : memref<10240x48xf32, #tpu.memory_space<vmem_shared>> -> memref<10240x48xf32, #tpu.memory_space<vmem_shared>>
      tpu.enqueue_indirect_dma source(%arg9 : memref<128x48xf32, #tpu.memory_space<vmem>>) target(%dma_start3A_96 : memref<10240x48xf32, #tpu.memory_space<vmem_shared>>) offsets(%dma_start3A_93 : memref<128xi32, #tpu.memory_space<vmem>>) semaphore(%arg17 : memref<!tpu.dma_semaphore, #tpu.memory_space<semaphore_mem>>) {add = true}
      %add3A_97 = arith.constant 0 : i32
      %add3A_98 = arith.addi %add3A_80, %add3A_97 : i32
      %add3A_99 = arith.constant 2 : i32
      %add3A_100 = arith.addi %add3A_98, %add3A_99 : i32
      %lt3A = arith.constant 40 : i32
      %lt3A_101 = arith.cmpi slt, %add3A_100, %lt3A : i32
      %convert_element_type3A = arith.extui %lt3A_101 : i1 to i32
      %cond3A = arith.constant 0 : i32
      %cond3A_102 = arith.cmpi ne, %convert_element_type3A, %cond3A : i32
      scf.if %cond3A_102 {
        %add3A_178 = arith.constant 0 : i32
        %add3A_179 = arith.addi %add3A_80, %add3A_178 : i32
        %ge3A = arith.constant 2 : i32
        %ge3A_180 = arith.cmpi sge, %add3A_179, %ge3A : i32
        %convert_element_type3A_181 = arith.extui %ge3A_180 : i1 to i32
        %cond3A_182 = arith.constant 0 : i32
        %cond3A_183 = arith.cmpi ne, %convert_element_type3A_181, %cond3A_182 : i32
        scf.if %cond3A_183 {
          %add3A_194 = arith.constant 0 : i32
          %add3A_195 = arith.addi %add3A_80, %add3A_194 : i32
          %dma_wait3A_196 = arith.constant 0 : i32
          %dma_wait3A_197 = tpu.memref_slice %arg8[%add3A_195, %dma_wait3A_196] : memref<40x128xi32, #tpu.memory_space<vmem>> -> memref<1x128xi32, #tpu.memory_space<vmem>>
          %dma_wait3A_198 = tpu.memref_squeeze %dma_wait3A_197 : memref<1x128xi32, #tpu.memory_space<vmem>> -> memref<128xi32, #tpu.memory_space<vmem>>
          %dma_wait3A_199 = arith.constant 0 : i32
          %dma_wait3A_200 = arith.constant 0 : i32
          %dma_wait3A_201 = tpu.memref_slice %arg22[%dma_wait3A_199, %dma_wait3A_200] : memref<10240x48xf32, #tpu.memory_space<vmem_shared>> -> memref<10240x48xf32, #tpu.memory_space<vmem_shared>>
          tpu.wait_indirect_dma semaphore(%arg19 : memref<!tpu.dma_semaphore, #tpu.memory_space<semaphore_mem>>) src(%arg11 : memref<128x48xf32, #tpu.memory_space<vmem>>) dst(%dma_wait3A_201 : memref<10240x48xf32, #tpu.memory_space<vmem_shared>>)
        } else {
        }
        %add3A_184 = arith.constant 0 : i32
        %add3A_185 = arith.addi %add3A_80, %add3A_184 : i32
        %add3A_186 = arith.constant 2 : i32
        %add3A_187 = arith.addi %add3A_185, %add3A_186 : i32
        %dma_start3A_188 = arith.constant 0 : i32
        %dma_start3A_189 = tpu.memref_slice %arg7[%add3A_187, %dma_start3A_188] : memref<40x128xi32, #tpu.memory_space<vmem>> -> memref<1x128xi32, #tpu.memory_space<vmem>>
        %dma_start3A_190 = tpu.memref_squeeze %dma_start3A_189 : memref<1x128xi32, #tpu.memory_space<vmem>> -> memref<128xi32, #tpu.memory_space<vmem>>
        %dma_start3A_191 = arith.constant 0 : i32
        %dma_start3A_192 = arith.constant 0 : i32
        %dma_start3A_193 = tpu.memref_slice %arg2[%dma_start3A_191, %dma_start3A_192] : memref<10000x48xf32, #tpu.memory_space<hbm>> -> memref<10000x48xf32, #tpu.memory_space<hbm>>
        tpu.enqueue_indirect_dma source(%dma_start3A_193 : memref<10000x48xf32, #tpu.memory_space<hbm>>) target(%arg11 : memref<128x48xf32, #tpu.memory_space<vmem>>) offsets(%dma_start3A_190 : memref<128xi32, #tpu.memory_space<vmem>>) semaphore(%arg15 : memref<!tpu.dma_semaphore, #tpu.memory_space<semaphore_mem>>)
      } else {
      }
      %add3A_103 = arith.constant 1 : i32
      %add3A_104 = arith.addi %add3A_80, %add3A_103 : i32
      %dma_wait3A_105 = arith.constant 0 : i32
      %dma_wait3A_106 = tpu.memref_slice %arg7[%add3A_104, %dma_wait3A_105] : memref<40x128xi32, #tpu.memory_space<vmem>> -> memref<1x128xi32, #tpu.memory_space<vmem>>
      %dma_wait3A_107 = tpu.memref_squeeze %dma_wait3A_106 : memref<1x128xi32, #tpu.memory_space<vmem>> -> memref<128xi32, #tpu.memory_space<vmem>>
      %dma_wait3A_108 = arith.constant 0 : i32
      %dma_wait3A_109 = arith.constant 0 : i32
      %dma_wait3A_110 = tpu.memref_slice %arg2[%dma_wait3A_108, %dma_wait3A_109] : memref<10000x48xf32, #tpu.memory_space<hbm>> -> memref<10000x48xf32, #tpu.memory_space<hbm>>
      tpu.wait_indirect_dma semaphore(%arg14 : memref<!tpu.dma_semaphore, #tpu.memory_space<semaphore_mem>>) src(%dma_wait3A_110 : memref<10000x48xf32, #tpu.memory_space<hbm>>) dst(%arg10 : memref<128x48xf32, #tpu.memory_space<vmem>>)
      %add3A_111 = arith.constant 1 : i32
      %add3A_112 = arith.addi %add3A_80, %add3A_111 : i32
      %dma_start3A_113 = arith.constant 0 : i32
      %dma_start3A_114 = tpu.memref_slice %arg8[%add3A_112, %dma_start3A_113] : memref<40x128xi32, #tpu.memory_space<vmem>> -> memref<1x128xi32, #tpu.memory_space<vmem>>
      %dma_start3A_115 = tpu.memref_squeeze %dma_start3A_114 : memref<1x128xi32, #tpu.memory_space<vmem>> -> memref<128xi32, #tpu.memory_space<vmem>>
      %dma_start3A_116 = arith.constant 0 : i32
      %dma_start3A_117 = arith.constant 0 : i32
      %dma_start3A_118 = tpu.memref_slice %arg22[%dma_start3A_116, %dma_start3A_117] : memref<10240x48xf32, #tpu.memory_space<vmem_shared>> -> memref<10240x48xf32, #tpu.memory_space<vmem_shared>>
      tpu.enqueue_indirect_dma source(%arg10 : memref<128x48xf32, #tpu.memory_space<vmem>>) target(%dma_start3A_118 : memref<10240x48xf32, #tpu.memory_space<vmem_shared>>) offsets(%dma_start3A_115 : memref<128xi32, #tpu.memory_space<vmem>>) semaphore(%arg18 : memref<!tpu.dma_semaphore, #tpu.memory_space<semaphore_mem>>) {add = true}
      %add3A_119 = arith.constant 1 : i32
      %add3A_120 = arith.addi %add3A_80, %add3A_119 : i32
      %add3A_121 = arith.constant 2 : i32
      %add3A_122 = arith.addi %add3A_120, %add3A_121 : i32
      %lt3A_123 = arith.constant 40 : i32
      %lt3A_124 = arith.cmpi slt, %add3A_122, %lt3A_123 : i32
      %convert_element_type3A_125 = arith.extui %lt3A_124 : i1 to i32
      %cond3A_126 = arith.constant 0 : i32
      %cond3A_127 = arith.cmpi ne, %convert_element_type3A_125, %cond3A_126 : i32
      scf.if %cond3A_127 {
        %add3A_178 = arith.constant 1 : i32
        %add3A_179 = arith.addi %add3A_80, %add3A_178 : i32
        %ge3A = arith.constant 2 : i32
        %ge3A_180 = arith.cmpi sge, %add3A_179, %ge3A : i32
        %convert_element_type3A_181 = arith.extui %ge3A_180 : i1 to i32
        %cond3A_182 = arith.constant 0 : i32
        %cond3A_183 = arith.cmpi ne, %convert_element_type3A_181, %cond3A_182 : i32
        scf.if %cond3A_183 {
          %add3A_194 = arith.constant 1 : i32
          %add3A_195 = arith.addi %add3A_80, %add3A_194 : i32
          %dma_wait3A_196 = arith.constant 0 : i32
          %dma_wait3A_197 = tpu.memref_slice %arg8[%add3A_195, %dma_wait3A_196] : memref<40x128xi32, #tpu.memory_space<vmem>> -> memref<1x128xi32, #tpu.memory_space<vmem>>
          %dma_wait3A_198 = tpu.memref_squeeze %dma_wait3A_197 : memref<1x128xi32, #tpu.memory_space<vmem>> -> memref<128xi32, #tpu.memory_space<vmem>>
          %dma_wait3A_199 = arith.constant 0 : i32
          %dma_wait3A_200 = arith.constant 0 : i32
          %dma_wait3A_201 = tpu.memref_slice %arg22[%dma_wait3A_199, %dma_wait3A_200] : memref<10240x48xf32, #tpu.memory_space<vmem_shared>> -> memref<10240x48xf32, #tpu.memory_space<vmem_shared>>
          tpu.wait_indirect_dma semaphore(%arg20 : memref<!tpu.dma_semaphore, #tpu.memory_space<semaphore_mem>>) src(%arg12 : memref<128x48xf32, #tpu.memory_space<vmem>>) dst(%dma_wait3A_201 : memref<10240x48xf32, #tpu.memory_space<vmem_shared>>)
        } else {
        }
        %add3A_184 = arith.constant 1 : i32
        %add3A_185 = arith.addi %add3A_80, %add3A_184 : i32
        %add3A_186 = arith.constant 2 : i32
        %add3A_187 = arith.addi %add3A_185, %add3A_186 : i32
        %dma_start3A_188 = arith.constant 0 : i32
        %dma_start3A_189 = tpu.memref_slice %arg7[%add3A_187, %dma_start3A_188] : memref<40x128xi32, #tpu.memory_space<vmem>> -> memref<1x128xi32, #tpu.memory_space<vmem>>
        %dma_start3A_190 = tpu.memref_squeeze %dma_start3A_189 : memref<1x128xi32, #tpu.memory_space<vmem>> -> memref<128xi32, #tpu.memory_space<vmem>>
        %dma_start3A_191 = arith.constant 0 : i32
        %dma_start3A_192 = arith.constant 0 : i32
        %dma_start3A_193 = tpu.memref_slice %arg2[%dma_start3A_191, %dma_start3A_192] : memref<10000x48xf32, #tpu.memory_space<hbm>> -> memref<10000x48xf32, #tpu.memory_space<hbm>>
        tpu.enqueue_indirect_dma source(%dma_start3A_193 : memref<10000x48xf32, #tpu.memory_space<hbm>>) target(%arg12 : memref<128x48xf32, #tpu.memory_space<vmem>>) offsets(%dma_start3A_190 : memref<128xi32, #tpu.memory_space<vmem>>) semaphore(%arg16 : memref<!tpu.dma_semaphore, #tpu.memory_space<semaphore_mem>>)
      } else {
      }
      %add3A_128 = arith.constant 2 : i32
      %add3A_129 = arith.addi %add3A_80, %add3A_128 : i32
      %dma_wait3A_130 = arith.constant 0 : i32
      %dma_wait3A_131 = tpu.memref_slice %arg7[%add3A_129, %dma_wait3A_130] : memref<40x128xi32, #tpu.memory_space<vmem>> -> memref<1x128xi32, #tpu.memory_space<vmem>>
      %dma_wait3A_132 = tpu.memref_squeeze %dma_wait3A_131 : memref<1x128xi32, #tpu.memory_space<vmem>> -> memref<128xi32, #tpu.memory_space<vmem>>
      %dma_wait3A_133 = arith.constant 0 : i32
      %dma_wait3A_134 = arith.constant 0 : i32
      %dma_wait3A_135 = tpu.memref_slice %arg2[%dma_wait3A_133, %dma_wait3A_134] : memref<10000x48xf32, #tpu.memory_space<hbm>> -> memref<10000x48xf32, #tpu.memory_space<hbm>>
      tpu.wait_indirect_dma semaphore(%arg15 : memref<!tpu.dma_semaphore, #tpu.memory_space<semaphore_mem>>) src(%dma_wait3A_135 : memref<10000x48xf32, #tpu.memory_space<hbm>>) dst(%arg11 : memref<128x48xf32, #tpu.memory_space<vmem>>)
      %add3A_136 = arith.constant 2 : i32
      %add3A_137 = arith.addi %add3A_80, %add3A_136 : i32
      %dma_start3A_138 = arith.constant 0 : i32
      %dma_start3A_139 = tpu.memref_slice %arg8[%add3A_137, %dma_start3A_138] : memref<40x128xi32, #tpu.memory_space<vmem>> -> memref<1x128xi32, #tpu.memory_space<vmem>>
      %dma_start3A_140 = tpu.memref_squeeze %dma_start3A_139 : memref<1x128xi32, #tpu.memory_space<vmem>> -> memref<128xi32, #tpu.memory_space<vmem>>
      %dma_start3A_141 = arith.constant 0 : i32
      %dma_start3A_142 = arith.constant 0 : i32
      %dma_start3A_143 = tpu.memref_slice %arg22[%dma_start3A_141, %dma_start3A_142] : memref<10240x48xf32, #tpu.memory_space<vmem_shared>> -> memref<10240x48xf32, #tpu.memory_space<vmem_shared>>
      tpu.enqueue_indirect_dma source(%arg11 : memref<128x48xf32, #tpu.memory_space<vmem>>) target(%dma_start3A_143 : memref<10240x48xf32, #tpu.memory_space<vmem_shared>>) offsets(%dma_start3A_140 : memref<128xi32, #tpu.memory_space<vmem>>) semaphore(%arg19 : memref<!tpu.dma_semaphore, #tpu.memory_space<semaphore_mem>>) {add = true}
      %add3A_144 = arith.constant 2 : i32
      %add3A_145 = arith.addi %add3A_80, %add3A_144 : i32
      %add3A_146 = arith.constant 2 : i32
      %add3A_147 = arith.addi %add3A_145, %add3A_146 : i32
      %lt3A_148 = arith.constant 40 : i32
      %lt3A_149 = arith.cmpi slt, %add3A_147, %lt3A_148 : i32
      %convert_element_type3A_150 = arith.extui %lt3A_149 : i1 to i32
      %cond3A_151 = arith.constant 0 : i32
      %cond3A_152 = arith.cmpi ne, %convert_element_type3A_150, %cond3A_151 : i32
      scf.if %cond3A_152 {
        %add3A_178 = arith.constant 2 : i32
        %add3A_179 = arith.addi %add3A_80, %add3A_178 : i32
        %ge3A = arith.constant 2 : i32
        %ge3A_180 = arith.cmpi sge, %add3A_179, %ge3A : i32
        %convert_element_type3A_181 = arith.extui %ge3A_180 : i1 to i32
        %cond3A_182 = arith.constant 0 : i32
        %cond3A_183 = arith.cmpi ne, %convert_element_type3A_181, %cond3A_182 : i32
        scf.if %cond3A_183 {
          %add3A_194 = arith.constant 2 : i32
          %add3A_195 = arith.addi %add3A_80, %add3A_194 : i32
          %dma_wait3A_196 = arith.constant 0 : i32
          %dma_wait3A_197 = tpu.memref_slice %arg8[%add3A_195, %dma_wait3A_196] : memref<40x128xi32, #tpu.memory_space<vmem>> -> memref<1x128xi32, #tpu.memory_space<vmem>>
          %dma_wait3A_198 = tpu.memref_squeeze %dma_wait3A_197 : memref<1x128xi32, #tpu.memory_space<vmem>> -> memref<128xi32, #tpu.memory_space<vmem>>
          %dma_wait3A_199 = arith.constant 0 : i32
          %dma_wait3A_200 = arith.constant 0 : i32
          %dma_wait3A_201 = tpu.memref_slice %arg22[%dma_wait3A_199, %dma_wait3A_200] : memref<10240x48xf32, #tpu.memory_space<vmem_shared>> -> memref<10240x48xf32, #tpu.memory_space<vmem_shared>>
          tpu.wait_indirect_dma semaphore(%arg17 : memref<!tpu.dma_semaphore, #tpu.memory_space<semaphore_mem>>) src(%arg9 : memref<128x48xf32, #tpu.memory_space<vmem>>) dst(%dma_wait3A_201 : memref<10240x48xf32, #tpu.memory_space<vmem_shared>>)
        } else {
        }
        %add3A_184 = arith.constant 2 : i32
        %add3A_185 = arith.addi %add3A_80, %add3A_184 : i32
        %add3A_186 = arith.constant 2 : i32
        %add3A_187 = arith.addi %add3A_185, %add3A_186 : i32
        %dma_start3A_188 = arith.constant 0 : i32
        %dma_start3A_189 = tpu.memref_slice %arg7[%add3A_187, %dma_start3A_188] : memref<40x128xi32, #tpu.memory_space<vmem>> -> memref<1x128xi32, #tpu.memory_space<vmem>>
        %dma_start3A_190 = tpu.memref_squeeze %dma_start3A_189 : memref<1x128xi32, #tpu.memory_space<vmem>> -> memref<128xi32, #tpu.memory_space<vmem>>
        %dma_start3A_191 = arith.constant 0 : i32
        %dma_start3A_192 = arith.constant 0 : i32
        %dma_start3A_193 = tpu.memref_slice %arg2[%dma_start3A_191, %dma_start3A_192] : memref<10000x48xf32, #tpu.memory_space<hbm>> -> memref<10000x48xf32, #tpu.memory_space<hbm>>
        tpu.enqueue_indirect_dma source(%dma_start3A_193 : memref<10000x48xf32, #tpu.memory_space<hbm>>) target(%arg9 : memref<128x48xf32, #tpu.memory_space<vmem>>) offsets(%dma_start3A_190 : memref<128xi32, #tpu.memory_space<vmem>>) semaphore(%arg13 : memref<!tpu.dma_semaphore, #tpu.memory_space<semaphore_mem>>)
      } else {
      }
      %add3A_153 = arith.constant 3 : i32
      %add3A_154 = arith.addi %add3A_80, %add3A_153 : i32
      %dma_wait3A_155 = arith.constant 0 : i32
      %dma_wait3A_156 = tpu.memref_slice %arg7[%add3A_154, %dma_wait3A_155] : memref<40x128xi32, #tpu.memory_space<vmem>> -> memref<1x128xi32, #tpu.memory_space<vmem>>
      %dma_wait3A_157 = tpu.memref_squeeze %dma_wait3A_156 : memref<1x128xi32, #tpu.memory_space<vmem>> -> memref<128xi32, #tpu.memory_space<vmem>>
      %dma_wait3A_158 = arith.constant 0 : i32
      %dma_wait3A_159 = arith.constant 0 : i32
      %dma_wait3A_160 = tpu.memref_slice %arg2[%dma_wait3A_158, %dma_wait3A_159] : memref<10000x48xf32, #tpu.memory_space<hbm>> -> memref<10000x48xf32, #tpu.memory_space<hbm>>
      tpu.wait_indirect_dma semaphore(%arg16 : memref<!tpu.dma_semaphore, #tpu.memory_space<semaphore_mem>>) src(%dma_wait3A_160 : memref<10000x48xf32, #tpu.memory_space<hbm>>) dst(%arg12 : memref<128x48xf32, #tpu.memory_space<vmem>>)
      %add3A_161 = arith.constant 3 : i32
      %add3A_162 = arith.addi %add3A_80, %add3A_161 : i32
      %dma_start3A_163 = arith.constant 0 : i32
      %dma_start3A_164 = tpu.memref_slice %arg8[%add3A_162, %dma_start3A_163] : memref<40x128xi32, #tpu.memory_space<vmem>> -> memref<1x128xi32, #tpu.memory_space<vmem>>
      %dma_start3A_165 = tpu.memref_squeeze %dma_start3A_164 : memref<1x128xi32, #tpu.memory_space<vmem>> -> memref<128xi32, #tpu.memory_space<vmem>>
      %dma_start3A_166 = arith.constant 0 : i32
      %dma_start3A_167 = arith.constant 0 : i32
      %dma_start3A_168 = tpu.memref_slice %arg22[%dma_start3A_166, %dma_start3A_167] : memref<10240x48xf32, #tpu.memory_space<vmem_shared>> -> memref<10240x48xf32, #tpu.memory_space<vmem_shared>>
      tpu.enqueue_indirect_dma source(%arg12 : memref<128x48xf32, #tpu.memory_space<vmem>>) target(%dma_start3A_168 : memref<10240x48xf32, #tpu.memory_space<vmem_shared>>) offsets(%dma_start3A_165 : memref<128xi32, #tpu.memory_space<vmem>>) semaphore(%arg20 : memref<!tpu.dma_semaphore, #tpu.memory_space<semaphore_mem>>) {add = true}
      %add3A_169 = arith.constant 3 : i32
      %add3A_170 = arith.addi %add3A_80, %add3A_169 : i32
      %add3A_171 = arith.constant 2 : i32
      %add3A_172 = arith.addi %add3A_170, %add3A_171 : i32
      %lt3A_173 = arith.constant 40 : i32
      %lt3A_174 = arith.cmpi slt, %add3A_172, %lt3A_173 : i32
      %convert_element_type3A_175 = arith.extui %lt3A_174 : i1 to i32
      %cond3A_176 = arith.constant 0 : i32
      %cond3A_177 = arith.cmpi ne, %convert_element_type3A_175, %cond3A_176 : i32
      scf.if %cond3A_177 {
        %add3A_178 = arith.constant 3 : i32
        %add3A_179 = arith.addi %add3A_80, %add3A_178 : i32
        %ge3A = arith.constant 2 : i32
        %ge3A_180 = arith.cmpi sge, %add3A_179, %ge3A : i32
        %convert_element_type3A_181 = arith.extui %ge3A_180 : i1 to i32
        %cond3A_182 = arith.constant 0 : i32
        %cond3A_183 = arith.cmpi ne, %convert_element_type3A_181, %cond3A_182 : i32
        scf.if %cond3A_183 {
          %add3A_194 = arith.constant 3 : i32
          %add3A_195 = arith.addi %add3A_80, %add3A_194 : i32
          %dma_wait3A_196 = arith.constant 0 : i32
          %dma_wait3A_197 = tpu.memref_slice %arg8[%add3A_195, %dma_wait3A_196] : memref<40x128xi32, #tpu.memory_space<vmem>> -> memref<1x128xi32, #tpu.memory_space<vmem>>
          %dma_wait3A_198 = tpu.memref_squeeze %dma_wait3A_197 : memref<1x128xi32, #tpu.memory_space<vmem>> -> memref<128xi32, #tpu.memory_space<vmem>>
          %dma_wait3A_199 = arith.constant 0 : i32
          %dma_wait3A_200 = arith.constant 0 : i32
          %dma_wait3A_201 = tpu.memref_slice %arg22[%dma_wait3A_199, %dma_wait3A_200] : memref<10240x48xf32, #tpu.memory_space<vmem_shared>> -> memref<10240x48xf32, #tpu.memory_space<vmem_shared>>
          tpu.wait_indirect_dma semaphore(%arg18 : memref<!tpu.dma_semaphore, #tpu.memory_space<semaphore_mem>>) src(%arg10 : memref<128x48xf32, #tpu.memory_space<vmem>>) dst(%dma_wait3A_201 : memref<10240x48xf32, #tpu.memory_space<vmem_shared>>)
        } else {
        }
        %add3A_184 = arith.constant 3 : i32
        %add3A_185 = arith.addi %add3A_80, %add3A_184 : i32
        %add3A_186 = arith.constant 2 : i32
        %add3A_187 = arith.addi %add3A_185, %add3A_186 : i32
        %dma_start3A_188 = arith.constant 0 : i32
        %dma_start3A_189 = tpu.memref_slice %arg7[%add3A_187, %dma_start3A_188] : memref<40x128xi32, #tpu.memory_space<vmem>> -> memref<1x128xi32, #tpu.memory_space<vmem>>
        %dma_start3A_190 = tpu.memref_squeeze %dma_start3A_189 : memref<1x128xi32, #tpu.memory_space<vmem>> -> memref<128xi32, #tpu.memory_space<vmem>>
        %dma_start3A_191 = arith.constant 0 : i32
        %dma_start3A_192 = arith.constant 0 : i32
        %dma_start3A_193 = tpu.memref_slice %arg2[%dma_start3A_191, %dma_start3A_192] : memref<10000x48xf32, #tpu.memory_space<hbm>> -> memref<10000x48xf32, #tpu.memory_space<hbm>>
        tpu.enqueue_indirect_dma source(%dma_start3A_193 : memref<10000x48xf32, #tpu.memory_space<hbm>>) target(%arg10 : memref<128x48xf32, #tpu.memory_space<vmem>>) offsets(%dma_start3A_190 : memref<128xi32, #tpu.memory_space<vmem>>) semaphore(%arg14 : memref<!tpu.dma_semaphore, #tpu.memory_space<semaphore_mem>>)
      } else {
      }
    }
    %scan3A_42 = arith.constant 10 : i32
    %dma_wait3A_43 = arith.constant 0 : i32
    %dma_wait3A_44 = arith.constant 0 : i32
    %dma_wait3A_45 = tpu.memref_slice %arg8[%dma_wait3A_43, %dma_wait3A_44] : memref<40x128xi32, #tpu.memory_space<vmem>> -> memref<1x128xi32, #tpu.memory_space<vmem>>
    %dma_wait3A_46 = tpu.memref_squeeze %dma_wait3A_45 : memref<1x128xi32, #tpu.memory_space<vmem>> -> memref<128xi32, #tpu.memory_space<vmem>>
    %dma_wait3A_47 = arith.constant 0 : i32
    %dma_wait3A_48 = arith.constant 0 : i32
    %dma_wait3A_49 = tpu.memref_slice %arg22[%dma_wait3A_47, %dma_wait3A_48] : memref<10240x48xf32, #tpu.memory_space<vmem_shared>> -> memref<10240x48xf32, #tpu.memory_space<vmem_shared>>
    tpu.wait_indirect_dma semaphore(%arg17 : memref<!tpu.dma_semaphore, #tpu.memory_space<semaphore_mem>>) src(%arg9 : memref<128x48xf32, #tpu.memory_space<vmem>>) dst(%dma_wait3A_49 : memref<10240x48xf32, #tpu.memory_space<vmem_shared>>)
    %dma_wait3A_50 = arith.constant 0 : i32
    %dma_wait3A_51 = arith.constant 0 : i32
    %dma_wait3A_52 = tpu.memref_slice %arg8[%dma_wait3A_50, %dma_wait3A_51] : memref<40x128xi32, #tpu.memory_space<vmem>> -> memref<1x128xi32, #tpu.memory_space<vmem>>
    %dma_wait3A_53 = tpu.memref_squeeze %dma_wait3A_52 : memref<1x128xi32, #tpu.memory_space<vmem>> -> memref<128xi32, #tpu.memory_space<vmem>>
    %dma_wait3A_54 = arith.constant 0 : i32
    %dma_wait3A_55 = arith.constant 0 : i32
    %dma_wait3A_56 = tpu.memref_slice %arg22[%dma_wait3A_54, %dma_wait3A_55] : memref<10240x48xf32, #tpu.memory_space<vmem_shared>> -> memref<10240x48xf32, #tpu.memory_space<vmem_shared>>
    tpu.wait_indirect_dma semaphore(%arg18 : memref<!tpu.dma_semaphore, #tpu.memory_space<semaphore_mem>>) src(%arg10 : memref<128x48xf32, #tpu.memory_space<vmem>>) dst(%dma_wait3A_56 : memref<10240x48xf32, #tpu.memory_space<vmem_shared>>)
    %dma_wait3A_57 = arith.constant 0 : i32
    %dma_wait3A_58 = arith.constant 0 : i32
    %dma_wait3A_59 = tpu.memref_slice %arg8[%dma_wait3A_57, %dma_wait3A_58] : memref<40x128xi32, #tpu.memory_space<vmem>> -> memref<1x128xi32, #tpu.memory_space<vmem>>
    %dma_wait3A_60 = tpu.memref_squeeze %dma_wait3A_59 : memref<1x128xi32, #tpu.memory_space<vmem>> -> memref<128xi32, #tpu.memory_space<vmem>>
    %dma_wait3A_61 = arith.constant 0 : i32
    %dma_wait3A_62 = arith.constant 0 : i32
    %dma_wait3A_63 = tpu.memref_slice %arg22[%dma_wait3A_61, %dma_wait3A_62] : memref<10240x48xf32, #tpu.memory_space<vmem_shared>> -> memref<10240x48xf32, #tpu.memory_space<vmem_shared>>
    tpu.wait_indirect_dma semaphore(%arg19 : memref<!tpu.dma_semaphore, #tpu.memory_space<semaphore_mem>>) src(%arg11 : memref<128x48xf32, #tpu.memory_space<vmem>>) dst(%dma_wait3A_63 : memref<10240x48xf32, #tpu.memory_space<vmem_shared>>)
    %dma_wait3A_64 = arith.constant 0 : i32
    %dma_wait3A_65 = arith.constant 0 : i32
    %dma_wait3A_66 = tpu.memref_slice %arg8[%dma_wait3A_64, %dma_wait3A_65] : memref<40x128xi32, #tpu.memory_space<vmem>> -> memref<1x128xi32, #tpu.memory_space<vmem>>
    %dma_wait3A_67 = tpu.memref_squeeze %dma_wait3A_66 : memref<1x128xi32, #tpu.memory_space<vmem>> -> memref<128xi32, #tpu.memory_space<vmem>>
    %dma_wait3A_68 = arith.constant 0 : i32
    %dma_wait3A_69 = arith.constant 0 : i32
    %dma_wait3A_70 = tpu.memref_slice %arg22[%dma_wait3A_68, %dma_wait3A_69] : memref<10240x48xf32, #tpu.memory_space<vmem_shared>> -> memref<10240x48xf32, #tpu.memory_space<vmem_shared>>
    tpu.wait_indirect_dma semaphore(%arg20 : memref<!tpu.dma_semaphore, #tpu.memory_space<semaphore_mem>>) src(%arg12 : memref<128x48xf32, #tpu.memory_space<vmem>>) dst(%dma_wait3A_70 : memref<10240x48xf32, #tpu.memory_space<vmem_shared>>)
    %barrier3A_71 = arith.constant 0 : index
    tpu.barrier barrier_id(%barrier3A_71)
    %mul3A_72 = arith.constant 640 : i32
    %mul3A_73 = arith.muli %arg1, %mul3A_72 : i32
    %mul3A_74 = arith.constant 640 : i32
    %mul3A_75 = arith.muli %arg1, %mul3A_74 : i32
    "tpu.region"() ({
      %run_scoped3A = tpu.sem_alloc : memref<!tpu.dma_semaphore, #tpu.memory_space<semaphore_mem>>
      %dma_start3A_76 = arith.constant 0 : i32
      %dma_start3A_77 = tpu.memref_slice %arg6[%arg0, %mul3A_75, %dma_start3A_76] : memref<2x10240x48xf32, #tpu.memory_space<hbm>> -> memref<1x640x48xf32, #tpu.memory_space<hbm>>
      %dma_start3A_78 = tpu.memref_squeeze %dma_start3A_77 : memref<1x640x48xf32, #tpu.memory_space<hbm>> -> memref<640x48xf32, #tpu.memory_space<hbm>>
      %dma_start3A_79 = arith.constant 0 : i32
      %dma_start3A_80 = tpu.memref_slice %arg22[%mul3A_73, %dma_start3A_79] : memref<10240x48xf32, #tpu.memory_space<vmem_shared>> -> memref<640x48xf32, #tpu.memory_space<vmem_shared>>
      tpu.enqueue_dma source(%dma_start3A_80 : memref<640x48xf32, #tpu.memory_space<vmem_shared>>) target(%dma_start3A_78 : memref<640x48xf32, #tpu.memory_space<hbm>>) target_semaphore(%run_scoped3A : memref<!tpu.dma_semaphore, #tpu.memory_space<semaphore_mem>>)
      %dma_wait3A_81 = arith.constant 0 : i32
      %dma_wait3A_82 = tpu.memref_slice %arg6[%arg0, %mul3A_75, %dma_wait3A_81] : memref<2x10240x48xf32, #tpu.memory_space<hbm>> -> memref<1x640x48xf32, #tpu.memory_space<hbm>>
      %dma_wait3A_83 = tpu.memref_squeeze %dma_wait3A_82 : memref<1x640x48xf32, #tpu.memory_space<hbm>> -> memref<640x48xf32, #tpu.memory_space<hbm>>
      %dma_wait3A_84 = arith.constant 0 : i32
      %dma_wait3A_85 = tpu.memref_slice %arg22[%mul3A_73, %dma_wait3A_84] : memref<10240x48xf32, #tpu.memory_space<vmem_shared>> -> memref<640x48xf32, #tpu.memory_space<vmem_shared>>
      tpu.wait_dma2 semaphore(%run_scoped3A : memref<!tpu.dma_semaphore, #tpu.memory_space<semaphore_mem>>) src(%dma_wait3A_85 : memref<640x48xf32, #tpu.memory_space<vmem_shared>>) dst(%dma_wait3A_83 : memref<640x48xf32, #tpu.memory_space<hbm>>)
      tpu.yield
    }) : () -> ()
    return
  }
}

#map = affine_map<(d0, d1) -> (0, 0)>
#map1 = affine_map<(d0, d1) -> (0, 0, 0)>
module attributes {stable_mosaic.version = 14 : i64} {
  func.func @seg(%arg0: i32, %arg1: i32, %arg2: memref<10000x32xf32, #tpu.memory_space<hbm>>, %arg3: memref<1280x128xi32, #tpu.memory_space<hbm>>, %arg4: memref<1280x128xi32, #tpu.memory_space<hbm>>, %arg5: memref<10240x32xf32, #tpu.memory_space<hbm>>, %arg6: memref<2x10240x32xf32, #tpu.memory_space<hbm>>, %arg7: memref<40x128xi32, #tpu.memory_space<vmem>>, %arg8: memref<40x128xi32, #tpu.memory_space<vmem>>, %arg9: memref<128x32xf32, #tpu.memory_space<vmem>>, %arg10: memref<128x32xf32, #tpu.memory_space<vmem>>, %arg11: memref<128x32xf32, #tpu.memory_space<vmem>>, %arg12: memref<128x32xf32, #tpu.memory_space<vmem>>, %arg13: memref<!tpu.dma_semaphore, #tpu.memory_space<semaphore_mem>>, %arg14: memref<!tpu.dma_semaphore, #tpu.memory_space<semaphore_mem>>, %arg15: memref<!tpu.dma_semaphore, #tpu.memory_space<semaphore_mem>>, %arg16: memref<!tpu.dma_semaphore, #tpu.memory_space<semaphore_mem>>, %arg17: memref<!tpu.dma_semaphore, #tpu.memory_space<semaphore_mem>>, %arg18: memref<!tpu.dma_semaphore, #tpu.memory_space<semaphore_mem>>, %arg19: memref<!tpu.dma_semaphore, #tpu.memory_space<semaphore_mem>>, %arg20: memref<!tpu.dma_semaphore, #tpu.memory_space<semaphore_mem>>, %arg21: memref<!tpu.dma_semaphore, #tpu.memory_space<semaphore_mem>>, %arg22: memref<10240x32xf32, #tpu.memory_space<vmem_shared>>) attributes {dimension_semantics = [#tpu.dimension_semantics<core_parallel>, #tpu.dimension_semantics<subcore_parallel>], iteration_bounds = array<i64: 2, 16>, scalar_prefetch = 0 : i64, scratch_operands = 16 : i64, tpu.core_type = #tpu.core_type<sc_vector_subcore>, window_params = [{transform_indices = #map}, {transform_indices = #map}, {transform_indices = #map}, {transform_indices = #map}, {transform_indices = #map1}]} {
    %mul3A = arith.constant 16 : i32
    %mul3A_0 = arith.muli %arg0, %mul3A : i32
    %add3A = arith.addi %mul3A_0, %arg1 : i32
    %mul3A_1 = arith.constant 40 : i32
    %mul3A_2 = arith.muli %add3A, %mul3A_1 : i32
    %dma_start3A = arith.constant 0 : i32
    %dma_start3A_3 = tpu.memref_slice %arg3[%mul3A_2, %dma_start3A] : memref<1280x128xi32, #tpu.memory_space<hbm>> -> memref<40x128xi32, #tpu.memory_space<hbm>>
    %dma_start3A_4 = arith.constant 0 : i32
    %dma_start3A_5 = tpu.memref_slice %arg3[%mul3A_2, %dma_start3A_4] : memref<1280x128xi32, #tpu.memory_space<hbm>> -> memref<40x128xi32, #tpu.memory_space<hbm>>
    tpu.enqueue_dma source(%dma_start3A_5 : memref<40x128xi32, #tpu.memory_space<hbm>>) target(%arg7 : memref<40x128xi32, #tpu.memory_space<vmem>>) target_semaphore(%arg21 : memref<!tpu.dma_semaphore, #tpu.memory_space<semaphore_mem>>)
    %dma_wait3A = arith.constant 0 : i32
    %dma_wait3A_6 = tpu.memref_slice %arg3[%mul3A_2, %dma_wait3A] : memref<1280x128xi32, #tpu.memory_space<hbm>> -> memref<40x128xi32, #tpu.memory_space<hbm>>
    %dma_wait3A_7 = arith.constant 0 : i32
    %dma_wait3A_8 = tpu.memref_slice %arg3[%mul3A_2, %dma_wait3A_7] : memref<1280x128xi32, #tpu.memory_space<hbm>> -> memref<40x128xi32, #tpu.memory_space<hbm>>
    tpu.wait_dma2 semaphore(%arg21 : memref<!tpu.dma_semaphore, #tpu.memory_space<semaphore_mem>>) src(%dma_wait3A_8 : memref<40x128xi32, #tpu.memory_space<hbm>>) dst(%arg7 : memref<40x128xi32, #tpu.memory_space<vmem>>)
    %dma_start3A_9 = arith.constant 0 : i32
    %dma_start3A_10 = arith.constant 0 : i32
    %dma_start3A_11 = tpu.memref_slice %arg7[%dma_start3A_9, %dma_start3A_10] : memref<40x128xi32, #tpu.memory_space<vmem>> -> memref<1x128xi32, #tpu.memory_space<vmem>>
    %dma_start3A_12 = tpu.memref_squeeze %dma_start3A_11 : memref<1x128xi32, #tpu.memory_space<vmem>> -> memref<128xi32, #tpu.memory_space<vmem>>
    %dma_start3A_13 = arith.constant 0 : i32
    %dma_start3A_14 = arith.constant 0 : i32
    %dma_start3A_15 = tpu.memref_slice %arg2[%dma_start3A_13, %dma_start3A_14] : memref<10000x32xf32, #tpu.memory_space<hbm>> -> memref<10000x32xf32, #tpu.memory_space<hbm>>
    tpu.enqueue_indirect_dma source(%dma_start3A_15 : memref<10000x32xf32, #tpu.memory_space<hbm>>) target(%arg9 : memref<128x32xf32, #tpu.memory_space<vmem>>) offsets(%dma_start3A_12 : memref<128xi32, #tpu.memory_space<vmem>>) semaphore(%arg13 : memref<!tpu.dma_semaphore, #tpu.memory_space<semaphore_mem>>)
    %mul3A_16 = arith.constant 40 : i32
    %mul3A_17 = arith.muli %add3A, %mul3A_16 : i32
    %dma_start3A_18 = arith.constant 0 : i32
    %dma_start3A_19 = tpu.memref_slice %arg4[%mul3A_17, %dma_start3A_18] : memref<1280x128xi32, #tpu.memory_space<hbm>> -> memref<40x128xi32, #tpu.memory_space<hbm>>
    %dma_start3A_20 = arith.constant 0 : i32
    %dma_start3A_21 = tpu.memref_slice %arg4[%mul3A_17, %dma_start3A_20] : memref<1280x128xi32, #tpu.memory_space<hbm>> -> memref<40x128xi32, #tpu.memory_space<hbm>>
    tpu.enqueue_dma source(%dma_start3A_21 : memref<40x128xi32, #tpu.memory_space<hbm>>) target(%arg8 : memref<40x128xi32, #tpu.memory_space<vmem>>) target_semaphore(%arg21 : memref<!tpu.dma_semaphore, #tpu.memory_space<semaphore_mem>>)
    %mul3A_22 = arith.constant 640 : i32
    %mul3A_23 = arith.muli %arg1, %mul3A_22 : i32
    %mul3A_24 = arith.constant 640 : i32
    %mul3A_25 = arith.muli %arg1, %mul3A_24 : i32
    "tpu.region"() ({
      %run_scoped3A = tpu.sem_alloc : memref<!tpu.dma_semaphore, #tpu.memory_space<semaphore_mem>>
      %dma_start3A_76 = arith.constant 0 : i32
      %dma_start3A_77 = tpu.memref_slice %arg22[%mul3A_25, %dma_start3A_76] : memref<10240x32xf32, #tpu.memory_space<vmem_shared>> -> memref<640x32xf32, #tpu.memory_space<vmem_shared>>
      %dma_start3A_78 = arith.constant 0 : i32
      %dma_start3A_79 = tpu.memref_slice %arg5[%mul3A_23, %dma_start3A_78] : memref<10240x32xf32, #tpu.memory_space<hbm>> -> memref<640x32xf32, #tpu.memory_space<hbm>>
      tpu.enqueue_dma source(%dma_start3A_79 : memref<640x32xf32, #tpu.memory_space<hbm>>) target(%dma_start3A_77 : memref<640x32xf32, #tpu.memory_space<vmem_shared>>) target_semaphore(%run_scoped3A : memref<!tpu.dma_semaphore, #tpu.memory_space<semaphore_mem>>)
      %dma_wait3A_80 = arith.constant 0 : i32
      %dma_wait3A_81 = tpu.memref_slice %arg22[%mul3A_25, %dma_wait3A_80] : memref<10240x32xf32, #tpu.memory_space<vmem_shared>> -> memref<640x32xf32, #tpu.memory_space<vmem_shared>>
      %dma_wait3A_82 = arith.constant 0 : i32
      %dma_wait3A_83 = tpu.memref_slice %arg5[%mul3A_23, %dma_wait3A_82] : memref<10240x32xf32, #tpu.memory_space<hbm>> -> memref<640x32xf32, #tpu.memory_space<hbm>>
      tpu.wait_dma2 semaphore(%run_scoped3A : memref<!tpu.dma_semaphore, #tpu.memory_space<semaphore_mem>>) src(%dma_wait3A_83 : memref<640x32xf32, #tpu.memory_space<hbm>>) dst(%dma_wait3A_81 : memref<640x32xf32, #tpu.memory_space<vmem_shared>>)
      tpu.yield
    }) : () -> ()
    %mul3A_26 = arith.constant 40 : i32
    %mul3A_27 = arith.muli %add3A, %mul3A_26 : i32
    %dma_wait3A_28 = arith.constant 0 : i32
    %dma_wait3A_29 = tpu.memref_slice %arg4[%mul3A_27, %dma_wait3A_28] : memref<1280x128xi32, #tpu.memory_space<hbm>> -> memref<40x128xi32, #tpu.memory_space<hbm>>
    %dma_wait3A_30 = arith.constant 0 : i32
    %dma_wait3A_31 = tpu.memref_slice %arg4[%mul3A_27, %dma_wait3A_30] : memref<1280x128xi32, #tpu.memory_space<hbm>> -> memref<40x128xi32, #tpu.memory_space<hbm>>
    tpu.wait_dma2 semaphore(%arg21 : memref<!tpu.dma_semaphore, #tpu.memory_space<semaphore_mem>>) src(%dma_wait3A_31 : memref<40x128xi32, #tpu.memory_space<hbm>>) dst(%arg8 : memref<40x128xi32, #tpu.memory_space<vmem>>)
    %dma_start3A_32 = arith.constant 1 : i32
    %dma_start3A_33 = arith.constant 0 : i32
    %dma_start3A_34 = tpu.memref_slice %arg7[%dma_start3A_32, %dma_start3A_33] : memref<40x128xi32, #tpu.memory_space<vmem>> -> memref<1x128xi32, #tpu.memory_space<vmem>>
    %dma_start3A_35 = tpu.memref_squeeze %dma_start3A_34 : memref<1x128xi32, #tpu.memory_space<vmem>> -> memref<128xi32, #tpu.memory_space<vmem>>
    %dma_start3A_36 = arith.constant 0 : i32
    %dma_start3A_37 = arith.constant 0 : i32
    %dma_start3A_38 = tpu.memref_slice %arg2[%dma_start3A_36, %dma_start3A_37] : memref<10000x32xf32, #tpu.memory_space<hbm>> -> memref<10000x32xf32, #tpu.memory_space<hbm>>
    tpu.enqueue_indirect_dma source(%dma_start3A_38 : memref<10000x32xf32, #tpu.memory_space<hbm>>) target(%arg10 : memref<128x32xf32, #tpu.memory_space<vmem>>) offsets(%dma_start3A_35 : memref<128xi32, #tpu.memory_space<vmem>>) semaphore(%arg14 : memref<!tpu.dma_semaphore, #tpu.memory_space<semaphore_mem>>)
    %barrier3A = arith.constant 0 : index
    tpu.barrier barrier_id(%barrier3A)
    %scan3A = arith.constant 0 : i32
    %scan3A_39 = arith.constant 10 : i32
    %scan3A_40 = arith.addi %scan3A, %scan3A_39 : i32
    %scan3A_41 = arith.constant 1 : i32
    scf.for %scan3A_76 = %scan3A to %scan3A_40 step %scan3A_41  : i32 {
      %mul3A_77 = arith.constant 4 : i32
      %mul3A_78 = arith.muli %scan3A_76, %mul3A_77 : i32
      %add3A_79 = arith.constant 0 : i32
      %add3A_80 = arith.addi %add3A_79, %mul3A_78 : i32
      %add3A_81 = arith.constant 0 : i32
      %add3A_82 = arith.addi %add3A_80, %add3A_81 : i32
      %dma_wait3A_83 = arith.constant 0 : i32
      %dma_wait3A_84 = tpu.memref_slice %arg7[%add3A_82, %dma_wait3A_83] : memref<40x128xi32, #tpu.memory_space<vmem>> -> memref<1x128xi32, #tpu.memory_space<vmem>>
      %dma_wait3A_85 = tpu.memref_squeeze %dma_wait3A_84 : memref<1x128xi32, #tpu.memory_space<vmem>> -> memref<128xi32, #tpu.memory_space<vmem>>
      %dma_wait3A_86 = arith.constant 0 : i32
      %dma_wait3A_87 = arith.constant 0 : i32
      %dma_wait3A_88 = tpu.memref_slice %arg2[%dma_wait3A_86, %dma_wait3A_87] : memref<10000x32xf32, #tpu.memory_space<hbm>> -> memref<10000x32xf32, #tpu.memory_space<hbm>>
      tpu.wait_indirect_dma semaphore(%arg13 : memref<!tpu.dma_semaphore, #tpu.memory_space<semaphore_mem>>) src(%dma_wait3A_88 : memref<10000x32xf32, #tpu.memory_space<hbm>>) dst(%arg9 : memref<128x32xf32, #tpu.memory_space<vmem>>)
      %add3A_89 = arith.constant 0 : i32
      %add3A_90 = arith.addi %add3A_80, %add3A_89 : i32
      %dma_start3A_91 = arith.constant 0 : i32
      %dma_start3A_92 = tpu.memref_slice %arg8[%add3A_90, %dma_start3A_91] : memref<40x128xi32, #tpu.memory_space<vmem>> -> memref<1x128xi32, #tpu.memory_space<vmem>>
      %dma_start3A_93 = tpu.memref_squeeze %dma_start3A_92 : memref<1x128xi32, #tpu.memory_space<vmem>> -> memref<128xi32, #tpu.memory_space<vmem>>
      %dma_start3A_94 = arith.constant 0 : i32
      %dma_start3A_95 = arith.constant 0 : i32
      %dma_start3A_96 = tpu.memref_slice %arg22[%dma_start3A_94, %dma_start3A_95] : memref<10240x32xf32, #tpu.memory_space<vmem_shared>> -> memref<10240x32xf32, #tpu.memory_space<vmem_shared>>
      tpu.enqueue_indirect_dma source(%arg9 : memref<128x32xf32, #tpu.memory_space<vmem>>) target(%dma_start3A_96 : memref<10240x32xf32, #tpu.memory_space<vmem_shared>>) offsets(%dma_start3A_93 : memref<128xi32, #tpu.memory_space<vmem>>) semaphore(%arg17 : memref<!tpu.dma_semaphore, #tpu.memory_space<semaphore_mem>>) {add = true}
      %add3A_97 = arith.constant 0 : i32
      %add3A_98 = arith.addi %add3A_80, %add3A_97 : i32
      %add3A_99 = arith.constant 2 : i32
      %add3A_100 = arith.addi %add3A_98, %add3A_99 : i32
      %lt3A = arith.constant 40 : i32
      %lt3A_101 = arith.cmpi slt, %add3A_100, %lt3A : i32
      %convert_element_type3A = arith.extui %lt3A_101 : i1 to i32
      %cond3A = arith.constant 0 : i32
      %cond3A_102 = arith.cmpi ne, %convert_element_type3A, %cond3A : i32
      scf.if %cond3A_102 {
        %add3A_178 = arith.constant 0 : i32
        %add3A_179 = arith.addi %add3A_80, %add3A_178 : i32
        %ge3A = arith.constant 2 : i32
        %ge3A_180 = arith.cmpi sge, %add3A_179, %ge3A : i32
        %convert_element_type3A_181 = arith.extui %ge3A_180 : i1 to i32
        %cond3A_182 = arith.constant 0 : i32
        %cond3A_183 = arith.cmpi ne, %convert_element_type3A_181, %cond3A_182 : i32
        scf.if %cond3A_183 {
          %add3A_194 = arith.constant 0 : i32
          %add3A_195 = arith.addi %add3A_80, %add3A_194 : i32
          %dma_wait3A_196 = arith.constant 0 : i32
          %dma_wait3A_197 = tpu.memref_slice %arg8[%add3A_195, %dma_wait3A_196] : memref<40x128xi32, #tpu.memory_space<vmem>> -> memref<1x128xi32, #tpu.memory_space<vmem>>
          %dma_wait3A_198 = tpu.memref_squeeze %dma_wait3A_197 : memref<1x128xi32, #tpu.memory_space<vmem>> -> memref<128xi32, #tpu.memory_space<vmem>>
          %dma_wait3A_199 = arith.constant 0 : i32
          %dma_wait3A_200 = arith.constant 0 : i32
          %dma_wait3A_201 = tpu.memref_slice %arg22[%dma_wait3A_199, %dma_wait3A_200] : memref<10240x32xf32, #tpu.memory_space<vmem_shared>> -> memref<10240x32xf32, #tpu.memory_space<vmem_shared>>
          tpu.wait_indirect_dma semaphore(%arg19 : memref<!tpu.dma_semaphore, #tpu.memory_space<semaphore_mem>>) src(%arg11 : memref<128x32xf32, #tpu.memory_space<vmem>>) dst(%dma_wait3A_201 : memref<10240x32xf32, #tpu.memory_space<vmem_shared>>)
        } else {
        }
        %add3A_184 = arith.constant 0 : i32
        %add3A_185 = arith.addi %add3A_80, %add3A_184 : i32
        %add3A_186 = arith.constant 2 : i32
        %add3A_187 = arith.addi %add3A_185, %add3A_186 : i32
        %dma_start3A_188 = arith.constant 0 : i32
        %dma_start3A_189 = tpu.memref_slice %arg7[%add3A_187, %dma_start3A_188] : memref<40x128xi32, #tpu.memory_space<vmem>> -> memref<1x128xi32, #tpu.memory_space<vmem>>
        %dma_start3A_190 = tpu.memref_squeeze %dma_start3A_189 : memref<1x128xi32, #tpu.memory_space<vmem>> -> memref<128xi32, #tpu.memory_space<vmem>>
        %dma_start3A_191 = arith.constant 0 : i32
        %dma_start3A_192 = arith.constant 0 : i32
        %dma_start3A_193 = tpu.memref_slice %arg2[%dma_start3A_191, %dma_start3A_192] : memref<10000x32xf32, #tpu.memory_space<hbm>> -> memref<10000x32xf32, #tpu.memory_space<hbm>>
        tpu.enqueue_indirect_dma source(%dma_start3A_193 : memref<10000x32xf32, #tpu.memory_space<hbm>>) target(%arg11 : memref<128x32xf32, #tpu.memory_space<vmem>>) offsets(%dma_start3A_190 : memref<128xi32, #tpu.memory_space<vmem>>) semaphore(%arg15 : memref<!tpu.dma_semaphore, #tpu.memory_space<semaphore_mem>>)
      } else {
      }
      %add3A_103 = arith.constant 1 : i32
      %add3A_104 = arith.addi %add3A_80, %add3A_103 : i32
      %dma_wait3A_105 = arith.constant 0 : i32
      %dma_wait3A_106 = tpu.memref_slice %arg7[%add3A_104, %dma_wait3A_105] : memref<40x128xi32, #tpu.memory_space<vmem>> -> memref<1x128xi32, #tpu.memory_space<vmem>>
      %dma_wait3A_107 = tpu.memref_squeeze %dma_wait3A_106 : memref<1x128xi32, #tpu.memory_space<vmem>> -> memref<128xi32, #tpu.memory_space<vmem>>
      %dma_wait3A_108 = arith.constant 0 : i32
      %dma_wait3A_109 = arith.constant 0 : i32
      %dma_wait3A_110 = tpu.memref_slice %arg2[%dma_wait3A_108, %dma_wait3A_109] : memref<10000x32xf32, #tpu.memory_space<hbm>> -> memref<10000x32xf32, #tpu.memory_space<hbm>>
      tpu.wait_indirect_dma semaphore(%arg14 : memref<!tpu.dma_semaphore, #tpu.memory_space<semaphore_mem>>) src(%dma_wait3A_110 : memref<10000x32xf32, #tpu.memory_space<hbm>>) dst(%arg10 : memref<128x32xf32, #tpu.memory_space<vmem>>)
      %add3A_111 = arith.constant 1 : i32
      %add3A_112 = arith.addi %add3A_80, %add3A_111 : i32
      %dma_start3A_113 = arith.constant 0 : i32
      %dma_start3A_114 = tpu.memref_slice %arg8[%add3A_112, %dma_start3A_113] : memref<40x128xi32, #tpu.memory_space<vmem>> -> memref<1x128xi32, #tpu.memory_space<vmem>>
      %dma_start3A_115 = tpu.memref_squeeze %dma_start3A_114 : memref<1x128xi32, #tpu.memory_space<vmem>> -> memref<128xi32, #tpu.memory_space<vmem>>
      %dma_start3A_116 = arith.constant 0 : i32
      %dma_start3A_117 = arith.constant 0 : i32
      %dma_start3A_118 = tpu.memref_slice %arg22[%dma_start3A_116, %dma_start3A_117] : memref<10240x32xf32, #tpu.memory_space<vmem_shared>> -> memref<10240x32xf32, #tpu.memory_space<vmem_shared>>
      tpu.enqueue_indirect_dma source(%arg10 : memref<128x32xf32, #tpu.memory_space<vmem>>) target(%dma_start3A_118 : memref<10240x32xf32, #tpu.memory_space<vmem_shared>>) offsets(%dma_start3A_115 : memref<128xi32, #tpu.memory_space<vmem>>) semaphore(%arg18 : memref<!tpu.dma_semaphore, #tpu.memory_space<semaphore_mem>>) {add = true}
      %add3A_119 = arith.constant 1 : i32
      %add3A_120 = arith.addi %add3A_80, %add3A_119 : i32
      %add3A_121 = arith.constant 2 : i32
      %add3A_122 = arith.addi %add3A_120, %add3A_121 : i32
      %lt3A_123 = arith.constant 40 : i32
      %lt3A_124 = arith.cmpi slt, %add3A_122, %lt3A_123 : i32
      %convert_element_type3A_125 = arith.extui %lt3A_124 : i1 to i32
      %cond3A_126 = arith.constant 0 : i32
      %cond3A_127 = arith.cmpi ne, %convert_element_type3A_125, %cond3A_126 : i32
      scf.if %cond3A_127 {
        %add3A_178 = arith.constant 1 : i32
        %add3A_179 = arith.addi %add3A_80, %add3A_178 : i32
        %ge3A = arith.constant 2 : i32
        %ge3A_180 = arith.cmpi sge, %add3A_179, %ge3A : i32
        %convert_element_type3A_181 = arith.extui %ge3A_180 : i1 to i32
        %cond3A_182 = arith.constant 0 : i32
        %cond3A_183 = arith.cmpi ne, %convert_element_type3A_181, %cond3A_182 : i32
        scf.if %cond3A_183 {
          %add3A_194 = arith.constant 1 : i32
          %add3A_195 = arith.addi %add3A_80, %add3A_194 : i32
          %dma_wait3A_196 = arith.constant 0 : i32
          %dma_wait3A_197 = tpu.memref_slice %arg8[%add3A_195, %dma_wait3A_196] : memref<40x128xi32, #tpu.memory_space<vmem>> -> memref<1x128xi32, #tpu.memory_space<vmem>>
          %dma_wait3A_198 = tpu.memref_squeeze %dma_wait3A_197 : memref<1x128xi32, #tpu.memory_space<vmem>> -> memref<128xi32, #tpu.memory_space<vmem>>
          %dma_wait3A_199 = arith.constant 0 : i32
          %dma_wait3A_200 = arith.constant 0 : i32
          %dma_wait3A_201 = tpu.memref_slice %arg22[%dma_wait3A_199, %dma_wait3A_200] : memref<10240x32xf32, #tpu.memory_space<vmem_shared>> -> memref<10240x32xf32, #tpu.memory_space<vmem_shared>>
          tpu.wait_indirect_dma semaphore(%arg20 : memref<!tpu.dma_semaphore, #tpu.memory_space<semaphore_mem>>) src(%arg12 : memref<128x32xf32, #tpu.memory_space<vmem>>) dst(%dma_wait3A_201 : memref<10240x32xf32, #tpu.memory_space<vmem_shared>>)
        } else {
        }
        %add3A_184 = arith.constant 1 : i32
        %add3A_185 = arith.addi %add3A_80, %add3A_184 : i32
        %add3A_186 = arith.constant 2 : i32
        %add3A_187 = arith.addi %add3A_185, %add3A_186 : i32
        %dma_start3A_188 = arith.constant 0 : i32
        %dma_start3A_189 = tpu.memref_slice %arg7[%add3A_187, %dma_start3A_188] : memref<40x128xi32, #tpu.memory_space<vmem>> -> memref<1x128xi32, #tpu.memory_space<vmem>>
        %dma_start3A_190 = tpu.memref_squeeze %dma_start3A_189 : memref<1x128xi32, #tpu.memory_space<vmem>> -> memref<128xi32, #tpu.memory_space<vmem>>
        %dma_start3A_191 = arith.constant 0 : i32
        %dma_start3A_192 = arith.constant 0 : i32
        %dma_start3A_193 = tpu.memref_slice %arg2[%dma_start3A_191, %dma_start3A_192] : memref<10000x32xf32, #tpu.memory_space<hbm>> -> memref<10000x32xf32, #tpu.memory_space<hbm>>
        tpu.enqueue_indirect_dma source(%dma_start3A_193 : memref<10000x32xf32, #tpu.memory_space<hbm>>) target(%arg12 : memref<128x32xf32, #tpu.memory_space<vmem>>) offsets(%dma_start3A_190 : memref<128xi32, #tpu.memory_space<vmem>>) semaphore(%arg16 : memref<!tpu.dma_semaphore, #tpu.memory_space<semaphore_mem>>)
      } else {
      }
      %add3A_128 = arith.constant 2 : i32
      %add3A_129 = arith.addi %add3A_80, %add3A_128 : i32
      %dma_wait3A_130 = arith.constant 0 : i32
      %dma_wait3A_131 = tpu.memref_slice %arg7[%add3A_129, %dma_wait3A_130] : memref<40x128xi32, #tpu.memory_space<vmem>> -> memref<1x128xi32, #tpu.memory_space<vmem>>
      %dma_wait3A_132 = tpu.memref_squeeze %dma_wait3A_131 : memref<1x128xi32, #tpu.memory_space<vmem>> -> memref<128xi32, #tpu.memory_space<vmem>>
      %dma_wait3A_133 = arith.constant 0 : i32
      %dma_wait3A_134 = arith.constant 0 : i32
      %dma_wait3A_135 = tpu.memref_slice %arg2[%dma_wait3A_133, %dma_wait3A_134] : memref<10000x32xf32, #tpu.memory_space<hbm>> -> memref<10000x32xf32, #tpu.memory_space<hbm>>
      tpu.wait_indirect_dma semaphore(%arg15 : memref<!tpu.dma_semaphore, #tpu.memory_space<semaphore_mem>>) src(%dma_wait3A_135 : memref<10000x32xf32, #tpu.memory_space<hbm>>) dst(%arg11 : memref<128x32xf32, #tpu.memory_space<vmem>>)
      %add3A_136 = arith.constant 2 : i32
      %add3A_137 = arith.addi %add3A_80, %add3A_136 : i32
      %dma_start3A_138 = arith.constant 0 : i32
      %dma_start3A_139 = tpu.memref_slice %arg8[%add3A_137, %dma_start3A_138] : memref<40x128xi32, #tpu.memory_space<vmem>> -> memref<1x128xi32, #tpu.memory_space<vmem>>
      %dma_start3A_140 = tpu.memref_squeeze %dma_start3A_139 : memref<1x128xi32, #tpu.memory_space<vmem>> -> memref<128xi32, #tpu.memory_space<vmem>>
      %dma_start3A_141 = arith.constant 0 : i32
      %dma_start3A_142 = arith.constant 0 : i32
      %dma_start3A_143 = tpu.memref_slice %arg22[%dma_start3A_141, %dma_start3A_142] : memref<10240x32xf32, #tpu.memory_space<vmem_shared>> -> memref<10240x32xf32, #tpu.memory_space<vmem_shared>>
      tpu.enqueue_indirect_dma source(%arg11 : memref<128x32xf32, #tpu.memory_space<vmem>>) target(%dma_start3A_143 : memref<10240x32xf32, #tpu.memory_space<vmem_shared>>) offsets(%dma_start3A_140 : memref<128xi32, #tpu.memory_space<vmem>>) semaphore(%arg19 : memref<!tpu.dma_semaphore, #tpu.memory_space<semaphore_mem>>) {add = true}
      %add3A_144 = arith.constant 2 : i32
      %add3A_145 = arith.addi %add3A_80, %add3A_144 : i32
      %add3A_146 = arith.constant 2 : i32
      %add3A_147 = arith.addi %add3A_145, %add3A_146 : i32
      %lt3A_148 = arith.constant 40 : i32
      %lt3A_149 = arith.cmpi slt, %add3A_147, %lt3A_148 : i32
      %convert_element_type3A_150 = arith.extui %lt3A_149 : i1 to i32
      %cond3A_151 = arith.constant 0 : i32
      %cond3A_152 = arith.cmpi ne, %convert_element_type3A_150, %cond3A_151 : i32
      scf.if %cond3A_152 {
        %add3A_178 = arith.constant 2 : i32
        %add3A_179 = arith.addi %add3A_80, %add3A_178 : i32
        %ge3A = arith.constant 2 : i32
        %ge3A_180 = arith.cmpi sge, %add3A_179, %ge3A : i32
        %convert_element_type3A_181 = arith.extui %ge3A_180 : i1 to i32
        %cond3A_182 = arith.constant 0 : i32
        %cond3A_183 = arith.cmpi ne, %convert_element_type3A_181, %cond3A_182 : i32
        scf.if %cond3A_183 {
          %add3A_194 = arith.constant 2 : i32
          %add3A_195 = arith.addi %add3A_80, %add3A_194 : i32
          %dma_wait3A_196 = arith.constant 0 : i32
          %dma_wait3A_197 = tpu.memref_slice %arg8[%add3A_195, %dma_wait3A_196] : memref<40x128xi32, #tpu.memory_space<vmem>> -> memref<1x128xi32, #tpu.memory_space<vmem>>
          %dma_wait3A_198 = tpu.memref_squeeze %dma_wait3A_197 : memref<1x128xi32, #tpu.memory_space<vmem>> -> memref<128xi32, #tpu.memory_space<vmem>>
          %dma_wait3A_199 = arith.constant 0 : i32
          %dma_wait3A_200 = arith.constant 0 : i32
          %dma_wait3A_201 = tpu.memref_slice %arg22[%dma_wait3A_199, %dma_wait3A_200] : memref<10240x32xf32, #tpu.memory_space<vmem_shared>> -> memref<10240x32xf32, #tpu.memory_space<vmem_shared>>
          tpu.wait_indirect_dma semaphore(%arg17 : memref<!tpu.dma_semaphore, #tpu.memory_space<semaphore_mem>>) src(%arg9 : memref<128x32xf32, #tpu.memory_space<vmem>>) dst(%dma_wait3A_201 : memref<10240x32xf32, #tpu.memory_space<vmem_shared>>)
        } else {
        }
        %add3A_184 = arith.constant 2 : i32
        %add3A_185 = arith.addi %add3A_80, %add3A_184 : i32
        %add3A_186 = arith.constant 2 : i32
        %add3A_187 = arith.addi %add3A_185, %add3A_186 : i32
        %dma_start3A_188 = arith.constant 0 : i32
        %dma_start3A_189 = tpu.memref_slice %arg7[%add3A_187, %dma_start3A_188] : memref<40x128xi32, #tpu.memory_space<vmem>> -> memref<1x128xi32, #tpu.memory_space<vmem>>
        %dma_start3A_190 = tpu.memref_squeeze %dma_start3A_189 : memref<1x128xi32, #tpu.memory_space<vmem>> -> memref<128xi32, #tpu.memory_space<vmem>>
        %dma_start3A_191 = arith.constant 0 : i32
        %dma_start3A_192 = arith.constant 0 : i32
        %dma_start3A_193 = tpu.memref_slice %arg2[%dma_start3A_191, %dma_start3A_192] : memref<10000x32xf32, #tpu.memory_space<hbm>> -> memref<10000x32xf32, #tpu.memory_space<hbm>>
        tpu.enqueue_indirect_dma source(%dma_start3A_193 : memref<10000x32xf32, #tpu.memory_space<hbm>>) target(%arg9 : memref<128x32xf32, #tpu.memory_space<vmem>>) offsets(%dma_start3A_190 : memref<128xi32, #tpu.memory_space<vmem>>) semaphore(%arg13 : memref<!tpu.dma_semaphore, #tpu.memory_space<semaphore_mem>>)
      } else {
      }
      %add3A_153 = arith.constant 3 : i32
      %add3A_154 = arith.addi %add3A_80, %add3A_153 : i32
      %dma_wait3A_155 = arith.constant 0 : i32
      %dma_wait3A_156 = tpu.memref_slice %arg7[%add3A_154, %dma_wait3A_155] : memref<40x128xi32, #tpu.memory_space<vmem>> -> memref<1x128xi32, #tpu.memory_space<vmem>>
      %dma_wait3A_157 = tpu.memref_squeeze %dma_wait3A_156 : memref<1x128xi32, #tpu.memory_space<vmem>> -> memref<128xi32, #tpu.memory_space<vmem>>
      %dma_wait3A_158 = arith.constant 0 : i32
      %dma_wait3A_159 = arith.constant 0 : i32
      %dma_wait3A_160 = tpu.memref_slice %arg2[%dma_wait3A_158, %dma_wait3A_159] : memref<10000x32xf32, #tpu.memory_space<hbm>> -> memref<10000x32xf32, #tpu.memory_space<hbm>>
      tpu.wait_indirect_dma semaphore(%arg16 : memref<!tpu.dma_semaphore, #tpu.memory_space<semaphore_mem>>) src(%dma_wait3A_160 : memref<10000x32xf32, #tpu.memory_space<hbm>>) dst(%arg12 : memref<128x32xf32, #tpu.memory_space<vmem>>)
      %add3A_161 = arith.constant 3 : i32
      %add3A_162 = arith.addi %add3A_80, %add3A_161 : i32
      %dma_start3A_163 = arith.constant 0 : i32
      %dma_start3A_164 = tpu.memref_slice %arg8[%add3A_162, %dma_start3A_163] : memref<40x128xi32, #tpu.memory_space<vmem>> -> memref<1x128xi32, #tpu.memory_space<vmem>>
      %dma_start3A_165 = tpu.memref_squeeze %dma_start3A_164 : memref<1x128xi32, #tpu.memory_space<vmem>> -> memref<128xi32, #tpu.memory_space<vmem>>
      %dma_start3A_166 = arith.constant 0 : i32
      %dma_start3A_167 = arith.constant 0 : i32
      %dma_start3A_168 = tpu.memref_slice %arg22[%dma_start3A_166, %dma_start3A_167] : memref<10240x32xf32, #tpu.memory_space<vmem_shared>> -> memref<10240x32xf32, #tpu.memory_space<vmem_shared>>
      tpu.enqueue_indirect_dma source(%arg12 : memref<128x32xf32, #tpu.memory_space<vmem>>) target(%dma_start3A_168 : memref<10240x32xf32, #tpu.memory_space<vmem_shared>>) offsets(%dma_start3A_165 : memref<128xi32, #tpu.memory_space<vmem>>) semaphore(%arg20 : memref<!tpu.dma_semaphore, #tpu.memory_space<semaphore_mem>>) {add = true}
      %add3A_169 = arith.constant 3 : i32
      %add3A_170 = arith.addi %add3A_80, %add3A_169 : i32
      %add3A_171 = arith.constant 2 : i32
      %add3A_172 = arith.addi %add3A_170, %add3A_171 : i32
      %lt3A_173 = arith.constant 40 : i32
      %lt3A_174 = arith.cmpi slt, %add3A_172, %lt3A_173 : i32
      %convert_element_type3A_175 = arith.extui %lt3A_174 : i1 to i32
      %cond3A_176 = arith.constant 0 : i32
      %cond3A_177 = arith.cmpi ne, %convert_element_type3A_175, %cond3A_176 : i32
      scf.if %cond3A_177 {
        %add3A_178 = arith.constant 3 : i32
        %add3A_179 = arith.addi %add3A_80, %add3A_178 : i32
        %ge3A = arith.constant 2 : i32
        %ge3A_180 = arith.cmpi sge, %add3A_179, %ge3A : i32
        %convert_element_type3A_181 = arith.extui %ge3A_180 : i1 to i32
        %cond3A_182 = arith.constant 0 : i32
        %cond3A_183 = arith.cmpi ne, %convert_element_type3A_181, %cond3A_182 : i32
        scf.if %cond3A_183 {
          %add3A_194 = arith.constant 3 : i32
          %add3A_195 = arith.addi %add3A_80, %add3A_194 : i32
          %dma_wait3A_196 = arith.constant 0 : i32
          %dma_wait3A_197 = tpu.memref_slice %arg8[%add3A_195, %dma_wait3A_196] : memref<40x128xi32, #tpu.memory_space<vmem>> -> memref<1x128xi32, #tpu.memory_space<vmem>>
          %dma_wait3A_198 = tpu.memref_squeeze %dma_wait3A_197 : memref<1x128xi32, #tpu.memory_space<vmem>> -> memref<128xi32, #tpu.memory_space<vmem>>
          %dma_wait3A_199 = arith.constant 0 : i32
          %dma_wait3A_200 = arith.constant 0 : i32
          %dma_wait3A_201 = tpu.memref_slice %arg22[%dma_wait3A_199, %dma_wait3A_200] : memref<10240x32xf32, #tpu.memory_space<vmem_shared>> -> memref<10240x32xf32, #tpu.memory_space<vmem_shared>>
          tpu.wait_indirect_dma semaphore(%arg18 : memref<!tpu.dma_semaphore, #tpu.memory_space<semaphore_mem>>) src(%arg10 : memref<128x32xf32, #tpu.memory_space<vmem>>) dst(%dma_wait3A_201 : memref<10240x32xf32, #tpu.memory_space<vmem_shared>>)
        } else {
        }
        %add3A_184 = arith.constant 3 : i32
        %add3A_185 = arith.addi %add3A_80, %add3A_184 : i32
        %add3A_186 = arith.constant 2 : i32
        %add3A_187 = arith.addi %add3A_185, %add3A_186 : i32
        %dma_start3A_188 = arith.constant 0 : i32
        %dma_start3A_189 = tpu.memref_slice %arg7[%add3A_187, %dma_start3A_188] : memref<40x128xi32, #tpu.memory_space<vmem>> -> memref<1x128xi32, #tpu.memory_space<vmem>>
        %dma_start3A_190 = tpu.memref_squeeze %dma_start3A_189 : memref<1x128xi32, #tpu.memory_space<vmem>> -> memref<128xi32, #tpu.memory_space<vmem>>
        %dma_start3A_191 = arith.constant 0 : i32
        %dma_start3A_192 = arith.constant 0 : i32
        %dma_start3A_193 = tpu.memref_slice %arg2[%dma_start3A_191, %dma_start3A_192] : memref<10000x32xf32, #tpu.memory_space<hbm>> -> memref<10000x32xf32, #tpu.memory_space<hbm>>
        tpu.enqueue_indirect_dma source(%dma_start3A_193 : memref<10000x32xf32, #tpu.memory_space<hbm>>) target(%arg10 : memref<128x32xf32, #tpu.memory_space<vmem>>) offsets(%dma_start3A_190 : memref<128xi32, #tpu.memory_space<vmem>>) semaphore(%arg14 : memref<!tpu.dma_semaphore, #tpu.memory_space<semaphore_mem>>)
      } else {
      }
    }
    %scan3A_42 = arith.constant 10 : i32
    %dma_wait3A_43 = arith.constant 0 : i32
    %dma_wait3A_44 = arith.constant 0 : i32
    %dma_wait3A_45 = tpu.memref_slice %arg8[%dma_wait3A_43, %dma_wait3A_44] : memref<40x128xi32, #tpu.memory_space<vmem>> -> memref<1x128xi32, #tpu.memory_space<vmem>>
    %dma_wait3A_46 = tpu.memref_squeeze %dma_wait3A_45 : memref<1x128xi32, #tpu.memory_space<vmem>> -> memref<128xi32, #tpu.memory_space<vmem>>
    %dma_wait3A_47 = arith.constant 0 : i32
    %dma_wait3A_48 = arith.constant 0 : i32
    %dma_wait3A_49 = tpu.memref_slice %arg22[%dma_wait3A_47, %dma_wait3A_48] : memref<10240x32xf32, #tpu.memory_space<vmem_shared>> -> memref<10240x32xf32, #tpu.memory_space<vmem_shared>>
    tpu.wait_indirect_dma semaphore(%arg17 : memref<!tpu.dma_semaphore, #tpu.memory_space<semaphore_mem>>) src(%arg9 : memref<128x32xf32, #tpu.memory_space<vmem>>) dst(%dma_wait3A_49 : memref<10240x32xf32, #tpu.memory_space<vmem_shared>>)
    %dma_wait3A_50 = arith.constant 0 : i32
    %dma_wait3A_51 = arith.constant 0 : i32
    %dma_wait3A_52 = tpu.memref_slice %arg8[%dma_wait3A_50, %dma_wait3A_51] : memref<40x128xi32, #tpu.memory_space<vmem>> -> memref<1x128xi32, #tpu.memory_space<vmem>>
    %dma_wait3A_53 = tpu.memref_squeeze %dma_wait3A_52 : memref<1x128xi32, #tpu.memory_space<vmem>> -> memref<128xi32, #tpu.memory_space<vmem>>
    %dma_wait3A_54 = arith.constant 0 : i32
    %dma_wait3A_55 = arith.constant 0 : i32
    %dma_wait3A_56 = tpu.memref_slice %arg22[%dma_wait3A_54, %dma_wait3A_55] : memref<10240x32xf32, #tpu.memory_space<vmem_shared>> -> memref<10240x32xf32, #tpu.memory_space<vmem_shared>>
    tpu.wait_indirect_dma semaphore(%arg18 : memref<!tpu.dma_semaphore, #tpu.memory_space<semaphore_mem>>) src(%arg10 : memref<128x32xf32, #tpu.memory_space<vmem>>) dst(%dma_wait3A_56 : memref<10240x32xf32, #tpu.memory_space<vmem_shared>>)
    %dma_wait3A_57 = arith.constant 0 : i32
    %dma_wait3A_58 = arith.constant 0 : i32
    %dma_wait3A_59 = tpu.memref_slice %arg8[%dma_wait3A_57, %dma_wait3A_58] : memref<40x128xi32, #tpu.memory_space<vmem>> -> memref<1x128xi32, #tpu.memory_space<vmem>>
    %dma_wait3A_60 = tpu.memref_squeeze %dma_wait3A_59 : memref<1x128xi32, #tpu.memory_space<vmem>> -> memref<128xi32, #tpu.memory_space<vmem>>
    %dma_wait3A_61 = arith.constant 0 : i32
    %dma_wait3A_62 = arith.constant 0 : i32
    %dma_wait3A_63 = tpu.memref_slice %arg22[%dma_wait3A_61, %dma_wait3A_62] : memref<10240x32xf32, #tpu.memory_space<vmem_shared>> -> memref<10240x32xf32, #tpu.memory_space<vmem_shared>>
    tpu.wait_indirect_dma semaphore(%arg19 : memref<!tpu.dma_semaphore, #tpu.memory_space<semaphore_mem>>) src(%arg11 : memref<128x32xf32, #tpu.memory_space<vmem>>) dst(%dma_wait3A_63 : memref<10240x32xf32, #tpu.memory_space<vmem_shared>>)
    %dma_wait3A_64 = arith.constant 0 : i32
    %dma_wait3A_65 = arith.constant 0 : i32
    %dma_wait3A_66 = tpu.memref_slice %arg8[%dma_wait3A_64, %dma_wait3A_65] : memref<40x128xi32, #tpu.memory_space<vmem>> -> memref<1x128xi32, #tpu.memory_space<vmem>>
    %dma_wait3A_67 = tpu.memref_squeeze %dma_wait3A_66 : memref<1x128xi32, #tpu.memory_space<vmem>> -> memref<128xi32, #tpu.memory_space<vmem>>
    %dma_wait3A_68 = arith.constant 0 : i32
    %dma_wait3A_69 = arith.constant 0 : i32
    %dma_wait3A_70 = tpu.memref_slice %arg22[%dma_wait3A_68, %dma_wait3A_69] : memref<10240x32xf32, #tpu.memory_space<vmem_shared>> -> memref<10240x32xf32, #tpu.memory_space<vmem_shared>>
    tpu.wait_indirect_dma semaphore(%arg20 : memref<!tpu.dma_semaphore, #tpu.memory_space<semaphore_mem>>) src(%arg12 : memref<128x32xf32, #tpu.memory_space<vmem>>) dst(%dma_wait3A_70 : memref<10240x32xf32, #tpu.memory_space<vmem_shared>>)
    %barrier3A_71 = arith.constant 0 : index
    tpu.barrier barrier_id(%barrier3A_71)
    %mul3A_72 = arith.constant 640 : i32
    %mul3A_73 = arith.muli %arg1, %mul3A_72 : i32
    %mul3A_74 = arith.constant 640 : i32
    %mul3A_75 = arith.muli %arg1, %mul3A_74 : i32
    "tpu.region"() ({
      %run_scoped3A = tpu.sem_alloc : memref<!tpu.dma_semaphore, #tpu.memory_space<semaphore_mem>>
      %dma_start3A_76 = arith.constant 0 : i32
      %dma_start3A_77 = tpu.memref_slice %arg6[%arg0, %mul3A_75, %dma_start3A_76] : memref<2x10240x32xf32, #tpu.memory_space<hbm>> -> memref<1x640x32xf32, #tpu.memory_space<hbm>>
      %dma_start3A_78 = tpu.memref_squeeze %dma_start3A_77 : memref<1x640x32xf32, #tpu.memory_space<hbm>> -> memref<640x32xf32, #tpu.memory_space<hbm>>
      %dma_start3A_79 = arith.constant 0 : i32
      %dma_start3A_80 = tpu.memref_slice %arg22[%mul3A_73, %dma_start3A_79] : memref<10240x32xf32, #tpu.memory_space<vmem_shared>> -> memref<640x32xf32, #tpu.memory_space<vmem_shared>>
      tpu.enqueue_dma source(%dma_start3A_80 : memref<640x32xf32, #tpu.memory_space<vmem_shared>>) target(%dma_start3A_78 : memref<640x32xf32, #tpu.memory_space<hbm>>) target_semaphore(%run_scoped3A : memref<!tpu.dma_semaphore, #tpu.memory_space<semaphore_mem>>)
      %dma_wait3A_81 = arith.constant 0 : i32
      %dma_wait3A_82 = tpu.memref_slice %arg6[%arg0, %mul3A_75, %dma_wait3A_81] : memref<2x10240x32xf32, #tpu.memory_space<hbm>> -> memref<1x640x32xf32, #tpu.memory_space<hbm>>
      %dma_wait3A_83 = tpu.memref_squeeze %dma_wait3A_82 : memref<1x640x32xf32, #tpu.memory_space<hbm>> -> memref<640x32xf32, #tpu.memory_space<hbm>>
      %dma_wait3A_84 = arith.constant 0 : i32
      %dma_wait3A_85 = tpu.memref_slice %arg22[%mul3A_73, %dma_wait3A_84] : memref<10240x32xf32, #tpu.memory_space<vmem_shared>> -> memref<640x32xf32, #tpu.memory_space<vmem_shared>>
      tpu.wait_dma2 semaphore(%run_scoped3A : memref<!tpu.dma_semaphore, #tpu.memory_space<semaphore_mem>>) src(%dma_wait3A_85 : memref<640x32xf32, #tpu.memory_space<vmem_shared>>) dst(%dma_wait3A_83 : memref<640x32xf32, #tpu.memory_space<hbm>>)
      tpu.yield
    }) : () -> ()
    return
  }
}

#map = affine_map<(d0, d1) -> (0, 0)>
#map1 = affine_map<(d0, d1) -> (0, 0, 0)>
module attributes {stable_mosaic.version = 14 : i64} {
  func.func @seg(%arg0: i32, %arg1: i32, %arg2: memref<10000x32xf32, #tpu.memory_space<hbm>>, %arg3: memref<1280x128xi32, #tpu.memory_space<hbm>>, %arg4: memref<1280x128xi32, #tpu.memory_space<hbm>>, %arg5: memref<10240x32xf32, #tpu.memory_space<hbm>>, %arg6: memref<2x10240x32xf32, #tpu.memory_space<hbm>>, %arg7: memref<40x128xi32, #tpu.memory_space<vmem>>, %arg8: memref<40x128xi32, #tpu.memory_space<vmem>>, %arg9: memref<128x32xf32, #tpu.memory_space<vmem>>, %arg10: memref<128x32xf32, #tpu.memory_space<vmem>>, %arg11: memref<128x32xf32, #tpu.memory_space<vmem>>, %arg12: memref<128x32xf32, #tpu.memory_space<vmem>>, %arg13: memref<!tpu.dma_semaphore, #tpu.memory_space<semaphore_mem>>, %arg14: memref<!tpu.dma_semaphore, #tpu.memory_space<semaphore_mem>>, %arg15: memref<!tpu.dma_semaphore, #tpu.memory_space<semaphore_mem>>, %arg16: memref<!tpu.dma_semaphore, #tpu.memory_space<semaphore_mem>>, %arg17: memref<!tpu.dma_semaphore, #tpu.memory_space<semaphore_mem>>, %arg18: memref<!tpu.dma_semaphore, #tpu.memory_space<semaphore_mem>>, %arg19: memref<!tpu.dma_semaphore, #tpu.memory_space<semaphore_mem>>, %arg20: memref<!tpu.dma_semaphore, #tpu.memory_space<semaphore_mem>>, %arg21: memref<!tpu.dma_semaphore, #tpu.memory_space<semaphore_mem>>, %arg22: memref<10240x32xf32, #tpu.memory_space<vmem_shared>>) attributes {dimension_semantics = [#tpu.dimension_semantics<core_parallel>, #tpu.dimension_semantics<subcore_parallel>], iteration_bounds = array<i64: 2, 16>, scalar_prefetch = 0 : i64, scratch_operands = 16 : i64, tpu.core_type = #tpu.core_type<sc_vector_subcore>, window_params = [{transform_indices = #map}, {transform_indices = #map}, {transform_indices = #map}, {transform_indices = #map}, {transform_indices = #map1}]} {
    %mul3A = arith.constant 16 : i32
    %mul3A_0 = arith.muli %arg0, %mul3A : i32
    %add3A = arith.addi %mul3A_0, %arg1 : i32
    %mul3A_1 = arith.constant 40 : i32
    %mul3A_2 = arith.muli %add3A, %mul3A_1 : i32
    %dma_start3A = arith.constant 0 : i32
    %dma_start3A_3 = tpu.memref_slice %arg3[%mul3A_2, %dma_start3A] : memref<1280x128xi32, #tpu.memory_space<hbm>> -> memref<40x128xi32, #tpu.memory_space<hbm>>
    %dma_start3A_4 = arith.constant 0 : i32
    %dma_start3A_5 = tpu.memref_slice %arg3[%mul3A_2, %dma_start3A_4] : memref<1280x128xi32, #tpu.memory_space<hbm>> -> memref<40x128xi32, #tpu.memory_space<hbm>>
    tpu.enqueue_dma source(%dma_start3A_5 : memref<40x128xi32, #tpu.memory_space<hbm>>) target(%arg7 : memref<40x128xi32, #tpu.memory_space<vmem>>) target_semaphore(%arg21 : memref<!tpu.dma_semaphore, #tpu.memory_space<semaphore_mem>>)
    %dma_wait3A = arith.constant 0 : i32
    %dma_wait3A_6 = tpu.memref_slice %arg3[%mul3A_2, %dma_wait3A] : memref<1280x128xi32, #tpu.memory_space<hbm>> -> memref<40x128xi32, #tpu.memory_space<hbm>>
    %dma_wait3A_7 = arith.constant 0 : i32
    %dma_wait3A_8 = tpu.memref_slice %arg3[%mul3A_2, %dma_wait3A_7] : memref<1280x128xi32, #tpu.memory_space<hbm>> -> memref<40x128xi32, #tpu.memory_space<hbm>>
    tpu.wait_dma2 semaphore(%arg21 : memref<!tpu.dma_semaphore, #tpu.memory_space<semaphore_mem>>) src(%dma_wait3A_8 : memref<40x128xi32, #tpu.memory_space<hbm>>) dst(%arg7 : memref<40x128xi32, #tpu.memory_space<vmem>>)
    %dma_start3A_9 = arith.constant 0 : i32
    %dma_start3A_10 = arith.constant 0 : i32
    %dma_start3A_11 = tpu.memref_slice %arg7[%dma_start3A_9, %dma_start3A_10] : memref<40x128xi32, #tpu.memory_space<vmem>> -> memref<1x128xi32, #tpu.memory_space<vmem>>
    %dma_start3A_12 = tpu.memref_squeeze %dma_start3A_11 : memref<1x128xi32, #tpu.memory_space<vmem>> -> memref<128xi32, #tpu.memory_space<vmem>>
    %dma_start3A_13 = arith.constant 0 : i32
    %dma_start3A_14 = arith.constant 0 : i32
    %dma_start3A_15 = tpu.memref_slice %arg2[%dma_start3A_13, %dma_start3A_14] : memref<10000x32xf32, #tpu.memory_space<hbm>> -> memref<10000x32xf32, #tpu.memory_space<hbm>>
    tpu.enqueue_indirect_dma source(%dma_start3A_15 : memref<10000x32xf32, #tpu.memory_space<hbm>>) target(%arg9 : memref<128x32xf32, #tpu.memory_space<vmem>>) offsets(%dma_start3A_12 : memref<128xi32, #tpu.memory_space<vmem>>) semaphore(%arg13 : memref<!tpu.dma_semaphore, #tpu.memory_space<semaphore_mem>>)
    %mul3A_16 = arith.constant 40 : i32
    %mul3A_17 = arith.muli %add3A, %mul3A_16 : i32
    %dma_start3A_18 = arith.constant 0 : i32
    %dma_start3A_19 = tpu.memref_slice %arg4[%mul3A_17, %dma_start3A_18] : memref<1280x128xi32, #tpu.memory_space<hbm>> -> memref<40x128xi32, #tpu.memory_space<hbm>>
    %dma_start3A_20 = arith.constant 0 : i32
    %dma_start3A_21 = tpu.memref_slice %arg4[%mul3A_17, %dma_start3A_20] : memref<1280x128xi32, #tpu.memory_space<hbm>> -> memref<40x128xi32, #tpu.memory_space<hbm>>
    tpu.enqueue_dma source(%dma_start3A_21 : memref<40x128xi32, #tpu.memory_space<hbm>>) target(%arg8 : memref<40x128xi32, #tpu.memory_space<vmem>>) target_semaphore(%arg21 : memref<!tpu.dma_semaphore, #tpu.memory_space<semaphore_mem>>)
    %mul3A_22 = arith.constant 640 : i32
    %mul3A_23 = arith.muli %arg1, %mul3A_22 : i32
    %mul3A_24 = arith.constant 640 : i32
    %mul3A_25 = arith.muli %arg1, %mul3A_24 : i32
    "tpu.region"() ({
      %run_scoped3A = tpu.sem_alloc : memref<!tpu.dma_semaphore, #tpu.memory_space<semaphore_mem>>
      %dma_start3A_76 = arith.constant 0 : i32
      %dma_start3A_77 = tpu.memref_slice %arg22[%mul3A_25, %dma_start3A_76] : memref<10240x32xf32, #tpu.memory_space<vmem_shared>> -> memref<640x32xf32, #tpu.memory_space<vmem_shared>>
      %dma_start3A_78 = arith.constant 0 : i32
      %dma_start3A_79 = tpu.memref_slice %arg5[%mul3A_23, %dma_start3A_78] : memref<10240x32xf32, #tpu.memory_space<hbm>> -> memref<640x32xf32, #tpu.memory_space<hbm>>
      tpu.enqueue_dma source(%dma_start3A_79 : memref<640x32xf32, #tpu.memory_space<hbm>>) target(%dma_start3A_77 : memref<640x32xf32, #tpu.memory_space<vmem_shared>>) target_semaphore(%run_scoped3A : memref<!tpu.dma_semaphore, #tpu.memory_space<semaphore_mem>>)
      %dma_wait3A_80 = arith.constant 0 : i32
      %dma_wait3A_81 = tpu.memref_slice %arg22[%mul3A_25, %dma_wait3A_80] : memref<10240x32xf32, #tpu.memory_space<vmem_shared>> -> memref<640x32xf32, #tpu.memory_space<vmem_shared>>
      %dma_wait3A_82 = arith.constant 0 : i32
      %dma_wait3A_83 = tpu.memref_slice %arg5[%mul3A_23, %dma_wait3A_82] : memref<10240x32xf32, #tpu.memory_space<hbm>> -> memref<640x32xf32, #tpu.memory_space<hbm>>
      tpu.wait_dma2 semaphore(%run_scoped3A : memref<!tpu.dma_semaphore, #tpu.memory_space<semaphore_mem>>) src(%dma_wait3A_83 : memref<640x32xf32, #tpu.memory_space<hbm>>) dst(%dma_wait3A_81 : memref<640x32xf32, #tpu.memory_space<vmem_shared>>)
      tpu.yield
    }) : () -> ()
    %mul3A_26 = arith.constant 40 : i32
    %mul3A_27 = arith.muli %add3A, %mul3A_26 : i32
    %dma_wait3A_28 = arith.constant 0 : i32
    %dma_wait3A_29 = tpu.memref_slice %arg4[%mul3A_27, %dma_wait3A_28] : memref<1280x128xi32, #tpu.memory_space<hbm>> -> memref<40x128xi32, #tpu.memory_space<hbm>>
    %dma_wait3A_30 = arith.constant 0 : i32
    %dma_wait3A_31 = tpu.memref_slice %arg4[%mul3A_27, %dma_wait3A_30] : memref<1280x128xi32, #tpu.memory_space<hbm>> -> memref<40x128xi32, #tpu.memory_space<hbm>>
    tpu.wait_dma2 semaphore(%arg21 : memref<!tpu.dma_semaphore, #tpu.memory_space<semaphore_mem>>) src(%dma_wait3A_31 : memref<40x128xi32, #tpu.memory_space<hbm>>) dst(%arg8 : memref<40x128xi32, #tpu.memory_space<vmem>>)
    %dma_start3A_32 = arith.constant 1 : i32
    %dma_start3A_33 = arith.constant 0 : i32
    %dma_start3A_34 = tpu.memref_slice %arg7[%dma_start3A_32, %dma_start3A_33] : memref<40x128xi32, #tpu.memory_space<vmem>> -> memref<1x128xi32, #tpu.memory_space<vmem>>
    %dma_start3A_35 = tpu.memref_squeeze %dma_start3A_34 : memref<1x128xi32, #tpu.memory_space<vmem>> -> memref<128xi32, #tpu.memory_space<vmem>>
    %dma_start3A_36 = arith.constant 0 : i32
    %dma_start3A_37 = arith.constant 0 : i32
    %dma_start3A_38 = tpu.memref_slice %arg2[%dma_start3A_36, %dma_start3A_37] : memref<10000x32xf32, #tpu.memory_space<hbm>> -> memref<10000x32xf32, #tpu.memory_space<hbm>>
    tpu.enqueue_indirect_dma source(%dma_start3A_38 : memref<10000x32xf32, #tpu.memory_space<hbm>>) target(%arg10 : memref<128x32xf32, #tpu.memory_space<vmem>>) offsets(%dma_start3A_35 : memref<128xi32, #tpu.memory_space<vmem>>) semaphore(%arg14 : memref<!tpu.dma_semaphore, #tpu.memory_space<semaphore_mem>>)
    %barrier3A = arith.constant 0 : index
    tpu.barrier barrier_id(%barrier3A)
    %scan3A = arith.constant 0 : i32
    %scan3A_39 = arith.constant 10 : i32
    %scan3A_40 = arith.addi %scan3A, %scan3A_39 : i32
    %scan3A_41 = arith.constant 1 : i32
    scf.for %scan3A_76 = %scan3A to %scan3A_40 step %scan3A_41  : i32 {
      %mul3A_77 = arith.constant 4 : i32
      %mul3A_78 = arith.muli %scan3A_76, %mul3A_77 : i32
      %add3A_79 = arith.constant 0 : i32
      %add3A_80 = arith.addi %add3A_79, %mul3A_78 : i32
      %add3A_81 = arith.constant 0 : i32
      %add3A_82 = arith.addi %add3A_80, %add3A_81 : i32
      %dma_wait3A_83 = arith.constant 0 : i32
      %dma_wait3A_84 = tpu.memref_slice %arg7[%add3A_82, %dma_wait3A_83] : memref<40x128xi32, #tpu.memory_space<vmem>> -> memref<1x128xi32, #tpu.memory_space<vmem>>
      %dma_wait3A_85 = tpu.memref_squeeze %dma_wait3A_84 : memref<1x128xi32, #tpu.memory_space<vmem>> -> memref<128xi32, #tpu.memory_space<vmem>>
      %dma_wait3A_86 = arith.constant 0 : i32
      %dma_wait3A_87 = arith.constant 0 : i32
      %dma_wait3A_88 = tpu.memref_slice %arg2[%dma_wait3A_86, %dma_wait3A_87] : memref<10000x32xf32, #tpu.memory_space<hbm>> -> memref<10000x32xf32, #tpu.memory_space<hbm>>
      tpu.wait_indirect_dma semaphore(%arg13 : memref<!tpu.dma_semaphore, #tpu.memory_space<semaphore_mem>>) src(%dma_wait3A_88 : memref<10000x32xf32, #tpu.memory_space<hbm>>) dst(%arg9 : memref<128x32xf32, #tpu.memory_space<vmem>>)
      %add3A_89 = arith.constant 0 : i32
      %add3A_90 = arith.addi %add3A_80, %add3A_89 : i32
      %dma_start3A_91 = arith.constant 0 : i32
      %dma_start3A_92 = tpu.memref_slice %arg8[%add3A_90, %dma_start3A_91] : memref<40x128xi32, #tpu.memory_space<vmem>> -> memref<1x128xi32, #tpu.memory_space<vmem>>
      %dma_start3A_93 = tpu.memref_squeeze %dma_start3A_92 : memref<1x128xi32, #tpu.memory_space<vmem>> -> memref<128xi32, #tpu.memory_space<vmem>>
      %dma_start3A_94 = arith.constant 0 : i32
      %dma_start3A_95 = arith.constant 0 : i32
      %dma_start3A_96 = tpu.memref_slice %arg22[%dma_start3A_94, %dma_start3A_95] : memref<10240x32xf32, #tpu.memory_space<vmem_shared>> -> memref<10240x32xf32, #tpu.memory_space<vmem_shared>>
      tpu.enqueue_indirect_dma source(%arg9 : memref<128x32xf32, #tpu.memory_space<vmem>>) target(%dma_start3A_96 : memref<10240x32xf32, #tpu.memory_space<vmem_shared>>) offsets(%dma_start3A_93 : memref<128xi32, #tpu.memory_space<vmem>>) semaphore(%arg17 : memref<!tpu.dma_semaphore, #tpu.memory_space<semaphore_mem>>) {add = true}
      %add3A_97 = arith.constant 0 : i32
      %add3A_98 = arith.addi %add3A_80, %add3A_97 : i32
      %add3A_99 = arith.constant 2 : i32
      %add3A_100 = arith.addi %add3A_98, %add3A_99 : i32
      %lt3A = arith.constant 40 : i32
      %lt3A_101 = arith.cmpi slt, %add3A_100, %lt3A : i32
      %convert_element_type3A = arith.extui %lt3A_101 : i1 to i32
      %cond3A = arith.constant 0 : i32
      %cond3A_102 = arith.cmpi ne, %convert_element_type3A, %cond3A : i32
      scf.if %cond3A_102 {
        %add3A_178 = arith.constant 0 : i32
        %add3A_179 = arith.addi %add3A_80, %add3A_178 : i32
        %ge3A = arith.constant 2 : i32
        %ge3A_180 = arith.cmpi sge, %add3A_179, %ge3A : i32
        %convert_element_type3A_181 = arith.extui %ge3A_180 : i1 to i32
        %cond3A_182 = arith.constant 0 : i32
        %cond3A_183 = arith.cmpi ne, %convert_element_type3A_181, %cond3A_182 : i32
        scf.if %cond3A_183 {
          %add3A_194 = arith.constant 0 : i32
          %add3A_195 = arith.addi %add3A_80, %add3A_194 : i32
          %dma_wait3A_196 = arith.constant 0 : i32
          %dma_wait3A_197 = tpu.memref_slice %arg8[%add3A_195, %dma_wait3A_196] : memref<40x128xi32, #tpu.memory_space<vmem>> -> memref<1x128xi32, #tpu.memory_space<vmem>>
          %dma_wait3A_198 = tpu.memref_squeeze %dma_wait3A_197 : memref<1x128xi32, #tpu.memory_space<vmem>> -> memref<128xi32, #tpu.memory_space<vmem>>
          %dma_wait3A_199 = arith.constant 0 : i32
          %dma_wait3A_200 = arith.constant 0 : i32
          %dma_wait3A_201 = tpu.memref_slice %arg22[%dma_wait3A_199, %dma_wait3A_200] : memref<10240x32xf32, #tpu.memory_space<vmem_shared>> -> memref<10240x32xf32, #tpu.memory_space<vmem_shared>>
          tpu.wait_indirect_dma semaphore(%arg19 : memref<!tpu.dma_semaphore, #tpu.memory_space<semaphore_mem>>) src(%arg11 : memref<128x32xf32, #tpu.memory_space<vmem>>) dst(%dma_wait3A_201 : memref<10240x32xf32, #tpu.memory_space<vmem_shared>>)
        } else {
        }
        %add3A_184 = arith.constant 0 : i32
        %add3A_185 = arith.addi %add3A_80, %add3A_184 : i32
        %add3A_186 = arith.constant 2 : i32
        %add3A_187 = arith.addi %add3A_185, %add3A_186 : i32
        %dma_start3A_188 = arith.constant 0 : i32
        %dma_start3A_189 = tpu.memref_slice %arg7[%add3A_187, %dma_start3A_188] : memref<40x128xi32, #tpu.memory_space<vmem>> -> memref<1x128xi32, #tpu.memory_space<vmem>>
        %dma_start3A_190 = tpu.memref_squeeze %dma_start3A_189 : memref<1x128xi32, #tpu.memory_space<vmem>> -> memref<128xi32, #tpu.memory_space<vmem>>
        %dma_start3A_191 = arith.constant 0 : i32
        %dma_start3A_192 = arith.constant 0 : i32
        %dma_start3A_193 = tpu.memref_slice %arg2[%dma_start3A_191, %dma_start3A_192] : memref<10000x32xf32, #tpu.memory_space<hbm>> -> memref<10000x32xf32, #tpu.memory_space<hbm>>
        tpu.enqueue_indirect_dma source(%dma_start3A_193 : memref<10000x32xf32, #tpu.memory_space<hbm>>) target(%arg11 : memref<128x32xf32, #tpu.memory_space<vmem>>) offsets(%dma_start3A_190 : memref<128xi32, #tpu.memory_space<vmem>>) semaphore(%arg15 : memref<!tpu.dma_semaphore, #tpu.memory_space<semaphore_mem>>)
      } else {
      }
      %add3A_103 = arith.constant 1 : i32
      %add3A_104 = arith.addi %add3A_80, %add3A_103 : i32
      %dma_wait3A_105 = arith.constant 0 : i32
      %dma_wait3A_106 = tpu.memref_slice %arg7[%add3A_104, %dma_wait3A_105] : memref<40x128xi32, #tpu.memory_space<vmem>> -> memref<1x128xi32, #tpu.memory_space<vmem>>
      %dma_wait3A_107 = tpu.memref_squeeze %dma_wait3A_106 : memref<1x128xi32, #tpu.memory_space<vmem>> -> memref<128xi32, #tpu.memory_space<vmem>>
      %dma_wait3A_108 = arith.constant 0 : i32
      %dma_wait3A_109 = arith.constant 0 : i32
      %dma_wait3A_110 = tpu.memref_slice %arg2[%dma_wait3A_108, %dma_wait3A_109] : memref<10000x32xf32, #tpu.memory_space<hbm>> -> memref<10000x32xf32, #tpu.memory_space<hbm>>
      tpu.wait_indirect_dma semaphore(%arg14 : memref<!tpu.dma_semaphore, #tpu.memory_space<semaphore_mem>>) src(%dma_wait3A_110 : memref<10000x32xf32, #tpu.memory_space<hbm>>) dst(%arg10 : memref<128x32xf32, #tpu.memory_space<vmem>>)
      %add3A_111 = arith.constant 1 : i32
      %add3A_112 = arith.addi %add3A_80, %add3A_111 : i32
      %dma_start3A_113 = arith.constant 0 : i32
      %dma_start3A_114 = tpu.memref_slice %arg8[%add3A_112, %dma_start3A_113] : memref<40x128xi32, #tpu.memory_space<vmem>> -> memref<1x128xi32, #tpu.memory_space<vmem>>
      %dma_start3A_115 = tpu.memref_squeeze %dma_start3A_114 : memref<1x128xi32, #tpu.memory_space<vmem>> -> memref<128xi32, #tpu.memory_space<vmem>>
      %dma_start3A_116 = arith.constant 0 : i32
      %dma_start3A_117 = arith.constant 0 : i32
      %dma_start3A_118 = tpu.memref_slice %arg22[%dma_start3A_116, %dma_start3A_117] : memref<10240x32xf32, #tpu.memory_space<vmem_shared>> -> memref<10240x32xf32, #tpu.memory_space<vmem_shared>>
      tpu.enqueue_indirect_dma source(%arg10 : memref<128x32xf32, #tpu.memory_space<vmem>>) target(%dma_start3A_118 : memref<10240x32xf32, #tpu.memory_space<vmem_shared>>) offsets(%dma_start3A_115 : memref<128xi32, #tpu.memory_space<vmem>>) semaphore(%arg18 : memref<!tpu.dma_semaphore, #tpu.memory_space<semaphore_mem>>) {add = true}
      %add3A_119 = arith.constant 1 : i32
      %add3A_120 = arith.addi %add3A_80, %add3A_119 : i32
      %add3A_121 = arith.constant 2 : i32
      %add3A_122 = arith.addi %add3A_120, %add3A_121 : i32
      %lt3A_123 = arith.constant 40 : i32
      %lt3A_124 = arith.cmpi slt, %add3A_122, %lt3A_123 : i32
      %convert_element_type3A_125 = arith.extui %lt3A_124 : i1 to i32
      %cond3A_126 = arith.constant 0 : i32
      %cond3A_127 = arith.cmpi ne, %convert_element_type3A_125, %cond3A_126 : i32
      scf.if %cond3A_127 {
        %add3A_178 = arith.constant 1 : i32
        %add3A_179 = arith.addi %add3A_80, %add3A_178 : i32
        %ge3A = arith.constant 2 : i32
        %ge3A_180 = arith.cmpi sge, %add3A_179, %ge3A : i32
        %convert_element_type3A_181 = arith.extui %ge3A_180 : i1 to i32
        %cond3A_182 = arith.constant 0 : i32
        %cond3A_183 = arith.cmpi ne, %convert_element_type3A_181, %cond3A_182 : i32
        scf.if %cond3A_183 {
          %add3A_194 = arith.constant 1 : i32
          %add3A_195 = arith.addi %add3A_80, %add3A_194 : i32
          %dma_wait3A_196 = arith.constant 0 : i32
          %dma_wait3A_197 = tpu.memref_slice %arg8[%add3A_195, %dma_wait3A_196] : memref<40x128xi32, #tpu.memory_space<vmem>> -> memref<1x128xi32, #tpu.memory_space<vmem>>
          %dma_wait3A_198 = tpu.memref_squeeze %dma_wait3A_197 : memref<1x128xi32, #tpu.memory_space<vmem>> -> memref<128xi32, #tpu.memory_space<vmem>>
          %dma_wait3A_199 = arith.constant 0 : i32
          %dma_wait3A_200 = arith.constant 0 : i32
          %dma_wait3A_201 = tpu.memref_slice %arg22[%dma_wait3A_199, %dma_wait3A_200] : memref<10240x32xf32, #tpu.memory_space<vmem_shared>> -> memref<10240x32xf32, #tpu.memory_space<vmem_shared>>
          tpu.wait_indirect_dma semaphore(%arg20 : memref<!tpu.dma_semaphore, #tpu.memory_space<semaphore_mem>>) src(%arg12 : memref<128x32xf32, #tpu.memory_space<vmem>>) dst(%dma_wait3A_201 : memref<10240x32xf32, #tpu.memory_space<vmem_shared>>)
        } else {
        }
        %add3A_184 = arith.constant 1 : i32
        %add3A_185 = arith.addi %add3A_80, %add3A_184 : i32
        %add3A_186 = arith.constant 2 : i32
        %add3A_187 = arith.addi %add3A_185, %add3A_186 : i32
        %dma_start3A_188 = arith.constant 0 : i32
        %dma_start3A_189 = tpu.memref_slice %arg7[%add3A_187, %dma_start3A_188] : memref<40x128xi32, #tpu.memory_space<vmem>> -> memref<1x128xi32, #tpu.memory_space<vmem>>
        %dma_start3A_190 = tpu.memref_squeeze %dma_start3A_189 : memref<1x128xi32, #tpu.memory_space<vmem>> -> memref<128xi32, #tpu.memory_space<vmem>>
        %dma_start3A_191 = arith.constant 0 : i32
        %dma_start3A_192 = arith.constant 0 : i32
        %dma_start3A_193 = tpu.memref_slice %arg2[%dma_start3A_191, %dma_start3A_192] : memref<10000x32xf32, #tpu.memory_space<hbm>> -> memref<10000x32xf32, #tpu.memory_space<hbm>>
        tpu.enqueue_indirect_dma source(%dma_start3A_193 : memref<10000x32xf32, #tpu.memory_space<hbm>>) target(%arg12 : memref<128x32xf32, #tpu.memory_space<vmem>>) offsets(%dma_start3A_190 : memref<128xi32, #tpu.memory_space<vmem>>) semaphore(%arg16 : memref<!tpu.dma_semaphore, #tpu.memory_space<semaphore_mem>>)
      } else {
      }
      %add3A_128 = arith.constant 2 : i32
      %add3A_129 = arith.addi %add3A_80, %add3A_128 : i32
      %dma_wait3A_130 = arith.constant 0 : i32
      %dma_wait3A_131 = tpu.memref_slice %arg7[%add3A_129, %dma_wait3A_130] : memref<40x128xi32, #tpu.memory_space<vmem>> -> memref<1x128xi32, #tpu.memory_space<vmem>>
      %dma_wait3A_132 = tpu.memref_squeeze %dma_wait3A_131 : memref<1x128xi32, #tpu.memory_space<vmem>> -> memref<128xi32, #tpu.memory_space<vmem>>
      %dma_wait3A_133 = arith.constant 0 : i32
      %dma_wait3A_134 = arith.constant 0 : i32
      %dma_wait3A_135 = tpu.memref_slice %arg2[%dma_wait3A_133, %dma_wait3A_134] : memref<10000x32xf32, #tpu.memory_space<hbm>> -> memref<10000x32xf32, #tpu.memory_space<hbm>>
      tpu.wait_indirect_dma semaphore(%arg15 : memref<!tpu.dma_semaphore, #tpu.memory_space<semaphore_mem>>) src(%dma_wait3A_135 : memref<10000x32xf32, #tpu.memory_space<hbm>>) dst(%arg11 : memref<128x32xf32, #tpu.memory_space<vmem>>)
      %add3A_136 = arith.constant 2 : i32
      %add3A_137 = arith.addi %add3A_80, %add3A_136 : i32
      %dma_start3A_138 = arith.constant 0 : i32
      %dma_start3A_139 = tpu.memref_slice %arg8[%add3A_137, %dma_start3A_138] : memref<40x128xi32, #tpu.memory_space<vmem>> -> memref<1x128xi32, #tpu.memory_space<vmem>>
      %dma_start3A_140 = tpu.memref_squeeze %dma_start3A_139 : memref<1x128xi32, #tpu.memory_space<vmem>> -> memref<128xi32, #tpu.memory_space<vmem>>
      %dma_start3A_141 = arith.constant 0 : i32
      %dma_start3A_142 = arith.constant 0 : i32
      %dma_start3A_143 = tpu.memref_slice %arg22[%dma_start3A_141, %dma_start3A_142] : memref<10240x32xf32, #tpu.memory_space<vmem_shared>> -> memref<10240x32xf32, #tpu.memory_space<vmem_shared>>
      tpu.enqueue_indirect_dma source(%arg11 : memref<128x32xf32, #tpu.memory_space<vmem>>) target(%dma_start3A_143 : memref<10240x32xf32, #tpu.memory_space<vmem_shared>>) offsets(%dma_start3A_140 : memref<128xi32, #tpu.memory_space<vmem>>) semaphore(%arg19 : memref<!tpu.dma_semaphore, #tpu.memory_space<semaphore_mem>>) {add = true}
      %add3A_144 = arith.constant 2 : i32
      %add3A_145 = arith.addi %add3A_80, %add3A_144 : i32
      %add3A_146 = arith.constant 2 : i32
      %add3A_147 = arith.addi %add3A_145, %add3A_146 : i32
      %lt3A_148 = arith.constant 40 : i32
      %lt3A_149 = arith.cmpi slt, %add3A_147, %lt3A_148 : i32
      %convert_element_type3A_150 = arith.extui %lt3A_149 : i1 to i32
      %cond3A_151 = arith.constant 0 : i32
      %cond3A_152 = arith.cmpi ne, %convert_element_type3A_150, %cond3A_151 : i32
      scf.if %cond3A_152 {
        %add3A_178 = arith.constant 2 : i32
        %add3A_179 = arith.addi %add3A_80, %add3A_178 : i32
        %ge3A = arith.constant 2 : i32
        %ge3A_180 = arith.cmpi sge, %add3A_179, %ge3A : i32
        %convert_element_type3A_181 = arith.extui %ge3A_180 : i1 to i32
        %cond3A_182 = arith.constant 0 : i32
        %cond3A_183 = arith.cmpi ne, %convert_element_type3A_181, %cond3A_182 : i32
        scf.if %cond3A_183 {
          %add3A_194 = arith.constant 2 : i32
          %add3A_195 = arith.addi %add3A_80, %add3A_194 : i32
          %dma_wait3A_196 = arith.constant 0 : i32
          %dma_wait3A_197 = tpu.memref_slice %arg8[%add3A_195, %dma_wait3A_196] : memref<40x128xi32, #tpu.memory_space<vmem>> -> memref<1x128xi32, #tpu.memory_space<vmem>>
          %dma_wait3A_198 = tpu.memref_squeeze %dma_wait3A_197 : memref<1x128xi32, #tpu.memory_space<vmem>> -> memref<128xi32, #tpu.memory_space<vmem>>
          %dma_wait3A_199 = arith.constant 0 : i32
          %dma_wait3A_200 = arith.constant 0 : i32
          %dma_wait3A_201 = tpu.memref_slice %arg22[%dma_wait3A_199, %dma_wait3A_200] : memref<10240x32xf32, #tpu.memory_space<vmem_shared>> -> memref<10240x32xf32, #tpu.memory_space<vmem_shared>>
          tpu.wait_indirect_dma semaphore(%arg17 : memref<!tpu.dma_semaphore, #tpu.memory_space<semaphore_mem>>) src(%arg9 : memref<128x32xf32, #tpu.memory_space<vmem>>) dst(%dma_wait3A_201 : memref<10240x32xf32, #tpu.memory_space<vmem_shared>>)
        } else {
        }
        %add3A_184 = arith.constant 2 : i32
        %add3A_185 = arith.addi %add3A_80, %add3A_184 : i32
        %add3A_186 = arith.constant 2 : i32
        %add3A_187 = arith.addi %add3A_185, %add3A_186 : i32
        %dma_start3A_188 = arith.constant 0 : i32
        %dma_start3A_189 = tpu.memref_slice %arg7[%add3A_187, %dma_start3A_188] : memref<40x128xi32, #tpu.memory_space<vmem>> -> memref<1x128xi32, #tpu.memory_space<vmem>>
        %dma_start3A_190 = tpu.memref_squeeze %dma_start3A_189 : memref<1x128xi32, #tpu.memory_space<vmem>> -> memref<128xi32, #tpu.memory_space<vmem>>
        %dma_start3A_191 = arith.constant 0 : i32
        %dma_start3A_192 = arith.constant 0 : i32
        %dma_start3A_193 = tpu.memref_slice %arg2[%dma_start3A_191, %dma_start3A_192] : memref<10000x32xf32, #tpu.memory_space<hbm>> -> memref<10000x32xf32, #tpu.memory_space<hbm>>
        tpu.enqueue_indirect_dma source(%dma_start3A_193 : memref<10000x32xf32, #tpu.memory_space<hbm>>) target(%arg9 : memref<128x32xf32, #tpu.memory_space<vmem>>) offsets(%dma_start3A_190 : memref<128xi32, #tpu.memory_space<vmem>>) semaphore(%arg13 : memref<!tpu.dma_semaphore, #tpu.memory_space<semaphore_mem>>)
      } else {
      }
      %add3A_153 = arith.constant 3 : i32
      %add3A_154 = arith.addi %add3A_80, %add3A_153 : i32
      %dma_wait3A_155 = arith.constant 0 : i32
      %dma_wait3A_156 = tpu.memref_slice %arg7[%add3A_154, %dma_wait3A_155] : memref<40x128xi32, #tpu.memory_space<vmem>> -> memref<1x128xi32, #tpu.memory_space<vmem>>
      %dma_wait3A_157 = tpu.memref_squeeze %dma_wait3A_156 : memref<1x128xi32, #tpu.memory_space<vmem>> -> memref<128xi32, #tpu.memory_space<vmem>>
      %dma_wait3A_158 = arith.constant 0 : i32
      %dma_wait3A_159 = arith.constant 0 : i32
      %dma_wait3A_160 = tpu.memref_slice %arg2[%dma_wait3A_158, %dma_wait3A_159] : memref<10000x32xf32, #tpu.memory_space<hbm>> -> memref<10000x32xf32, #tpu.memory_space<hbm>>
      tpu.wait_indirect_dma semaphore(%arg16 : memref<!tpu.dma_semaphore, #tpu.memory_space<semaphore_mem>>) src(%dma_wait3A_160 : memref<10000x32xf32, #tpu.memory_space<hbm>>) dst(%arg12 : memref<128x32xf32, #tpu.memory_space<vmem>>)
      %add3A_161 = arith.constant 3 : i32
      %add3A_162 = arith.addi %add3A_80, %add3A_161 : i32
      %dma_start3A_163 = arith.constant 0 : i32
      %dma_start3A_164 = tpu.memref_slice %arg8[%add3A_162, %dma_start3A_163] : memref<40x128xi32, #tpu.memory_space<vmem>> -> memref<1x128xi32, #tpu.memory_space<vmem>>
      %dma_start3A_165 = tpu.memref_squeeze %dma_start3A_164 : memref<1x128xi32, #tpu.memory_space<vmem>> -> memref<128xi32, #tpu.memory_space<vmem>>
      %dma_start3A_166 = arith.constant 0 : i32
      %dma_start3A_167 = arith.constant 0 : i32
      %dma_start3A_168 = tpu.memref_slice %arg22[%dma_start3A_166, %dma_start3A_167] : memref<10240x32xf32, #tpu.memory_space<vmem_shared>> -> memref<10240x32xf32, #tpu.memory_space<vmem_shared>>
      tpu.enqueue_indirect_dma source(%arg12 : memref<128x32xf32, #tpu.memory_space<vmem>>) target(%dma_start3A_168 : memref<10240x32xf32, #tpu.memory_space<vmem_shared>>) offsets(%dma_start3A_165 : memref<128xi32, #tpu.memory_space<vmem>>) semaphore(%arg20 : memref<!tpu.dma_semaphore, #tpu.memory_space<semaphore_mem>>) {add = true}
      %add3A_169 = arith.constant 3 : i32
      %add3A_170 = arith.addi %add3A_80, %add3A_169 : i32
      %add3A_171 = arith.constant 2 : i32
      %add3A_172 = arith.addi %add3A_170, %add3A_171 : i32
      %lt3A_173 = arith.constant 40 : i32
      %lt3A_174 = arith.cmpi slt, %add3A_172, %lt3A_173 : i32
      %convert_element_type3A_175 = arith.extui %lt3A_174 : i1 to i32
      %cond3A_176 = arith.constant 0 : i32
      %cond3A_177 = arith.cmpi ne, %convert_element_type3A_175, %cond3A_176 : i32
      scf.if %cond3A_177 {
        %add3A_178 = arith.constant 3 : i32
        %add3A_179 = arith.addi %add3A_80, %add3A_178 : i32
        %ge3A = arith.constant 2 : i32
        %ge3A_180 = arith.cmpi sge, %add3A_179, %ge3A : i32
        %convert_element_type3A_181 = arith.extui %ge3A_180 : i1 to i32
        %cond3A_182 = arith.constant 0 : i32
        %cond3A_183 = arith.cmpi ne, %convert_element_type3A_181, %cond3A_182 : i32
        scf.if %cond3A_183 {
          %add3A_194 = arith.constant 3 : i32
          %add3A_195 = arith.addi %add3A_80, %add3A_194 : i32
          %dma_wait3A_196 = arith.constant 0 : i32
          %dma_wait3A_197 = tpu.memref_slice %arg8[%add3A_195, %dma_wait3A_196] : memref<40x128xi32, #tpu.memory_space<vmem>> -> memref<1x128xi32, #tpu.memory_space<vmem>>
          %dma_wait3A_198 = tpu.memref_squeeze %dma_wait3A_197 : memref<1x128xi32, #tpu.memory_space<vmem>> -> memref<128xi32, #tpu.memory_space<vmem>>
          %dma_wait3A_199 = arith.constant 0 : i32
          %dma_wait3A_200 = arith.constant 0 : i32
          %dma_wait3A_201 = tpu.memref_slice %arg22[%dma_wait3A_199, %dma_wait3A_200] : memref<10240x32xf32, #tpu.memory_space<vmem_shared>> -> memref<10240x32xf32, #tpu.memory_space<vmem_shared>>
          tpu.wait_indirect_dma semaphore(%arg18 : memref<!tpu.dma_semaphore, #tpu.memory_space<semaphore_mem>>) src(%arg10 : memref<128x32xf32, #tpu.memory_space<vmem>>) dst(%dma_wait3A_201 : memref<10240x32xf32, #tpu.memory_space<vmem_shared>>)
        } else {
        }
        %add3A_184 = arith.constant 3 : i32
        %add3A_185 = arith.addi %add3A_80, %add3A_184 : i32
        %add3A_186 = arith.constant 2 : i32
        %add3A_187 = arith.addi %add3A_185, %add3A_186 : i32
        %dma_start3A_188 = arith.constant 0 : i32
        %dma_start3A_189 = tpu.memref_slice %arg7[%add3A_187, %dma_start3A_188] : memref<40x128xi32, #tpu.memory_space<vmem>> -> memref<1x128xi32, #tpu.memory_space<vmem>>
        %dma_start3A_190 = tpu.memref_squeeze %dma_start3A_189 : memref<1x128xi32, #tpu.memory_space<vmem>> -> memref<128xi32, #tpu.memory_space<vmem>>
        %dma_start3A_191 = arith.constant 0 : i32
        %dma_start3A_192 = arith.constant 0 : i32
        %dma_start3A_193 = tpu.memref_slice %arg2[%dma_start3A_191, %dma_start3A_192] : memref<10000x32xf32, #tpu.memory_space<hbm>> -> memref<10000x32xf32, #tpu.memory_space<hbm>>
        tpu.enqueue_indirect_dma source(%dma_start3A_193 : memref<10000x32xf32, #tpu.memory_space<hbm>>) target(%arg10 : memref<128x32xf32, #tpu.memory_space<vmem>>) offsets(%dma_start3A_190 : memref<128xi32, #tpu.memory_space<vmem>>) semaphore(%arg14 : memref<!tpu.dma_semaphore, #tpu.memory_space<semaphore_mem>>)
      } else {
      }
    }
    %scan3A_42 = arith.constant 10 : i32
    %dma_wait3A_43 = arith.constant 0 : i32
    %dma_wait3A_44 = arith.constant 0 : i32
    %dma_wait3A_45 = tpu.memref_slice %arg8[%dma_wait3A_43, %dma_wait3A_44] : memref<40x128xi32, #tpu.memory_space<vmem>> -> memref<1x128xi32, #tpu.memory_space<vmem>>
    %dma_wait3A_46 = tpu.memref_squeeze %dma_wait3A_45 : memref<1x128xi32, #tpu.memory_space<vmem>> -> memref<128xi32, #tpu.memory_space<vmem>>
    %dma_wait3A_47 = arith.constant 0 : i32
    %dma_wait3A_48 = arith.constant 0 : i32
    %dma_wait3A_49 = tpu.memref_slice %arg22[%dma_wait3A_47, %dma_wait3A_48] : memref<10240x32xf32, #tpu.memory_space<vmem_shared>> -> memref<10240x32xf32, #tpu.memory_space<vmem_shared>>
    tpu.wait_indirect_dma semaphore(%arg17 : memref<!tpu.dma_semaphore, #tpu.memory_space<semaphore_mem>>) src(%arg9 : memref<128x32xf32, #tpu.memory_space<vmem>>) dst(%dma_wait3A_49 : memref<10240x32xf32, #tpu.memory_space<vmem_shared>>)
    %dma_wait3A_50 = arith.constant 0 : i32
    %dma_wait3A_51 = arith.constant 0 : i32
    %dma_wait3A_52 = tpu.memref_slice %arg8[%dma_wait3A_50, %dma_wait3A_51] : memref<40x128xi32, #tpu.memory_space<vmem>> -> memref<1x128xi32, #tpu.memory_space<vmem>>
    %dma_wait3A_53 = tpu.memref_squeeze %dma_wait3A_52 : memref<1x128xi32, #tpu.memory_space<vmem>> -> memref<128xi32, #tpu.memory_space<vmem>>
    %dma_wait3A_54 = arith.constant 0 : i32
    %dma_wait3A_55 = arith.constant 0 : i32
    %dma_wait3A_56 = tpu.memref_slice %arg22[%dma_wait3A_54, %dma_wait3A_55] : memref<10240x32xf32, #tpu.memory_space<vmem_shared>> -> memref<10240x32xf32, #tpu.memory_space<vmem_shared>>
    tpu.wait_indirect_dma semaphore(%arg18 : memref<!tpu.dma_semaphore, #tpu.memory_space<semaphore_mem>>) src(%arg10 : memref<128x32xf32, #tpu.memory_space<vmem>>) dst(%dma_wait3A_56 : memref<10240x32xf32, #tpu.memory_space<vmem_shared>>)
    %dma_wait3A_57 = arith.constant 0 : i32
    %dma_wait3A_58 = arith.constant 0 : i32
    %dma_wait3A_59 = tpu.memref_slice %arg8[%dma_wait3A_57, %dma_wait3A_58] : memref<40x128xi32, #tpu.memory_space<vmem>> -> memref<1x128xi32, #tpu.memory_space<vmem>>
    %dma_wait3A_60 = tpu.memref_squeeze %dma_wait3A_59 : memref<1x128xi32, #tpu.memory_space<vmem>> -> memref<128xi32, #tpu.memory_space<vmem>>
    %dma_wait3A_61 = arith.constant 0 : i32
    %dma_wait3A_62 = arith.constant 0 : i32
    %dma_wait3A_63 = tpu.memref_slice %arg22[%dma_wait3A_61, %dma_wait3A_62] : memref<10240x32xf32, #tpu.memory_space<vmem_shared>> -> memref<10240x32xf32, #tpu.memory_space<vmem_shared>>
    tpu.wait_indirect_dma semaphore(%arg19 : memref<!tpu.dma_semaphore, #tpu.memory_space<semaphore_mem>>) src(%arg11 : memref<128x32xf32, #tpu.memory_space<vmem>>) dst(%dma_wait3A_63 : memref<10240x32xf32, #tpu.memory_space<vmem_shared>>)
    %dma_wait3A_64 = arith.constant 0 : i32
    %dma_wait3A_65 = arith.constant 0 : i32
    %dma_wait3A_66 = tpu.memref_slice %arg8[%dma_wait3A_64, %dma_wait3A_65] : memref<40x128xi32, #tpu.memory_space<vmem>> -> memref<1x128xi32, #tpu.memory_space<vmem>>
    %dma_wait3A_67 = tpu.memref_squeeze %dma_wait3A_66 : memref<1x128xi32, #tpu.memory_space<vmem>> -> memref<128xi32, #tpu.memory_space<vmem>>
    %dma_wait3A_68 = arith.constant 0 : i32
    %dma_wait3A_69 = arith.constant 0 : i32
    %dma_wait3A_70 = tpu.memref_slice %arg22[%dma_wait3A_68, %dma_wait3A_69] : memref<10240x32xf32, #tpu.memory_space<vmem_shared>> -> memref<10240x32xf32, #tpu.memory_space<vmem_shared>>
    tpu.wait_indirect_dma semaphore(%arg20 : memref<!tpu.dma_semaphore, #tpu.memory_space<semaphore_mem>>) src(%arg12 : memref<128x32xf32, #tpu.memory_space<vmem>>) dst(%dma_wait3A_70 : memref<10240x32xf32, #tpu.memory_space<vmem_shared>>)
    %barrier3A_71 = arith.constant 0 : index
    tpu.barrier barrier_id(%barrier3A_71)
    %mul3A_72 = arith.constant 640 : i32
    %mul3A_73 = arith.muli %arg1, %mul3A_72 : i32
    %mul3A_74 = arith.constant 640 : i32
    %mul3A_75 = arith.muli %arg1, %mul3A_74 : i32
    "tpu.region"() ({
      %run_scoped3A = tpu.sem_alloc : memref<!tpu.dma_semaphore, #tpu.memory_space<semaphore_mem>>
      %dma_start3A_76 = arith.constant 0 : i32
      %dma_start3A_77 = tpu.memref_slice %arg6[%arg0, %mul3A_75, %dma_start3A_76] : memref<2x10240x32xf32, #tpu.memory_space<hbm>> -> memref<1x640x32xf32, #tpu.memory_space<hbm>>
      %dma_start3A_78 = tpu.memref_squeeze %dma_start3A_77 : memref<1x640x32xf32, #tpu.memory_space<hbm>> -> memref<640x32xf32, #tpu.memory_space<hbm>>
      %dma_start3A_79 = arith.constant 0 : i32
      %dma_start3A_80 = tpu.memref_slice %arg22[%mul3A_73, %dma_start3A_79] : memref<10240x32xf32, #tpu.memory_space<vmem_shared>> -> memref<640x32xf32, #tpu.memory_space<vmem_shared>>
      tpu.enqueue_dma source(%dma_start3A_80 : memref<640x32xf32, #tpu.memory_space<vmem_shared>>) target(%dma_start3A_78 : memref<640x32xf32, #tpu.memory_space<hbm>>) target_semaphore(%run_scoped3A : memref<!tpu.dma_semaphore, #tpu.memory_space<semaphore_mem>>)
      %dma_wait3A_81 = arith.constant 0 : i32
      %dma_wait3A_82 = tpu.memref_slice %arg6[%arg0, %mul3A_75, %dma_wait3A_81] : memref<2x10240x32xf32, #tpu.memory_space<hbm>> -> memref<1x640x32xf32, #tpu.memory_space<hbm>>
      %dma_wait3A_83 = tpu.memref_squeeze %dma_wait3A_82 : memref<1x640x32xf32, #tpu.memory_space<hbm>> -> memref<640x32xf32, #tpu.memory_space<hbm>>
      %dma_wait3A_84 = arith.constant 0 : i32
      %dma_wait3A_85 = tpu.memref_slice %arg22[%mul3A_73, %dma_wait3A_84] : memref<10240x32xf32, #tpu.memory_space<vmem_shared>> -> memref<640x32xf32, #tpu.memory_space<vmem_shared>>
      tpu.wait_dma2 semaphore(%run_scoped3A : memref<!tpu.dma_semaphore, #tpu.memory_space<semaphore_mem>>) src(%dma_wait3A_85 : memref<640x32xf32, #tpu.memory_space<vmem_shared>>) dst(%dma_wait3A_83 : memref<640x32xf32, #tpu.memory_space<hbm>>)
      tpu.yield
    }) : () -> ()
    return
  }
}

#map = affine_map<(d0, d1) -> (0, 0)>
#map1 = affine_map<(d0, d1) -> (0, 0, 0)>
module attributes {stable_mosaic.version = 14 : i64} {
  func.func @seg(%arg0: i32, %arg1: i32, %arg2: memref<10000x64xf32, #tpu.memory_space<hbm>>, %arg3: memref<1280x128xi32, #tpu.memory_space<hbm>>, %arg4: memref<1280x128xi32, #tpu.memory_space<hbm>>, %arg5: memref<10240x64xf32, #tpu.memory_space<hbm>>, %arg6: memref<2x10240x64xf32, #tpu.memory_space<hbm>>, %arg7: memref<40x128xi32, #tpu.memory_space<vmem>>, %arg8: memref<40x128xi32, #tpu.memory_space<vmem>>, %arg9: memref<128x64xf32, #tpu.memory_space<vmem>>, %arg10: memref<128x64xf32, #tpu.memory_space<vmem>>, %arg11: memref<128x64xf32, #tpu.memory_space<vmem>>, %arg12: memref<128x64xf32, #tpu.memory_space<vmem>>, %arg13: memref<!tpu.dma_semaphore, #tpu.memory_space<semaphore_mem>>, %arg14: memref<!tpu.dma_semaphore, #tpu.memory_space<semaphore_mem>>, %arg15: memref<!tpu.dma_semaphore, #tpu.memory_space<semaphore_mem>>, %arg16: memref<!tpu.dma_semaphore, #tpu.memory_space<semaphore_mem>>, %arg17: memref<!tpu.dma_semaphore, #tpu.memory_space<semaphore_mem>>, %arg18: memref<!tpu.dma_semaphore, #tpu.memory_space<semaphore_mem>>, %arg19: memref<!tpu.dma_semaphore, #tpu.memory_space<semaphore_mem>>, %arg20: memref<!tpu.dma_semaphore, #tpu.memory_space<semaphore_mem>>, %arg21: memref<!tpu.dma_semaphore, #tpu.memory_space<semaphore_mem>>, %arg22: memref<10240x64xf32, #tpu.memory_space<vmem_shared>>) attributes {dimension_semantics = [#tpu.dimension_semantics<core_parallel>, #tpu.dimension_semantics<subcore_parallel>], iteration_bounds = array<i64: 2, 16>, scalar_prefetch = 0 : i64, scratch_operands = 16 : i64, tpu.core_type = #tpu.core_type<sc_vector_subcore>, window_params = [{transform_indices = #map}, {transform_indices = #map}, {transform_indices = #map}, {transform_indices = #map}, {transform_indices = #map1}]} {
    %mul3A = arith.constant 16 : i32
    %mul3A_0 = arith.muli %arg0, %mul3A : i32
    %add3A = arith.addi %mul3A_0, %arg1 : i32
    %mul3A_1 = arith.constant 40 : i32
    %mul3A_2 = arith.muli %add3A, %mul3A_1 : i32
    %dma_start3A = arith.constant 0 : i32
    %dma_start3A_3 = tpu.memref_slice %arg3[%mul3A_2, %dma_start3A] : memref<1280x128xi32, #tpu.memory_space<hbm>> -> memref<40x128xi32, #tpu.memory_space<hbm>>
    %dma_start3A_4 = arith.constant 0 : i32
    %dma_start3A_5 = tpu.memref_slice %arg3[%mul3A_2, %dma_start3A_4] : memref<1280x128xi32, #tpu.memory_space<hbm>> -> memref<40x128xi32, #tpu.memory_space<hbm>>
    tpu.enqueue_dma source(%dma_start3A_5 : memref<40x128xi32, #tpu.memory_space<hbm>>) target(%arg7 : memref<40x128xi32, #tpu.memory_space<vmem>>) target_semaphore(%arg21 : memref<!tpu.dma_semaphore, #tpu.memory_space<semaphore_mem>>)
    %dma_wait3A = arith.constant 0 : i32
    %dma_wait3A_6 = tpu.memref_slice %arg3[%mul3A_2, %dma_wait3A] : memref<1280x128xi32, #tpu.memory_space<hbm>> -> memref<40x128xi32, #tpu.memory_space<hbm>>
    %dma_wait3A_7 = arith.constant 0 : i32
    %dma_wait3A_8 = tpu.memref_slice %arg3[%mul3A_2, %dma_wait3A_7] : memref<1280x128xi32, #tpu.memory_space<hbm>> -> memref<40x128xi32, #tpu.memory_space<hbm>>
    tpu.wait_dma2 semaphore(%arg21 : memref<!tpu.dma_semaphore, #tpu.memory_space<semaphore_mem>>) src(%dma_wait3A_8 : memref<40x128xi32, #tpu.memory_space<hbm>>) dst(%arg7 : memref<40x128xi32, #tpu.memory_space<vmem>>)
    %dma_start3A_9 = arith.constant 0 : i32
    %dma_start3A_10 = arith.constant 0 : i32
    %dma_start3A_11 = tpu.memref_slice %arg7[%dma_start3A_9, %dma_start3A_10] : memref<40x128xi32, #tpu.memory_space<vmem>> -> memref<1x128xi32, #tpu.memory_space<vmem>>
    %dma_start3A_12 = tpu.memref_squeeze %dma_start3A_11 : memref<1x128xi32, #tpu.memory_space<vmem>> -> memref<128xi32, #tpu.memory_space<vmem>>
    %dma_start3A_13 = arith.constant 0 : i32
    %dma_start3A_14 = arith.constant 0 : i32
    %dma_start3A_15 = tpu.memref_slice %arg2[%dma_start3A_13, %dma_start3A_14] : memref<10000x64xf32, #tpu.memory_space<hbm>> -> memref<10000x64xf32, #tpu.memory_space<hbm>>
    tpu.enqueue_indirect_dma source(%dma_start3A_15 : memref<10000x64xf32, #tpu.memory_space<hbm>>) target(%arg9 : memref<128x64xf32, #tpu.memory_space<vmem>>) offsets(%dma_start3A_12 : memref<128xi32, #tpu.memory_space<vmem>>) semaphore(%arg13 : memref<!tpu.dma_semaphore, #tpu.memory_space<semaphore_mem>>)
    %mul3A_16 = arith.constant 40 : i32
    %mul3A_17 = arith.muli %add3A, %mul3A_16 : i32
    %dma_start3A_18 = arith.constant 0 : i32
    %dma_start3A_19 = tpu.memref_slice %arg4[%mul3A_17, %dma_start3A_18] : memref<1280x128xi32, #tpu.memory_space<hbm>> -> memref<40x128xi32, #tpu.memory_space<hbm>>
    %dma_start3A_20 = arith.constant 0 : i32
    %dma_start3A_21 = tpu.memref_slice %arg4[%mul3A_17, %dma_start3A_20] : memref<1280x128xi32, #tpu.memory_space<hbm>> -> memref<40x128xi32, #tpu.memory_space<hbm>>
    tpu.enqueue_dma source(%dma_start3A_21 : memref<40x128xi32, #tpu.memory_space<hbm>>) target(%arg8 : memref<40x128xi32, #tpu.memory_space<vmem>>) target_semaphore(%arg21 : memref<!tpu.dma_semaphore, #tpu.memory_space<semaphore_mem>>)
    %mul3A_22 = arith.constant 640 : i32
    %mul3A_23 = arith.muli %arg1, %mul3A_22 : i32
    %mul3A_24 = arith.constant 640 : i32
    %mul3A_25 = arith.muli %arg1, %mul3A_24 : i32
    "tpu.region"() ({
      %run_scoped3A = tpu.sem_alloc : memref<!tpu.dma_semaphore, #tpu.memory_space<semaphore_mem>>
      %dma_start3A_76 = arith.constant 0 : i32
      %dma_start3A_77 = tpu.memref_slice %arg22[%mul3A_25, %dma_start3A_76] : memref<10240x64xf32, #tpu.memory_space<vmem_shared>> -> memref<640x64xf32, #tpu.memory_space<vmem_shared>>
      %dma_start3A_78 = arith.constant 0 : i32
      %dma_start3A_79 = tpu.memref_slice %arg5[%mul3A_23, %dma_start3A_78] : memref<10240x64xf32, #tpu.memory_space<hbm>> -> memref<640x64xf32, #tpu.memory_space<hbm>>
      tpu.enqueue_dma source(%dma_start3A_79 : memref<640x64xf32, #tpu.memory_space<hbm>>) target(%dma_start3A_77 : memref<640x64xf32, #tpu.memory_space<vmem_shared>>) target_semaphore(%run_scoped3A : memref<!tpu.dma_semaphore, #tpu.memory_space<semaphore_mem>>)
      %dma_wait3A_80 = arith.constant 0 : i32
      %dma_wait3A_81 = tpu.memref_slice %arg22[%mul3A_25, %dma_wait3A_80] : memref<10240x64xf32, #tpu.memory_space<vmem_shared>> -> memref<640x64xf32, #tpu.memory_space<vmem_shared>>
      %dma_wait3A_82 = arith.constant 0 : i32
      %dma_wait3A_83 = tpu.memref_slice %arg5[%mul3A_23, %dma_wait3A_82] : memref<10240x64xf32, #tpu.memory_space<hbm>> -> memref<640x64xf32, #tpu.memory_space<hbm>>
      tpu.wait_dma2 semaphore(%run_scoped3A : memref<!tpu.dma_semaphore, #tpu.memory_space<semaphore_mem>>) src(%dma_wait3A_83 : memref<640x64xf32, #tpu.memory_space<hbm>>) dst(%dma_wait3A_81 : memref<640x64xf32, #tpu.memory_space<vmem_shared>>)
      tpu.yield
    }) : () -> ()
    %mul3A_26 = arith.constant 40 : i32
    %mul3A_27 = arith.muli %add3A, %mul3A_26 : i32
    %dma_wait3A_28 = arith.constant 0 : i32
    %dma_wait3A_29 = tpu.memref_slice %arg4[%mul3A_27, %dma_wait3A_28] : memref<1280x128xi32, #tpu.memory_space<hbm>> -> memref<40x128xi32, #tpu.memory_space<hbm>>
    %dma_wait3A_30 = arith.constant 0 : i32
    %dma_wait3A_31 = tpu.memref_slice %arg4[%mul3A_27, %dma_wait3A_30] : memref<1280x128xi32, #tpu.memory_space<hbm>> -> memref<40x128xi32, #tpu.memory_space<hbm>>
    tpu.wait_dma2 semaphore(%arg21 : memref<!tpu.dma_semaphore, #tpu.memory_space<semaphore_mem>>) src(%dma_wait3A_31 : memref<40x128xi32, #tpu.memory_space<hbm>>) dst(%arg8 : memref<40x128xi32, #tpu.memory_space<vmem>>)
    %dma_start3A_32 = arith.constant 1 : i32
    %dma_start3A_33 = arith.constant 0 : i32
    %dma_start3A_34 = tpu.memref_slice %arg7[%dma_start3A_32, %dma_start3A_33] : memref<40x128xi32, #tpu.memory_space<vmem>> -> memref<1x128xi32, #tpu.memory_space<vmem>>
    %dma_start3A_35 = tpu.memref_squeeze %dma_start3A_34 : memref<1x128xi32, #tpu.memory_space<vmem>> -> memref<128xi32, #tpu.memory_space<vmem>>
    %dma_start3A_36 = arith.constant 0 : i32
    %dma_start3A_37 = arith.constant 0 : i32
    %dma_start3A_38 = tpu.memref_slice %arg2[%dma_start3A_36, %dma_start3A_37] : memref<10000x64xf32, #tpu.memory_space<hbm>> -> memref<10000x64xf32, #tpu.memory_space<hbm>>
    tpu.enqueue_indirect_dma source(%dma_start3A_38 : memref<10000x64xf32, #tpu.memory_space<hbm>>) target(%arg10 : memref<128x64xf32, #tpu.memory_space<vmem>>) offsets(%dma_start3A_35 : memref<128xi32, #tpu.memory_space<vmem>>) semaphore(%arg14 : memref<!tpu.dma_semaphore, #tpu.memory_space<semaphore_mem>>)
    %barrier3A = arith.constant 0 : index
    tpu.barrier barrier_id(%barrier3A)
    %scan3A = arith.constant 0 : i32
    %scan3A_39 = arith.constant 10 : i32
    %scan3A_40 = arith.addi %scan3A, %scan3A_39 : i32
    %scan3A_41 = arith.constant 1 : i32
    scf.for %scan3A_76 = %scan3A to %scan3A_40 step %scan3A_41  : i32 {
      %mul3A_77 = arith.constant 4 : i32
      %mul3A_78 = arith.muli %scan3A_76, %mul3A_77 : i32
      %add3A_79 = arith.constant 0 : i32
      %add3A_80 = arith.addi %add3A_79, %mul3A_78 : i32
      %add3A_81 = arith.constant 0 : i32
      %add3A_82 = arith.addi %add3A_80, %add3A_81 : i32
      %dma_wait3A_83 = arith.constant 0 : i32
      %dma_wait3A_84 = tpu.memref_slice %arg7[%add3A_82, %dma_wait3A_83] : memref<40x128xi32, #tpu.memory_space<vmem>> -> memref<1x128xi32, #tpu.memory_space<vmem>>
      %dma_wait3A_85 = tpu.memref_squeeze %dma_wait3A_84 : memref<1x128xi32, #tpu.memory_space<vmem>> -> memref<128xi32, #tpu.memory_space<vmem>>
      %dma_wait3A_86 = arith.constant 0 : i32
      %dma_wait3A_87 = arith.constant 0 : i32
      %dma_wait3A_88 = tpu.memref_slice %arg2[%dma_wait3A_86, %dma_wait3A_87] : memref<10000x64xf32, #tpu.memory_space<hbm>> -> memref<10000x64xf32, #tpu.memory_space<hbm>>
      tpu.wait_indirect_dma semaphore(%arg13 : memref<!tpu.dma_semaphore, #tpu.memory_space<semaphore_mem>>) src(%dma_wait3A_88 : memref<10000x64xf32, #tpu.memory_space<hbm>>) dst(%arg9 : memref<128x64xf32, #tpu.memory_space<vmem>>)
      %add3A_89 = arith.constant 0 : i32
      %add3A_90 = arith.addi %add3A_80, %add3A_89 : i32
      %dma_start3A_91 = arith.constant 0 : i32
      %dma_start3A_92 = tpu.memref_slice %arg8[%add3A_90, %dma_start3A_91] : memref<40x128xi32, #tpu.memory_space<vmem>> -> memref<1x128xi32, #tpu.memory_space<vmem>>
      %dma_start3A_93 = tpu.memref_squeeze %dma_start3A_92 : memref<1x128xi32, #tpu.memory_space<vmem>> -> memref<128xi32, #tpu.memory_space<vmem>>
      %dma_start3A_94 = arith.constant 0 : i32
      %dma_start3A_95 = arith.constant 0 : i32
      %dma_start3A_96 = tpu.memref_slice %arg22[%dma_start3A_94, %dma_start3A_95] : memref<10240x64xf32, #tpu.memory_space<vmem_shared>> -> memref<10240x64xf32, #tpu.memory_space<vmem_shared>>
      tpu.enqueue_indirect_dma source(%arg9 : memref<128x64xf32, #tpu.memory_space<vmem>>) target(%dma_start3A_96 : memref<10240x64xf32, #tpu.memory_space<vmem_shared>>) offsets(%dma_start3A_93 : memref<128xi32, #tpu.memory_space<vmem>>) semaphore(%arg17 : memref<!tpu.dma_semaphore, #tpu.memory_space<semaphore_mem>>) {add = true}
      %add3A_97 = arith.constant 0 : i32
      %add3A_98 = arith.addi %add3A_80, %add3A_97 : i32
      %add3A_99 = arith.constant 2 : i32
      %add3A_100 = arith.addi %add3A_98, %add3A_99 : i32
      %lt3A = arith.constant 40 : i32
      %lt3A_101 = arith.cmpi slt, %add3A_100, %lt3A : i32
      %convert_element_type3A = arith.extui %lt3A_101 : i1 to i32
      %cond3A = arith.constant 0 : i32
      %cond3A_102 = arith.cmpi ne, %convert_element_type3A, %cond3A : i32
      scf.if %cond3A_102 {
        %add3A_178 = arith.constant 0 : i32
        %add3A_179 = arith.addi %add3A_80, %add3A_178 : i32
        %ge3A = arith.constant 2 : i32
        %ge3A_180 = arith.cmpi sge, %add3A_179, %ge3A : i32
        %convert_element_type3A_181 = arith.extui %ge3A_180 : i1 to i32
        %cond3A_182 = arith.constant 0 : i32
        %cond3A_183 = arith.cmpi ne, %convert_element_type3A_181, %cond3A_182 : i32
        scf.if %cond3A_183 {
          %add3A_194 = arith.constant 0 : i32
          %add3A_195 = arith.addi %add3A_80, %add3A_194 : i32
          %dma_wait3A_196 = arith.constant 0 : i32
          %dma_wait3A_197 = tpu.memref_slice %arg8[%add3A_195, %dma_wait3A_196] : memref<40x128xi32, #tpu.memory_space<vmem>> -> memref<1x128xi32, #tpu.memory_space<vmem>>
          %dma_wait3A_198 = tpu.memref_squeeze %dma_wait3A_197 : memref<1x128xi32, #tpu.memory_space<vmem>> -> memref<128xi32, #tpu.memory_space<vmem>>
          %dma_wait3A_199 = arith.constant 0 : i32
          %dma_wait3A_200 = arith.constant 0 : i32
          %dma_wait3A_201 = tpu.memref_slice %arg22[%dma_wait3A_199, %dma_wait3A_200] : memref<10240x64xf32, #tpu.memory_space<vmem_shared>> -> memref<10240x64xf32, #tpu.memory_space<vmem_shared>>
          tpu.wait_indirect_dma semaphore(%arg19 : memref<!tpu.dma_semaphore, #tpu.memory_space<semaphore_mem>>) src(%arg11 : memref<128x64xf32, #tpu.memory_space<vmem>>) dst(%dma_wait3A_201 : memref<10240x64xf32, #tpu.memory_space<vmem_shared>>)
        } else {
        }
        %add3A_184 = arith.constant 0 : i32
        %add3A_185 = arith.addi %add3A_80, %add3A_184 : i32
        %add3A_186 = arith.constant 2 : i32
        %add3A_187 = arith.addi %add3A_185, %add3A_186 : i32
        %dma_start3A_188 = arith.constant 0 : i32
        %dma_start3A_189 = tpu.memref_slice %arg7[%add3A_187, %dma_start3A_188] : memref<40x128xi32, #tpu.memory_space<vmem>> -> memref<1x128xi32, #tpu.memory_space<vmem>>
        %dma_start3A_190 = tpu.memref_squeeze %dma_start3A_189 : memref<1x128xi32, #tpu.memory_space<vmem>> -> memref<128xi32, #tpu.memory_space<vmem>>
        %dma_start3A_191 = arith.constant 0 : i32
        %dma_start3A_192 = arith.constant 0 : i32
        %dma_start3A_193 = tpu.memref_slice %arg2[%dma_start3A_191, %dma_start3A_192] : memref<10000x64xf32, #tpu.memory_space<hbm>> -> memref<10000x64xf32, #tpu.memory_space<hbm>>
        tpu.enqueue_indirect_dma source(%dma_start3A_193 : memref<10000x64xf32, #tpu.memory_space<hbm>>) target(%arg11 : memref<128x64xf32, #tpu.memory_space<vmem>>) offsets(%dma_start3A_190 : memref<128xi32, #tpu.memory_space<vmem>>) semaphore(%arg15 : memref<!tpu.dma_semaphore, #tpu.memory_space<semaphore_mem>>)
      } else {
      }
      %add3A_103 = arith.constant 1 : i32
      %add3A_104 = arith.addi %add3A_80, %add3A_103 : i32
      %dma_wait3A_105 = arith.constant 0 : i32
      %dma_wait3A_106 = tpu.memref_slice %arg7[%add3A_104, %dma_wait3A_105] : memref<40x128xi32, #tpu.memory_space<vmem>> -> memref<1x128xi32, #tpu.memory_space<vmem>>
      %dma_wait3A_107 = tpu.memref_squeeze %dma_wait3A_106 : memref<1x128xi32, #tpu.memory_space<vmem>> -> memref<128xi32, #tpu.memory_space<vmem>>
      %dma_wait3A_108 = arith.constant 0 : i32
      %dma_wait3A_109 = arith.constant 0 : i32
      %dma_wait3A_110 = tpu.memref_slice %arg2[%dma_wait3A_108, %dma_wait3A_109] : memref<10000x64xf32, #tpu.memory_space<hbm>> -> memref<10000x64xf32, #tpu.memory_space<hbm>>
      tpu.wait_indirect_dma semaphore(%arg14 : memref<!tpu.dma_semaphore, #tpu.memory_space<semaphore_mem>>) src(%dma_wait3A_110 : memref<10000x64xf32, #tpu.memory_space<hbm>>) dst(%arg10 : memref<128x64xf32, #tpu.memory_space<vmem>>)
      %add3A_111 = arith.constant 1 : i32
      %add3A_112 = arith.addi %add3A_80, %add3A_111 : i32
      %dma_start3A_113 = arith.constant 0 : i32
      %dma_start3A_114 = tpu.memref_slice %arg8[%add3A_112, %dma_start3A_113] : memref<40x128xi32, #tpu.memory_space<vmem>> -> memref<1x128xi32, #tpu.memory_space<vmem>>
      %dma_start3A_115 = tpu.memref_squeeze %dma_start3A_114 : memref<1x128xi32, #tpu.memory_space<vmem>> -> memref<128xi32, #tpu.memory_space<vmem>>
      %dma_start3A_116 = arith.constant 0 : i32
      %dma_start3A_117 = arith.constant 0 : i32
      %dma_start3A_118 = tpu.memref_slice %arg22[%dma_start3A_116, %dma_start3A_117] : memref<10240x64xf32, #tpu.memory_space<vmem_shared>> -> memref<10240x64xf32, #tpu.memory_space<vmem_shared>>
      tpu.enqueue_indirect_dma source(%arg10 : memref<128x64xf32, #tpu.memory_space<vmem>>) target(%dma_start3A_118 : memref<10240x64xf32, #tpu.memory_space<vmem_shared>>) offsets(%dma_start3A_115 : memref<128xi32, #tpu.memory_space<vmem>>) semaphore(%arg18 : memref<!tpu.dma_semaphore, #tpu.memory_space<semaphore_mem>>) {add = true}
      %add3A_119 = arith.constant 1 : i32
      %add3A_120 = arith.addi %add3A_80, %add3A_119 : i32
      %add3A_121 = arith.constant 2 : i32
      %add3A_122 = arith.addi %add3A_120, %add3A_121 : i32
      %lt3A_123 = arith.constant 40 : i32
      %lt3A_124 = arith.cmpi slt, %add3A_122, %lt3A_123 : i32
      %convert_element_type3A_125 = arith.extui %lt3A_124 : i1 to i32
      %cond3A_126 = arith.constant 0 : i32
      %cond3A_127 = arith.cmpi ne, %convert_element_type3A_125, %cond3A_126 : i32
      scf.if %cond3A_127 {
        %add3A_178 = arith.constant 1 : i32
        %add3A_179 = arith.addi %add3A_80, %add3A_178 : i32
        %ge3A = arith.constant 2 : i32
        %ge3A_180 = arith.cmpi sge, %add3A_179, %ge3A : i32
        %convert_element_type3A_181 = arith.extui %ge3A_180 : i1 to i32
        %cond3A_182 = arith.constant 0 : i32
        %cond3A_183 = arith.cmpi ne, %convert_element_type3A_181, %cond3A_182 : i32
        scf.if %cond3A_183 {
          %add3A_194 = arith.constant 1 : i32
          %add3A_195 = arith.addi %add3A_80, %add3A_194 : i32
          %dma_wait3A_196 = arith.constant 0 : i32
          %dma_wait3A_197 = tpu.memref_slice %arg8[%add3A_195, %dma_wait3A_196] : memref<40x128xi32, #tpu.memory_space<vmem>> -> memref<1x128xi32, #tpu.memory_space<vmem>>
          %dma_wait3A_198 = tpu.memref_squeeze %dma_wait3A_197 : memref<1x128xi32, #tpu.memory_space<vmem>> -> memref<128xi32, #tpu.memory_space<vmem>>
          %dma_wait3A_199 = arith.constant 0 : i32
          %dma_wait3A_200 = arith.constant 0 : i32
          %dma_wait3A_201 = tpu.memref_slice %arg22[%dma_wait3A_199, %dma_wait3A_200] : memref<10240x64xf32, #tpu.memory_space<vmem_shared>> -> memref<10240x64xf32, #tpu.memory_space<vmem_shared>>
          tpu.wait_indirect_dma semaphore(%arg20 : memref<!tpu.dma_semaphore, #tpu.memory_space<semaphore_mem>>) src(%arg12 : memref<128x64xf32, #tpu.memory_space<vmem>>) dst(%dma_wait3A_201 : memref<10240x64xf32, #tpu.memory_space<vmem_shared>>)
        } else {
        }
        %add3A_184 = arith.constant 1 : i32
        %add3A_185 = arith.addi %add3A_80, %add3A_184 : i32
        %add3A_186 = arith.constant 2 : i32
        %add3A_187 = arith.addi %add3A_185, %add3A_186 : i32
        %dma_start3A_188 = arith.constant 0 : i32
        %dma_start3A_189 = tpu.memref_slice %arg7[%add3A_187, %dma_start3A_188] : memref<40x128xi32, #tpu.memory_space<vmem>> -> memref<1x128xi32, #tpu.memory_space<vmem>>
        %dma_start3A_190 = tpu.memref_squeeze %dma_start3A_189 : memref<1x128xi32, #tpu.memory_space<vmem>> -> memref<128xi32, #tpu.memory_space<vmem>>
        %dma_start3A_191 = arith.constant 0 : i32
        %dma_start3A_192 = arith.constant 0 : i32
        %dma_start3A_193 = tpu.memref_slice %arg2[%dma_start3A_191, %dma_start3A_192] : memref<10000x64xf32, #tpu.memory_space<hbm>> -> memref<10000x64xf32, #tpu.memory_space<hbm>>
        tpu.enqueue_indirect_dma source(%dma_start3A_193 : memref<10000x64xf32, #tpu.memory_space<hbm>>) target(%arg12 : memref<128x64xf32, #tpu.memory_space<vmem>>) offsets(%dma_start3A_190 : memref<128xi32, #tpu.memory_space<vmem>>) semaphore(%arg16 : memref<!tpu.dma_semaphore, #tpu.memory_space<semaphore_mem>>)
      } else {
      }
      %add3A_128 = arith.constant 2 : i32
      %add3A_129 = arith.addi %add3A_80, %add3A_128 : i32
      %dma_wait3A_130 = arith.constant 0 : i32
      %dma_wait3A_131 = tpu.memref_slice %arg7[%add3A_129, %dma_wait3A_130] : memref<40x128xi32, #tpu.memory_space<vmem>> -> memref<1x128xi32, #tpu.memory_space<vmem>>
      %dma_wait3A_132 = tpu.memref_squeeze %dma_wait3A_131 : memref<1x128xi32, #tpu.memory_space<vmem>> -> memref<128xi32, #tpu.memory_space<vmem>>
      %dma_wait3A_133 = arith.constant 0 : i32
      %dma_wait3A_134 = arith.constant 0 : i32
      %dma_wait3A_135 = tpu.memref_slice %arg2[%dma_wait3A_133, %dma_wait3A_134] : memref<10000x64xf32, #tpu.memory_space<hbm>> -> memref<10000x64xf32, #tpu.memory_space<hbm>>
      tpu.wait_indirect_dma semaphore(%arg15 : memref<!tpu.dma_semaphore, #tpu.memory_space<semaphore_mem>>) src(%dma_wait3A_135 : memref<10000x64xf32, #tpu.memory_space<hbm>>) dst(%arg11 : memref<128x64xf32, #tpu.memory_space<vmem>>)
      %add3A_136 = arith.constant 2 : i32
      %add3A_137 = arith.addi %add3A_80, %add3A_136 : i32
      %dma_start3A_138 = arith.constant 0 : i32
      %dma_start3A_139 = tpu.memref_slice %arg8[%add3A_137, %dma_start3A_138] : memref<40x128xi32, #tpu.memory_space<vmem>> -> memref<1x128xi32, #tpu.memory_space<vmem>>
      %dma_start3A_140 = tpu.memref_squeeze %dma_start3A_139 : memref<1x128xi32, #tpu.memory_space<vmem>> -> memref<128xi32, #tpu.memory_space<vmem>>
      %dma_start3A_141 = arith.constant 0 : i32
      %dma_start3A_142 = arith.constant 0 : i32
      %dma_start3A_143 = tpu.memref_slice %arg22[%dma_start3A_141, %dma_start3A_142] : memref<10240x64xf32, #tpu.memory_space<vmem_shared>> -> memref<10240x64xf32, #tpu.memory_space<vmem_shared>>
      tpu.enqueue_indirect_dma source(%arg11 : memref<128x64xf32, #tpu.memory_space<vmem>>) target(%dma_start3A_143 : memref<10240x64xf32, #tpu.memory_space<vmem_shared>>) offsets(%dma_start3A_140 : memref<128xi32, #tpu.memory_space<vmem>>) semaphore(%arg19 : memref<!tpu.dma_semaphore, #tpu.memory_space<semaphore_mem>>) {add = true}
      %add3A_144 = arith.constant 2 : i32
      %add3A_145 = arith.addi %add3A_80, %add3A_144 : i32
      %add3A_146 = arith.constant 2 : i32
      %add3A_147 = arith.addi %add3A_145, %add3A_146 : i32
      %lt3A_148 = arith.constant 40 : i32
      %lt3A_149 = arith.cmpi slt, %add3A_147, %lt3A_148 : i32
      %convert_element_type3A_150 = arith.extui %lt3A_149 : i1 to i32
      %cond3A_151 = arith.constant 0 : i32
      %cond3A_152 = arith.cmpi ne, %convert_element_type3A_150, %cond3A_151 : i32
      scf.if %cond3A_152 {
        %add3A_178 = arith.constant 2 : i32
        %add3A_179 = arith.addi %add3A_80, %add3A_178 : i32
        %ge3A = arith.constant 2 : i32
        %ge3A_180 = arith.cmpi sge, %add3A_179, %ge3A : i32
        %convert_element_type3A_181 = arith.extui %ge3A_180 : i1 to i32
        %cond3A_182 = arith.constant 0 : i32
        %cond3A_183 = arith.cmpi ne, %convert_element_type3A_181, %cond3A_182 : i32
        scf.if %cond3A_183 {
          %add3A_194 = arith.constant 2 : i32
          %add3A_195 = arith.addi %add3A_80, %add3A_194 : i32
          %dma_wait3A_196 = arith.constant 0 : i32
          %dma_wait3A_197 = tpu.memref_slice %arg8[%add3A_195, %dma_wait3A_196] : memref<40x128xi32, #tpu.memory_space<vmem>> -> memref<1x128xi32, #tpu.memory_space<vmem>>
          %dma_wait3A_198 = tpu.memref_squeeze %dma_wait3A_197 : memref<1x128xi32, #tpu.memory_space<vmem>> -> memref<128xi32, #tpu.memory_space<vmem>>
          %dma_wait3A_199 = arith.constant 0 : i32
          %dma_wait3A_200 = arith.constant 0 : i32
          %dma_wait3A_201 = tpu.memref_slice %arg22[%dma_wait3A_199, %dma_wait3A_200] : memref<10240x64xf32, #tpu.memory_space<vmem_shared>> -> memref<10240x64xf32, #tpu.memory_space<vmem_shared>>
          tpu.wait_indirect_dma semaphore(%arg17 : memref<!tpu.dma_semaphore, #tpu.memory_space<semaphore_mem>>) src(%arg9 : memref<128x64xf32, #tpu.memory_space<vmem>>) dst(%dma_wait3A_201 : memref<10240x64xf32, #tpu.memory_space<vmem_shared>>)
        } else {
        }
        %add3A_184 = arith.constant 2 : i32
        %add3A_185 = arith.addi %add3A_80, %add3A_184 : i32
        %add3A_186 = arith.constant 2 : i32
        %add3A_187 = arith.addi %add3A_185, %add3A_186 : i32
        %dma_start3A_188 = arith.constant 0 : i32
        %dma_start3A_189 = tpu.memref_slice %arg7[%add3A_187, %dma_start3A_188] : memref<40x128xi32, #tpu.memory_space<vmem>> -> memref<1x128xi32, #tpu.memory_space<vmem>>
        %dma_start3A_190 = tpu.memref_squeeze %dma_start3A_189 : memref<1x128xi32, #tpu.memory_space<vmem>> -> memref<128xi32, #tpu.memory_space<vmem>>
        %dma_start3A_191 = arith.constant 0 : i32
        %dma_start3A_192 = arith.constant 0 : i32
        %dma_start3A_193 = tpu.memref_slice %arg2[%dma_start3A_191, %dma_start3A_192] : memref<10000x64xf32, #tpu.memory_space<hbm>> -> memref<10000x64xf32, #tpu.memory_space<hbm>>
        tpu.enqueue_indirect_dma source(%dma_start3A_193 : memref<10000x64xf32, #tpu.memory_space<hbm>>) target(%arg9 : memref<128x64xf32, #tpu.memory_space<vmem>>) offsets(%dma_start3A_190 : memref<128xi32, #tpu.memory_space<vmem>>) semaphore(%arg13 : memref<!tpu.dma_semaphore, #tpu.memory_space<semaphore_mem>>)
      } else {
      }
      %add3A_153 = arith.constant 3 : i32
      %add3A_154 = arith.addi %add3A_80, %add3A_153 : i32
      %dma_wait3A_155 = arith.constant 0 : i32
      %dma_wait3A_156 = tpu.memref_slice %arg7[%add3A_154, %dma_wait3A_155] : memref<40x128xi32, #tpu.memory_space<vmem>> -> memref<1x128xi32, #tpu.memory_space<vmem>>
      %dma_wait3A_157 = tpu.memref_squeeze %dma_wait3A_156 : memref<1x128xi32, #tpu.memory_space<vmem>> -> memref<128xi32, #tpu.memory_space<vmem>>
      %dma_wait3A_158 = arith.constant 0 : i32
      %dma_wait3A_159 = arith.constant 0 : i32
      %dma_wait3A_160 = tpu.memref_slice %arg2[%dma_wait3A_158, %dma_wait3A_159] : memref<10000x64xf32, #tpu.memory_space<hbm>> -> memref<10000x64xf32, #tpu.memory_space<hbm>>
      tpu.wait_indirect_dma semaphore(%arg16 : memref<!tpu.dma_semaphore, #tpu.memory_space<semaphore_mem>>) src(%dma_wait3A_160 : memref<10000x64xf32, #tpu.memory_space<hbm>>) dst(%arg12 : memref<128x64xf32, #tpu.memory_space<vmem>>)
      %add3A_161 = arith.constant 3 : i32
      %add3A_162 = arith.addi %add3A_80, %add3A_161 : i32
      %dma_start3A_163 = arith.constant 0 : i32
      %dma_start3A_164 = tpu.memref_slice %arg8[%add3A_162, %dma_start3A_163] : memref<40x128xi32, #tpu.memory_space<vmem>> -> memref<1x128xi32, #tpu.memory_space<vmem>>
      %dma_start3A_165 = tpu.memref_squeeze %dma_start3A_164 : memref<1x128xi32, #tpu.memory_space<vmem>> -> memref<128xi32, #tpu.memory_space<vmem>>
      %dma_start3A_166 = arith.constant 0 : i32
      %dma_start3A_167 = arith.constant 0 : i32
      %dma_start3A_168 = tpu.memref_slice %arg22[%dma_start3A_166, %dma_start3A_167] : memref<10240x64xf32, #tpu.memory_space<vmem_shared>> -> memref<10240x64xf32, #tpu.memory_space<vmem_shared>>
      tpu.enqueue_indirect_dma source(%arg12 : memref<128x64xf32, #tpu.memory_space<vmem>>) target(%dma_start3A_168 : memref<10240x64xf32, #tpu.memory_space<vmem_shared>>) offsets(%dma_start3A_165 : memref<128xi32, #tpu.memory_space<vmem>>) semaphore(%arg20 : memref<!tpu.dma_semaphore, #tpu.memory_space<semaphore_mem>>) {add = true}
      %add3A_169 = arith.constant 3 : i32
      %add3A_170 = arith.addi %add3A_80, %add3A_169 : i32
      %add3A_171 = arith.constant 2 : i32
      %add3A_172 = arith.addi %add3A_170, %add3A_171 : i32
      %lt3A_173 = arith.constant 40 : i32
      %lt3A_174 = arith.cmpi slt, %add3A_172, %lt3A_173 : i32
      %convert_element_type3A_175 = arith.extui %lt3A_174 : i1 to i32
      %cond3A_176 = arith.constant 0 : i32
      %cond3A_177 = arith.cmpi ne, %convert_element_type3A_175, %cond3A_176 : i32
      scf.if %cond3A_177 {
        %add3A_178 = arith.constant 3 : i32
        %add3A_179 = arith.addi %add3A_80, %add3A_178 : i32
        %ge3A = arith.constant 2 : i32
        %ge3A_180 = arith.cmpi sge, %add3A_179, %ge3A : i32
        %convert_element_type3A_181 = arith.extui %ge3A_180 : i1 to i32
        %cond3A_182 = arith.constant 0 : i32
        %cond3A_183 = arith.cmpi ne, %convert_element_type3A_181, %cond3A_182 : i32
        scf.if %cond3A_183 {
          %add3A_194 = arith.constant 3 : i32
          %add3A_195 = arith.addi %add3A_80, %add3A_194 : i32
          %dma_wait3A_196 = arith.constant 0 : i32
          %dma_wait3A_197 = tpu.memref_slice %arg8[%add3A_195, %dma_wait3A_196] : memref<40x128xi32, #tpu.memory_space<vmem>> -> memref<1x128xi32, #tpu.memory_space<vmem>>
          %dma_wait3A_198 = tpu.memref_squeeze %dma_wait3A_197 : memref<1x128xi32, #tpu.memory_space<vmem>> -> memref<128xi32, #tpu.memory_space<vmem>>
          %dma_wait3A_199 = arith.constant 0 : i32
          %dma_wait3A_200 = arith.constant 0 : i32
          %dma_wait3A_201 = tpu.memref_slice %arg22[%dma_wait3A_199, %dma_wait3A_200] : memref<10240x64xf32, #tpu.memory_space<vmem_shared>> -> memref<10240x64xf32, #tpu.memory_space<vmem_shared>>
          tpu.wait_indirect_dma semaphore(%arg18 : memref<!tpu.dma_semaphore, #tpu.memory_space<semaphore_mem>>) src(%arg10 : memref<128x64xf32, #tpu.memory_space<vmem>>) dst(%dma_wait3A_201 : memref<10240x64xf32, #tpu.memory_space<vmem_shared>>)
        } else {
        }
        %add3A_184 = arith.constant 3 : i32
        %add3A_185 = arith.addi %add3A_80, %add3A_184 : i32
        %add3A_186 = arith.constant 2 : i32
        %add3A_187 = arith.addi %add3A_185, %add3A_186 : i32
        %dma_start3A_188 = arith.constant 0 : i32
        %dma_start3A_189 = tpu.memref_slice %arg7[%add3A_187, %dma_start3A_188] : memref<40x128xi32, #tpu.memory_space<vmem>> -> memref<1x128xi32, #tpu.memory_space<vmem>>
        %dma_start3A_190 = tpu.memref_squeeze %dma_start3A_189 : memref<1x128xi32, #tpu.memory_space<vmem>> -> memref<128xi32, #tpu.memory_space<vmem>>
        %dma_start3A_191 = arith.constant 0 : i32
        %dma_start3A_192 = arith.constant 0 : i32
        %dma_start3A_193 = tpu.memref_slice %arg2[%dma_start3A_191, %dma_start3A_192] : memref<10000x64xf32, #tpu.memory_space<hbm>> -> memref<10000x64xf32, #tpu.memory_space<hbm>>
        tpu.enqueue_indirect_dma source(%dma_start3A_193 : memref<10000x64xf32, #tpu.memory_space<hbm>>) target(%arg10 : memref<128x64xf32, #tpu.memory_space<vmem>>) offsets(%dma_start3A_190 : memref<128xi32, #tpu.memory_space<vmem>>) semaphore(%arg14 : memref<!tpu.dma_semaphore, #tpu.memory_space<semaphore_mem>>)
      } else {
      }
    }
    %scan3A_42 = arith.constant 10 : i32
    %dma_wait3A_43 = arith.constant 0 : i32
    %dma_wait3A_44 = arith.constant 0 : i32
    %dma_wait3A_45 = tpu.memref_slice %arg8[%dma_wait3A_43, %dma_wait3A_44] : memref<40x128xi32, #tpu.memory_space<vmem>> -> memref<1x128xi32, #tpu.memory_space<vmem>>
    %dma_wait3A_46 = tpu.memref_squeeze %dma_wait3A_45 : memref<1x128xi32, #tpu.memory_space<vmem>> -> memref<128xi32, #tpu.memory_space<vmem>>
    %dma_wait3A_47 = arith.constant 0 : i32
    %dma_wait3A_48 = arith.constant 0 : i32
    %dma_wait3A_49 = tpu.memref_slice %arg22[%dma_wait3A_47, %dma_wait3A_48] : memref<10240x64xf32, #tpu.memory_space<vmem_shared>> -> memref<10240x64xf32, #tpu.memory_space<vmem_shared>>
    tpu.wait_indirect_dma semaphore(%arg17 : memref<!tpu.dma_semaphore, #tpu.memory_space<semaphore_mem>>) src(%arg9 : memref<128x64xf32, #tpu.memory_space<vmem>>) dst(%dma_wait3A_49 : memref<10240x64xf32, #tpu.memory_space<vmem_shared>>)
    %dma_wait3A_50 = arith.constant 0 : i32
    %dma_wait3A_51 = arith.constant 0 : i32
    %dma_wait3A_52 = tpu.memref_slice %arg8[%dma_wait3A_50, %dma_wait3A_51] : memref<40x128xi32, #tpu.memory_space<vmem>> -> memref<1x128xi32, #tpu.memory_space<vmem>>
    %dma_wait3A_53 = tpu.memref_squeeze %dma_wait3A_52 : memref<1x128xi32, #tpu.memory_space<vmem>> -> memref<128xi32, #tpu.memory_space<vmem>>
    %dma_wait3A_54 = arith.constant 0 : i32
    %dma_wait3A_55 = arith.constant 0 : i32
    %dma_wait3A_56 = tpu.memref_slice %arg22[%dma_wait3A_54, %dma_wait3A_55] : memref<10240x64xf32, #tpu.memory_space<vmem_shared>> -> memref<10240x64xf32, #tpu.memory_space<vmem_shared>>
    tpu.wait_indirect_dma semaphore(%arg18 : memref<!tpu.dma_semaphore, #tpu.memory_space<semaphore_mem>>) src(%arg10 : memref<128x64xf32, #tpu.memory_space<vmem>>) dst(%dma_wait3A_56 : memref<10240x64xf32, #tpu.memory_space<vmem_shared>>)
    %dma_wait3A_57 = arith.constant 0 : i32
    %dma_wait3A_58 = arith.constant 0 : i32
    %dma_wait3A_59 = tpu.memref_slice %arg8[%dma_wait3A_57, %dma_wait3A_58] : memref<40x128xi32, #tpu.memory_space<vmem>> -> memref<1x128xi32, #tpu.memory_space<vmem>>
    %dma_wait3A_60 = tpu.memref_squeeze %dma_wait3A_59 : memref<1x128xi32, #tpu.memory_space<vmem>> -> memref<128xi32, #tpu.memory_space<vmem>>
    %dma_wait3A_61 = arith.constant 0 : i32
    %dma_wait3A_62 = arith.constant 0 : i32
    %dma_wait3A_63 = tpu.memref_slice %arg22[%dma_wait3A_61, %dma_wait3A_62] : memref<10240x64xf32, #tpu.memory_space<vmem_shared>> -> memref<10240x64xf32, #tpu.memory_space<vmem_shared>>
    tpu.wait_indirect_dma semaphore(%arg19 : memref<!tpu.dma_semaphore, #tpu.memory_space<semaphore_mem>>) src(%arg11 : memref<128x64xf32, #tpu.memory_space<vmem>>) dst(%dma_wait3A_63 : memref<10240x64xf32, #tpu.memory_space<vmem_shared>>)
    %dma_wait3A_64 = arith.constant 0 : i32
    %dma_wait3A_65 = arith.constant 0 : i32
    %dma_wait3A_66 = tpu.memref_slice %arg8[%dma_wait3A_64, %dma_wait3A_65] : memref<40x128xi32, #tpu.memory_space<vmem>> -> memref<1x128xi32, #tpu.memory_space<vmem>>
    %dma_wait3A_67 = tpu.memref_squeeze %dma_wait3A_66 : memref<1x128xi32, #tpu.memory_space<vmem>> -> memref<128xi32, #tpu.memory_space<vmem>>
    %dma_wait3A_68 = arith.constant 0 : i32
    %dma_wait3A_69 = arith.constant 0 : i32
    %dma_wait3A_70 = tpu.memref_slice %arg22[%dma_wait3A_68, %dma_wait3A_69] : memref<10240x64xf32, #tpu.memory_space<vmem_shared>> -> memref<10240x64xf32, #tpu.memory_space<vmem_shared>>
    tpu.wait_indirect_dma semaphore(%arg20 : memref<!tpu.dma_semaphore, #tpu.memory_space<semaphore_mem>>) src(%arg12 : memref<128x64xf32, #tpu.memory_space<vmem>>) dst(%dma_wait3A_70 : memref<10240x64xf32, #tpu.memory_space<vmem_shared>>)
    %barrier3A_71 = arith.constant 0 : index
    tpu.barrier barrier_id(%barrier3A_71)
    %mul3A_72 = arith.constant 640 : i32
    %mul3A_73 = arith.muli %arg1, %mul3A_72 : i32
    %mul3A_74 = arith.constant 640 : i32
    %mul3A_75 = arith.muli %arg1, %mul3A_74 : i32
    "tpu.region"() ({
      %run_scoped3A = tpu.sem_alloc : memref<!tpu.dma_semaphore, #tpu.memory_space<semaphore_mem>>
      %dma_start3A_76 = arith.constant 0 : i32
      %dma_start3A_77 = tpu.memref_slice %arg6[%arg0, %mul3A_75, %dma_start3A_76] : memref<2x10240x64xf32, #tpu.memory_space<hbm>> -> memref<1x640x64xf32, #tpu.memory_space<hbm>>
      %dma_start3A_78 = tpu.memref_squeeze %dma_start3A_77 : memref<1x640x64xf32, #tpu.memory_space<hbm>> -> memref<640x64xf32, #tpu.memory_space<hbm>>
      %dma_start3A_79 = arith.constant 0 : i32
      %dma_start3A_80 = tpu.memref_slice %arg22[%mul3A_73, %dma_start3A_79] : memref<10240x64xf32, #tpu.memory_space<vmem_shared>> -> memref<640x64xf32, #tpu.memory_space<vmem_shared>>
      tpu.enqueue_dma source(%dma_start3A_80 : memref<640x64xf32, #tpu.memory_space<vmem_shared>>) target(%dma_start3A_78 : memref<640x64xf32, #tpu.memory_space<hbm>>) target_semaphore(%run_scoped3A : memref<!tpu.dma_semaphore, #tpu.memory_space<semaphore_mem>>)
      %dma_wait3A_81 = arith.constant 0 : i32
      %dma_wait3A_82 = tpu.memref_slice %arg6[%arg0, %mul3A_75, %dma_wait3A_81] : memref<2x10240x64xf32, #tpu.memory_space<hbm>> -> memref<1x640x64xf32, #tpu.memory_space<hbm>>
      %dma_wait3A_83 = tpu.memref_squeeze %dma_wait3A_82 : memref<1x640x64xf32, #tpu.memory_space<hbm>> -> memref<640x64xf32, #tpu.memory_space<hbm>>
      %dma_wait3A_84 = arith.constant 0 : i32
      %dma_wait3A_85 = tpu.memref_slice %arg22[%mul3A_73, %dma_wait3A_84] : memref<10240x64xf32, #tpu.memory_space<vmem_shared>> -> memref<640x64xf32, #tpu.memory_space<vmem_shared>>
      tpu.wait_dma2 semaphore(%run_scoped3A : memref<!tpu.dma_semaphore, #tpu.memory_space<semaphore_mem>>) src(%dma_wait3A_85 : memref<640x64xf32, #tpu.memory_space<vmem_shared>>) dst(%dma_wait3A_83 : memref<640x64xf32, #tpu.memory_space<hbm>>)
      tpu.yield
    }) : () -> ()
    return
  }
}

#map = affine_map<(d0, d1) -> (0, 0)>
#map1 = affine_map<(d0, d1) -> (0, 0, 0)>
module attributes {stable_mosaic.version = 14 : i64} {
  func.func @seg(%arg0: i32, %arg1: i32, %arg2: memref<10000x96xf32, #tpu.memory_space<hbm>>, %arg3: memref<1280x128xi32, #tpu.memory_space<hbm>>, %arg4: memref<1280x128xi32, #tpu.memory_space<hbm>>, %arg5: memref<10240x96xf32, #tpu.memory_space<hbm>>, %arg6: memref<2x10240x96xf32, #tpu.memory_space<hbm>>, %arg7: memref<40x128xi32, #tpu.memory_space<vmem>>, %arg8: memref<40x128xi32, #tpu.memory_space<vmem>>, %arg9: memref<128x96xf32, #tpu.memory_space<vmem>>, %arg10: memref<128x96xf32, #tpu.memory_space<vmem>>, %arg11: memref<128x96xf32, #tpu.memory_space<vmem>>, %arg12: memref<128x96xf32, #tpu.memory_space<vmem>>, %arg13: memref<!tpu.dma_semaphore, #tpu.memory_space<semaphore_mem>>, %arg14: memref<!tpu.dma_semaphore, #tpu.memory_space<semaphore_mem>>, %arg15: memref<!tpu.dma_semaphore, #tpu.memory_space<semaphore_mem>>, %arg16: memref<!tpu.dma_semaphore, #tpu.memory_space<semaphore_mem>>, %arg17: memref<!tpu.dma_semaphore, #tpu.memory_space<semaphore_mem>>, %arg18: memref<!tpu.dma_semaphore, #tpu.memory_space<semaphore_mem>>, %arg19: memref<!tpu.dma_semaphore, #tpu.memory_space<semaphore_mem>>, %arg20: memref<!tpu.dma_semaphore, #tpu.memory_space<semaphore_mem>>, %arg21: memref<!tpu.dma_semaphore, #tpu.memory_space<semaphore_mem>>, %arg22: memref<10240x96xf32, #tpu.memory_space<vmem_shared>>) attributes {dimension_semantics = [#tpu.dimension_semantics<core_parallel>, #tpu.dimension_semantics<subcore_parallel>], iteration_bounds = array<i64: 2, 16>, scalar_prefetch = 0 : i64, scratch_operands = 16 : i64, tpu.core_type = #tpu.core_type<sc_vector_subcore>, window_params = [{transform_indices = #map}, {transform_indices = #map}, {transform_indices = #map}, {transform_indices = #map}, {transform_indices = #map1}]} {
    %mul3A = arith.constant 16 : i32
    %mul3A_0 = arith.muli %arg0, %mul3A : i32
    %add3A = arith.addi %mul3A_0, %arg1 : i32
    %mul3A_1 = arith.constant 40 : i32
    %mul3A_2 = arith.muli %add3A, %mul3A_1 : i32
    %dma_start3A = arith.constant 0 : i32
    %dma_start3A_3 = tpu.memref_slice %arg3[%mul3A_2, %dma_start3A] : memref<1280x128xi32, #tpu.memory_space<hbm>> -> memref<40x128xi32, #tpu.memory_space<hbm>>
    %dma_start3A_4 = arith.constant 0 : i32
    %dma_start3A_5 = tpu.memref_slice %arg3[%mul3A_2, %dma_start3A_4] : memref<1280x128xi32, #tpu.memory_space<hbm>> -> memref<40x128xi32, #tpu.memory_space<hbm>>
    tpu.enqueue_dma source(%dma_start3A_5 : memref<40x128xi32, #tpu.memory_space<hbm>>) target(%arg7 : memref<40x128xi32, #tpu.memory_space<vmem>>) target_semaphore(%arg21 : memref<!tpu.dma_semaphore, #tpu.memory_space<semaphore_mem>>)
    %dma_wait3A = arith.constant 0 : i32
    %dma_wait3A_6 = tpu.memref_slice %arg3[%mul3A_2, %dma_wait3A] : memref<1280x128xi32, #tpu.memory_space<hbm>> -> memref<40x128xi32, #tpu.memory_space<hbm>>
    %dma_wait3A_7 = arith.constant 0 : i32
    %dma_wait3A_8 = tpu.memref_slice %arg3[%mul3A_2, %dma_wait3A_7] : memref<1280x128xi32, #tpu.memory_space<hbm>> -> memref<40x128xi32, #tpu.memory_space<hbm>>
    tpu.wait_dma2 semaphore(%arg21 : memref<!tpu.dma_semaphore, #tpu.memory_space<semaphore_mem>>) src(%dma_wait3A_8 : memref<40x128xi32, #tpu.memory_space<hbm>>) dst(%arg7 : memref<40x128xi32, #tpu.memory_space<vmem>>)
    %dma_start3A_9 = arith.constant 0 : i32
    %dma_start3A_10 = arith.constant 0 : i32
    %dma_start3A_11 = tpu.memref_slice %arg7[%dma_start3A_9, %dma_start3A_10] : memref<40x128xi32, #tpu.memory_space<vmem>> -> memref<1x128xi32, #tpu.memory_space<vmem>>
    %dma_start3A_12 = tpu.memref_squeeze %dma_start3A_11 : memref<1x128xi32, #tpu.memory_space<vmem>> -> memref<128xi32, #tpu.memory_space<vmem>>
    %dma_start3A_13 = arith.constant 0 : i32
    %dma_start3A_14 = arith.constant 0 : i32
    %dma_start3A_15 = tpu.memref_slice %arg2[%dma_start3A_13, %dma_start3A_14] : memref<10000x96xf32, #tpu.memory_space<hbm>> -> memref<10000x96xf32, #tpu.memory_space<hbm>>
    tpu.enqueue_indirect_dma source(%dma_start3A_15 : memref<10000x96xf32, #tpu.memory_space<hbm>>) target(%arg9 : memref<128x96xf32, #tpu.memory_space<vmem>>) offsets(%dma_start3A_12 : memref<128xi32, #tpu.memory_space<vmem>>) semaphore(%arg13 : memref<!tpu.dma_semaphore, #tpu.memory_space<semaphore_mem>>)
    %mul3A_16 = arith.constant 40 : i32
    %mul3A_17 = arith.muli %add3A, %mul3A_16 : i32
    %dma_start3A_18 = arith.constant 0 : i32
    %dma_start3A_19 = tpu.memref_slice %arg4[%mul3A_17, %dma_start3A_18] : memref<1280x128xi32, #tpu.memory_space<hbm>> -> memref<40x128xi32, #tpu.memory_space<hbm>>
    %dma_start3A_20 = arith.constant 0 : i32
    %dma_start3A_21 = tpu.memref_slice %arg4[%mul3A_17, %dma_start3A_20] : memref<1280x128xi32, #tpu.memory_space<hbm>> -> memref<40x128xi32, #tpu.memory_space<hbm>>
    tpu.enqueue_dma source(%dma_start3A_21 : memref<40x128xi32, #tpu.memory_space<hbm>>) target(%arg8 : memref<40x128xi32, #tpu.memory_space<vmem>>) target_semaphore(%arg21 : memref<!tpu.dma_semaphore, #tpu.memory_space<semaphore_mem>>)
    %mul3A_22 = arith.constant 640 : i32
    %mul3A_23 = arith.muli %arg1, %mul3A_22 : i32
    %mul3A_24 = arith.constant 640 : i32
    %mul3A_25 = arith.muli %arg1, %mul3A_24 : i32
    "tpu.region"() ({
      %run_scoped3A = tpu.sem_alloc : memref<!tpu.dma_semaphore, #tpu.memory_space<semaphore_mem>>
      %dma_start3A_76 = arith.constant 0 : i32
      %dma_start3A_77 = tpu.memref_slice %arg22[%mul3A_25, %dma_start3A_76] : memref<10240x96xf32, #tpu.memory_space<vmem_shared>> -> memref<640x96xf32, #tpu.memory_space<vmem_shared>>
      %dma_start3A_78 = arith.constant 0 : i32
      %dma_start3A_79 = tpu.memref_slice %arg5[%mul3A_23, %dma_start3A_78] : memref<10240x96xf32, #tpu.memory_space<hbm>> -> memref<640x96xf32, #tpu.memory_space<hbm>>
      tpu.enqueue_dma source(%dma_start3A_79 : memref<640x96xf32, #tpu.memory_space<hbm>>) target(%dma_start3A_77 : memref<640x96xf32, #tpu.memory_space<vmem_shared>>) target_semaphore(%run_scoped3A : memref<!tpu.dma_semaphore, #tpu.memory_space<semaphore_mem>>)
      %dma_wait3A_80 = arith.constant 0 : i32
      %dma_wait3A_81 = tpu.memref_slice %arg22[%mul3A_25, %dma_wait3A_80] : memref<10240x96xf32, #tpu.memory_space<vmem_shared>> -> memref<640x96xf32, #tpu.memory_space<vmem_shared>>
      %dma_wait3A_82 = arith.constant 0 : i32
      %dma_wait3A_83 = tpu.memref_slice %arg5[%mul3A_23, %dma_wait3A_82] : memref<10240x96xf32, #tpu.memory_space<hbm>> -> memref<640x96xf32, #tpu.memory_space<hbm>>
      tpu.wait_dma2 semaphore(%run_scoped3A : memref<!tpu.dma_semaphore, #tpu.memory_space<semaphore_mem>>) src(%dma_wait3A_83 : memref<640x96xf32, #tpu.memory_space<hbm>>) dst(%dma_wait3A_81 : memref<640x96xf32, #tpu.memory_space<vmem_shared>>)
      tpu.yield
    }) : () -> ()
    %mul3A_26 = arith.constant 40 : i32
    %mul3A_27 = arith.muli %add3A, %mul3A_26 : i32
    %dma_wait3A_28 = arith.constant 0 : i32
    %dma_wait3A_29 = tpu.memref_slice %arg4[%mul3A_27, %dma_wait3A_28] : memref<1280x128xi32, #tpu.memory_space<hbm>> -> memref<40x128xi32, #tpu.memory_space<hbm>>
    %dma_wait3A_30 = arith.constant 0 : i32
    %dma_wait3A_31 = tpu.memref_slice %arg4[%mul3A_27, %dma_wait3A_30] : memref<1280x128xi32, #tpu.memory_space<hbm>> -> memref<40x128xi32, #tpu.memory_space<hbm>>
    tpu.wait_dma2 semaphore(%arg21 : memref<!tpu.dma_semaphore, #tpu.memory_space<semaphore_mem>>) src(%dma_wait3A_31 : memref<40x128xi32, #tpu.memory_space<hbm>>) dst(%arg8 : memref<40x128xi32, #tpu.memory_space<vmem>>)
    %dma_start3A_32 = arith.constant 1 : i32
    %dma_start3A_33 = arith.constant 0 : i32
    %dma_start3A_34 = tpu.memref_slice %arg7[%dma_start3A_32, %dma_start3A_33] : memref<40x128xi32, #tpu.memory_space<vmem>> -> memref<1x128xi32, #tpu.memory_space<vmem>>
    %dma_start3A_35 = tpu.memref_squeeze %dma_start3A_34 : memref<1x128xi32, #tpu.memory_space<vmem>> -> memref<128xi32, #tpu.memory_space<vmem>>
    %dma_start3A_36 = arith.constant 0 : i32
    %dma_start3A_37 = arith.constant 0 : i32
    %dma_start3A_38 = tpu.memref_slice %arg2[%dma_start3A_36, %dma_start3A_37] : memref<10000x96xf32, #tpu.memory_space<hbm>> -> memref<10000x96xf32, #tpu.memory_space<hbm>>
    tpu.enqueue_indirect_dma source(%dma_start3A_38 : memref<10000x96xf32, #tpu.memory_space<hbm>>) target(%arg10 : memref<128x96xf32, #tpu.memory_space<vmem>>) offsets(%dma_start3A_35 : memref<128xi32, #tpu.memory_space<vmem>>) semaphore(%arg14 : memref<!tpu.dma_semaphore, #tpu.memory_space<semaphore_mem>>)
    %barrier3A = arith.constant 0 : index
    tpu.barrier barrier_id(%barrier3A)
    %scan3A = arith.constant 0 : i32
    %scan3A_39 = arith.constant 10 : i32
    %scan3A_40 = arith.addi %scan3A, %scan3A_39 : i32
    %scan3A_41 = arith.constant 1 : i32
    scf.for %scan3A_76 = %scan3A to %scan3A_40 step %scan3A_41  : i32 {
      %mul3A_77 = arith.constant 4 : i32
      %mul3A_78 = arith.muli %scan3A_76, %mul3A_77 : i32
      %add3A_79 = arith.constant 0 : i32
      %add3A_80 = arith.addi %add3A_79, %mul3A_78 : i32
      %add3A_81 = arith.constant 0 : i32
      %add3A_82 = arith.addi %add3A_80, %add3A_81 : i32
      %dma_wait3A_83 = arith.constant 0 : i32
      %dma_wait3A_84 = tpu.memref_slice %arg7[%add3A_82, %dma_wait3A_83] : memref<40x128xi32, #tpu.memory_space<vmem>> -> memref<1x128xi32, #tpu.memory_space<vmem>>
      %dma_wait3A_85 = tpu.memref_squeeze %dma_wait3A_84 : memref<1x128xi32, #tpu.memory_space<vmem>> -> memref<128xi32, #tpu.memory_space<vmem>>
      %dma_wait3A_86 = arith.constant 0 : i32
      %dma_wait3A_87 = arith.constant 0 : i32
      %dma_wait3A_88 = tpu.memref_slice %arg2[%dma_wait3A_86, %dma_wait3A_87] : memref<10000x96xf32, #tpu.memory_space<hbm>> -> memref<10000x96xf32, #tpu.memory_space<hbm>>
      tpu.wait_indirect_dma semaphore(%arg13 : memref<!tpu.dma_semaphore, #tpu.memory_space<semaphore_mem>>) src(%dma_wait3A_88 : memref<10000x96xf32, #tpu.memory_space<hbm>>) dst(%arg9 : memref<128x96xf32, #tpu.memory_space<vmem>>)
      %add3A_89 = arith.constant 0 : i32
      %add3A_90 = arith.addi %add3A_80, %add3A_89 : i32
      %dma_start3A_91 = arith.constant 0 : i32
      %dma_start3A_92 = tpu.memref_slice %arg8[%add3A_90, %dma_start3A_91] : memref<40x128xi32, #tpu.memory_space<vmem>> -> memref<1x128xi32, #tpu.memory_space<vmem>>
      %dma_start3A_93 = tpu.memref_squeeze %dma_start3A_92 : memref<1x128xi32, #tpu.memory_space<vmem>> -> memref<128xi32, #tpu.memory_space<vmem>>
      %dma_start3A_94 = arith.constant 0 : i32
      %dma_start3A_95 = arith.constant 0 : i32
      %dma_start3A_96 = tpu.memref_slice %arg22[%dma_start3A_94, %dma_start3A_95] : memref<10240x96xf32, #tpu.memory_space<vmem_shared>> -> memref<10240x96xf32, #tpu.memory_space<vmem_shared>>
      tpu.enqueue_indirect_dma source(%arg9 : memref<128x96xf32, #tpu.memory_space<vmem>>) target(%dma_start3A_96 : memref<10240x96xf32, #tpu.memory_space<vmem_shared>>) offsets(%dma_start3A_93 : memref<128xi32, #tpu.memory_space<vmem>>) semaphore(%arg17 : memref<!tpu.dma_semaphore, #tpu.memory_space<semaphore_mem>>) {add = true}
      %add3A_97 = arith.constant 0 : i32
      %add3A_98 = arith.addi %add3A_80, %add3A_97 : i32
      %add3A_99 = arith.constant 2 : i32
      %add3A_100 = arith.addi %add3A_98, %add3A_99 : i32
      %lt3A = arith.constant 40 : i32
      %lt3A_101 = arith.cmpi slt, %add3A_100, %lt3A : i32
      %convert_element_type3A = arith.extui %lt3A_101 : i1 to i32
      %cond3A = arith.constant 0 : i32
      %cond3A_102 = arith.cmpi ne, %convert_element_type3A, %cond3A : i32
      scf.if %cond3A_102 {
        %add3A_178 = arith.constant 0 : i32
        %add3A_179 = arith.addi %add3A_80, %add3A_178 : i32
        %ge3A = arith.constant 2 : i32
        %ge3A_180 = arith.cmpi sge, %add3A_179, %ge3A : i32
        %convert_element_type3A_181 = arith.extui %ge3A_180 : i1 to i32
        %cond3A_182 = arith.constant 0 : i32
        %cond3A_183 = arith.cmpi ne, %convert_element_type3A_181, %cond3A_182 : i32
        scf.if %cond3A_183 {
          %add3A_194 = arith.constant 0 : i32
          %add3A_195 = arith.addi %add3A_80, %add3A_194 : i32
          %dma_wait3A_196 = arith.constant 0 : i32
          %dma_wait3A_197 = tpu.memref_slice %arg8[%add3A_195, %dma_wait3A_196] : memref<40x128xi32, #tpu.memory_space<vmem>> -> memref<1x128xi32, #tpu.memory_space<vmem>>
          %dma_wait3A_198 = tpu.memref_squeeze %dma_wait3A_197 : memref<1x128xi32, #tpu.memory_space<vmem>> -> memref<128xi32, #tpu.memory_space<vmem>>
          %dma_wait3A_199 = arith.constant 0 : i32
          %dma_wait3A_200 = arith.constant 0 : i32
          %dma_wait3A_201 = tpu.memref_slice %arg22[%dma_wait3A_199, %dma_wait3A_200] : memref<10240x96xf32, #tpu.memory_space<vmem_shared>> -> memref<10240x96xf32, #tpu.memory_space<vmem_shared>>
          tpu.wait_indirect_dma semaphore(%arg19 : memref<!tpu.dma_semaphore, #tpu.memory_space<semaphore_mem>>) src(%arg11 : memref<128x96xf32, #tpu.memory_space<vmem>>) dst(%dma_wait3A_201 : memref<10240x96xf32, #tpu.memory_space<vmem_shared>>)
        } else {
        }
        %add3A_184 = arith.constant 0 : i32
        %add3A_185 = arith.addi %add3A_80, %add3A_184 : i32
        %add3A_186 = arith.constant 2 : i32
        %add3A_187 = arith.addi %add3A_185, %add3A_186 : i32
        %dma_start3A_188 = arith.constant 0 : i32
        %dma_start3A_189 = tpu.memref_slice %arg7[%add3A_187, %dma_start3A_188] : memref<40x128xi32, #tpu.memory_space<vmem>> -> memref<1x128xi32, #tpu.memory_space<vmem>>
        %dma_start3A_190 = tpu.memref_squeeze %dma_start3A_189 : memref<1x128xi32, #tpu.memory_space<vmem>> -> memref<128xi32, #tpu.memory_space<vmem>>
        %dma_start3A_191 = arith.constant 0 : i32
        %dma_start3A_192 = arith.constant 0 : i32
        %dma_start3A_193 = tpu.memref_slice %arg2[%dma_start3A_191, %dma_start3A_192] : memref<10000x96xf32, #tpu.memory_space<hbm>> -> memref<10000x96xf32, #tpu.memory_space<hbm>>
        tpu.enqueue_indirect_dma source(%dma_start3A_193 : memref<10000x96xf32, #tpu.memory_space<hbm>>) target(%arg11 : memref<128x96xf32, #tpu.memory_space<vmem>>) offsets(%dma_start3A_190 : memref<128xi32, #tpu.memory_space<vmem>>) semaphore(%arg15 : memref<!tpu.dma_semaphore, #tpu.memory_space<semaphore_mem>>)
      } else {
      }
      %add3A_103 = arith.constant 1 : i32
      %add3A_104 = arith.addi %add3A_80, %add3A_103 : i32
      %dma_wait3A_105 = arith.constant 0 : i32
      %dma_wait3A_106 = tpu.memref_slice %arg7[%add3A_104, %dma_wait3A_105] : memref<40x128xi32, #tpu.memory_space<vmem>> -> memref<1x128xi32, #tpu.memory_space<vmem>>
      %dma_wait3A_107 = tpu.memref_squeeze %dma_wait3A_106 : memref<1x128xi32, #tpu.memory_space<vmem>> -> memref<128xi32, #tpu.memory_space<vmem>>
      %dma_wait3A_108 = arith.constant 0 : i32
      %dma_wait3A_109 = arith.constant 0 : i32
      %dma_wait3A_110 = tpu.memref_slice %arg2[%dma_wait3A_108, %dma_wait3A_109] : memref<10000x96xf32, #tpu.memory_space<hbm>> -> memref<10000x96xf32, #tpu.memory_space<hbm>>
      tpu.wait_indirect_dma semaphore(%arg14 : memref<!tpu.dma_semaphore, #tpu.memory_space<semaphore_mem>>) src(%dma_wait3A_110 : memref<10000x96xf32, #tpu.memory_space<hbm>>) dst(%arg10 : memref<128x96xf32, #tpu.memory_space<vmem>>)
      %add3A_111 = arith.constant 1 : i32
      %add3A_112 = arith.addi %add3A_80, %add3A_111 : i32
      %dma_start3A_113 = arith.constant 0 : i32
      %dma_start3A_114 = tpu.memref_slice %arg8[%add3A_112, %dma_start3A_113] : memref<40x128xi32, #tpu.memory_space<vmem>> -> memref<1x128xi32, #tpu.memory_space<vmem>>
      %dma_start3A_115 = tpu.memref_squeeze %dma_start3A_114 : memref<1x128xi32, #tpu.memory_space<vmem>> -> memref<128xi32, #tpu.memory_space<vmem>>
      %dma_start3A_116 = arith.constant 0 : i32
      %dma_start3A_117 = arith.constant 0 : i32
      %dma_start3A_118 = tpu.memref_slice %arg22[%dma_start3A_116, %dma_start3A_117] : memref<10240x96xf32, #tpu.memory_space<vmem_shared>> -> memref<10240x96xf32, #tpu.memory_space<vmem_shared>>
      tpu.enqueue_indirect_dma source(%arg10 : memref<128x96xf32, #tpu.memory_space<vmem>>) target(%dma_start3A_118 : memref<10240x96xf32, #tpu.memory_space<vmem_shared>>) offsets(%dma_start3A_115 : memref<128xi32, #tpu.memory_space<vmem>>) semaphore(%arg18 : memref<!tpu.dma_semaphore, #tpu.memory_space<semaphore_mem>>) {add = true}
      %add3A_119 = arith.constant 1 : i32
      %add3A_120 = arith.addi %add3A_80, %add3A_119 : i32
      %add3A_121 = arith.constant 2 : i32
      %add3A_122 = arith.addi %add3A_120, %add3A_121 : i32
      %lt3A_123 = arith.constant 40 : i32
      %lt3A_124 = arith.cmpi slt, %add3A_122, %lt3A_123 : i32
      %convert_element_type3A_125 = arith.extui %lt3A_124 : i1 to i32
      %cond3A_126 = arith.constant 0 : i32
      %cond3A_127 = arith.cmpi ne, %convert_element_type3A_125, %cond3A_126 : i32
      scf.if %cond3A_127 {
        %add3A_178 = arith.constant 1 : i32
        %add3A_179 = arith.addi %add3A_80, %add3A_178 : i32
        %ge3A = arith.constant 2 : i32
        %ge3A_180 = arith.cmpi sge, %add3A_179, %ge3A : i32
        %convert_element_type3A_181 = arith.extui %ge3A_180 : i1 to i32
        %cond3A_182 = arith.constant 0 : i32
        %cond3A_183 = arith.cmpi ne, %convert_element_type3A_181, %cond3A_182 : i32
        scf.if %cond3A_183 {
          %add3A_194 = arith.constant 1 : i32
          %add3A_195 = arith.addi %add3A_80, %add3A_194 : i32
          %dma_wait3A_196 = arith.constant 0 : i32
          %dma_wait3A_197 = tpu.memref_slice %arg8[%add3A_195, %dma_wait3A_196] : memref<40x128xi32, #tpu.memory_space<vmem>> -> memref<1x128xi32, #tpu.memory_space<vmem>>
          %dma_wait3A_198 = tpu.memref_squeeze %dma_wait3A_197 : memref<1x128xi32, #tpu.memory_space<vmem>> -> memref<128xi32, #tpu.memory_space<vmem>>
          %dma_wait3A_199 = arith.constant 0 : i32
          %dma_wait3A_200 = arith.constant 0 : i32
          %dma_wait3A_201 = tpu.memref_slice %arg22[%dma_wait3A_199, %dma_wait3A_200] : memref<10240x96xf32, #tpu.memory_space<vmem_shared>> -> memref<10240x96xf32, #tpu.memory_space<vmem_shared>>
          tpu.wait_indirect_dma semaphore(%arg20 : memref<!tpu.dma_semaphore, #tpu.memory_space<semaphore_mem>>) src(%arg12 : memref<128x96xf32, #tpu.memory_space<vmem>>) dst(%dma_wait3A_201 : memref<10240x96xf32, #tpu.memory_space<vmem_shared>>)
        } else {
        }
        %add3A_184 = arith.constant 1 : i32
        %add3A_185 = arith.addi %add3A_80, %add3A_184 : i32
        %add3A_186 = arith.constant 2 : i32
        %add3A_187 = arith.addi %add3A_185, %add3A_186 : i32
        %dma_start3A_188 = arith.constant 0 : i32
        %dma_start3A_189 = tpu.memref_slice %arg7[%add3A_187, %dma_start3A_188] : memref<40x128xi32, #tpu.memory_space<vmem>> -> memref<1x128xi32, #tpu.memory_space<vmem>>
        %dma_start3A_190 = tpu.memref_squeeze %dma_start3A_189 : memref<1x128xi32, #tpu.memory_space<vmem>> -> memref<128xi32, #tpu.memory_space<vmem>>
        %dma_start3A_191 = arith.constant 0 : i32
        %dma_start3A_192 = arith.constant 0 : i32
        %dma_start3A_193 = tpu.memref_slice %arg2[%dma_start3A_191, %dma_start3A_192] : memref<10000x96xf32, #tpu.memory_space<hbm>> -> memref<10000x96xf32, #tpu.memory_space<hbm>>
        tpu.enqueue_indirect_dma source(%dma_start3A_193 : memref<10000x96xf32, #tpu.memory_space<hbm>>) target(%arg12 : memref<128x96xf32, #tpu.memory_space<vmem>>) offsets(%dma_start3A_190 : memref<128xi32, #tpu.memory_space<vmem>>) semaphore(%arg16 : memref<!tpu.dma_semaphore, #tpu.memory_space<semaphore_mem>>)
      } else {
      }
      %add3A_128 = arith.constant 2 : i32
      %add3A_129 = arith.addi %add3A_80, %add3A_128 : i32
      %dma_wait3A_130 = arith.constant 0 : i32
      %dma_wait3A_131 = tpu.memref_slice %arg7[%add3A_129, %dma_wait3A_130] : memref<40x128xi32, #tpu.memory_space<vmem>> -> memref<1x128xi32, #tpu.memory_space<vmem>>
      %dma_wait3A_132 = tpu.memref_squeeze %dma_wait3A_131 : memref<1x128xi32, #tpu.memory_space<vmem>> -> memref<128xi32, #tpu.memory_space<vmem>>
      %dma_wait3A_133 = arith.constant 0 : i32
      %dma_wait3A_134 = arith.constant 0 : i32
      %dma_wait3A_135 = tpu.memref_slice %arg2[%dma_wait3A_133, %dma_wait3A_134] : memref<10000x96xf32, #tpu.memory_space<hbm>> -> memref<10000x96xf32, #tpu.memory_space<hbm>>
      tpu.wait_indirect_dma semaphore(%arg15 : memref<!tpu.dma_semaphore, #tpu.memory_space<semaphore_mem>>) src(%dma_wait3A_135 : memref<10000x96xf32, #tpu.memory_space<hbm>>) dst(%arg11 : memref<128x96xf32, #tpu.memory_space<vmem>>)
      %add3A_136 = arith.constant 2 : i32
      %add3A_137 = arith.addi %add3A_80, %add3A_136 : i32
      %dma_start3A_138 = arith.constant 0 : i32
      %dma_start3A_139 = tpu.memref_slice %arg8[%add3A_137, %dma_start3A_138] : memref<40x128xi32, #tpu.memory_space<vmem>> -> memref<1x128xi32, #tpu.memory_space<vmem>>
      %dma_start3A_140 = tpu.memref_squeeze %dma_start3A_139 : memref<1x128xi32, #tpu.memory_space<vmem>> -> memref<128xi32, #tpu.memory_space<vmem>>
      %dma_start3A_141 = arith.constant 0 : i32
      %dma_start3A_142 = arith.constant 0 : i32
      %dma_start3A_143 = tpu.memref_slice %arg22[%dma_start3A_141, %dma_start3A_142] : memref<10240x96xf32, #tpu.memory_space<vmem_shared>> -> memref<10240x96xf32, #tpu.memory_space<vmem_shared>>
      tpu.enqueue_indirect_dma source(%arg11 : memref<128x96xf32, #tpu.memory_space<vmem>>) target(%dma_start3A_143 : memref<10240x96xf32, #tpu.memory_space<vmem_shared>>) offsets(%dma_start3A_140 : memref<128xi32, #tpu.memory_space<vmem>>) semaphore(%arg19 : memref<!tpu.dma_semaphore, #tpu.memory_space<semaphore_mem>>) {add = true}
      %add3A_144 = arith.constant 2 : i32
      %add3A_145 = arith.addi %add3A_80, %add3A_144 : i32
      %add3A_146 = arith.constant 2 : i32
      %add3A_147 = arith.addi %add3A_145, %add3A_146 : i32
      %lt3A_148 = arith.constant 40 : i32
      %lt3A_149 = arith.cmpi slt, %add3A_147, %lt3A_148 : i32
      %convert_element_type3A_150 = arith.extui %lt3A_149 : i1 to i32
      %cond3A_151 = arith.constant 0 : i32
      %cond3A_152 = arith.cmpi ne, %convert_element_type3A_150, %cond3A_151 : i32
      scf.if %cond3A_152 {
        %add3A_178 = arith.constant 2 : i32
        %add3A_179 = arith.addi %add3A_80, %add3A_178 : i32
        %ge3A = arith.constant 2 : i32
        %ge3A_180 = arith.cmpi sge, %add3A_179, %ge3A : i32
        %convert_element_type3A_181 = arith.extui %ge3A_180 : i1 to i32
        %cond3A_182 = arith.constant 0 : i32
        %cond3A_183 = arith.cmpi ne, %convert_element_type3A_181, %cond3A_182 : i32
        scf.if %cond3A_183 {
          %add3A_194 = arith.constant 2 : i32
          %add3A_195 = arith.addi %add3A_80, %add3A_194 : i32
          %dma_wait3A_196 = arith.constant 0 : i32
          %dma_wait3A_197 = tpu.memref_slice %arg8[%add3A_195, %dma_wait3A_196] : memref<40x128xi32, #tpu.memory_space<vmem>> -> memref<1x128xi32, #tpu.memory_space<vmem>>
          %dma_wait3A_198 = tpu.memref_squeeze %dma_wait3A_197 : memref<1x128xi32, #tpu.memory_space<vmem>> -> memref<128xi32, #tpu.memory_space<vmem>>
          %dma_wait3A_199 = arith.constant 0 : i32
          %dma_wait3A_200 = arith.constant 0 : i32
          %dma_wait3A_201 = tpu.memref_slice %arg22[%dma_wait3A_199, %dma_wait3A_200] : memref<10240x96xf32, #tpu.memory_space<vmem_shared>> -> memref<10240x96xf32, #tpu.memory_space<vmem_shared>>
          tpu.wait_indirect_dma semaphore(%arg17 : memref<!tpu.dma_semaphore, #tpu.memory_space<semaphore_mem>>) src(%arg9 : memref<128x96xf32, #tpu.memory_space<vmem>>) dst(%dma_wait3A_201 : memref<10240x96xf32, #tpu.memory_space<vmem_shared>>)
        } else {
        }
        %add3A_184 = arith.constant 2 : i32
        %add3A_185 = arith.addi %add3A_80, %add3A_184 : i32
        %add3A_186 = arith.constant 2 : i32
        %add3A_187 = arith.addi %add3A_185, %add3A_186 : i32
        %dma_start3A_188 = arith.constant 0 : i32
        %dma_start3A_189 = tpu.memref_slice %arg7[%add3A_187, %dma_start3A_188] : memref<40x128xi32, #tpu.memory_space<vmem>> -> memref<1x128xi32, #tpu.memory_space<vmem>>
        %dma_start3A_190 = tpu.memref_squeeze %dma_start3A_189 : memref<1x128xi32, #tpu.memory_space<vmem>> -> memref<128xi32, #tpu.memory_space<vmem>>
        %dma_start3A_191 = arith.constant 0 : i32
        %dma_start3A_192 = arith.constant 0 : i32
        %dma_start3A_193 = tpu.memref_slice %arg2[%dma_start3A_191, %dma_start3A_192] : memref<10000x96xf32, #tpu.memory_space<hbm>> -> memref<10000x96xf32, #tpu.memory_space<hbm>>
        tpu.enqueue_indirect_dma source(%dma_start3A_193 : memref<10000x96xf32, #tpu.memory_space<hbm>>) target(%arg9 : memref<128x96xf32, #tpu.memory_space<vmem>>) offsets(%dma_start3A_190 : memref<128xi32, #tpu.memory_space<vmem>>) semaphore(%arg13 : memref<!tpu.dma_semaphore, #tpu.memory_space<semaphore_mem>>)
      } else {
      }
      %add3A_153 = arith.constant 3 : i32
      %add3A_154 = arith.addi %add3A_80, %add3A_153 : i32
      %dma_wait3A_155 = arith.constant 0 : i32
      %dma_wait3A_156 = tpu.memref_slice %arg7[%add3A_154, %dma_wait3A_155] : memref<40x128xi32, #tpu.memory_space<vmem>> -> memref<1x128xi32, #tpu.memory_space<vmem>>
      %dma_wait3A_157 = tpu.memref_squeeze %dma_wait3A_156 : memref<1x128xi32, #tpu.memory_space<vmem>> -> memref<128xi32, #tpu.memory_space<vmem>>
      %dma_wait3A_158 = arith.constant 0 : i32
      %dma_wait3A_159 = arith.constant 0 : i32
      %dma_wait3A_160 = tpu.memref_slice %arg2[%dma_wait3A_158, %dma_wait3A_159] : memref<10000x96xf32, #tpu.memory_space<hbm>> -> memref<10000x96xf32, #tpu.memory_space<hbm>>
      tpu.wait_indirect_dma semaphore(%arg16 : memref<!tpu.dma_semaphore, #tpu.memory_space<semaphore_mem>>) src(%dma_wait3A_160 : memref<10000x96xf32, #tpu.memory_space<hbm>>) dst(%arg12 : memref<128x96xf32, #tpu.memory_space<vmem>>)
      %add3A_161 = arith.constant 3 : i32
      %add3A_162 = arith.addi %add3A_80, %add3A_161 : i32
      %dma_start3A_163 = arith.constant 0 : i32
      %dma_start3A_164 = tpu.memref_slice %arg8[%add3A_162, %dma_start3A_163] : memref<40x128xi32, #tpu.memory_space<vmem>> -> memref<1x128xi32, #tpu.memory_space<vmem>>
      %dma_start3A_165 = tpu.memref_squeeze %dma_start3A_164 : memref<1x128xi32, #tpu.memory_space<vmem>> -> memref<128xi32, #tpu.memory_space<vmem>>
      %dma_start3A_166 = arith.constant 0 : i32
      %dma_start3A_167 = arith.constant 0 : i32
      %dma_start3A_168 = tpu.memref_slice %arg22[%dma_start3A_166, %dma_start3A_167] : memref<10240x96xf32, #tpu.memory_space<vmem_shared>> -> memref<10240x96xf32, #tpu.memory_space<vmem_shared>>
      tpu.enqueue_indirect_dma source(%arg12 : memref<128x96xf32, #tpu.memory_space<vmem>>) target(%dma_start3A_168 : memref<10240x96xf32, #tpu.memory_space<vmem_shared>>) offsets(%dma_start3A_165 : memref<128xi32, #tpu.memory_space<vmem>>) semaphore(%arg20 : memref<!tpu.dma_semaphore, #tpu.memory_space<semaphore_mem>>) {add = true}
      %add3A_169 = arith.constant 3 : i32
      %add3A_170 = arith.addi %add3A_80, %add3A_169 : i32
      %add3A_171 = arith.constant 2 : i32
      %add3A_172 = arith.addi %add3A_170, %add3A_171 : i32
      %lt3A_173 = arith.constant 40 : i32
      %lt3A_174 = arith.cmpi slt, %add3A_172, %lt3A_173 : i32
      %convert_element_type3A_175 = arith.extui %lt3A_174 : i1 to i32
      %cond3A_176 = arith.constant 0 : i32
      %cond3A_177 = arith.cmpi ne, %convert_element_type3A_175, %cond3A_176 : i32
      scf.if %cond3A_177 {
        %add3A_178 = arith.constant 3 : i32
        %add3A_179 = arith.addi %add3A_80, %add3A_178 : i32
        %ge3A = arith.constant 2 : i32
        %ge3A_180 = arith.cmpi sge, %add3A_179, %ge3A : i32
        %convert_element_type3A_181 = arith.extui %ge3A_180 : i1 to i32
        %cond3A_182 = arith.constant 0 : i32
        %cond3A_183 = arith.cmpi ne, %convert_element_type3A_181, %cond3A_182 : i32
        scf.if %cond3A_183 {
          %add3A_194 = arith.constant 3 : i32
          %add3A_195 = arith.addi %add3A_80, %add3A_194 : i32
          %dma_wait3A_196 = arith.constant 0 : i32
          %dma_wait3A_197 = tpu.memref_slice %arg8[%add3A_195, %dma_wait3A_196] : memref<40x128xi32, #tpu.memory_space<vmem>> -> memref<1x128xi32, #tpu.memory_space<vmem>>
          %dma_wait3A_198 = tpu.memref_squeeze %dma_wait3A_197 : memref<1x128xi32, #tpu.memory_space<vmem>> -> memref<128xi32, #tpu.memory_space<vmem>>
          %dma_wait3A_199 = arith.constant 0 : i32
          %dma_wait3A_200 = arith.constant 0 : i32
          %dma_wait3A_201 = tpu.memref_slice %arg22[%dma_wait3A_199, %dma_wait3A_200] : memref<10240x96xf32, #tpu.memory_space<vmem_shared>> -> memref<10240x96xf32, #tpu.memory_space<vmem_shared>>
          tpu.wait_indirect_dma semaphore(%arg18 : memref<!tpu.dma_semaphore, #tpu.memory_space<semaphore_mem>>) src(%arg10 : memref<128x96xf32, #tpu.memory_space<vmem>>) dst(%dma_wait3A_201 : memref<10240x96xf32, #tpu.memory_space<vmem_shared>>)
        } else {
        }
        %add3A_184 = arith.constant 3 : i32
        %add3A_185 = arith.addi %add3A_80, %add3A_184 : i32
        %add3A_186 = arith.constant 2 : i32
        %add3A_187 = arith.addi %add3A_185, %add3A_186 : i32
        %dma_start3A_188 = arith.constant 0 : i32
        %dma_start3A_189 = tpu.memref_slice %arg7[%add3A_187, %dma_start3A_188] : memref<40x128xi32, #tpu.memory_space<vmem>> -> memref<1x128xi32, #tpu.memory_space<vmem>>
        %dma_start3A_190 = tpu.memref_squeeze %dma_start3A_189 : memref<1x128xi32, #tpu.memory_space<vmem>> -> memref<128xi32, #tpu.memory_space<vmem>>
        %dma_start3A_191 = arith.constant 0 : i32
        %dma_start3A_192 = arith.constant 0 : i32
        %dma_start3A_193 = tpu.memref_slice %arg2[%dma_start3A_191, %dma_start3A_192] : memref<10000x96xf32, #tpu.memory_space<hbm>> -> memref<10000x96xf32, #tpu.memory_space<hbm>>
        tpu.enqueue_indirect_dma source(%dma_start3A_193 : memref<10000x96xf32, #tpu.memory_space<hbm>>) target(%arg10 : memref<128x96xf32, #tpu.memory_space<vmem>>) offsets(%dma_start3A_190 : memref<128xi32, #tpu.memory_space<vmem>>) semaphore(%arg14 : memref<!tpu.dma_semaphore, #tpu.memory_space<semaphore_mem>>)
      } else {
      }
    }
    %scan3A_42 = arith.constant 10 : i32
    %dma_wait3A_43 = arith.constant 0 : i32
    %dma_wait3A_44 = arith.constant 0 : i32
    %dma_wait3A_45 = tpu.memref_slice %arg8[%dma_wait3A_43, %dma_wait3A_44] : memref<40x128xi32, #tpu.memory_space<vmem>> -> memref<1x128xi32, #tpu.memory_space<vmem>>
    %dma_wait3A_46 = tpu.memref_squeeze %dma_wait3A_45 : memref<1x128xi32, #tpu.memory_space<vmem>> -> memref<128xi32, #tpu.memory_space<vmem>>
    %dma_wait3A_47 = arith.constant 0 : i32
    %dma_wait3A_48 = arith.constant 0 : i32
    %dma_wait3A_49 = tpu.memref_slice %arg22[%dma_wait3A_47, %dma_wait3A_48] : memref<10240x96xf32, #tpu.memory_space<vmem_shared>> -> memref<10240x96xf32, #tpu.memory_space<vmem_shared>>
    tpu.wait_indirect_dma semaphore(%arg17 : memref<!tpu.dma_semaphore, #tpu.memory_space<semaphore_mem>>) src(%arg9 : memref<128x96xf32, #tpu.memory_space<vmem>>) dst(%dma_wait3A_49 : memref<10240x96xf32, #tpu.memory_space<vmem_shared>>)
    %dma_wait3A_50 = arith.constant 0 : i32
    %dma_wait3A_51 = arith.constant 0 : i32
    %dma_wait3A_52 = tpu.memref_slice %arg8[%dma_wait3A_50, %dma_wait3A_51] : memref<40x128xi32, #tpu.memory_space<vmem>> -> memref<1x128xi32, #tpu.memory_space<vmem>>
    %dma_wait3A_53 = tpu.memref_squeeze %dma_wait3A_52 : memref<1x128xi32, #tpu.memory_space<vmem>> -> memref<128xi32, #tpu.memory_space<vmem>>
    %dma_wait3A_54 = arith.constant 0 : i32
    %dma_wait3A_55 = arith.constant 0 : i32
    %dma_wait3A_56 = tpu.memref_slice %arg22[%dma_wait3A_54, %dma_wait3A_55] : memref<10240x96xf32, #tpu.memory_space<vmem_shared>> -> memref<10240x96xf32, #tpu.memory_space<vmem_shared>>
    tpu.wait_indirect_dma semaphore(%arg18 : memref<!tpu.dma_semaphore, #tpu.memory_space<semaphore_mem>>) src(%arg10 : memref<128x96xf32, #tpu.memory_space<vmem>>) dst(%dma_wait3A_56 : memref<10240x96xf32, #tpu.memory_space<vmem_shared>>)
    %dma_wait3A_57 = arith.constant 0 : i32
    %dma_wait3A_58 = arith.constant 0 : i32
    %dma_wait3A_59 = tpu.memref_slice %arg8[%dma_wait3A_57, %dma_wait3A_58] : memref<40x128xi32, #tpu.memory_space<vmem>> -> memref<1x128xi32, #tpu.memory_space<vmem>>
    %dma_wait3A_60 = tpu.memref_squeeze %dma_wait3A_59 : memref<1x128xi32, #tpu.memory_space<vmem>> -> memref<128xi32, #tpu.memory_space<vmem>>
    %dma_wait3A_61 = arith.constant 0 : i32
    %dma_wait3A_62 = arith.constant 0 : i32
    %dma_wait3A_63 = tpu.memref_slice %arg22[%dma_wait3A_61, %dma_wait3A_62] : memref<10240x96xf32, #tpu.memory_space<vmem_shared>> -> memref<10240x96xf32, #tpu.memory_space<vmem_shared>>
    tpu.wait_indirect_dma semaphore(%arg19 : memref<!tpu.dma_semaphore, #tpu.memory_space<semaphore_mem>>) src(%arg11 : memref<128x96xf32, #tpu.memory_space<vmem>>) dst(%dma_wait3A_63 : memref<10240x96xf32, #tpu.memory_space<vmem_shared>>)
    %dma_wait3A_64 = arith.constant 0 : i32
    %dma_wait3A_65 = arith.constant 0 : i32
    %dma_wait3A_66 = tpu.memref_slice %arg8[%dma_wait3A_64, %dma_wait3A_65] : memref<40x128xi32, #tpu.memory_space<vmem>> -> memref<1x128xi32, #tpu.memory_space<vmem>>
    %dma_wait3A_67 = tpu.memref_squeeze %dma_wait3A_66 : memref<1x128xi32, #tpu.memory_space<vmem>> -> memref<128xi32, #tpu.memory_space<vmem>>
    %dma_wait3A_68 = arith.constant 0 : i32
    %dma_wait3A_69 = arith.constant 0 : i32
    %dma_wait3A_70 = tpu.memref_slice %arg22[%dma_wait3A_68, %dma_wait3A_69] : memref<10240x96xf32, #tpu.memory_space<vmem_shared>> -> memref<10240x96xf32, #tpu.memory_space<vmem_shared>>
    tpu.wait_indirect_dma semaphore(%arg20 : memref<!tpu.dma_semaphore, #tpu.memory_space<semaphore_mem>>) src(%arg12 : memref<128x96xf32, #tpu.memory_space<vmem>>) dst(%dma_wait3A_70 : memref<10240x96xf32, #tpu.memory_space<vmem_shared>>)
    %barrier3A_71 = arith.constant 0 : index
    tpu.barrier barrier_id(%barrier3A_71)
    %mul3A_72 = arith.constant 640 : i32
    %mul3A_73 = arith.muli %arg1, %mul3A_72 : i32
    %mul3A_74 = arith.constant 640 : i32
    %mul3A_75 = arith.muli %arg1, %mul3A_74 : i32
    "tpu.region"() ({
      %run_scoped3A = tpu.sem_alloc : memref<!tpu.dma_semaphore, #tpu.memory_space<semaphore_mem>>
      %dma_start3A_76 = arith.constant 0 : i32
      %dma_start3A_77 = tpu.memref_slice %arg6[%arg0, %mul3A_75, %dma_start3A_76] : memref<2x10240x96xf32, #tpu.memory_space<hbm>> -> memref<1x640x96xf32, #tpu.memory_space<hbm>>
      %dma_start3A_78 = tpu.memref_squeeze %dma_start3A_77 : memref<1x640x96xf32, #tpu.memory_space<hbm>> -> memref<640x96xf32, #tpu.memory_space<hbm>>
      %dma_start3A_79 = arith.constant 0 : i32
      %dma_start3A_80 = tpu.memref_slice %arg22[%mul3A_73, %dma_start3A_79] : memref<10240x96xf32, #tpu.memory_space<vmem_shared>> -> memref<640x96xf32, #tpu.memory_space<vmem_shared>>
      tpu.enqueue_dma source(%dma_start3A_80 : memref<640x96xf32, #tpu.memory_space<vmem_shared>>) target(%dma_start3A_78 : memref<640x96xf32, #tpu.memory_space<hbm>>) target_semaphore(%run_scoped3A : memref<!tpu.dma_semaphore, #tpu.memory_space<semaphore_mem>>)
      %dma_wait3A_81 = arith.constant 0 : i32
      %dma_wait3A_82 = tpu.memref_slice %arg6[%arg0, %mul3A_75, %dma_wait3A_81] : memref<2x10240x96xf32, #tpu.memory_space<hbm>> -> memref<1x640x96xf32, #tpu.memory_space<hbm>>
      %dma_wait3A_83 = tpu.memref_squeeze %dma_wait3A_82 : memref<1x640x96xf32, #tpu.memory_space<hbm>> -> memref<640x96xf32, #tpu.memory_space<hbm>>
      %dma_wait3A_84 = arith.constant 0 : i32
      %dma_wait3A_85 = tpu.memref_slice %arg22[%mul3A_73, %dma_wait3A_84] : memref<10240x96xf32, #tpu.memory_space<vmem_shared>> -> memref<640x96xf32, #tpu.memory_space<vmem_shared>>
      tpu.wait_dma2 semaphore(%run_scoped3A : memref<!tpu.dma_semaphore, #tpu.memory_space<semaphore_mem>>) src(%dma_wait3A_85 : memref<640x96xf32, #tpu.memory_space<vmem_shared>>) dst(%dma_wait3A_83 : memref<640x96xf32, #tpu.memory_space<hbm>>)
      tpu.yield
    }) : () -> ()
    return
  }
}

#map = affine_map<(d0, d1) -> (0, 0)>
#map1 = affine_map<(d0, d1) -> (0, 0, 0)>
module attributes {stable_mosaic.version = 14 : i64} {
  func.func @seg(%arg0: i32, %arg1: i32, %arg2: memref<10000x128xf32, #tpu.memory_space<hbm>>, %arg3: memref<1280x128xi32, #tpu.memory_space<hbm>>, %arg4: memref<1280x128xi32, #tpu.memory_space<hbm>>, %arg5: memref<10240x128xf32, #tpu.memory_space<hbm>>, %arg6: memref<2x10240x128xf32, #tpu.memory_space<hbm>>, %arg7: memref<40x128xi32, #tpu.memory_space<vmem>>, %arg8: memref<40x128xi32, #tpu.memory_space<vmem>>, %arg9: memref<128x128xf32, #tpu.memory_space<vmem>>, %arg10: memref<128x128xf32, #tpu.memory_space<vmem>>, %arg11: memref<!tpu.dma_semaphore, #tpu.memory_space<semaphore_mem>>, %arg12: memref<!tpu.dma_semaphore, #tpu.memory_space<semaphore_mem>>, %arg13: memref<!tpu.dma_semaphore, #tpu.memory_space<semaphore_mem>>, %arg14: memref<!tpu.dma_semaphore, #tpu.memory_space<semaphore_mem>>, %arg15: memref<!tpu.dma_semaphore, #tpu.memory_space<semaphore_mem>>, %arg16: memref<10240x128xf32, #tpu.memory_space<vmem_shared>>) attributes {dimension_semantics = [#tpu.dimension_semantics<core_parallel>, #tpu.dimension_semantics<subcore_parallel>], iteration_bounds = array<i64: 2, 16>, scalar_prefetch = 0 : i64, scratch_operands = 10 : i64, tpu.core_type = #tpu.core_type<sc_vector_subcore>, window_params = [{transform_indices = #map}, {transform_indices = #map}, {transform_indices = #map}, {transform_indices = #map}, {transform_indices = #map1}]} {
    %mul3A = arith.constant 16 : i32
    %mul3A_0 = arith.muli %arg0, %mul3A : i32
    %add3A = arith.addi %mul3A_0, %arg1 : i32
    %mul3A_1 = arith.constant 40 : i32
    %mul3A_2 = arith.muli %add3A, %mul3A_1 : i32
    %dma_start3A = arith.constant 0 : i32
    %dma_start3A_3 = tpu.memref_slice %arg3[%mul3A_2, %dma_start3A] : memref<1280x128xi32, #tpu.memory_space<hbm>> -> memref<40x128xi32, #tpu.memory_space<hbm>>
    %dma_start3A_4 = arith.constant 0 : i32
    %dma_start3A_5 = tpu.memref_slice %arg3[%mul3A_2, %dma_start3A_4] : memref<1280x128xi32, #tpu.memory_space<hbm>> -> memref<40x128xi32, #tpu.memory_space<hbm>>
    tpu.enqueue_dma source(%dma_start3A_5 : memref<40x128xi32, #tpu.memory_space<hbm>>) target(%arg7 : memref<40x128xi32, #tpu.memory_space<vmem>>) target_semaphore(%arg15 : memref<!tpu.dma_semaphore, #tpu.memory_space<semaphore_mem>>)
    %dma_wait3A = arith.constant 0 : i32
    %dma_wait3A_6 = tpu.memref_slice %arg3[%mul3A_2, %dma_wait3A] : memref<1280x128xi32, #tpu.memory_space<hbm>> -> memref<40x128xi32, #tpu.memory_space<hbm>>
    %dma_wait3A_7 = arith.constant 0 : i32
    %dma_wait3A_8 = tpu.memref_slice %arg3[%mul3A_2, %dma_wait3A_7] : memref<1280x128xi32, #tpu.memory_space<hbm>> -> memref<40x128xi32, #tpu.memory_space<hbm>>
    tpu.wait_dma2 semaphore(%arg15 : memref<!tpu.dma_semaphore, #tpu.memory_space<semaphore_mem>>) src(%dma_wait3A_8 : memref<40x128xi32, #tpu.memory_space<hbm>>) dst(%arg7 : memref<40x128xi32, #tpu.memory_space<vmem>>)
    %dma_start3A_9 = arith.constant 0 : i32
    %dma_start3A_10 = arith.constant 0 : i32
    %dma_start3A_11 = tpu.memref_slice %arg7[%dma_start3A_9, %dma_start3A_10] : memref<40x128xi32, #tpu.memory_space<vmem>> -> memref<1x128xi32, #tpu.memory_space<vmem>>
    %dma_start3A_12 = tpu.memref_squeeze %dma_start3A_11 : memref<1x128xi32, #tpu.memory_space<vmem>> -> memref<128xi32, #tpu.memory_space<vmem>>
    %dma_start3A_13 = arith.constant 0 : i32
    %dma_start3A_14 = arith.constant 0 : i32
    %dma_start3A_15 = tpu.memref_slice %arg2[%dma_start3A_13, %dma_start3A_14] : memref<10000x128xf32, #tpu.memory_space<hbm>> -> memref<10000x128xf32, #tpu.memory_space<hbm>>
    tpu.enqueue_indirect_dma source(%dma_start3A_15 : memref<10000x128xf32, #tpu.memory_space<hbm>>) target(%arg9 : memref<128x128xf32, #tpu.memory_space<vmem>>) offsets(%dma_start3A_12 : memref<128xi32, #tpu.memory_space<vmem>>) semaphore(%arg11 : memref<!tpu.dma_semaphore, #tpu.memory_space<semaphore_mem>>)
    %mul3A_16 = arith.constant 40 : i32
    %mul3A_17 = arith.muli %add3A, %mul3A_16 : i32
    %dma_start3A_18 = arith.constant 0 : i32
    %dma_start3A_19 = tpu.memref_slice %arg4[%mul3A_17, %dma_start3A_18] : memref<1280x128xi32, #tpu.memory_space<hbm>> -> memref<40x128xi32, #tpu.memory_space<hbm>>
    %dma_start3A_20 = arith.constant 0 : i32
    %dma_start3A_21 = tpu.memref_slice %arg4[%mul3A_17, %dma_start3A_20] : memref<1280x128xi32, #tpu.memory_space<hbm>> -> memref<40x128xi32, #tpu.memory_space<hbm>>
    tpu.enqueue_dma source(%dma_start3A_21 : memref<40x128xi32, #tpu.memory_space<hbm>>) target(%arg8 : memref<40x128xi32, #tpu.memory_space<vmem>>) target_semaphore(%arg15 : memref<!tpu.dma_semaphore, #tpu.memory_space<semaphore_mem>>)
    %mul3A_22 = arith.constant 640 : i32
    %mul3A_23 = arith.muli %arg1, %mul3A_22 : i32
    %mul3A_24 = arith.constant 640 : i32
    %mul3A_25 = arith.muli %arg1, %mul3A_24 : i32
    "tpu.region"() ({
      %run_scoped3A = tpu.sem_alloc : memref<!tpu.dma_semaphore, #tpu.memory_space<semaphore_mem>>
      %dma_start3A_62 = arith.constant 0 : i32
      %dma_start3A_63 = tpu.memref_slice %arg16[%mul3A_25, %dma_start3A_62] : memref<10240x128xf32, #tpu.memory_space<vmem_shared>> -> memref<640x128xf32, #tpu.memory_space<vmem_shared>>
      %dma_start3A_64 = arith.constant 0 : i32
      %dma_start3A_65 = tpu.memref_slice %arg5[%mul3A_23, %dma_start3A_64] : memref<10240x128xf32, #tpu.memory_space<hbm>> -> memref<640x128xf32, #tpu.memory_space<hbm>>
      tpu.enqueue_dma source(%dma_start3A_65 : memref<640x128xf32, #tpu.memory_space<hbm>>) target(%dma_start3A_63 : memref<640x128xf32, #tpu.memory_space<vmem_shared>>) target_semaphore(%run_scoped3A : memref<!tpu.dma_semaphore, #tpu.memory_space<semaphore_mem>>)
      %dma_wait3A_66 = arith.constant 0 : i32
      %dma_wait3A_67 = tpu.memref_slice %arg16[%mul3A_25, %dma_wait3A_66] : memref<10240x128xf32, #tpu.memory_space<vmem_shared>> -> memref<640x128xf32, #tpu.memory_space<vmem_shared>>
      %dma_wait3A_68 = arith.constant 0 : i32
      %dma_wait3A_69 = tpu.memref_slice %arg5[%mul3A_23, %dma_wait3A_68] : memref<10240x128xf32, #tpu.memory_space<hbm>> -> memref<640x128xf32, #tpu.memory_space<hbm>>
      tpu.wait_dma2 semaphore(%run_scoped3A : memref<!tpu.dma_semaphore, #tpu.memory_space<semaphore_mem>>) src(%dma_wait3A_69 : memref<640x128xf32, #tpu.memory_space<hbm>>) dst(%dma_wait3A_67 : memref<640x128xf32, #tpu.memory_space<vmem_shared>>)
      tpu.yield
    }) : () -> ()
    %mul3A_26 = arith.constant 40 : i32
    %mul3A_27 = arith.muli %add3A, %mul3A_26 : i32
    %dma_wait3A_28 = arith.constant 0 : i32
    %dma_wait3A_29 = tpu.memref_slice %arg4[%mul3A_27, %dma_wait3A_28] : memref<1280x128xi32, #tpu.memory_space<hbm>> -> memref<40x128xi32, #tpu.memory_space<hbm>>
    %dma_wait3A_30 = arith.constant 0 : i32
    %dma_wait3A_31 = tpu.memref_slice %arg4[%mul3A_27, %dma_wait3A_30] : memref<1280x128xi32, #tpu.memory_space<hbm>> -> memref<40x128xi32, #tpu.memory_space<hbm>>
    tpu.wait_dma2 semaphore(%arg15 : memref<!tpu.dma_semaphore, #tpu.memory_space<semaphore_mem>>) src(%dma_wait3A_31 : memref<40x128xi32, #tpu.memory_space<hbm>>) dst(%arg8 : memref<40x128xi32, #tpu.memory_space<vmem>>)
    %dma_start3A_32 = arith.constant 1 : i32
    %dma_start3A_33 = arith.constant 0 : i32
    %dma_start3A_34 = tpu.memref_slice %arg7[%dma_start3A_32, %dma_start3A_33] : memref<40x128xi32, #tpu.memory_space<vmem>> -> memref<1x128xi32, #tpu.memory_space<vmem>>
    %dma_start3A_35 = tpu.memref_squeeze %dma_start3A_34 : memref<1x128xi32, #tpu.memory_space<vmem>> -> memref<128xi32, #tpu.memory_space<vmem>>
    %dma_start3A_36 = arith.constant 0 : i32
    %dma_start3A_37 = arith.constant 0 : i32
    %dma_start3A_38 = tpu.memref_slice %arg2[%dma_start3A_36, %dma_start3A_37] : memref<10000x128xf32, #tpu.memory_space<hbm>> -> memref<10000x128xf32, #tpu.memory_space<hbm>>
    tpu.enqueue_indirect_dma source(%dma_start3A_38 : memref<10000x128xf32, #tpu.memory_space<hbm>>) target(%arg10 : memref<128x128xf32, #tpu.memory_space<vmem>>) offsets(%dma_start3A_35 : memref<128xi32, #tpu.memory_space<vmem>>) semaphore(%arg12 : memref<!tpu.dma_semaphore, #tpu.memory_space<semaphore_mem>>)
    %barrier3A = arith.constant 0 : index
    tpu.barrier barrier_id(%barrier3A)
    %scan3A = arith.constant 0 : i32
    %scan3A_39 = arith.constant 20 : i32
    %scan3A_40 = arith.addi %scan3A, %scan3A_39 : i32
    %scan3A_41 = arith.constant 1 : i32
    scf.for %scan3A_62 = %scan3A to %scan3A_40 step %scan3A_41  : i32 {
      %mul3A_63 = arith.constant 2 : i32
      %mul3A_64 = arith.muli %scan3A_62, %mul3A_63 : i32
      %add3A_65 = arith.constant 0 : i32
      %add3A_66 = arith.addi %add3A_65, %mul3A_64 : i32
      %add3A_67 = arith.constant 0 : i32
      %add3A_68 = arith.addi %add3A_66, %add3A_67 : i32
      %dma_wait3A_69 = arith.constant 0 : i32
      %dma_wait3A_70 = tpu.memref_slice %arg7[%add3A_68, %dma_wait3A_69] : memref<40x128xi32, #tpu.memory_space<vmem>> -> memref<1x128xi32, #tpu.memory_space<vmem>>
      %dma_wait3A_71 = tpu.memref_squeeze %dma_wait3A_70 : memref<1x128xi32, #tpu.memory_space<vmem>> -> memref<128xi32, #tpu.memory_space<vmem>>
      %dma_wait3A_72 = arith.constant 0 : i32
      %dma_wait3A_73 = arith.constant 0 : i32
      %dma_wait3A_74 = tpu.memref_slice %arg2[%dma_wait3A_72, %dma_wait3A_73] : memref<10000x128xf32, #tpu.memory_space<hbm>> -> memref<10000x128xf32, #tpu.memory_space<hbm>>
      tpu.wait_indirect_dma semaphore(%arg11 : memref<!tpu.dma_semaphore, #tpu.memory_space<semaphore_mem>>) src(%dma_wait3A_74 : memref<10000x128xf32, #tpu.memory_space<hbm>>) dst(%arg9 : memref<128x128xf32, #tpu.memory_space<vmem>>)
      %add3A_75 = arith.constant 0 : i32
      %add3A_76 = arith.addi %add3A_66, %add3A_75 : i32
      %dma_start3A_77 = arith.constant 0 : i32
      %dma_start3A_78 = tpu.memref_slice %arg8[%add3A_76, %dma_start3A_77] : memref<40x128xi32, #tpu.memory_space<vmem>> -> memref<1x128xi32, #tpu.memory_space<vmem>>
      %dma_start3A_79 = tpu.memref_squeeze %dma_start3A_78 : memref<1x128xi32, #tpu.memory_space<vmem>> -> memref<128xi32, #tpu.memory_space<vmem>>
      %dma_start3A_80 = arith.constant 0 : i32
      %dma_start3A_81 = arith.constant 0 : i32
      %dma_start3A_82 = tpu.memref_slice %arg16[%dma_start3A_80, %dma_start3A_81] : memref<10240x128xf32, #tpu.memory_space<vmem_shared>> -> memref<10240x128xf32, #tpu.memory_space<vmem_shared>>
      tpu.enqueue_indirect_dma source(%arg9 : memref<128x128xf32, #tpu.memory_space<vmem>>) target(%dma_start3A_82 : memref<10240x128xf32, #tpu.memory_space<vmem_shared>>) offsets(%dma_start3A_79 : memref<128xi32, #tpu.memory_space<vmem>>) semaphore(%arg13 : memref<!tpu.dma_semaphore, #tpu.memory_space<semaphore_mem>>) {add = true}
      %add3A_83 = arith.constant 1 : i32
      %add3A_84 = arith.addi %add3A_66, %add3A_83 : i32
      %dma_wait3A_85 = arith.constant 0 : i32
      %dma_wait3A_86 = tpu.memref_slice %arg7[%add3A_84, %dma_wait3A_85] : memref<40x128xi32, #tpu.memory_space<vmem>> -> memref<1x128xi32, #tpu.memory_space<vmem>>
      %dma_wait3A_87 = tpu.memref_squeeze %dma_wait3A_86 : memref<1x128xi32, #tpu.memory_space<vmem>> -> memref<128xi32, #tpu.memory_space<vmem>>
      %dma_wait3A_88 = arith.constant 0 : i32
      %dma_wait3A_89 = arith.constant 0 : i32
      %dma_wait3A_90 = tpu.memref_slice %arg2[%dma_wait3A_88, %dma_wait3A_89] : memref<10000x128xf32, #tpu.memory_space<hbm>> -> memref<10000x128xf32, #tpu.memory_space<hbm>>
      tpu.wait_indirect_dma semaphore(%arg12 : memref<!tpu.dma_semaphore, #tpu.memory_space<semaphore_mem>>) src(%dma_wait3A_90 : memref<10000x128xf32, #tpu.memory_space<hbm>>) dst(%arg10 : memref<128x128xf32, #tpu.memory_space<vmem>>)
      %add3A_91 = arith.constant 1 : i32
      %add3A_92 = arith.addi %add3A_66, %add3A_91 : i32
      %dma_start3A_93 = arith.constant 0 : i32
      %dma_start3A_94 = tpu.memref_slice %arg8[%add3A_92, %dma_start3A_93] : memref<40x128xi32, #tpu.memory_space<vmem>> -> memref<1x128xi32, #tpu.memory_space<vmem>>
      %dma_start3A_95 = tpu.memref_squeeze %dma_start3A_94 : memref<1x128xi32, #tpu.memory_space<vmem>> -> memref<128xi32, #tpu.memory_space<vmem>>
      %dma_start3A_96 = arith.constant 0 : i32
      %dma_start3A_97 = arith.constant 0 : i32
      %dma_start3A_98 = tpu.memref_slice %arg16[%dma_start3A_96, %dma_start3A_97] : memref<10240x128xf32, #tpu.memory_space<vmem_shared>> -> memref<10240x128xf32, #tpu.memory_space<vmem_shared>>
      tpu.enqueue_indirect_dma source(%arg10 : memref<128x128xf32, #tpu.memory_space<vmem>>) target(%dma_start3A_98 : memref<10240x128xf32, #tpu.memory_space<vmem_shared>>) offsets(%dma_start3A_95 : memref<128xi32, #tpu.memory_space<vmem>>) semaphore(%arg14 : memref<!tpu.dma_semaphore, #tpu.memory_space<semaphore_mem>>) {add = true}
      %add3A_99 = arith.constant 0 : i32
      %add3A_100 = arith.addi %add3A_66, %add3A_99 : i32
      %add3A_101 = arith.constant 2 : i32
      %add3A_102 = arith.addi %add3A_100, %add3A_101 : i32
      %lt3A = arith.constant 40 : i32
      %lt3A_103 = arith.cmpi slt, %add3A_102, %lt3A : i32
      %convert_element_type3A = arith.extui %lt3A_103 : i1 to i32
      %cond3A = arith.constant 0 : i32
      %cond3A_104 = arith.cmpi ne, %convert_element_type3A, %cond3A : i32
      scf.if %cond3A_104 {
        %add3A_114 = arith.constant 0 : i32
        %add3A_115 = arith.addi %add3A_66, %add3A_114 : i32
        %dma_wait3A_116 = arith.constant 0 : i32
        %dma_wait3A_117 = tpu.memref_slice %arg8[%add3A_115, %dma_wait3A_116] : memref<40x128xi32, #tpu.memory_space<vmem>> -> memref<1x128xi32, #tpu.memory_space<vmem>>
        %dma_wait3A_118 = tpu.memref_squeeze %dma_wait3A_117 : memref<1x128xi32, #tpu.memory_space<vmem>> -> memref<128xi32, #tpu.memory_space<vmem>>
        %dma_wait3A_119 = arith.constant 0 : i32
        %dma_wait3A_120 = arith.constant 0 : i32
        %dma_wait3A_121 = tpu.memref_slice %arg16[%dma_wait3A_119, %dma_wait3A_120] : memref<10240x128xf32, #tpu.memory_space<vmem_shared>> -> memref<10240x128xf32, #tpu.memory_space<vmem_shared>>
        tpu.wait_indirect_dma semaphore(%arg13 : memref<!tpu.dma_semaphore, #tpu.memory_space<semaphore_mem>>) src(%arg9 : memref<128x128xf32, #tpu.memory_space<vmem>>) dst(%dma_wait3A_121 : memref<10240x128xf32, #tpu.memory_space<vmem_shared>>)
        %add3A_122 = arith.constant 0 : i32
        %add3A_123 = arith.addi %add3A_66, %add3A_122 : i32
        %add3A_124 = arith.constant 2 : i32
        %add3A_125 = arith.addi %add3A_123, %add3A_124 : i32
        %dma_start3A_126 = arith.constant 0 : i32
        %dma_start3A_127 = tpu.memref_slice %arg7[%add3A_125, %dma_start3A_126] : memref<40x128xi32, #tpu.memory_space<vmem>> -> memref<1x128xi32, #tpu.memory_space<vmem>>
        %dma_start3A_128 = tpu.memref_squeeze %dma_start3A_127 : memref<1x128xi32, #tpu.memory_space<vmem>> -> memref<128xi32, #tpu.memory_space<vmem>>
        %dma_start3A_129 = arith.constant 0 : i32
        %dma_start3A_130 = arith.constant 0 : i32
        %dma_start3A_131 = tpu.memref_slice %arg2[%dma_start3A_129, %dma_start3A_130] : memref<10000x128xf32, #tpu.memory_space<hbm>> -> memref<10000x128xf32, #tpu.memory_space<hbm>>
        tpu.enqueue_indirect_dma source(%dma_start3A_131 : memref<10000x128xf32, #tpu.memory_space<hbm>>) target(%arg9 : memref<128x128xf32, #tpu.memory_space<vmem>>) offsets(%dma_start3A_128 : memref<128xi32, #tpu.memory_space<vmem>>) semaphore(%arg11 : memref<!tpu.dma_semaphore, #tpu.memory_space<semaphore_mem>>)
      } else {
      }
      %add3A_105 = arith.constant 1 : i32
      %add3A_106 = arith.addi %add3A_66, %add3A_105 : i32
      %add3A_107 = arith.constant 2 : i32
      %add3A_108 = arith.addi %add3A_106, %add3A_107 : i32
      %lt3A_109 = arith.constant 40 : i32
      %lt3A_110 = arith.cmpi slt, %add3A_108, %lt3A_109 : i32
      %convert_element_type3A_111 = arith.extui %lt3A_110 : i1 to i32
      %cond3A_112 = arith.constant 0 : i32
      %cond3A_113 = arith.cmpi ne, %convert_element_type3A_111, %cond3A_112 : i32
      scf.if %cond3A_113 {
        %add3A_114 = arith.constant 1 : i32
        %add3A_115 = arith.addi %add3A_66, %add3A_114 : i32
        %dma_wait3A_116 = arith.constant 0 : i32
        %dma_wait3A_117 = tpu.memref_slice %arg8[%add3A_115, %dma_wait3A_116] : memref<40x128xi32, #tpu.memory_space<vmem>> -> memref<1x128xi32, #tpu.memory_space<vmem>>
        %dma_wait3A_118 = tpu.memref_squeeze %dma_wait3A_117 : memref<1x128xi32, #tpu.memory_space<vmem>> -> memref<128xi32, #tpu.memory_space<vmem>>
        %dma_wait3A_119 = arith.constant 0 : i32
        %dma_wait3A_120 = arith.constant 0 : i32
        %dma_wait3A_121 = tpu.memref_slice %arg16[%dma_wait3A_119, %dma_wait3A_120] : memref<10240x128xf32, #tpu.memory_space<vmem_shared>> -> memref<10240x128xf32, #tpu.memory_space<vmem_shared>>
        tpu.wait_indirect_dma semaphore(%arg14 : memref<!tpu.dma_semaphore, #tpu.memory_space<semaphore_mem>>) src(%arg10 : memref<128x128xf32, #tpu.memory_space<vmem>>) dst(%dma_wait3A_121 : memref<10240x128xf32, #tpu.memory_space<vmem_shared>>)
        %add3A_122 = arith.constant 1 : i32
        %add3A_123 = arith.addi %add3A_66, %add3A_122 : i32
        %add3A_124 = arith.constant 2 : i32
        %add3A_125 = arith.addi %add3A_123, %add3A_124 : i32
        %dma_start3A_126 = arith.constant 0 : i32
        %dma_start3A_127 = tpu.memref_slice %arg7[%add3A_125, %dma_start3A_126] : memref<40x128xi32, #tpu.memory_space<vmem>> -> memref<1x128xi32, #tpu.memory_space<vmem>>
        %dma_start3A_128 = tpu.memref_squeeze %dma_start3A_127 : memref<1x128xi32, #tpu.memory_space<vmem>> -> memref<128xi32, #tpu.memory_space<vmem>>
        %dma_start3A_129 = arith.constant 0 : i32
        %dma_start3A_130 = arith.constant 0 : i32
        %dma_start3A_131 = tpu.memref_slice %arg2[%dma_start3A_129, %dma_start3A_130] : memref<10000x128xf32, #tpu.memory_space<hbm>> -> memref<10000x128xf32, #tpu.memory_space<hbm>>
        tpu.enqueue_indirect_dma source(%dma_start3A_131 : memref<10000x128xf32, #tpu.memory_space<hbm>>) target(%arg10 : memref<128x128xf32, #tpu.memory_space<vmem>>) offsets(%dma_start3A_128 : memref<128xi32, #tpu.memory_space<vmem>>) semaphore(%arg12 : memref<!tpu.dma_semaphore, #tpu.memory_space<semaphore_mem>>)
      } else {
      }
    }
    %scan3A_42 = arith.constant 20 : i32
    %dma_wait3A_43 = arith.constant 0 : i32
    %dma_wait3A_44 = arith.constant 0 : i32
    %dma_wait3A_45 = tpu.memref_slice %arg8[%dma_wait3A_43, %dma_wait3A_44] : memref<40x128xi32, #tpu.memory_space<vmem>> -> memref<1x128xi32, #tpu.memory_space<vmem>>
    %dma_wait3A_46 = tpu.memref_squeeze %dma_wait3A_45 : memref<1x128xi32, #tpu.memory_space<vmem>> -> memref<128xi32, #tpu.memory_space<vmem>>
    %dma_wait3A_47 = arith.constant 0 : i32
    %dma_wait3A_48 = arith.constant 0 : i32
    %dma_wait3A_49 = tpu.memref_slice %arg16[%dma_wait3A_47, %dma_wait3A_48] : memref<10240x128xf32, #tpu.memory_space<vmem_shared>> -> memref<10240x128xf32, #tpu.memory_space<vmem_shared>>
    tpu.wait_indirect_dma semaphore(%arg13 : memref<!tpu.dma_semaphore, #tpu.memory_space<semaphore_mem>>) src(%arg9 : memref<128x128xf32, #tpu.memory_space<vmem>>) dst(%dma_wait3A_49 : memref<10240x128xf32, #tpu.memory_space<vmem_shared>>)
    %dma_wait3A_50 = arith.constant 0 : i32
    %dma_wait3A_51 = arith.constant 0 : i32
    %dma_wait3A_52 = tpu.memref_slice %arg8[%dma_wait3A_50, %dma_wait3A_51] : memref<40x128xi32, #tpu.memory_space<vmem>> -> memref<1x128xi32, #tpu.memory_space<vmem>>
    %dma_wait3A_53 = tpu.memref_squeeze %dma_wait3A_52 : memref<1x128xi32, #tpu.memory_space<vmem>> -> memref<128xi32, #tpu.memory_space<vmem>>
    %dma_wait3A_54 = arith.constant 0 : i32
    %dma_wait3A_55 = arith.constant 0 : i32
    %dma_wait3A_56 = tpu.memref_slice %arg16[%dma_wait3A_54, %dma_wait3A_55] : memref<10240x128xf32, #tpu.memory_space<vmem_shared>> -> memref<10240x128xf32, #tpu.memory_space<vmem_shared>>
    tpu.wait_indirect_dma semaphore(%arg14 : memref<!tpu.dma_semaphore, #tpu.memory_space<semaphore_mem>>) src(%arg10 : memref<128x128xf32, #tpu.memory_space<vmem>>) dst(%dma_wait3A_56 : memref<10240x128xf32, #tpu.memory_space<vmem_shared>>)
    %barrier3A_57 = arith.constant 0 : index
    tpu.barrier barrier_id(%barrier3A_57)
    %mul3A_58 = arith.constant 640 : i32
    %mul3A_59 = arith.muli %arg1, %mul3A_58 : i32
    %mul3A_60 = arith.constant 640 : i32
    %mul3A_61 = arith.muli %arg1, %mul3A_60 : i32
    "tpu.region"() ({
      %run_scoped3A = tpu.sem_alloc : memref<!tpu.dma_semaphore, #tpu.memory_space<semaphore_mem>>
      %dma_start3A_62 = arith.constant 0 : i32
      %dma_start3A_63 = tpu.memref_slice %arg6[%arg0, %mul3A_61, %dma_start3A_62] : memref<2x10240x128xf32, #tpu.memory_space<hbm>> -> memref<1x640x128xf32, #tpu.memory_space<hbm>>
      %dma_start3A_64 = tpu.memref_squeeze %dma_start3A_63 : memref<1x640x128xf32, #tpu.memory_space<hbm>> -> memref<640x128xf32, #tpu.memory_space<hbm>>
      %dma_start3A_65 = arith.constant 0 : i32
      %dma_start3A_66 = tpu.memref_slice %arg16[%mul3A_59, %dma_start3A_65] : memref<10240x128xf32, #tpu.memory_space<vmem_shared>> -> memref<640x128xf32, #tpu.memory_space<vmem_shared>>
      tpu.enqueue_dma source(%dma_start3A_66 : memref<640x128xf32, #tpu.memory_space<vmem_shared>>) target(%dma_start3A_64 : memref<640x128xf32, #tpu.memory_space<hbm>>) target_semaphore(%run_scoped3A : memref<!tpu.dma_semaphore, #tpu.memory_space<semaphore_mem>>)
      %dma_wait3A_67 = arith.constant 0 : i32
      %dma_wait3A_68 = tpu.memref_slice %arg6[%arg0, %mul3A_61, %dma_wait3A_67] : memref<2x10240x128xf32, #tpu.memory_space<hbm>> -> memref<1x640x128xf32, #tpu.memory_space<hbm>>
      %dma_wait3A_69 = tpu.memref_squeeze %dma_wait3A_68 : memref<1x640x128xf32, #tpu.memory_space<hbm>> -> memref<640x128xf32, #tpu.memory_space<hbm>>
      %dma_wait3A_70 = arith.constant 0 : i32
      %dma_wait3A_71 = tpu.memref_slice %arg16[%mul3A_59, %dma_wait3A_70] : memref<10240x128xf32, #tpu.memory_space<vmem_shared>> -> memref<640x128xf32, #tpu.memory_space<vmem_shared>>
      tpu.wait_dma2 semaphore(%run_scoped3A : memref<!tpu.dma_semaphore, #tpu.memory_space<semaphore_mem>>) src(%dma_wait3A_71 : memref<640x128xf32, #tpu.memory_space<vmem_shared>>) dst(%dma_wait3A_69 : memref<640x128xf32, #tpu.memory_space<hbm>>)
      tpu.yield
    }) : () -> ()
    return
  }
}

module attributes {stable_mosaic.version = 14 : i64} {
  func.func @body(%arg0: memref<2x10240x16xf32, #tpu.memory_space<vmem>>, %arg1: memref<10000x128xf32, #tpu.memory_space<vmem>>, %arg2: memref<64x32xf32, #tpu.memory_space<vmem>>, %arg3: memref<10000x1xf32, #tpu.memory_space<vmem>>, %arg4: memref<10000x32xf32, #tpu.memory_space<vmem>>) attributes {dimension_semantics = [], scalar_prefetch = 0 : i64, scratch_operands = 0 : i64, tpu.core_type = #tpu.core_type<tc>} {
    %get3A = arith.constant 0 : index
    %get3A_0 = arith.constant 0 : index
    %get3A_1 = arith.constant 0 : index
    %get3A_2 = vector.load %arg0[%get3A, %get3A_0, %get3A_1] : memref<2x10240x16xf32, #tpu.memory_space<vmem>>, vector<1x10000x1xf32>
    %get3A_3 = vector.shape_cast %get3A_2 : vector<1x10000x1xf32> to vector<10000x1xf32>
    %get3A_4 = arith.constant 1 : index
    %get3A_5 = arith.constant 0 : index
    %get3A_6 = arith.constant 0 : index
    %get3A_7 = vector.load %arg0[%get3A_4, %get3A_5, %get3A_6] : memref<2x10240x16xf32, #tpu.memory_space<vmem>>, vector<1x10000x1xf32>
    %get3A_8 = vector.shape_cast %get3A_7 : vector<1x10000x1xf32> to vector<10000x1xf32>
    %add3A = arith.addf %get3A_3, %get3A_8 : vector<10000x1xf32>
    %add3A_9 = arith.constant 1.000000e+00 : f32
    %add3A_10 = vector.broadcast %add3A_9 : f32 to vector<10000x1xf32>
    %add3A_11 = arith.addf %add3A, %add3A_10 : vector<10000x1xf32>
    %rsqrt3A = math.rsqrt %add3A_11 : vector<10000x1xf32>
    %swap3A = arith.constant 0 : index
    %swap3A_12 = arith.constant 0 : index
    %swap3A_13 = vector.load %arg3[%swap3A, %swap3A_12] : memref<10000x1xf32, #tpu.memory_space<vmem>>, vector<10000x1xf32>
    tpu.vector_store %arg3[%swap3A, %swap3A_12], %rsqrt3A {strides = array<i32>} : memref<10000x1xf32, #tpu.memory_space<vmem>>, vector<10000x1xf32>,
    %get3A_14 = arith.constant 0 : index
    %get3A_15 = arith.constant 0 : index
    %get3A_16 = vector.load %arg1[%get3A_14, %get3A_15] : memref<10000x128xf32, #tpu.memory_space<vmem>>, vector<10000x64xf32>
    %get3A_17 = arith.constant 0 : index
    %get3A_18 = arith.constant 0 : index
    %get3A_19 = vector.load %arg2[%get3A_17, %get3A_18] : memref<64x32xf32, #tpu.memory_space<vmem>>, vector<64x32xf32>
    %dot_general3A = arith.constant dense<0.000000e+00> : vector<10000x32xf32>
    %dot_general3A_20 = tpu.matmul %get3A_16, %get3A_19, %dot_general3A {dimension_numbers = #tpu.dot_dimension_numbers<[1], [0], [0], [1], [0, 0, 1, 1], [], []>, transpose_lhs_hint = false} : vector<10000x64xf32>, vector<64x32xf32>, vector<10000x32xf32> -> vector<10000x32xf32>
    %mul3A = vector.broadcast %rsqrt3A : vector<10000x1xf32> to vector<10000x32xf32>
    %mul3A_21 = arith.mulf %dot_general3A_20, %mul3A : vector<10000x32xf32>
    %swap3A_22 = arith.constant 0 : index
    %swap3A_23 = arith.constant 0 : index
    %swap3A_24 = vector.load %arg4[%swap3A_22, %swap3A_23] : memref<10000x32xf32, #tpu.memory_space<vmem>>, vector<10000x32xf32>
    tpu.vector_store %arg4[%swap3A_22, %swap3A_23], %mul3A_21 {strides = array<i32>} : memref<10000x32xf32, #tpu.memory_space<vmem>>, vector<10000x32xf32>,
    return
  }
}

module attributes {stable_mosaic.version = 14 : i64} {
  func.func @body(%arg0: memref<2x10240x32xf32, #tpu.memory_space<vmem>>, %arg1: memref<10000x32xf32, #tpu.memory_space<vmem>>, %arg2: memref<10000x1xf32, #tpu.memory_space<vmem>>, %arg3: memref<32xf32, #tpu.memory_space<vmem>>, %arg4: memref<32x32xf32, #tpu.memory_space<vmem>>, %arg5: memref<10000x32xf32, #tpu.memory_space<vmem>>) attributes {dimension_semantics = [], scalar_prefetch = 0 : i64, scratch_operands = 0 : i64, tpu.core_type = #tpu.core_type<tc>} {
    %get3A = arith.constant 0 : index
    %get3A_0 = arith.constant 0 : index
    %get3A_1 = arith.constant 0 : index
    %get3A_2 = vector.load %arg0[%get3A, %get3A_0, %get3A_1] : memref<2x10240x32xf32, #tpu.memory_space<vmem>>, vector<1x10000x32xf32>
    %get3A_3 = vector.shape_cast %get3A_2 : vector<1x10000x32xf32> to vector<10000x32xf32>
    %get3A_4 = arith.constant 1 : index
    %get3A_5 = arith.constant 0 : index
    %get3A_6 = arith.constant 0 : index
    %get3A_7 = vector.load %arg0[%get3A_4, %get3A_5, %get3A_6] : memref<2x10240x32xf32, #tpu.memory_space<vmem>>, vector<1x10000x32xf32>
    %get3A_8 = vector.shape_cast %get3A_7 : vector<1x10000x32xf32> to vector<10000x32xf32>
    %add3A = arith.addf %get3A_3, %get3A_8 : vector<10000x32xf32>
    %get3A_9 = arith.constant 0 : index
    %get3A_10 = arith.constant 0 : index
    %get3A_11 = vector.load %arg1[%get3A_9, %get3A_10] : memref<10000x32xf32, #tpu.memory_space<vmem>>, vector<10000x32xf32>
    %add3A_12 = arith.addf %add3A, %get3A_11 : vector<10000x32xf32>
    %get3A_13 = arith.constant 0 : index
    %get3A_14 = arith.constant 0 : index
    %get3A_15 = vector.load %arg2[%get3A_13, %get3A_14] : memref<10000x1xf32, #tpu.memory_space<vmem>>, vector<10000x1xf32>
    %mul3A = vector.broadcast %get3A_15 : vector<10000x1xf32> to vector<10000x32xf32>
    %mul3A_16 = arith.mulf %mul3A, %add3A_12 : vector<10000x32xf32>
    %get3A_17 = arith.constant 0 : index
    %get3A_18 = vector.load %arg3[%get3A_17] : memref<32xf32, #tpu.memory_space<vmem>>, vector<32xf32>
    %broadcast_in_dim3A = vector.shape_cast %get3A_18 : vector<32xf32> to vector<1x32xf32>
    %add3A_19 = vector.broadcast %broadcast_in_dim3A : vector<1x32xf32> to vector<10000x32xf32>
    %add3A_20 = arith.addf %mul3A_16, %add3A_19 : vector<10000x32xf32>
    %max3A = arith.constant 0.000000e+00 : f32
    %max3A_21 = vector.broadcast %max3A : f32 to vector<10000x32xf32>
    %max3A_22 = arith.maximumf %add3A_20, %max3A_21 : vector<10000x32xf32>
    %get3A_23 = arith.constant 0 : index
    %get3A_24 = arith.constant 0 : index
    %get3A_25 = vector.load %arg4[%get3A_23, %get3A_24] : memref<32x32xf32, #tpu.memory_space<vmem>>, vector<32x32xf32>
    %dot_general3A = arith.constant dense<0.000000e+00> : vector<10000x32xf32>
    %dot_general3A_26 = tpu.matmul %max3A_22, %get3A_25, %dot_general3A {dimension_numbers = #tpu.dot_dimension_numbers<[1], [0], [0], [1], [0, 0, 1, 1], [], []>, transpose_lhs_hint = false} : vector<10000x32xf32>, vector<32x32xf32>, vector<10000x32xf32> -> vector<10000x32xf32>
    %get3A_27 = arith.constant 0 : index
    %get3A_28 = arith.constant 0 : index
    %get3A_29 = vector.load %arg2[%get3A_27, %get3A_28] : memref<10000x1xf32, #tpu.memory_space<vmem>>, vector<10000x1xf32>
    %mul3A_30 = vector.broadcast %get3A_29 : vector<10000x1xf32> to vector<10000x32xf32>
    %mul3A_31 = arith.mulf %dot_general3A_26, %mul3A_30 : vector<10000x32xf32>
    %swap3A = arith.constant 0 : index
    %swap3A_32 = arith.constant 0 : index
    %swap3A_33 = vector.load %arg5[%swap3A, %swap3A_32] : memref<10000x32xf32, #tpu.memory_space<vmem>>, vector<10000x32xf32>
    tpu.vector_store %arg5[%swap3A, %swap3A_32], %mul3A_31 {strides = array<i32>} : memref<10000x32xf32, #tpu.memory_space<vmem>>, vector<10000x32xf32>,
    return
  }
}

module attributes {stable_mosaic.version = 14 : i64} {
  func.func @body(%arg0: memref<2x10240x32xf32, #tpu.memory_space<vmem>>, %arg1: memref<10000x32xf32, #tpu.memory_space<vmem>>, %arg2: memref<10000x1xf32, #tpu.memory_space<vmem>>, %arg3: memref<32xf32, #tpu.memory_space<vmem>>, %arg4: memref<32x48xf32, #tpu.memory_space<vmem>>, %arg5: memref<10000x48xf32, #tpu.memory_space<vmem>>) attributes {dimension_semantics = [], scalar_prefetch = 0 : i64, scratch_operands = 0 : i64, tpu.core_type = #tpu.core_type<tc>} {
    %get3A = arith.constant 0 : index
    %get3A_0 = arith.constant 0 : index
    %get3A_1 = arith.constant 0 : index
    %get3A_2 = vector.load %arg0[%get3A, %get3A_0, %get3A_1] : memref<2x10240x32xf32, #tpu.memory_space<vmem>>, vector<1x10000x32xf32>
    %get3A_3 = vector.shape_cast %get3A_2 : vector<1x10000x32xf32> to vector<10000x32xf32>
    %get3A_4 = arith.constant 1 : index
    %get3A_5 = arith.constant 0 : index
    %get3A_6 = arith.constant 0 : index
    %get3A_7 = vector.load %arg0[%get3A_4, %get3A_5, %get3A_6] : memref<2x10240x32xf32, #tpu.memory_space<vmem>>, vector<1x10000x32xf32>
    %get3A_8 = vector.shape_cast %get3A_7 : vector<1x10000x32xf32> to vector<10000x32xf32>
    %add3A = arith.addf %get3A_3, %get3A_8 : vector<10000x32xf32>
    %get3A_9 = arith.constant 0 : index
    %get3A_10 = arith.constant 0 : index
    %get3A_11 = vector.load %arg1[%get3A_9, %get3A_10] : memref<10000x32xf32, #tpu.memory_space<vmem>>, vector<10000x32xf32>
    %add3A_12 = arith.addf %add3A, %get3A_11 : vector<10000x32xf32>
    %get3A_13 = arith.constant 0 : index
    %get3A_14 = arith.constant 0 : index
    %get3A_15 = vector.load %arg2[%get3A_13, %get3A_14] : memref<10000x1xf32, #tpu.memory_space<vmem>>, vector<10000x1xf32>
    %mul3A = vector.broadcast %get3A_15 : vector<10000x1xf32> to vector<10000x32xf32>
    %mul3A_16 = arith.mulf %mul3A, %add3A_12 : vector<10000x32xf32>
    %get3A_17 = arith.constant 0 : index
    %get3A_18 = vector.load %arg3[%get3A_17] : memref<32xf32, #tpu.memory_space<vmem>>, vector<32xf32>
    %broadcast_in_dim3A = vector.shape_cast %get3A_18 : vector<32xf32> to vector<1x32xf32>
    %add3A_19 = vector.broadcast %broadcast_in_dim3A : vector<1x32xf32> to vector<10000x32xf32>
    %add3A_20 = arith.addf %mul3A_16, %add3A_19 : vector<10000x32xf32>
    %max3A = arith.constant 0.000000e+00 : f32
    %max3A_21 = vector.broadcast %max3A : f32 to vector<10000x32xf32>
    %max3A_22 = arith.maximumf %add3A_20, %max3A_21 : vector<10000x32xf32>
    %get3A_23 = arith.constant 0 : index
    %get3A_24 = arith.constant 0 : index
    %get3A_25 = vector.load %arg4[%get3A_23, %get3A_24] : memref<32x48xf32, #tpu.memory_space<vmem>>, vector<32x48xf32>
    %dot_general3A = arith.constant dense<0.000000e+00> : vector<10000x48xf32>
    %dot_general3A_26 = tpu.matmul %max3A_22, %get3A_25, %dot_general3A {dimension_numbers = #tpu.dot_dimension_numbers<[1], [0], [0], [1], [0, 0, 1, 1], [], []>, transpose_lhs_hint = false} : vector<10000x32xf32>, vector<32x48xf32>, vector<10000x48xf32> -> vector<10000x48xf32>
    %get3A_27 = arith.constant 0 : index
    %get3A_28 = arith.constant 0 : index
    %get3A_29 = vector.load %arg2[%get3A_27, %get3A_28] : memref<10000x1xf32, #tpu.memory_space<vmem>>, vector<10000x1xf32>
    %mul3A_30 = vector.broadcast %get3A_29 : vector<10000x1xf32> to vector<10000x48xf32>
    %mul3A_31 = arith.mulf %dot_general3A_26, %mul3A_30 : vector<10000x48xf32>
    %swap3A = arith.constant 0 : index
    %swap3A_32 = arith.constant 0 : index
    %swap3A_33 = vector.load %arg5[%swap3A, %swap3A_32] : memref<10000x48xf32, #tpu.memory_space<vmem>>, vector<10000x48xf32>
    tpu.vector_store %arg5[%swap3A, %swap3A_32], %mul3A_31 {strides = array<i32>} : memref<10000x48xf32, #tpu.memory_space<vmem>>, vector<10000x48xf32>,
    return
  }
}

module attributes {stable_mosaic.version = 14 : i64} {
  func.func @body(%arg0: memref<2x10240x48xf32, #tpu.memory_space<vmem>>, %arg1: memref<10000x48xf32, #tpu.memory_space<vmem>>, %arg2: memref<10000x1xf32, #tpu.memory_space<vmem>>, %arg3: memref<48xf32, #tpu.memory_space<vmem>>, %arg4: memref<48x64xf32, #tpu.memory_space<vmem>>, %arg5: memref<10000x64xf32, #tpu.memory_space<vmem>>) attributes {dimension_semantics = [], scalar_prefetch = 0 : i64, scratch_operands = 0 : i64, tpu.core_type = #tpu.core_type<tc>} {
    %get3A = arith.constant 0 : index
    %get3A_0 = arith.constant 0 : index
    %get3A_1 = arith.constant 0 : index
    %get3A_2 = vector.load %arg0[%get3A, %get3A_0, %get3A_1] : memref<2x10240x48xf32, #tpu.memory_space<vmem>>, vector<1x10000x48xf32>
    %get3A_3 = vector.shape_cast %get3A_2 : vector<1x10000x48xf32> to vector<10000x48xf32>
    %get3A_4 = arith.constant 1 : index
    %get3A_5 = arith.constant 0 : index
    %get3A_6 = arith.constant 0 : index
    %get3A_7 = vector.load %arg0[%get3A_4, %get3A_5, %get3A_6] : memref<2x10240x48xf32, #tpu.memory_space<vmem>>, vector<1x10000x48xf32>
    %get3A_8 = vector.shape_cast %get3A_7 : vector<1x10000x48xf32> to vector<10000x48xf32>
    %add3A = arith.addf %get3A_3, %get3A_8 : vector<10000x48xf32>
    %get3A_9 = arith.constant 0 : index
    %get3A_10 = arith.constant 0 : index
    %get3A_11 = vector.load %arg1[%get3A_9, %get3A_10] : memref<10000x48xf32, #tpu.memory_space<vmem>>, vector<10000x48xf32>
    %add3A_12 = arith.addf %add3A, %get3A_11 : vector<10000x48xf32>
    %get3A_13 = arith.constant 0 : index
    %get3A_14 = arith.constant 0 : index
    %get3A_15 = vector.load %arg2[%get3A_13, %get3A_14] : memref<10000x1xf32, #tpu.memory_space<vmem>>, vector<10000x1xf32>
    %mul3A = vector.broadcast %get3A_15 : vector<10000x1xf32> to vector<10000x48xf32>
    %mul3A_16 = arith.mulf %mul3A, %add3A_12 : vector<10000x48xf32>
    %get3A_17 = arith.constant 0 : index
    %get3A_18 = vector.load %arg3[%get3A_17] : memref<48xf32, #tpu.memory_space<vmem>>, vector<48xf32>
    %broadcast_in_dim3A = vector.shape_cast %get3A_18 : vector<48xf32> to vector<1x48xf32>
    %add3A_19 = vector.broadcast %broadcast_in_dim3A : vector<1x48xf32> to vector<10000x48xf32>
    %add3A_20 = arith.addf %mul3A_16, %add3A_19 : vector<10000x48xf32>
    %max3A = arith.constant 0.000000e+00 : f32
    %max3A_21 = vector.broadcast %max3A : f32 to vector<10000x48xf32>
    %max3A_22 = arith.maximumf %add3A_20, %max3A_21 : vector<10000x48xf32>
    %get3A_23 = arith.constant 0 : index
    %get3A_24 = arith.constant 0 : index
    %get3A_25 = vector.load %arg4[%get3A_23, %get3A_24] : memref<48x64xf32, #tpu.memory_space<vmem>>, vector<48x64xf32>
    %dot_general3A = arith.constant dense<0.000000e+00> : vector<10000x64xf32>
    %dot_general3A_26 = tpu.matmul %max3A_22, %get3A_25, %dot_general3A {dimension_numbers = #tpu.dot_dimension_numbers<[1], [0], [0], [1], [0, 0, 1, 1], [], []>, transpose_lhs_hint = false} : vector<10000x48xf32>, vector<48x64xf32>, vector<10000x64xf32> -> vector<10000x64xf32>
    %get3A_27 = arith.constant 0 : index
    %get3A_28 = arith.constant 0 : index
    %get3A_29 = vector.load %arg2[%get3A_27, %get3A_28] : memref<10000x1xf32, #tpu.memory_space<vmem>>, vector<10000x1xf32>
    %mul3A_30 = vector.broadcast %get3A_29 : vector<10000x1xf32> to vector<10000x64xf32>
    %mul3A_31 = arith.mulf %dot_general3A_26, %mul3A_30 : vector<10000x64xf32>
    %swap3A = arith.constant 0 : index
    %swap3A_32 = arith.constant 0 : index
    %swap3A_33 = vector.load %arg5[%swap3A, %swap3A_32] : memref<10000x64xf32, #tpu.memory_space<vmem>>, vector<10000x64xf32>
    tpu.vector_store %arg5[%swap3A, %swap3A_32], %mul3A_31 {strides = array<i32>} : memref<10000x64xf32, #tpu.memory_space<vmem>>, vector<10000x64xf32>,
    return
  }
}

module attributes {stable_mosaic.version = 14 : i64} {
  func.func @body(%arg0: memref<2x10240x64xf32, #tpu.memory_space<vmem>>, %arg1: memref<10000x64xf32, #tpu.memory_space<vmem>>, %arg2: memref<10000x1xf32, #tpu.memory_space<vmem>>, %arg3: memref<64xf32, #tpu.memory_space<vmem>>, %arg4: memref<64x96xf32, #tpu.memory_space<vmem>>, %arg5: memref<10000x96xf32, #tpu.memory_space<vmem>>) attributes {dimension_semantics = [], scalar_prefetch = 0 : i64, scratch_operands = 0 : i64, tpu.core_type = #tpu.core_type<tc>} {
    %get3A = arith.constant 0 : index
    %get3A_0 = arith.constant 0 : index
    %get3A_1 = arith.constant 0 : index
    %get3A_2 = vector.load %arg0[%get3A, %get3A_0, %get3A_1] : memref<2x10240x64xf32, #tpu.memory_space<vmem>>, vector<1x10000x64xf32>
    %get3A_3 = vector.shape_cast %get3A_2 : vector<1x10000x64xf32> to vector<10000x64xf32>
    %get3A_4 = arith.constant 1 : index
    %get3A_5 = arith.constant 0 : index
    %get3A_6 = arith.constant 0 : index
    %get3A_7 = vector.load %arg0[%get3A_4, %get3A_5, %get3A_6] : memref<2x10240x64xf32, #tpu.memory_space<vmem>>, vector<1x10000x64xf32>
    %get3A_8 = vector.shape_cast %get3A_7 : vector<1x10000x64xf32> to vector<10000x64xf32>
    %add3A = arith.addf %get3A_3, %get3A_8 : vector<10000x64xf32>
    %get3A_9 = arith.constant 0 : index
    %get3A_10 = arith.constant 0 : index
    %get3A_11 = vector.load %arg1[%get3A_9, %get3A_10] : memref<10000x64xf32, #tpu.memory_space<vmem>>, vector<10000x64xf32>
    %add3A_12 = arith.addf %add3A, %get3A_11 : vector<10000x64xf32>
    %get3A_13 = arith.constant 0 : index
    %get3A_14 = arith.constant 0 : index
    %get3A_15 = vector.load %arg2[%get3A_13, %get3A_14] : memref<10000x1xf32, #tpu.memory_space<vmem>>, vector<10000x1xf32>
    %mul3A = vector.broadcast %get3A_15 : vector<10000x1xf32> to vector<10000x64xf32>
    %mul3A_16 = arith.mulf %mul3A, %add3A_12 : vector<10000x64xf32>
    %get3A_17 = arith.constant 0 : index
    %get3A_18 = vector.load %arg3[%get3A_17] : memref<64xf32, #tpu.memory_space<vmem>>, vector<64xf32>
    %broadcast_in_dim3A = vector.shape_cast %get3A_18 : vector<64xf32> to vector<1x64xf32>
    %add3A_19 = vector.broadcast %broadcast_in_dim3A : vector<1x64xf32> to vector<10000x64xf32>
    %add3A_20 = arith.addf %mul3A_16, %add3A_19 : vector<10000x64xf32>
    %max3A = arith.constant 0.000000e+00 : f32
    %max3A_21 = vector.broadcast %max3A : f32 to vector<10000x64xf32>
    %max3A_22 = arith.maximumf %add3A_20, %max3A_21 : vector<10000x64xf32>
    %get3A_23 = arith.constant 0 : index
    %get3A_24 = arith.constant 0 : index
    %get3A_25 = vector.load %arg4[%get3A_23, %get3A_24] : memref<64x96xf32, #tpu.memory_space<vmem>>, vector<64x96xf32>
    %dot_general3A = arith.constant dense<0.000000e+00> : vector<10000x96xf32>
    %dot_general3A_26 = tpu.matmul %max3A_22, %get3A_25, %dot_general3A {dimension_numbers = #tpu.dot_dimension_numbers<[1], [0], [0], [1], [0, 0, 1, 1], [], []>, transpose_lhs_hint = false} : vector<10000x64xf32>, vector<64x96xf32>, vector<10000x96xf32> -> vector<10000x96xf32>
    %get3A_27 = arith.constant 0 : index
    %get3A_28 = arith.constant 0 : index
    %get3A_29 = vector.load %arg2[%get3A_27, %get3A_28] : memref<10000x1xf32, #tpu.memory_space<vmem>>, vector<10000x1xf32>
    %mul3A_30 = vector.broadcast %get3A_29 : vector<10000x1xf32> to vector<10000x96xf32>
    %mul3A_31 = arith.mulf %dot_general3A_26, %mul3A_30 : vector<10000x96xf32>
    %swap3A = arith.constant 0 : index
    %swap3A_32 = arith.constant 0 : index
    %swap3A_33 = vector.load %arg5[%swap3A, %swap3A_32] : memref<10000x96xf32, #tpu.memory_space<vmem>>, vector<10000x96xf32>
    tpu.vector_store %arg5[%swap3A, %swap3A_32], %mul3A_31 {strides = array<i32>} : memref<10000x96xf32, #tpu.memory_space<vmem>>, vector<10000x96xf32>,
    return
  }
}

module attributes {stable_mosaic.version = 14 : i64} {
  func.func @body(%arg0: memref<2x10240x96xf32, #tpu.memory_space<vmem>>, %arg1: memref<10000x96xf32, #tpu.memory_space<vmem>>, %arg2: memref<10000x1xf32, #tpu.memory_space<vmem>>, %arg3: memref<96xf32, #tpu.memory_space<vmem>>, %arg4: memref<96x128xf32, #tpu.memory_space<vmem>>, %arg5: memref<10000x128xf32, #tpu.memory_space<vmem>>) attributes {dimension_semantics = [], scalar_prefetch = 0 : i64, scratch_operands = 0 : i64, tpu.core_type = #tpu.core_type<tc>} {
    %get3A = arith.constant 0 : index
    %get3A_0 = arith.constant 0 : index
    %get3A_1 = arith.constant 0 : index
    %get3A_2 = vector.load %arg0[%get3A, %get3A_0, %get3A_1] : memref<2x10240x96xf32, #tpu.memory_space<vmem>>, vector<1x10000x96xf32>
    %get3A_3 = vector.shape_cast %get3A_2 : vector<1x10000x96xf32> to vector<10000x96xf32>
    %get3A_4 = arith.constant 1 : index
    %get3A_5 = arith.constant 0 : index
    %get3A_6 = arith.constant 0 : index
    %get3A_7 = vector.load %arg0[%get3A_4, %get3A_5, %get3A_6] : memref<2x10240x96xf32, #tpu.memory_space<vmem>>, vector<1x10000x96xf32>
    %get3A_8 = vector.shape_cast %get3A_7 : vector<1x10000x96xf32> to vector<10000x96xf32>
    %add3A = arith.addf %get3A_3, %get3A_8 : vector<10000x96xf32>
    %get3A_9 = arith.constant 0 : index
    %get3A_10 = arith.constant 0 : index
    %get3A_11 = vector.load %arg1[%get3A_9, %get3A_10] : memref<10000x96xf32, #tpu.memory_space<vmem>>, vector<10000x96xf32>
    %add3A_12 = arith.addf %add3A, %get3A_11 : vector<10000x96xf32>
    %get3A_13 = arith.constant 0 : index
    %get3A_14 = arith.constant 0 : index
    %get3A_15 = vector.load %arg2[%get3A_13, %get3A_14] : memref<10000x1xf32, #tpu.memory_space<vmem>>, vector<10000x1xf32>
    %mul3A = vector.broadcast %get3A_15 : vector<10000x1xf32> to vector<10000x96xf32>
    %mul3A_16 = arith.mulf %mul3A, %add3A_12 : vector<10000x96xf32>
    %get3A_17 = arith.constant 0 : index
    %get3A_18 = vector.load %arg3[%get3A_17] : memref<96xf32, #tpu.memory_space<vmem>>, vector<96xf32>
    %broadcast_in_dim3A = vector.shape_cast %get3A_18 : vector<96xf32> to vector<1x96xf32>
    %add3A_19 = vector.broadcast %broadcast_in_dim3A : vector<1x96xf32> to vector<10000x96xf32>
    %add3A_20 = arith.addf %mul3A_16, %add3A_19 : vector<10000x96xf32>
    %max3A = arith.constant 0.000000e+00 : f32
    %max3A_21 = vector.broadcast %max3A : f32 to vector<10000x96xf32>
    %max3A_22 = arith.maximumf %add3A_20, %max3A_21 : vector<10000x96xf32>
    %get3A_23 = arith.constant 0 : index
    %get3A_24 = arith.constant 0 : index
    %get3A_25 = vector.load %arg4[%get3A_23, %get3A_24] : memref<96x128xf32, #tpu.memory_space<vmem>>, vector<96x128xf32>
    %dot_general3A = arith.constant dense<0.000000e+00> : vector<10000x128xf32>
    %dot_general3A_26 = tpu.matmul %max3A_22, %get3A_25, %dot_general3A {dimension_numbers = #tpu.dot_dimension_numbers<[1], [0], [0], [1], [0, 0, 1, 1], [], []>, transpose_lhs_hint = false} : vector<10000x96xf32>, vector<96x128xf32>, vector<10000x128xf32> -> vector<10000x128xf32>
    %get3A_27 = arith.constant 0 : index
    %get3A_28 = arith.constant 0 : index
    %get3A_29 = vector.load %arg2[%get3A_27, %get3A_28] : memref<10000x1xf32, #tpu.memory_space<vmem>>, vector<10000x1xf32>
    %mul3A_30 = vector.broadcast %get3A_29 : vector<10000x1xf32> to vector<10000x128xf32>
    %mul3A_31 = arith.mulf %dot_general3A_26, %mul3A_30 : vector<10000x128xf32>
    %swap3A = arith.constant 0 : index
    %swap3A_32 = arith.constant 0 : index
    %swap3A_33 = vector.load %arg5[%swap3A, %swap3A_32] : memref<10000x128xf32, #tpu.memory_space<vmem>>, vector<10000x128xf32>
    tpu.vector_store %arg5[%swap3A, %swap3A_32], %mul3A_31 {strides = array<i32>} : memref<10000x128xf32, #tpu.memory_space<vmem>>, vector<10000x128xf32>,
    return
  }
}

module attributes {stable_mosaic.version = 14 : i64} {
  func.func @body(%arg0: memref<2x10240x128xf32, #tpu.memory_space<vmem>>, %arg1: memref<10000x128xf32, #tpu.memory_space<vmem>>, %arg2: memref<10000x1xf32, #tpu.memory_space<vmem>>, %arg3: memref<128xf32, #tpu.memory_space<vmem>>, %arg4: memref<10000x1xi32, #tpu.memory_space<vmem>>, %arg5: memref<128x64xf32, #tpu.memory_space<vmem>>, %arg6: memref<64xf32, #tpu.memory_space<vmem>>, %arg7: memref<64x32xf32, #tpu.memory_space<vmem>>, %arg8: memref<32xf32, #tpu.memory_space<vmem>>, %arg9: memref<32x32xf32, #tpu.memory_space<vmem>>) attributes {dimension_semantics = [], scalar_prefetch = 0 : i64, scratch_operands = 0 : i64, tpu.core_type = #tpu.core_type<tc>} {
    %get3A = arith.constant 0 : index
    %get3A_0 = arith.constant 0 : index
    %get3A_1 = arith.constant 0 : index
    %get3A_2 = vector.load %arg0[%get3A, %get3A_0, %get3A_1] : memref<2x10240x128xf32, #tpu.memory_space<vmem>>, vector<1x10000x128xf32>
    %get3A_3 = vector.shape_cast %get3A_2 : vector<1x10000x128xf32> to vector<10000x128xf32>
    %get3A_4 = arith.constant 1 : index
    %get3A_5 = arith.constant 0 : index
    %get3A_6 = arith.constant 0 : index
    %get3A_7 = vector.load %arg0[%get3A_4, %get3A_5, %get3A_6] : memref<2x10240x128xf32, #tpu.memory_space<vmem>>, vector<1x10000x128xf32>
    %get3A_8 = vector.shape_cast %get3A_7 : vector<1x10000x128xf32> to vector<10000x128xf32>
    %add3A = arith.addf %get3A_3, %get3A_8 : vector<10000x128xf32>
    %get3A_9 = arith.constant 0 : index
    %get3A_10 = arith.constant 0 : index
    %get3A_11 = vector.load %arg1[%get3A_9, %get3A_10] : memref<10000x128xf32, #tpu.memory_space<vmem>>, vector<10000x128xf32>
    %add3A_12 = arith.addf %add3A, %get3A_11 : vector<10000x128xf32>
    %get3A_13 = arith.constant 0 : index
    %get3A_14 = arith.constant 0 : index
    %get3A_15 = vector.load %arg2[%get3A_13, %get3A_14] : memref<10000x1xf32, #tpu.memory_space<vmem>>, vector<10000x1xf32>
    %mul3A = vector.broadcast %get3A_15 : vector<10000x1xf32> to vector<10000x128xf32>
    %mul3A_16 = arith.mulf %mul3A, %add3A_12 : vector<10000x128xf32>
    %get3A_17 = arith.constant 0 : index
    %get3A_18 = vector.load %arg3[%get3A_17] : memref<128xf32, #tpu.memory_space<vmem>>, vector<128xf32>
    %broadcast_in_dim3A = vector.shape_cast %get3A_18 : vector<128xf32> to vector<1x128xf32>
    %add3A_19 = vector.broadcast %broadcast_in_dim3A : vector<1x128xf32> to vector<10000x128xf32>
    %add3A_20 = arith.addf %mul3A_16, %add3A_19 : vector<10000x128xf32>
    %max3A = arith.constant 0.000000e+00 : f32
    %max3A_21 = vector.broadcast %max3A : f32 to vector<10000x128xf32>
    %max3A_22 = arith.maximumf %add3A_20, %max3A_21 : vector<10000x128xf32>
    %iota3A = tpu.iota {dimensions = array<i32: 1>} : vector<1x32xi32>
    %get3A_23 = arith.constant 0 : index
    %get3A_24 = arith.constant 0 : index
    %get3A_25 = vector.load %arg4[%get3A_23, %get3A_24] : memref<10000x1xi32, #tpu.memory_space<vmem>>, vector<10000x1xi32>
    %eq3A = vector.broadcast %get3A_25 : vector<10000x1xi32> to vector<10000x32xi32>
    %eq3A_26 = vector.broadcast %iota3A : vector<1x32xi32> to vector<10000x32xi32>
    %eq3A_27 = arith.cmpi eq, %eq3A, %eq3A_26 : vector<10000x32xi32>
    %convert_element_type3A = arith.extui %eq3A_27 : vector<10000x32xi1> to vector<10000x32xi32>
    %convert_element_type3A_28 = arith.sitofp %convert_element_type3A : vector<10000x32xi32> to vector<10000x32xf32>
    %dot_general3A = arith.constant dense<0.000000e+00> : vector<32x128xf32>
    %dot_general3A_29 = tpu.matmul %convert_element_type3A_28, %max3A_22, %dot_general3A {dimension_numbers = #tpu.dot_dimension_numbers<[0], [0], [1], [1], [0, 1, 1, 1], [], []>, transpose_lhs_hint = false} : vector<10000x32xf32>, vector<10000x128xf32>, vector<32x128xf32> -> vector<32x128xf32>
    %reduce_sum3A = arith.constant dense<0.000000e+00> : vector<32xf32>
    %reduce_sum3A_30 = vector.multi_reduction <add>, %convert_element_type3A_28, %reduce_sum3A [0] : vector<10000x32xf32> to vector<32xf32>
    %broadcast_in_dim3A_31 = vector.shape_cast %reduce_sum3A_30 : vector<32xf32> to vector<32x1xf32>
    %jit3A = arith.constant 1.000000e+00 : f32
    %max3A_32 = vector.broadcast %jit3A : f32 to vector<32x1xf32>
    %max3A_33 = arith.maximumf %max3A_32, %broadcast_in_dim3A_31 : vector<32x1xf32>
    %div3A = vector.broadcast %max3A_33 : vector<32x1xf32> to vector<32x128xf32>
    %div3A_34 = arith.divf %dot_general3A_29, %div3A : vector<32x128xf32>
    %get3A_35 = arith.constant 0 : index
    %get3A_36 = arith.constant 0 : index
    %get3A_37 = vector.load %arg5[%get3A_35, %get3A_36] : memref<128x64xf32, #tpu.memory_space<vmem>>, vector<128x64xf32>
    %dot_general3A_38 = arith.constant dense<0.000000e+00> : vector<32x64xf32>
    %dot_general3A_39 = tpu.matmul %div3A_34, %get3A_37, %dot_general3A_38 {dimension_numbers = #tpu.dot_dimension_numbers<[1], [0], [0], [1], [0, 0, 1, 1], [], []>, transpose_lhs_hint = false} : vector<32x128xf32>, vector<128x64xf32>, vector<32x64xf32> -> vector<32x64xf32>
    %get3A_40 = arith.constant 0 : index
    %get3A_41 = vector.load %arg6[%get3A_40] : memref<64xf32, #tpu.memory_space<vmem>>, vector<64xf32>
    %broadcast_in_dim3A_42 = vector.shape_cast %get3A_41 : vector<64xf32> to vector<1x64xf32>
    %add3A_43 = vector.broadcast %broadcast_in_dim3A_42 : vector<1x64xf32> to vector<32x64xf32>
    %add3A_44 = arith.addf %dot_general3A_39, %add3A_43 : vector<32x64xf32>
    %max3A_45 = arith.constant 0.000000e+00 : f32
    %max3A_46 = vector.broadcast %max3A_45 : f32 to vector<32x64xf32>
    %max3A_47 = arith.maximumf %add3A_44, %max3A_46 : vector<32x64xf32>
    %get3A_48 = arith.constant 0 : index
    %get3A_49 = arith.constant 0 : index
    %get3A_50 = vector.load %arg7[%get3A_48, %get3A_49] : memref<64x32xf32, #tpu.memory_space<vmem>>, vector<64x32xf32>
    %dot_general3A_51 = arith.constant dense<0.000000e+00> : vector<32x32xf32>
    %dot_general3A_52 = tpu.matmul %max3A_47, %get3A_50, %dot_general3A_51 {dimension_numbers = #tpu.dot_dimension_numbers<[1], [0], [0], [1], [0, 0, 1, 1], [], []>, transpose_lhs_hint = false} : vector<32x64xf32>, vector<64x32xf32>, vector<32x32xf32> -> vector<32x32xf32>
    %get3A_53 = arith.constant 0 : index
    %get3A_54 = vector.load %arg8[%get3A_53] : memref<32xf32, #tpu.memory_space<vmem>>, vector<32xf32>
    %broadcast_in_dim3A_55 = vector.shape_cast %get3A_54 : vector<32xf32> to vector<1x32xf32>
    %add3A_56 = vector.broadcast %broadcast_in_dim3A_55 : vector<1x32xf32> to vector<32x32xf32>
    %add3A_57 = arith.addf %dot_general3A_52, %add3A_56 : vector<32x32xf32>
    %swap3A = arith.constant 0 : index
    %swap3A_58 = arith.constant 0 : index
    %swap3A_59 = vector.load %arg9[%swap3A, %swap3A_58] : memref<32x32xf32, #tpu.memory_space<vmem>>, vector<32x32xf32>
    tpu.vector_store %arg9[%swap3A, %swap3A_58], %add3A_57 {strides = array<i32>} : memref<32x32xf32, #tpu.memory_space<vmem>>, vector<32x32xf32>,
    return
  }
}

</mosaic_0001>

<sc_bundles>
// kernel: kernel.16.cloned.1.call-start
scs
__scs_entry_jumppad:
0x0: {  	(pc) =	sbr.rel $0x88, $3  }
0x1: {  	(tag) =	ssettag $0x0;
	lr =	simm.s32 $0x1  }
0x2: {  	[smem:$0x3F8E] =	sst lr;
	_ =	strace $0xD0000000  }
0x3: {  	_ = 	snop  }
0x4: {  	_ = 	snop  }
0x5: {  	_ = 	snop  }
0x6: {  	_ = 	snop  }
0x7: {  	_ = 	snop  }
__scs_overlays_trampoline_lowered:
0x8: {  	[smem:$0x3F9D] =	sst s0  }
0x9: {  	[smem:$0x3F9E] =	sst s1  }
0xa: {  	[smem:$0x3F9F] =	sst s2  }
0xb: {  	[smem:$0x3FA0] =	sst s3  }
0xc: {  	[smem:$0x3FA1] =	sst s4  }
0xd: {  	[smem:$0x3FA2] =	sst s5  }
0xe: {  	[smem:$0x3FA3] =	sst s6  }
0xf: {  	[smem:$0x3FA4] =	sst s7  }
0x10: {  	[smem:$0x3FA5] =	sst s8  }
0x11: {  	[smem:$0x3FA6] =	sst s9;
	s0 =	simm.s32 @!p0 $0x0  }
0x12: {  	s1 =	sld [smem:$0x3F8C];
	s0 =	simm.s32 @p0 $0x1  }
0x13: {  	[smem:$0x3FA7] =	sst s0;
	s0 =	simm.s32 @!p1 $0x0  }
0x14: {  	s2 =	sld [smem:$0x3F8B];
	s0 =	simm.s32 @p1 $0x1  }
0x15: {  	[smem:$0x3FA8] =	sst s0;
	s0 =	simm.s32 @!p2 $0x0  }
0x16: {  	s3 =	sld [smem:$0x3FDB];
	s0 =	simm.s32 @p2 $0x1  }
0x17: {  	s4 =	simm.s32 $0x1BF5;
	[smem:$0x3FAA] =	sst s0  }
0x18: {  	s0 =	sld [smem:$0x3F8D];
	_ =	swait.ge [sflag:s4], $0x0  }
0x19: {  	s7 =	sld [smem:$0x3F8E]  }
0x1a: {  	s8 =	sadd.s32 $0xFFFFE003, lr  }
0x1b: {  	s9 =	sadd.s32 $0xFFFFFEF7, lr;
	s5 =	simm.s32 $0xFFFFFFFF;
	p2 =	slt.u32 s8, $0xFFFFF086  }
0x1c: {  	p1 =	slt.u32 s9, $0xF7A;
	s5 =	simm.s32 @!p2 $0x0  }
0x1d: {  	s5 =	simm.s32 @p1 $0x1;
	p0 =	seq.s32 s7, s2  }
0x1e: {  	s7 =	smul.u32 @!p0 $0xF7A, s2;
	p2 =	seq.s32 @!p0 s5, $0x0  }
0x1f: {  	s9 =	smul.u32 $0xF7A, s1;
	s8 =	simm.s32 @!p0 $0x1BF5;
	p2 =	por !p2, p0  }
0x20: {  	[sflag:s8] =	ssyncset.s32 @!p0 $0xFFFFF086;
	s6 =	sadd.s32 @!p0 s3, s7;
	s7 =	simm.s32 @!p0 $0x108  }
0x21: {  	s3 =	sadd.s32 s3, s9;
	s6 =	sadd.s32 @!p0 $0x88, s6;
	s7 =	simm.s32 @p2 $0x1082  }
0x22: {  	[simem:s7], [sflag:s8] =	dma.local @!p0 [hbm:s6], $0xF7A  }
0x23: {  	s9 =	sor.u32 $0xD0000000, s2;
	s6 =	simm.s32 $0x108;
	_ =	swait.ge @!p0 [sflag:s8], $0x0  }
0x24: {  	s3 =	sadd.s32 $0x88, s3;
	s6 =	simm.s32 @!p1 $0x1082;
	[sflag:s4] =	ssyncset.s32 $0xFFFFF086  }
0x25: {  	[simem:s6], [sflag:s4] =	dma.local [hbm:s3], $0xF7A  }
0x26: {  	[smem:$0x3F8E] =	sst s1;
	(tag) =	ssettag s2;
	_ =	strace s9  }
0x27: {  	s1 =	sld [smem:$0x3F9E]  }
0x28: {  	s2 =	sld [smem:$0x3F9F]  }
0x29: {  	s4 =	sld [smem:$0x3FA1]  }
0x2a: {  	p0 =	seq.s32 s5, $0x0;
	s5 =	sld [smem:$0x3FA2]  }
0x2b: {  	s6 =	sld [smem:$0x3FA3]  }
0x2c: {  	s7 =	sld [smem:$0x3FA4]  }
0x2d: {  	s3 =	simm.s32 $0x108;
	s8 =	sld [smem:$0x3FA5]  }
0x2e: {  	s3 =	simm.s32 @!p0 $0x1082;
	s9 =	sld [smem:$0x3FA6]  }
0x2f: {  	lr =	sadd.s32 s0, s3;
	s0 =	sld [smem:$0x3F9D]  }
0x30: {  	s3 =	sld [smem:$0x3FA0]  }
0x31: {  	[smem:$0x3FA9] =	sst s10  }
0x32: {  	s10 =	sld [smem:$0x3FA7];
	_ =	sdelay $0x3  }
0x33: {  	p0 =	seq.s32 s10, $0x1;
	s10 =	sld [smem:$0x3FA9];
	_ =	sdelay $0x3  }
0x34: {  	[smem:$0x3FA9] =	sst s10  }
0x35: {  	s10 =	sld [smem:$0x3FA8];
	_ =	sdelay $0x3  }
0x36: {  	p1 =	seq.s32 s10, $0x1;
	s10 =	sld [smem:$0x3FA9];
	_ =	sdelay $0x3  }
0x37: {  	[smem:$0x3FA9] =	sst s10  }
0x38: {  	s10 =	sld [smem:$0x3FAA]  }
0x39: {  	_ = 	snop;
	(pc) =	sbr.ind lr, $3  }
0x3a: {  	_ = 	snop  }
0x3b: {  	_ = 	snop  }
0x3c: {  	p2 =	seq.s32 s10, $0x1;
	s10 =	sld [smem:$0x3FA9]  }
0x3d: {  	_ =	shalt  }
0x3e: {  	_ =	shalt  }
0x3f: {  	_ =	shalt  }
0x40: {  	_ =	shalt  }
0x41: {  	_ =	shalt  }
0x42: {  	_ =	shalt  }
0x43: {  	_ =	shalt  }
0x44: {  	_ =	shalt  }
0x45: {  	_ =	shalt  }
0x46: {  	_ =	shalt  }
0x47: {  	_ =	shalt  }
0x48: {  	_ =	shalt  }
0x49: {  	_ =	shalt  }
0x4a: {  	_ =	shalt  }
0x4b: {  	_ =	shalt  }
0x4c: {  	_ =	shalt  }
0x4d: {  	_ =	shalt  }
0x4e: {  	_ =	shalt  }
0x4f: {  	_ =	shalt  }
0x50: {  	_ =	shalt  }
0x51: {  	_ =	shalt  }
0x52: {  	_ =	shalt  }
0x53: {  	_ =	shalt  }
0x54: {  	_ =	shalt  }
0x55: {  	_ =	shalt  }
0x56: {  	_ =	shalt  }
0x57: {  	_ =	shalt  }
0x58: {  	_ =	shalt  }
0x59: {  	_ =	shalt  }
0x5a: {  	_ =	shalt  }
0x5b: {  	_ =	shalt  }
0x5c: {  	_ =	shalt  }
0x5d: {  	_ =	shalt  }
0x5e: {  	_ =	shalt  }
0x5f: {  	_ =	shalt  }
0x60: {  	_ =	shalt  }
0x61: {  	_ =	shalt  }
0x62: {  	_ =	shalt  }
0x63: {  	_ =	shalt  }
0x64: {  	_ =	shalt  }
0x65: {  	_ =	shalt  }
0x66: {  	_ =	shalt  }
0x67: {  	_ =	shalt  }
0x68: {  	_ =	shalt  }
0x69: {  	_ =	shalt  }
0x6a: {  	_ =	shalt  }
0x6b: {  	_ =	shalt  }
0x6c: {  	_ =	shalt  }
0x6d: {  	_ =	shalt  }
0x6e: {  	_ =	shalt  }
0x6f: {  	_ =	shalt  }
0x70: {  	_ =	shalt  }
0x71: {  	_ =	shalt  }
0x72: {  	_ =	shalt  }
0x73: {  	_ =	shalt  }
0x74: {  	_ =	shalt  }
0x75: {  	_ =	shalt  }
0x76: {  	_ =	shalt  }
0x77: {  	_ =	shalt  }
0x78: {  	_ =	shalt  }
0x79: {  	_ =	shalt  }
0x7a: {  	_ =	shalt  }
0x7b: {  	_ =	shalt  }
0x7c: {  	_ =	shalt  }
0x7d: {  	_ =	shalt  }
0x7e: {  	_ =	shalt  }
0x7f: {  	_ =	shalt  }
0x80: {  	_ =	shalt  }
0x81: {  	_ =	shalt  }
0x82: {  	_ =	shalt  }
0x83: {  	_ =	shalt  }
0x84: {  	_ =	shalt  }
0x85: {  	_ =	shalt  }
0x86: {  	_ =	shalt  }
0x87: {  	_ =	shalt  }
.Lfunc_end0:
.L_simem_size_0:
called_computation_lowered:
.L_overlay_start_0:
0x88: {  	s2 =	sld [smem:$0x3FD9]  }
0x89: {  	s3 =	sld [smem:$0x3FFE];
	_ =	sdelay $0x1  }
0x8a: {  	s1 =	srdreg.scid  }
0x8b: {  	s0 =	sand.u32 $0x1, s1  }
0x8c: {  	s17 =	sshll.u32 s0, $0xA;
	s2 =	sadd.s32 s3, s2  }
0x8d: {  	s2 =	sadd.s32 s2, s17  }
0x8e: {  	[smem:$0x3FB5] =	sst s2  }
0x8f: {  	_ = 	snop  }
0x90: {  	s2 =	sld [smem:$0x3FD0];
	(tm) =	ssettm $0x1  }
0x91: {  	s18 =	sld [smem:$0x3FFB];
	_ =	sdelay $0x3  }
0x92: {  	_ =	strace s18  }
0x93: {  	s3 =	sld [smem:$0x3FFC];
	_ =	sdelay $0x3  }
0x94: {  	_ =	strace s3  }
0x95: {  	s3 =	sld [smem:$0x3FFD];
	_ =	sdelay $0x3  }
0x96: {  	_ =	strace s3  }
0x97: {  	_ =	strace $0x8FFFFFFF  }
0x98: {  	s19 =	sld [smem:$0x3FDB];
	_ =	sdelay $0x1  }
0x99: {  	s4 =	simm.s32 $_scs_section_size  }
0x9a: {  	s5 =	simm.s32 $_size__tile_overlayer_lowered;
	s6 =	simm.s32 $_tile_overlayer_lowered  }
0x9b: {  	s22 =	simm.s32 $0x1BFF;
	s21 =	sshll.u32 s6, $0x1;
	s3 =	sadd.s32 s4, s19  }
0x9c: {  	s7 =	simm.s32 $0x0;
	s20 =	sshll.u32 s5, $0x1;
	s5 =	sadd.s32 s21, s3  }
0x9d: {  	[timem:s7], [sflag:s22] =	dma.local [hbm:s5], s20  }
0x9e: {  	_ =	swait.ge [sflag:s22], s20  }
0x9f: {  	s4 =	ssub.s32 $0x0, s20;
	[sflag:s22] =	ssyncset.done $0x0  }
0xa0: {  	[sflag:s22] =	ssyncadd.s32 s4;
	_ =	sdelay $0x1  }
0xa1: {  	s23 =	simm.s32 $0x1B8B  }
0xa2: {  	_ =	swait.ge [sflag:s23], $0x1  }
0xa3: {  	[sflag:s23] =	ssyncset.done $0x0  }
0xa4: {  	s25 =	simm.s32 $0x1B8E;
	s24 =	sld [smem:$0x3FFE];
	[sflag:s23] =	ssyncadd.s32 $0xFFFFFFFF  }
0xa5: {  	s26 =	simm.s32 $execute0_lowered;
	[smem:$0x3FD2] =	sst s25  }
0xa6: {  	s5 =	sshll.u32 s26, $0x1;
	_ =	strace $0x80000046;
	[dreg:$0x1] =	wrdreg $0xFFFFFFFF  }
0xa7: {  	s28 =	simm.s32 $_size_execute0_lowered;
	s3 =	sadd.s32 s3, s5;
	[dreg:$0x0] =	wrdreg $0x0  }
0xa8: {  	s5 =	sshll.u32 s28, $0x1;
	[dreg:$0x2] =	wrdreg s3  }
0xa9: {  	[dreg:$0x3] =	wrdreg s5  }
0xaa: {  	[dreg:$0x4] =	wrdreg $0xC0  }
0xab: {  	_ =	task [dreg:s7], $0x5FFFF  }
0xac: {  	[dreg:$0x1] =	wrdreg $0xFFFFFFFF  }
0xad: {  	[dreg:$0x0] =	wrdreg $0x60  }
0xae: {  	[dreg:$0x2] =	wrdreg s24  }
0xaf: {  	[dreg:$0x3] =	wrdreg s2  }
0xb0: {  	[dreg:$0x4] =	wrdreg $0x1C000  }
0xb1: {  	[dreg:$0x5] =	wrdreg $0x9  }
0xb2: {  	_ =	task.clear_ibuf [dreg:s7], $0x6FFFF;
	_ =	strace $0x90000046  }
0xb3: {  	s29 =	simm.s32 $0x9;
	_ =	strace $0x80000048  }
0xb4: {  	_ =	swait.ge [sflag:s29], $0x1  }
0xb5: {  	[sflag:s29] =	ssyncadd.s32 $0xFFFFFFFF  }
0xb6: {  	_ =	strace $0x90000048  }
0xb7: {  	_ =	sfence  }
0xb8: {  	s30 =	sld [smem:$0x0];
	_ =	sdelay $0x2  }
0xb9: {  	s31 =	sshll.u32 s1, $0xD;
	s1 =	sshrl.u32 s1, $0x2  }
0xba: {  	s3 =	sand.u32 $0x4000, s31;
	s1 =	sadd.s32 s1, s30  }
0xbb: {  	s0 =	sor.u32 s3, s0;
	s1 =	sshll.u32 s1, $0x11  }
0xbc: {  	s0 =	sor.u32 s1, s0  }
0xbd: {  	s0 =	sadd.s32 $0x8F2B, s0  }
0xbe: {  	[sflag:s0] =	ssyncadd.remote.s32 $0x1  }
0xbf: {  	_ =	sfence.sel $0xFFFF  }
0xc0: {  	[dreg:$0x0] =	wrdreg $0xFFFFFFFF;
	(pc) =	sbr.abs _section_cstart, $3  }
0xc1: {  	[dreg:$0x1] =	wrdreg $0xFFFFFFFF  }
0xc2: {  	_ =	task.clear_ibuf [dreg:s7], $0x2FFFF;
	_ =	strace $0x9FFFFFFF  }
0xc3: {  	(tm) =	ssettm $0x7FFFFFFF  }
tec
execute0_lowered:
.L_overlay_start_1:
0x0: {  	(tag) =	ssettag $0x1  }
0x1: {  	s6 =	rddreg [dreg:$0x0]  }
0x2: {  	s0 =	srdreg.scid;
	s2 =	rddreg [dreg:$0x1]  }
0x3: {  	s3 =	rddreg [dreg:$0x2];
	s4 =	simm.s32 $0x0;
	s13 =	simm.s32 $0x1  }
0x4: {  	s14 =	simm.s32 $0x80;
	s5 =	sand.u32 $0x1, s0;
	s0 =	stileid.u32  }
0x5: {  	s15 =	simm.s32 $0x2;
	s16 =	simm.s32 $0x0;
	s8 =	smul.u32 $0x2800, s0  }
0x6: {  	[smem:$0x7FF] =	sst s4;
	s1 =	sshll.u32 s5, $0x4;
	s9 =	smul.u32 $0x28000, s5  }
0x7: {  	s10 =	ssub.s32 $0x2, s5;
	s5 =	sadd.s32 $0xE600, s6;
	s1 =	sor.u32 s0, s1  }
0x8: {  	s31 =	sshll.u32 s0, $0x6;
	s11 =	sshrl.u32 s10, $0x1;
	s7 =	smul.u32 $0x280, s1  }
0x9: {  	s1 =	rddreg [dreg:$0x3];
	_ =	strace $0x80000047;
	s9 =	sadd.s32 s8, s9  }
0xa: {  	s10 =	ssub.s32 s10, s11;
	s12 =	sadd.s32 s8, s3;
	s11 =	sor.u32 $0x1C03, s31  }
0xb: {  	s9 =	sshrl.u32 s9, $0x3;
	s8 =	smax.u32 s10, $0x1;
	s10 =	simm.s32 $0x3  }
0xc: {  	s12 =	sshrl.u32 s12, $0x3;
	s7 =	sadd.s32 s7, s6;
	s9 =	sadd.s32 s9, s6  }
0xd: {  	s6 =	sadd.s32 $0x4600, s7;
	s7 =	sadd.s32 $0xEC00, s9;
	s9 =	simm.s32 $0x1400  }
.LBB2_1:
0xe: {  	[tilespmem:s4], [sflag:$0x1] =	stream.linear.gather [hbm4b:s6+s4], $0x1400, $0x38;
	[tilespmem:$0x4400] =	vst v63  }
0xf: {  	_ = 	snop  }
0x10: {  	[tilespmem:s9], [sflag:$0x3] =	stream.linear.gather [hbm4b:s2+s4], $0x800, $0x38;
	[tilespmem:$0x4400] =	vst v63  }
0x11: {  	_ =	swait.ge [sflag:s10], $0x800  }
0x12: {  	[sflag:s10] =	ssyncset.done $0x0  }
0x13: {  	[sflag:s10] =	ssyncadd.s32 $0xFFFFF800  }
0x14: {  	[spmem:s12], [sflag:s11] =	dma.local [hbm:s5], $0x500  }
0x15: {  	_ =	swait.ge [sflag:s10], $0x500  }
0x16: {  	[sflag:s10] =	ssyncset.done $0x0  }
0x17: {  	[sflag:s10] =	ssyncadd.s32 $0xFFFFFB00  }
0x18: {  	_ =	swait.ge [sflag:s13], $0x1400  }
0x19: {  	[sflag:s13] =	ssyncset.done $0x0  }
0x1a: {  	[sflag:s13] =	ssyncadd.s32 $0xFFFFEC00  }
0x1b: {  	[bflag:$0x0] =	sbarrier.arrive $0xFFFF  }
0x1c: {  	[spmem:s3] =	stream.indirect.scatter.add.f32 [tilespmem:s9], [sflag:$0x2], $0x10, s4, s14, $0xb8;
	[tilespmem:$0x4400] =	vst v63  }
0x1d: {  	s17 =	simm.s32 $0x80  }
0x1e: {  	[spmem:s3] =	stream.indirect.scatter.add.f32 [tilespmem:s9], [sflag:$0x2], $0x10, s17, s14, $0xb8;
	[tilespmem:$0x4400] =	vst v63  }
0x1f: {  	_ =	swait.ge [sflag:s15], $0x800  }
0x20: {  	s17 =	simm.s32 $0x400;
	[sflag:s15] =	ssyncset.done $0x0  }
.LBB2_2:
0x21: {  	s18 =	sshra.s32 s17, $0x2;
	[sflag:s15] =	ssyncadd.s32 $0xFFFFF800;
	p0 =	sne.s32 s17, $0x4E00  }
0x22: {  	[spmem:s3] =	stream.indirect.scatter.add.f32 [tilespmem:s9], [sflag:$0x2], $0x10, s18, s14, $0xb8;
	[tilespmem:$0x4400] =	vst v63  }
.Ltmp0:
0x23: {  	_ = 	snop;
	(pc) =	sbr.rel @p0 .LBB2_2-.Ltmp0, $4  }
0x24: {  	_ = 	snop  }
0x25: {  	s17 =	sadd.s32 $0x200, s17  }
0x26: {  	_ =	swait.ge [sflag:s15], $0x800  }
0x27: {  	[sflag:s15] =	ssyncset.done $0x0  }
0x28: {  	[sflag:s15] =	ssyncadd.s32 $0xFFFFF800  }
0x29: {  	_ =	swait.ge [sflag:s15], $0x800  }
0x2a: {  	s16 =	sadd.s32 $0x1, s16;
	[sflag:s15] =	ssyncset.done $0x0  }
0x2b: {  	p0 =	sne.s32 s16, s8;
	[sflag:s15] =	ssyncadd.s32 $0xFFFFF800  }
.Ltmp1:
0x2c: {  	[bflag:$0x0] =	sbarrier.arrive $0xFFFF;
	(pc) =	sbr.rel @p0 .LBB2_1-.Ltmp1, $4  }
0x2d: {  	[hbm:s7], [sflag:s11] =	dma.local [spmem:s12], $0x500  }
0x2e: {  	_ =	swait.ge [sflag:s10], $0x500  }
0x2f: {  	[sflag:s10] =	ssyncset.done $0x0  }
0x30: {  	[sflag:s10] =	ssyncadd.s32 $0xFFFFFB00  }
0x31: {  	_ =	sfence.sel $0x180000  }
0x32: {  	[bflag:$0x0] =	sbarrier.arrive $0xFFFF  }
0x33: {  	p0 =	sne.s32 s0, $0x0;
	_ =	strace $0x90000047  }
0x34: {  	s0 =	sadd.s32 @!p0 $0x100000, s1;
	[bflag:$0x2] =	sbarrier.arrive $0xFFFF  }
0x35: {  	[sflag:s0] =	ssyncadd.tile.s32 @!p0 $0x1;
	_ =	shalt  }
.Lfunc_end2:
_tile_overlayer_lowered:
.L_overlay_start_2:
0x36: {  	(tag) =	ssettag $0x2  }
0x37: {  	s0 =	rddreg [dreg:$0x0];
	s2 =	stileid.u32  }
0x38: {  	s1 =	rddreg [dreg:$0x1];
	p0 =	sne.s32 s2, $0x0  }
0x39: {  	s3 =	rddreg [dreg:$0x2];
	[bflag:$0x3] =	sbarrier.arrive $0xFFFF;
	s2 =	simm.s32 @!p0 $0x1C03  }
0x3a: {  	[timem:s3], [sflag:s2] =	dma.local @!p0 [hbm:s0], s1  }
0x3b: {  	s0 =	simm.s32 @!p0 $0x3  }
0x3c: {  	_ =	swait.ge @!p0 [sflag:s0], s1  }
0x3d: {  	s1 =	ssub.s32 @!p0 $0x0, s1;
	[sflag:s0] =	ssyncset.done @!p0 $0x0  }
0x3e: {  	[sflag:s0] =	ssyncadd.s32 @!p0 s1  }
0x3f: {  	[bflag:$0x3] =	sbarrier.arrive $0xFFFF  }
0x40: {  	_ =	shalt  }

// kernel: kernel.19.cloned.1.call-start
scs
__scs_entry_jumppad:
0x0: {  	(pc) =	sbr.rel $0x88, $3  }
0x1: {  	(tag) =	ssettag $0x0;
	lr =	simm.s32 $0x1  }
0x2: {  	[smem:$0x3F8E] =	sst lr;
	_ =	strace $0xD0000000  }
0x3: {  	_ = 	snop  }
0x4: {  	_ = 	snop  }
0x5: {  	_ = 	snop  }
0x6: {  	_ = 	snop  }
0x7: {  	_ = 	snop  }
__scs_overlays_trampoline_lowered:
0x8: {  	[smem:$0x3F9D] =	sst s0  }
0x9: {  	[smem:$0x3F9E] =	sst s1  }
0xa: {  	[smem:$0x3F9F] =	sst s2  }
0xb: {  	[smem:$0x3FA0] =	sst s3  }
0xc: {  	[smem:$0x3FA1] =	sst s4  }
0xd: {  	[smem:$0x3FA2] =	sst s5  }
0xe: {  	[smem:$0x3FA3] =	sst s6  }
0xf: {  	[smem:$0x3FA4] =	sst s7  }
0x10: {  	[smem:$0x3FA5] =	sst s8  }
0x11: {  	[smem:$0x3FA6] =	sst s9;
	s0 =	simm.s32 @!p0 $0x0  }
0x12: {  	s1 =	sld [smem:$0x3F8C];
	s0 =	simm.s32 @p0 $0x1  }
0x13: {  	[smem:$0x3FA7] =	sst s0;
	s0 =	simm.s32 @!p1 $0x0  }
0x14: {  	s2 =	sld [smem:$0x3F8B];
	s0 =	simm.s32 @p1 $0x1  }
0x15: {  	[smem:$0x3FA8] =	sst s0;
	s0 =	simm.s32 @!p2 $0x0  }
0x16: {  	s3 =	sld [smem:$0x3FDB];
	s0 =	simm.s32 @p2 $0x1  }
0x17: {  	s4 =	simm.s32 $0x1BF5;
	[smem:$0x3FAA] =	sst s0  }
0x18: {  	s0 =	sld [smem:$0x3F8D];
	_ =	swait.ge [sflag:s4], $0x0  }
0x19: {  	s7 =	sld [smem:$0x3F8E]  }
0x1a: {  	s8 =	sadd.s32 $0xFFFFE003, lr  }
0x1b: {  	s9 =	sadd.s32 $0xFFFFFEF7, lr;
	s5 =	simm.s32 $0xFFFFFFFF;
	p2 =	slt.u32 s8, $0xFFFFF086  }
0x1c: {  	p1 =	slt.u32 s9, $0xF7A;
	s5 =	simm.s32 @!p2 $0x0  }
0x1d: {  	s5 =	simm.s32 @p1 $0x1;
	p0 =	seq.s32 s7, s2  }
0x1e: {  	s7 =	smul.u32 @!p0 $0xF7A, s2;
	p2 =	seq.s32 @!p0 s5, $0x0  }
0x1f: {  	s9 =	smul.u32 $0xF7A, s1;
	s8 =	simm.s32 @!p0 $0x1BF5;
	p2 =	por !p2, p0  }
0x20: {  	[sflag:s8] =	ssyncset.s32 @!p0 $0xFFFFF086;
	s6 =	sadd.s32 @!p0 s3, s7;
	s7 =	simm.s32 @!p0 $0x108  }
0x21: {  	s3 =	sadd.s32 s3, s9;
	s6 =	sadd.s32 @!p0 $0x88, s6;
	s7 =	simm.s32 @p2 $0x1082  }
0x22: {  	[simem:s7], [sflag:s8] =	dma.local @!p0 [hbm:s6], $0xF7A  }
0x23: {  	s9 =	sor.u32 $0xD0000000, s2;
	s6 =	simm.s32 $0x108;
	_ =	swait.ge @!p0 [sflag:s8], $0x0  }
0x24: {  	s3 =	sadd.s32 $0x88, s3;
	s6 =	simm.s32 @!p1 $0x1082;
	[sflag:s4] =	ssyncset.s32 $0xFFFFF086  }
0x25: {  	[simem:s6], [sflag:s4] =	dma.local [hbm:s3], $0xF7A  }
0x26: {  	[smem:$0x3F8E] =	sst s1;
	(tag) =	ssettag s2;
	_ =	strace s9  }
0x27: {  	s1 =	sld [smem:$0x3F9E]  }
0x28: {  	s2 =	sld [smem:$0x3F9F]  }
0x29: {  	s4 =	sld [smem:$0x3FA1]  }
0x2a: {  	p0 =	seq.s32 s5, $0x0;
	s5 =	sld [smem:$0x3FA2]  }
0x2b: {  	s6 =	sld [smem:$0x3FA3]  }
0x2c: {  	s7 =	sld [smem:$0x3FA4]  }
0x2d: {  	s3 =	simm.s32 $0x108;
	s8 =	sld [smem:$0x3FA5]  }
0x2e: {  	s3 =	simm.s32 @!p0 $0x1082;
	s9 =	sld [smem:$0x3FA6]  }
0x2f: {  	lr =	sadd.s32 s0, s3;
	s0 =	sld [smem:$0x3F9D]  }
0x30: {  	s3 =	sld [smem:$0x3FA0]  }
0x31: {  	[smem:$0x3FA9] =	sst s10  }
0x32: {  	s10 =	sld [smem:$0x3FA7];
	_ =	sdelay $0x3  }
0x33: {  	p0 =	seq.s32 s10, $0x1;
	s10 =	sld [smem:$0x3FA9];
	_ =	sdelay $0x3  }
0x34: {  	[smem:$0x3FA9] =	sst s10  }
0x35: {  	s10 =	sld [smem:$0x3FA8];
	_ =	sdelay $0x3  }
0x36: {  	p1 =	seq.s32 s10, $0x1;
	s10 =	sld [smem:$0x3FA9];
	_ =	sdelay $0x3  }
0x37: {  	[smem:$0x3FA9] =	sst s10  }
0x38: {  	s10 =	sld [smem:$0x3FAA]  }
0x39: {  	_ = 	snop;
	(pc) =	sbr.ind lr, $3  }
0x3a: {  	_ = 	snop  }
0x3b: {  	_ = 	snop  }
0x3c: {  	p2 =	seq.s32 s10, $0x1;
	s10 =	sld [smem:$0x3FA9]  }
0x3d: {  	_ =	shalt  }
0x3e: {  	_ =	shalt  }
0x3f: {  	_ =	shalt  }
0x40: {  	_ =	shalt  }
0x41: {  	_ =	shalt  }
0x42: {  	_ =	shalt  }
0x43: {  	_ =	shalt  }
0x44: {  	_ =	shalt  }
0x45: {  	_ =	shalt  }
0x46: {  	_ =	shalt  }
0x47: {  	_ =	shalt  }
0x48: {  	_ =	shalt  }
0x49: {  	_ =	shalt  }
0x4a: {  	_ =	shalt  }
0x4b: {  	_ =	shalt  }
0x4c: {  	_ =	shalt  }
0x4d: {  	_ =	shalt  }
0x4e: {  	_ =	shalt  }
0x4f: {  	_ =	shalt  }
0x50: {  	_ =	shalt  }
0x51: {  	_ =	shalt  }
0x52: {  	_ =	shalt  }
0x53: {  	_ =	shalt  }
0x54: {  	_ =	shalt  }
0x55: {  	_ =	shalt  }
0x56: {  	_ =	shalt  }
0x57: {  	_ =	shalt  }
0x58: {  	_ =	shalt  }
0x59: {  	_ =	shalt  }
0x5a: {  	_ =	shalt  }
0x5b: {  	_ =	shalt  }
0x5c: {  	_ =	shalt  }
0x5d: {  	_ =	shalt  }
0x5e: {  	_ =	shalt  }
0x5f: {  	_ =	shalt  }
0x60: {  	_ =	shalt  }
0x61: {  	_ =	shalt  }
0x62: {  	_ =	shalt  }
0x63: {  	_ =	shalt  }
0x64: {  	_ =	shalt  }
0x65: {  	_ =	shalt  }
0x66: {  	_ =	shalt  }
0x67: {  	_ =	shalt  }
0x68: {  	_ =	shalt  }
0x69: {  	_ =	shalt  }
0x6a: {  	_ =	shalt  }
0x6b: {  	_ =	shalt  }
0x6c: {  	_ =	shalt  }
0x6d: {  	_ =	shalt  }
0x6e: {  	_ =	shalt  }
0x6f: {  	_ =	shalt  }
0x70: {  	_ =	shalt  }
0x71: {  	_ =	shalt  }
0x72: {  	_ =	shalt  }
0x73: {  	_ =	shalt  }
0x74: {  	_ =	shalt  }
0x75: {  	_ =	shalt  }
0x76: {  	_ =	shalt  }
0x77: {  	_ =	shalt  }
0x78: {  	_ =	shalt  }
0x79: {  	_ =	shalt  }
0x7a: {  	_ =	shalt  }
0x7b: {  	_ =	shalt  }
0x7c: {  	_ =	shalt  }
0x7d: {  	_ =	shalt  }
0x7e: {  	_ =	shalt  }
0x7f: {  	_ =	shalt  }
0x80: {  	_ =	shalt  }
0x81: {  	_ =	shalt  }
0x82: {  	_ =	shalt  }
0x83: {  	_ =	shalt  }
0x84: {  	_ =	shalt  }
0x85: {  	_ =	shalt  }
0x86: {  	_ =	shalt  }
0x87: {  	_ =	shalt  }
.Lfunc_end0:
.L_simem_size_0:
called_computation.1_lowered:
.L_overlay_start_0:
0x88: {  	s2 =	sld [smem:$0x3FD9]  }
0x89: {  	s3 =	sld [smem:$0x3FFE];
	_ =	sdelay $0x1  }
0x8a: {  	s1 =	srdreg.scid  }
0x8b: {  	s0 =	sand.u32 $0x1, s1  }
0x8c: {  	s16 =	sshll.u32 s0, $0xA;
	s2 =	sadd.s32 s3, s2  }
0x8d: {  	s2 =	sadd.s32 s2, s16  }
0x8e: {  	[smem:$0x3FB5] =	sst s2  }
0x8f: {  	_ = 	snop  }
0x90: {  	(tm) =	ssettm $0x1  }
0x91: {  	s17 =	sld [smem:$0x3FFB];
	_ =	sdelay $0x3  }
0x92: {  	_ =	strace s17  }
0x93: {  	s2 =	sld [smem:$0x3FFC];
	_ =	sdelay $0x3  }
0x94: {  	_ =	strace s2  }
0x95: {  	s2 =	sld [smem:$0x3FFD];
	_ =	sdelay $0x3  }
0x96: {  	_ =	strace s2  }
0x97: {  	_ =	strace $0x8FFFFFFF  }
0x98: {  	s18 =	sld [smem:$0x3FDB];
	_ =	sdelay $0x1  }
0x99: {  	s19 =	simm.s32 $_scs_section_size  }
0x9a: {  	s4 =	simm.s32 $_size__tile_overlayer_lowered;
	s5 =	simm.s32 $_tile_overlayer_lowered  }
0x9b: {  	s22 =	simm.s32 $0x1BFF;
	s21 =	sshll.u32 s5, $0x1;
	s2 =	sadd.s32 s19, s18  }
0x9c: {  	s6 =	simm.s32 $0x0;
	s20 =	sshll.u32 s4, $0x1;
	s4 =	sadd.s32 s21, s2  }
0x9d: {  	[timem:s6], [sflag:s22] =	dma.local [hbm:s4], s20  }
0x9e: {  	_ =	swait.ge [sflag:s22], s20  }
0x9f: {  	s3 =	ssub.s32 $0x0, s20;
	[sflag:s22] =	ssyncset.done $0x0  }
0xa0: {  	[sflag:s22] =	ssyncadd.s32 s3;
	_ =	sdelay $0x1  }
0xa1: {  	s23 =	simm.s32 $0x1B8B  }
0xa2: {  	_ =	swait.ge [sflag:s23], $0x1  }
0xa3: {  	[sflag:s23] =	ssyncset.done $0x0  }
0xa4: {  	s25 =	simm.s32 $0x1B8E;
	s24 =	sld [smem:$0x3FFE];
	[sflag:s23] =	ssyncadd.s32 $0xFFFFFFFF  }
0xa5: {  	s26 =	simm.s32 $execute0_lowered;
	[smem:$0x3FD2] =	sst s25  }
0xa6: {  	s4 =	sshll.u32 s26, $0x1;
	_ =	strace $0x80000049;
	[dreg:$0x1] =	wrdreg $0xFFFFFFFF  }
0xa7: {  	s28 =	simm.s32 $_size_execute0_lowered;
	s2 =	sadd.s32 s2, s4;
	[dreg:$0x0] =	wrdreg $0x0  }
0xa8: {  	s4 =	sshll.u32 s28, $0x1;
	[dreg:$0x2] =	wrdreg s2  }
0xa9: {  	[dreg:$0x3] =	wrdreg s4  }
0xaa: {  	[dreg:$0x4] =	wrdreg $0xC0  }
0xab: {  	_ =	task [dreg:s6], $0x5FFFF  }
0xac: {  	[dreg:$0x1] =	wrdreg $0xFFFFFFFF  }
0xad: {  	[dreg:$0x0] =	wrdreg $0x60  }
0xae: {  	[dreg:$0x2] =	wrdreg s24  }
0xaf: {  	[dreg:$0x3] =	wrdreg $0x68000  }
0xb0: {  	[dreg:$0x4] =	wrdreg $0x9  }
0xb1: {  	_ =	task.clear_ibuf [dreg:s6], $0x5FFFF;
	_ =	strace $0x90000049  }
0xb2: {  	s29 =	simm.s32 $0x9;
	_ =	strace $0x8000004B  }
0xb3: {  	_ =	swait.ge [sflag:s29], $0x1  }
0xb4: {  	[sflag:s29] =	ssyncadd.s32 $0xFFFFFFFF  }
0xb5: {  	_ =	strace $0x9000004B  }
0xb6: {  	_ =	sfence  }
0xb7: {  	s30 =	sld [smem:$0x0];
	_ =	sdelay $0x2  }
0xb8: {  	s31 =	sshll.u32 s1, $0xD;
	s1 =	sshrl.u32 s1, $0x2  }
0xb9: {  	s3 =	sand.u32 $0x4000, s31;
	s1 =	sadd.s32 s1, s30  }
0xba: {  	s0 =	sor.u32 s3, s0;
	s1 =	sshll.u32 s1, $0x11  }
0xbb: {  	s0 =	sor.u32 s1, s0  }
0xbc: {  	s0 =	sadd.s32 $0x8F2B, s0  }
0xbd: {  	[sflag:s0] =	ssyncadd.remote.s32 $0x1  }
0xbe: {  	_ =	sfence.sel $0xFFFF  }
0xbf: {  	[dreg:$0x0] =	wrdreg $0xFFFFFFFF;
	(pc) =	sbr.abs _section_cstart, $3  }
0xc0: {  	[dreg:$0x1] =	wrdreg $0xFFFFFFFF  }
0xc1: {  	_ =	task.clear_ibuf [dreg:s6], $0x2FFFF;
	_ =	strace $0x9FFFFFFF  }
0xc2: {  	(tm) =	ssettm $0x7FFFFFFF  }
0xc3: {  	_ =	shalt  }
tec
execute0_lowered:
.L_overlay_start_1:
0x0: {  	(tag) =	ssettag $0x1  }
0x1: {  	s0 =	srdreg.scid;
	s5 =	rddreg [dreg:$0x0]  }
0x2: {  	s12 =	stileid.u32;
	s2 =	rddreg [dreg:$0x1];
	s3 =	simm.s32 $0x0  }
0x3: {  	s11 =	simm.s32 $0x80;
	s13 =	simm.s32 $0x1400;
	s16 =	simm.s32 $0xA  }
0x4: {  	s17 =	simm.s32 $0x3800;
	s18 =	simm.s32 $0x1;
	s20 =	simm.s32 $0x4800  }
0x5: {  	s21 =	simm.s32 $0x2;
	s24 =	simm.s32 $0x5800;
	s25 =	simm.s32 $0x3  }
0x6: {  	s28 =	simm.s32 $0x5;
	s30 =	simm.s32 $0x4;
	s19 =	simm.s32 $0x7  }
0x7: {  	s22 =	simm.s32 $0x8;
	s23 =	simm.s32 $0x0;
	s0 =	sand.u32 $0x1, s0  }
0x8: {  	s7 =	smul.u32 $0x5000, s12;
	[smem:$0x7FF] =	sst s3;
	s4 =	sadd.s32 $0xE600, s5  }
0x9: {  	s31 =	sshll.u32 s12, $0x6;
	s1 =	sshll.u32 s0, $0x4;
	s6 =	smul.u32 $0x50000, s0  }
0xa: {  	_ =	strace $0x8000004A;
	s0 =	ssub.s32 $0x2, s0;
	s14 =	sor.u32 $0x1C0A, s31  }
0xb: {  	s1 =	sor.u32 s12, s1;
	s8 =	sshrl.u32 s7, $0x3;
	s9 =	sshrl.u32 s0, $0x1  }
0xc: {  	s29 =	sadd.s32 s7, s2;
	s12 =	simm.s32 $0x2800;
	s1 =	smul.u32 $0x280, s1  }
.Ltmp0:
0xd: {  	s6 =	sadd.s32 s7, s6;
	s8 =	sadd.s32 s8, s5;
	(pc) =	sbr.rel .LBB2_1-.Ltmp0, $4  }
0xe: {  	s0 =	ssub.s32 s0, s9;
	s15 =	sshrl.u32 s29, $0x3;
	s6 =	sshrl.u32 s6, $0x3  }
0xf: {  	s7 =	sadd.s32 $0x18400, s8;
	s9 =	smax.u32 s0, $0x1;
	s1 =	sadd.s32 s1, s5  }
0x10: {  	s10 =	sadd.s32 s6, s5;
	s5 =	sadd.s32 $0x9600, s1;
	s6 =	sadd.s32 $0x4600, s1  }
0x11: {  	s8 =	sadd.s32 $0x22400, s10;
	s10 =	simm.s32 $0x9;
	s1 =	simm.s32 $0x6  }
.LBB2_4:
0x12: {  	_ =	swait.ge [sflag:s30], $0x1000  }
0x13: {  	[sflag:s30] =	ssyncset.done $0x0  }
0x14: {  	[sflag:s30] =	ssyncadd.s32 $0xFFFFF000  }
0x15: {  	[spmem:s2] =	stream.indirect.scatter.add.f32 [tilespmem:s24], [sflag:$0x8], $0x20, s31, s11, $0xb8;
	[tilespmem:$0xB800] =	vst v63  }
0x16: {  	_ =	swait.ge [sflag:s28], $0x1000  }
0x17: {  	[sflag:s28] =	ssyncset.done $0x0  }
0x18: {  	[sflag:s28] =	ssyncadd.s32 $0xFFFFF000  }
0x19: {  	_ =	swait.ge [sflag:s1], $0x1000  }
0x1a: {  	[sflag:s1] =	ssyncset.done $0x0  }
0x1b: {  	[sflag:s1] =	ssyncadd.s32 $0xFFFFF000  }
0x1c: {  	_ =	swait.ge [sflag:s19], $0x1000  }
0x1d: {  	[sflag:s19] =	ssyncset.done $0x0  }
0x1e: {  	[sflag:s19] =	ssyncadd.s32 $0xFFFFF000  }
0x1f: {  	_ =	swait.ge [sflag:s22], $0x1000  }
0x20: {  	s23 =	sadd.s32 $0x1, s23;
	[sflag:s22] =	ssyncset.done $0x0  }
0x21: {  	p0 =	sne.s32 s23, s9;
	[sflag:s22] =	ssyncadd.s32 $0xFFFFF000  }
.Ltmp1:
0x22: {  	[bflag:$0x0] =	sbarrier.arrive $0xFFFF;
	(pc) =	sbr.rel @!p0 .LBB2_5-.Ltmp1, $4  }
0x23: {  	[hbm:s8], [sflag:s14] =	dma.local [spmem:s15], $0xA00  }
0x24: {  	_ =	swait.ge [sflag:s16], $0xA00  }
0x25: {  	[sflag:s16] =	ssyncset.done $0x0  }
0x26: {  	[sflag:s16] =	ssyncadd.s32 $0xFFFFF600  }
.LBB2_1:
0x27: {  	[tilespmem:s3], [sflag:$0x9] =	stream.linear.gather [hbm4b:s5+s3], $0x1400, $0x38;
	[tilespmem:$0xB800] =	vst v63  }
0x28: {  	_ =	swait.ge [sflag:s10], $0x1400  }
0x29: {  	[sflag:s10] =	ssyncset.done $0x0  }
0x2a: {  	[sflag:s10] =	ssyncadd.s32 $0xFFFFEC00  }
0x2b: {  	[tilespmem:s12], [sflag:$0x1] =	stream.indirect.gather [hbm4b:s4+s11], $0x20, s3, s11, $0xb8;
	[tilespmem:$0xB800] =	vst v63  }
0x2c: {  	_ = 	snop  }
0x2d: {  	[tilespmem:s13], [sflag:$0x9] =	stream.linear.gather [hbm4b:s6+s3], $0x1400, $0x38;
	[tilespmem:$0xB800] =	vst v63  }
0x2e: {  	[spmem:s15], [sflag:s14] =	dma.local [hbm:s7], $0xA00  }
0x2f: {  	_ =	swait.ge [sflag:s16], $0xA00  }
0x30: {  	[sflag:s16] =	ssyncset.done $0x0  }
0x31: {  	[sflag:s16] =	ssyncadd.s32 $0xFFFFF600  }
0x32: {  	_ =	swait.ge [sflag:s10], $0x1400  }
0x33: {  	[sflag:s10] =	ssyncset.done $0x0  }
0x34: {  	[sflag:s10] =	ssyncadd.s32 $0xFFFFEC00  }
0x35: {  	[tilespmem:s17], [sflag:$0x2] =	stream.indirect.gather [hbm4b:s4+s11], $0x20, s11, s11, $0xb8;
	[tilespmem:$0xB800] =	vst v63  }
0x36: {  	[bflag:$0x0] =	sbarrier.arrive $0xFFFF  }
0x37: {  	_ =	swait.ge [sflag:s18], $0x1000  }
0x38: {  	[sflag:s18] =	ssyncset.done $0x0  }
0x39: {  	[sflag:s18] =	ssyncadd.s32 $0xFFFFF000  }
0x3a: {  	[spmem:s2] =	stream.indirect.scatter.add.f32 [tilespmem:s12], [sflag:$0x5], $0x20, s13, s11, $0xb8;
	[tilespmem:$0xB800] =	vst v63  }
0x3b: {  	s0 =	simm.s32 $0x100  }
0x3c: {  	[tilespmem:s20], [sflag:$0x3] =	stream.indirect.gather [hbm4b:s4+s11], $0x20, s0, s11, $0xb8;
	[tilespmem:$0xB800] =	vst v63  }
0x3d: {  	_ =	swait.ge [sflag:s21], $0x1000  }
0x3e: {  	[sflag:s21] =	ssyncset.done $0x0  }
0x3f: {  	s26 =	simm.s32 $0x1480;
	[sflag:s21] =	ssyncadd.s32 $0xFFFFF000  }
0x40: {  	[spmem:s2] =	stream.indirect.scatter.add.f32 [tilespmem:s17], [sflag:$0x6], $0x20, s26, s11, $0xb8;
	[tilespmem:$0xB800] =	vst v63  }
0x41: {  	s29 =	simm.s32 $0x180  }
0x42: {  	[tilespmem:s24], [sflag:$0x4] =	stream.indirect.gather [hbm4b:s4+s11], $0x20, s29, s11, $0xb8;
	[tilespmem:$0xB800] =	vst v63  }
0x43: {  	_ =	swait.ge [sflag:s25], $0x1000  }
0x44: {  	[sflag:s25] =	ssyncset.done $0x0  }
0x45: {  	s31 =	simm.s32 $0x1500;
	[sflag:s25] =	ssyncadd.s32 $0xFFFFF000  }
0x46: {  	[spmem:s2] =	stream.indirect.scatter.add.f32 [tilespmem:s20], [sflag:$0x7], $0x20, s31, s11, $0xb8;
	[tilespmem:$0xB800] =	vst v63  }
0x47: {  	_ =	swait.ge [sflag:s28], $0x1000  }
0x48: {  	[sflag:s28] =	ssyncset.done $0x0  }
0x49: {  	s26 =	simm.s32 $0x200;
	[sflag:s28] =	ssyncadd.s32 $0xFFFFF000  }
0x4a: {  	[tilespmem:s12], [sflag:$0x1] =	stream.indirect.gather [hbm4b:s4+s11], $0x20, s26, s11, $0xb8;
	[tilespmem:$0xB800] =	vst v63  }
0x4b: {  	_ =	swait.ge [sflag:s30], $0x1000  }
0x4c: {  	[sflag:s30] =	ssyncset.done $0x0  }
0x4d: {  	s29 =	simm.s32 $0x1580;
	[sflag:s30] =	ssyncadd.s32 $0xFFFFF000  }
0x4e: {  	[spmem:s2] =	stream.indirect.scatter.add.f32 [tilespmem:s24], [sflag:$0x8], $0x20, s29, s11, $0xb8;
	[tilespmem:$0xB800] =	vst v63  }
0x4f: {  	_ =	swait.ge [sflag:s1], $0x1000  }
0x50: {  	[sflag:s1] =	ssyncset.done $0x0  }
0x51: {  	s31 =	simm.s32 $0x280;
	s26 =	simm.s32 $0x0;
	[sflag:s1] =	ssyncadd.s32 $0xFFFFF000  }
0x52: {  	[tilespmem:s17], [sflag:$0x2] =	stream.indirect.gather [hbm4b:s4+s11], $0x20, s31, s11, $0xb8;
	[tilespmem:$0xB800] =	vst v63  }
.LBB2_2:
0x53: {  	_ =	swait.ge [sflag:s18], $0x1000  }
0x54: {  	s29 =	sshra.s32 s26, $0x2;
	[sflag:s18] =	ssyncset.done $0x0  }
0x55: {  	s31 =	sadd.s32 $0x1600, s29;
	[sflag:s18] =	ssyncadd.s32 $0xFFFFF000  }
0x56: {  	[spmem:s2] =	stream.indirect.scatter.add.f32 [tilespmem:s12], [sflag:$0x5], $0x20, s31, s11, $0xb8;
	[tilespmem:$0xB800] =	vst v63  }
0x57: {  	_ =	swait.ge [sflag:s19], $0x1000  }
0x58: {  	[sflag:s19] =	ssyncset.done $0x0  }
0x59: {  	s31 =	sadd.s32 $0x300, s29;
	[sflag:s19] =	ssyncadd.s32 $0xFFFFF000  }
0x5a: {  	[tilespmem:s20], [sflag:$0x3] =	stream.indirect.gather [hbm4b:s4+s11], $0x20, s31, s11, $0xb8;
	[tilespmem:$0xB800] =	vst v63  }
0x5b: {  	_ =	swait.ge [sflag:s21], $0x1000  }
0x5c: {  	[sflag:s21] =	ssyncset.done $0x0  }
0x5d: {  	s31 =	sadd.s32 $0x1680, s29;
	[sflag:s21] =	ssyncadd.s32 $0xFFFFF000  }
0x5e: {  	[spmem:s2] =	stream.indirect.scatter.add.f32 [tilespmem:s17], [sflag:$0x6], $0x20, s31, s11, $0xb8;
	[tilespmem:$0xB800] =	vst v63  }
0x5f: {  	_ =	swait.ge [sflag:s22], $0x1000  }
0x60: {  	[sflag:s22] =	ssyncset.done $0x0  }
0x61: {  	p0 =	seq.s32 s26, $0x4000;
	s31 =	sadd.s32 $0x380, s29;
	[sflag:s22] =	ssyncadd.s32 $0xFFFFF000  }
0x62: {  	[tilespmem:s24], [sflag:$0x4] =	stream.indirect.gather [hbm4b:s4+s11], $0x20, s31, s11, $0xb8;
	[tilespmem:$0xB800] =	vst v63  }
.Ltmp2:
0x63: {  	_ =	swait.ge [sflag:s25], $0x1000;
	(pc) =	sbr.rel @p0 .LBB2_4-.Ltmp2, $4  }
0x64: {  	[sflag:s25] =	ssyncset.done $0x0  }
0x65: {  	s31 =	sadd.s32 $0x1700, s29;
	[sflag:s25] =	ssyncadd.s32 $0xFFFFF000  }
0x66: {  	[spmem:s2] =	stream.indirect.scatter.add.f32 [tilespmem:s20], [sflag:$0x7], $0x20, s31, s11, $0xb8;
	[tilespmem:$0xB800] =	vst v63  }
0x67: {  	s31 =	sadd.s32 $0x1780, s29  }
0x68: {  	_ =	swait.ge [sflag:s28], $0x1000  }
0x69: {  	[sflag:s28] =	ssyncset.done $0x0  }
0x6a: {  	s0 =	sadd.s32 $0x400, s29;
	[sflag:s28] =	ssyncadd.s32 $0xFFFFF000  }
0x6b: {  	[tilespmem:s12], [sflag:$0x1] =	stream.indirect.gather [hbm4b:s4+s11], $0x20, s0, s11, $0xb8;
	[tilespmem:$0xB800] =	vst v63  }
0x6c: {  	_ =	swait.ge [sflag:s30], $0x1000  }
0x6d: {  	[sflag:s30] =	ssyncset.done $0x0  }
0x6e: {  	[sflag:s30] =	ssyncadd.s32 $0xFFFFF000  }
0x6f: {  	[spmem:s2] =	stream.indirect.scatter.add.f32 [tilespmem:s24], [sflag:$0x8], $0x20, s31, s11, $0xb8;
	[tilespmem:$0xB800] =	vst v63  }
.Ltmp3:
0x70: {  	_ = 	snop;
	(pc) =	sbr.rel .LBB2_2-.Ltmp3, $4  }
0x71: {  	_ =	swait.ge [sflag:s1], $0x1000  }
0x72: {  	[sflag:s1] =	ssyncset.done $0x0  }
0x73: {  	s26 =	sadd.s32 $0x800, s26;
	s31 =	sadd.s32 $0x480, s29;
	[sflag:s1] =	ssyncadd.s32 $0xFFFFF000  }
0x74: {  	[tilespmem:s17], [sflag:$0x2] =	stream.indirect.gather [hbm4b:s4+s11], $0x20, s31, s11, $0xb8;
	[tilespmem:$0xB800] =	vst v63  }
.LBB2_5:
0x75: {  	_ =	sfence.sel $0x180000  }
0x76: {  	[bflag:$0x0] =	sbarrier.arrive $0xFFFF  }
0x77: {  	_ =	strace $0x9000004A  }
0x78: {  	s0 =	stileid.u32;
	[bflag:$0x2] =	sbarrier.arrive $0xFFFF  }
0x79: {  	p0 =	sne.s32 s0, $0x0;
	s0 =	rddreg [dreg:$0x2]  }
0x7a: {  	s0 =	sadd.s32 @!p0 $0x100000, s0  }
0x7b: {  	[sflag:s0] =	ssyncadd.tile.s32 @!p0 $0x1;
	_ =	shalt  }
.Lfunc_end2:
_tile_overlayer_lowered:
.L_overlay_start_2:
0x7c: {  	(tag) =	ssettag $0x2  }
0x7d: {  	s0 =	rddreg [dreg:$0x0];
	s2 =	stileid.u32  }
0x7e: {  	s1 =	rddreg [dreg:$0x1];
	p0 =	sne.s32 s2, $0x0  }
0x7f: {  	s3 =	rddreg [dreg:$0x2];
	[bflag:$0x3] =	sbarrier.arrive $0xFFFF;
	s2 =	simm.s32 @!p0 $0x1C0A  }
0x80: {  	[timem:s3], [sflag:s2] =	dma.local @!p0 [hbm:s0], s1  }
0x81: {  	s0 =	simm.s32 @!p0 $0xA  }
0x82: {  	_ =	swait.ge @!p0 [sflag:s0], s1  }
0x83: {  	s1 =	ssub.s32 @!p0 $0x0, s1;
	[sflag:s0] =	ssyncset.done @!p0 $0x0  }
0x84: {  	[sflag:s0] =	ssyncadd.s32 @!p0 s1  }
0x85: {  	[bflag:$0x3] =	sbarrier.arrive $0xFFFF  }
0x86: {  	_ =	shalt  }

// kernel: kernel.22.cloned.1.call-start
scs
__scs_entry_jumppad:
0x0: {  	(pc) =	sbr.rel $0x88, $3  }
0x1: {  	(tag) =	ssettag $0x0;
	lr =	simm.s32 $0x1  }
0x2: {  	[smem:$0x3F8E] =	sst lr;
	_ =	strace $0xD0000000  }
0x3: {  	_ = 	snop  }
0x4: {  	_ = 	snop  }
0x5: {  	_ = 	snop  }
0x6: {  	_ = 	snop  }
0x7: {  	_ = 	snop  }
__scs_overlays_trampoline_lowered:
0x8: {  	[smem:$0x3F9D] =	sst s0  }
0x9: {  	[smem:$0x3F9E] =	sst s1  }
0xa: {  	[smem:$0x3F9F] =	sst s2  }
0xb: {  	[smem:$0x3FA0] =	sst s3  }
0xc: {  	[smem:$0x3FA1] =	sst s4  }
0xd: {  	[smem:$0x3FA2] =	sst s5  }
0xe: {  	[smem:$0x3FA3] =	sst s6  }
0xf: {  	[smem:$0x3FA4] =	sst s7  }
0x10: {  	[smem:$0x3FA5] =	sst s8  }
0x11: {  	[smem:$0x3FA6] =	sst s9;
	s0 =	simm.s32 @!p0 $0x0  }
0x12: {  	s1 =	sld [smem:$0x3F8C];
	s0 =	simm.s32 @p0 $0x1  }
0x13: {  	[smem:$0x3FA7] =	sst s0;
	s0 =	simm.s32 @!p1 $0x0  }
0x14: {  	s2 =	sld [smem:$0x3F8B];
	s0 =	simm.s32 @p1 $0x1  }
0x15: {  	[smem:$0x3FA8] =	sst s0;
	s0 =	simm.s32 @!p2 $0x0  }
0x16: {  	s3 =	sld [smem:$0x3FDB];
	s0 =	simm.s32 @p2 $0x1  }
0x17: {  	s4 =	simm.s32 $0x1BF5;
	[smem:$0x3FAA] =	sst s0  }
0x18: {  	s0 =	sld [smem:$0x3F8D];
	_ =	swait.ge [sflag:s4], $0x0  }
0x19: {  	s7 =	sld [smem:$0x3F8E]  }
0x1a: {  	s8 =	sadd.s32 $0xFFFFE003, lr  }
0x1b: {  	s9 =	sadd.s32 $0xFFFFFEF7, lr;
	s5 =	simm.s32 $0xFFFFFFFF;
	p2 =	slt.u32 s8, $0xFFFFF086  }
0x1c: {  	p1 =	slt.u32 s9, $0xF7A;
	s5 =	simm.s32 @!p2 $0x0  }
0x1d: {  	s5 =	simm.s32 @p1 $0x1;
	p0 =	seq.s32 s7, s2  }
0x1e: {  	s7 =	smul.u32 @!p0 $0xF7A, s2;
	p2 =	seq.s32 @!p0 s5, $0x0  }
0x1f: {  	s9 =	smul.u32 $0xF7A, s1;
	s8 =	simm.s32 @!p0 $0x1BF5;
	p2 =	por !p2, p0  }
0x20: {  	[sflag:s8] =	ssyncset.s32 @!p0 $0xFFFFF086;
	s6 =	sadd.s32 @!p0 s3, s7;
	s7 =	simm.s32 @!p0 $0x108  }
0x21: {  	s3 =	sadd.s32 s3, s9;
	s6 =	sadd.s32 @!p0 $0x88, s6;
	s7 =	simm.s32 @p2 $0x1082  }
0x22: {  	[simem:s7], [sflag:s8] =	dma.local @!p0 [hbm:s6], $0xF7A  }
0x23: {  	s9 =	sor.u32 $0xD0000000, s2;
	s6 =	simm.s32 $0x108;
	_ =	swait.ge @!p0 [sflag:s8], $0x0  }
0x24: {  	s3 =	sadd.s32 $0x88, s3;
	s6 =	simm.s32 @!p1 $0x1082;
	[sflag:s4] =	ssyncset.s32 $0xFFFFF086  }
0x25: {  	[simem:s6], [sflag:s4] =	dma.local [hbm:s3], $0xF7A  }
0x26: {  	[smem:$0x3F8E] =	sst s1;
	(tag) =	ssettag s2;
	_ =	strace s9  }
0x27: {  	s1 =	sld [smem:$0x3F9E]  }
0x28: {  	s2 =	sld [smem:$0x3F9F]  }
0x29: {  	s4 =	sld [smem:$0x3FA1]  }
0x2a: {  	p0 =	seq.s32 s5, $0x0;
	s5 =	sld [smem:$0x3FA2]  }
0x2b: {  	s6 =	sld [smem:$0x3FA3]  }
0x2c: {  	s7 =	sld [smem:$0x3FA4]  }
0x2d: {  	s3 =	simm.s32 $0x108;
	s8 =	sld [smem:$0x3FA5]  }
0x2e: {  	s3 =	simm.s32 @!p0 $0x1082;
	s9 =	sld [smem:$0x3FA6]  }
0x2f: {  	lr =	sadd.s32 s0, s3;
	s0 =	sld [smem:$0x3F9D]  }
0x30: {  	s3 =	sld [smem:$0x3FA0]  }
0x31: {  	[smem:$0x3FA9] =	sst s10  }
0x32: {  	s10 =	sld [smem:$0x3FA7];
	_ =	sdelay $0x3  }
0x33: {  	p0 =	seq.s32 s10, $0x1;
	s10 =	sld [smem:$0x3FA9];
	_ =	sdelay $0x3  }
0x34: {  	[smem:$0x3FA9] =	sst s10  }
0x35: {  	s10 =	sld [smem:$0x3FA8];
	_ =	sdelay $0x3  }
0x36: {  	p1 =	seq.s32 s10, $0x1;
	s10 =	sld [smem:$0x3FA9];
	_ =	sdelay $0x3  }
0x37: {  	[smem:$0x3FA9] =	sst s10  }
0x38: {  	s10 =	sld [smem:$0x3FAA]  }
0x39: {  	_ = 	snop;
	(pc) =	sbr.ind lr, $3  }
0x3a: {  	_ = 	snop  }
0x3b: {  	_ = 	snop  }
0x3c: {  	p2 =	seq.s32 s10, $0x1;
	s10 =	sld [smem:$0x3FA9]  }
0x3d: {  	_ =	shalt  }
0x3e: {  	_ =	shalt  }
0x3f: {  	_ =	shalt  }
0x40: {  	_ =	shalt  }
0x41: {  	_ =	shalt  }
0x42: {  	_ =	shalt  }
0x43: {  	_ =	shalt  }
0x44: {  	_ =	shalt  }
0x45: {  	_ =	shalt  }
0x46: {  	_ =	shalt  }
0x47: {  	_ =	shalt  }
0x48: {  	_ =	shalt  }
0x49: {  	_ =	shalt  }
0x4a: {  	_ =	shalt  }
0x4b: {  	_ =	shalt  }
0x4c: {  	_ =	shalt  }
0x4d: {  	_ =	shalt  }
0x4e: {  	_ =	shalt  }
0x4f: {  	_ =	shalt  }
0x50: {  	_ =	shalt  }
0x51: {  	_ =	shalt  }
0x52: {  	_ =	shalt  }
0x53: {  	_ =	shalt  }
0x54: {  	_ =	shalt  }
0x55: {  	_ =	shalt  }
0x56: {  	_ =	shalt  }
0x57: {  	_ =	shalt  }
0x58: {  	_ =	shalt  }
0x59: {  	_ =	shalt  }
0x5a: {  	_ =	shalt  }
0x5b: {  	_ =	shalt  }
0x5c: {  	_ =	shalt  }
0x5d: {  	_ =	shalt  }
0x5e: {  	_ =	shalt  }
0x5f: {  	_ =	shalt  }
0x60: {  	_ =	shalt  }
0x61: {  	_ =	shalt  }
0x62: {  	_ =	shalt  }
0x63: {  	_ =	shalt  }
0x64: {  	_ =	shalt  }
0x65: {  	_ =	shalt  }
0x66: {  	_ =	shalt  }
0x67: {  	_ =	shalt  }
0x68: {  	_ =	shalt  }
0x69: {  	_ =	shalt  }
0x6a: {  	_ =	shalt  }
0x6b: {  	_ =	shalt  }
0x6c: {  	_ =	shalt  }
0x6d: {  	_ =	shalt  }
0x6e: {  	_ =	shalt  }
0x6f: {  	_ =	shalt  }
0x70: {  	_ =	shalt  }
0x71: {  	_ =	shalt  }
0x72: {  	_ =	shalt  }
0x73: {  	_ =	shalt  }
0x74: {  	_ =	shalt  }
0x75: {  	_ =	shalt  }
0x76: {  	_ =	shalt  }
0x77: {  	_ =	shalt  }
0x78: {  	_ =	shalt  }
0x79: {  	_ =	shalt  }
0x7a: {  	_ =	shalt  }
0x7b: {  	_ =	shalt  }
0x7c: {  	_ =	shalt  }
0x7d: {  	_ =	shalt  }
0x7e: {  	_ =	shalt  }
0x7f: {  	_ =	shalt  }
0x80: {  	_ =	shalt  }
0x81: {  	_ =	shalt  }
0x82: {  	_ =	shalt  }
0x83: {  	_ =	shalt  }
0x84: {  	_ =	shalt  }
0x85: {  	_ =	shalt  }
0x86: {  	_ =	shalt  }
0x87: {  	_ =	shalt  }
.Lfunc_end0:
.L_simem_size_0:
called_computation.2_lowered:
.L_overlay_start_0:
0x88: {  	s2 =	sld [smem:$0x3FD9]  }
0x89: {  	s3 =	sld [smem:$0x3FFE];
	_ =	sdelay $0x1  }
0x8a: {  	s1 =	srdreg.scid  }
0x8b: {  	s0 =	sand.u32 $0x1, s1  }
0x8c: {  	s16 =	sshll.u32 s0, $0xA;
	s2 =	sadd.s32 s3, s2  }
0x8d: {  	s2 =	sadd.s32 s2, s16  }
0x8e: {  	[smem:$0x3FB5] =	sst s2  }
0x8f: {  	_ = 	snop  }
0x90: {  	(tm) =	ssettm $0x1  }
0x91: {  	s17 =	sld [smem:$0x3FFB];
	_ =	sdelay $0x3  }
0x92: {  	_ =	strace s17  }
0x93: {  	s2 =	sld [smem:$0x3FFC];
	_ =	sdelay $0x3  }
0x94: {  	_ =	strace s2  }
0x95: {  	s2 =	sld [smem:$0x3FFD];
	_ =	sdelay $0x3  }
0x96: {  	_ =	strace s2  }
0x97: {  	_ =	strace $0x8FFFFFFF  }
0x98: {  	s18 =	sld [smem:$0x3FDB];
	_ =	sdelay $0x1  }
0x99: {  	s19 =	simm.s32 $_scs_section_size  }
0x9a: {  	s4 =	simm.s32 $_size__tile_overlayer_lowered;
	s5 =	simm.s32 $_tile_overlayer_lowered  }
0x9b: {  	s22 =	simm.s32 $0x1BFF;
	s21 =	sshll.u32 s5, $0x1;
	s2 =	sadd.s32 s19, s18  }
0x9c: {  	s6 =	simm.s32 $0x0;
	s20 =	sshll.u32 s4, $0x1;
	s4 =	sadd.s32 s21, s2  }
0x9d: {  	[timem:s6], [sflag:s22] =	dma.local [hbm:s4], s20  }
0x9e: {  	_ =	swait.ge [sflag:s22], s20  }
0x9f: {  	s3 =	ssub.s32 $0x0, s20;
	[sflag:s22] =	ssyncset.done $0x0  }
0xa0: {  	[sflag:s22] =	ssyncadd.s32 s3;
	_ =	sdelay $0x1  }
0xa1: {  	s23 =	simm.s32 $0x1B8B  }
0xa2: {  	_ =	swait.ge [sflag:s23], $0x1  }
0xa3: {  	[sflag:s23] =	ssyncset.done $0x0  }
0xa4: {  	s25 =	simm.s32 $0x1B8E;
	s24 =	sld [smem:$0x3FFE];
	[sflag:s23] =	ssyncadd.s32 $0xFFFFFFFF  }
0xa5: {  	s26 =	simm.s32 $execute0_lowered;
	[smem:$0x3FD2] =	sst s25  }
0xa6: {  	s4 =	sshll.u32 s26, $0x1;
	_ =	strace $0x8000004C;
	[dreg:$0x1] =	wrdreg $0xFFFFFFFF  }
0xa7: {  	s28 =	simm.s32 $_size_execute0_lowered;
	s2 =	sadd.s32 s2, s4;
	[dreg:$0x0] =	wrdreg $0x0  }
0xa8: {  	s4 =	sshll.u32 s28, $0x1;
	[dreg:$0x2] =	wrdreg s2  }
0xa9: {  	[dreg:$0x3] =	wrdreg s4  }
0xaa: {  	[dreg:$0x4] =	wrdreg $0xC0  }
0xab: {  	_ =	task [dreg:s6], $0x5FFFF  }
0xac: {  	[dreg:$0x1] =	wrdreg $0xFFFFFFFF  }
0xad: {  	[dreg:$0x0] =	wrdreg $0x60  }
0xae: {  	[dreg:$0x2] =	wrdreg s24  }
0xaf: {  	[dreg:$0x3] =	wrdreg $0x68000  }
0xb0: {  	[dreg:$0x4] =	wrdreg $0x9  }
0xb1: {  	_ =	task.clear_ibuf [dreg:s6], $0x5FFFF;
	_ =	strace $0x9000004C  }
0xb2: {  	s29 =	simm.s32 $0x9;
	_ =	strace $0x8000004E  }
0xb3: {  	_ =	swait.ge [sflag:s29], $0x1  }
0xb4: {  	[sflag:s29] =	ssyncadd.s32 $0xFFFFFFFF  }
0xb5: {  	_ =	strace $0x9000004E  }
0xb6: {  	_ =	sfence  }
0xb7: {  	s30 =	sld [smem:$0x0];
	_ =	sdelay $0x2  }
0xb8: {  	s31 =	sshll.u32 s1, $0xD;
	s1 =	sshrl.u32 s1, $0x2  }
0xb9: {  	s3 =	sand.u32 $0x4000, s31;
	s1 =	sadd.s32 s1, s30  }
0xba: {  	s0 =	sor.u32 s3, s0;
	s1 =	sshll.u32 s1, $0x11  }
0xbb: {  	s0 =	sor.u32 s1, s0  }
0xbc: {  	s0 =	sadd.s32 $0x8F2B, s0  }
0xbd: {  	[sflag:s0] =	ssyncadd.remote.s32 $0x1  }
0xbe: {  	_ =	sfence.sel $0xFFFF  }
0xbf: {  	[dreg:$0x0] =	wrdreg $0xFFFFFFFF;
	(pc) =	sbr.abs _section_cstart, $3  }
0xc0: {  	[dreg:$0x1] =	wrdreg $0xFFFFFFFF  }
0xc1: {  	_ =	task.clear_ibuf [dreg:s6], $0x2FFFF;
	_ =	strace $0x9FFFFFFF  }
0xc2: {  	(tm) =	ssettm $0x7FFFFFFF  }
0xc3: {  	_ =	shalt  }
tec
execute0_lowered:
.L_overlay_start_1:
0x0: {  	(tag) =	ssettag $0x1  }
0x1: {  	s0 =	srdreg.scid;
	s5 =	rddreg [dreg:$0x0]  }
0x2: {  	s12 =	stileid.u32;
	s2 =	rddreg [dreg:$0x1];
	s3 =	simm.s32 $0x0  }
0x3: {  	s11 =	simm.s32 $0x80;
	s13 =	simm.s32 $0x1400;
	s16 =	simm.s32 $0xA  }
0x4: {  	s17 =	simm.s32 $0x3800;
	s18 =	simm.s32 $0x1;
	s20 =	simm.s32 $0x4800  }
0x5: {  	s21 =	simm.s32 $0x2;
	s24 =	simm.s32 $0x5800;
	s25 =	simm.s32 $0x3  }
0x6: {  	s28 =	simm.s32 $0x5;
	s30 =	simm.s32 $0x4;
	s19 =	simm.s32 $0x7  }
0x7: {  	s22 =	simm.s32 $0x8;
	s23 =	simm.s32 $0x0;
	s0 =	sand.u32 $0x1, s0  }
0x8: {  	s7 =	smul.u32 $0x5000, s12;
	[smem:$0x7FF] =	sst s3;
	s4 =	sadd.s32 $0xE600, s5  }
0x9: {  	s31 =	sshll.u32 s12, $0x6;
	s1 =	sshll.u32 s0, $0x4;
	s6 =	smul.u32 $0x50000, s0  }
0xa: {  	_ =	strace $0x8000004D;
	s0 =	ssub.s32 $0x2, s0;
	s14 =	sor.u32 $0x1C0A, s31  }
0xb: {  	s1 =	sor.u32 s12, s1;
	s8 =	sshrl.u32 s7, $0x3;
	s9 =	sshrl.u32 s0, $0x1  }
0xc: {  	s29 =	sadd.s32 s7, s2;
	s12 =	simm.s32 $0x2800;
	s1 =	smul.u32 $0x280, s1  }
.Ltmp0:
0xd: {  	s6 =	sadd.s32 s7, s6;
	s8 =	sadd.s32 s8, s5;
	(pc) =	sbr.rel .LBB2_1-.Ltmp0, $4  }
0xe: {  	s0 =	ssub.s32 s0, s9;
	s15 =	sshrl.u32 s29, $0x3;
	s6 =	sshrl.u32 s6, $0x3  }
0xf: {  	s7 =	sadd.s32 $0x18400, s8;
	s9 =	smax.u32 s0, $0x1;
	s1 =	sadd.s32 s1, s5  }
0x10: {  	s10 =	sadd.s32 s6, s5;
	s5 =	sadd.s32 $0x9600, s1;
	s6 =	sadd.s32 $0x4600, s1  }
0x11: {  	s8 =	sadd.s32 $0x22400, s10;
	s10 =	simm.s32 $0x9;
	s1 =	simm.s32 $0x6  }
.LBB2_4:
0x12: {  	_ =	swait.ge [sflag:s30], $0x1000  }
0x13: {  	[sflag:s30] =	ssyncset.done $0x0  }
0x14: {  	[sflag:s30] =	ssyncadd.s32 $0xFFFFF000  }
0x15: {  	[spmem:s2] =	stream.indirect.scatter.add.f32 [tilespmem:s24], [sflag:$0x8], $0x20, s31, s11, $0xb8;
	[tilespmem:$0xB800] =	vst v63  }
0x16: {  	_ =	swait.ge [sflag:s28], $0x1000  }
0x17: {  	[sflag:s28] =	ssyncset.done $0x0  }
0x18: {  	[sflag:s28] =	ssyncadd.s32 $0xFFFFF000  }
0x19: {  	_ =	swait.ge [sflag:s1], $0x1000  }
0x1a: {  	[sflag:s1] =	ssyncset.done $0x0  }
0x1b: {  	[sflag:s1] =	ssyncadd.s32 $0xFFFFF000  }
0x1c: {  	_ =	swait.ge [sflag:s19], $0x1000  }
0x1d: {  	[sflag:s19] =	ssyncset.done $0x0  }
0x1e: {  	[sflag:s19] =	ssyncadd.s32 $0xFFFFF000  }
0x1f: {  	_ =	swait.ge [sflag:s22], $0x1000  }
0x20: {  	s23 =	sadd.s32 $0x1, s23;
	[sflag:s22] =	ssyncset.done $0x0  }
0x21: {  	p0 =	sne.s32 s23, s9;
	[sflag:s22] =	ssyncadd.s32 $0xFFFFF000  }
.Ltmp1:
0x22: {  	[bflag:$0x0] =	sbarrier.arrive $0xFFFF;
	(pc) =	sbr.rel @!p0 .LBB2_5-.Ltmp1, $4  }
0x23: {  	[hbm:s8], [sflag:s14] =	dma.local [spmem:s15], $0xA00  }
0x24: {  	_ =	swait.ge [sflag:s16], $0xA00  }
0x25: {  	[sflag:s16] =	ssyncset.done $0x0  }
0x26: {  	[sflag:s16] =	ssyncadd.s32 $0xFFFFF600  }
.LBB2_1:
0x27: {  	[tilespmem:s3], [sflag:$0x9] =	stream.linear.gather [hbm4b:s5+s3], $0x1400, $0x38;
	[tilespmem:$0xB800] =	vst v63  }
0x28: {  	_ =	swait.ge [sflag:s10], $0x1400  }
0x29: {  	[sflag:s10] =	ssyncset.done $0x0  }
0x2a: {  	[sflag:s10] =	ssyncadd.s32 $0xFFFFEC00  }
0x2b: {  	[tilespmem:s12], [sflag:$0x1] =	stream.indirect.gather [hbm4b:s4+s11], $0x20, s3, s11, $0xb8;
	[tilespmem:$0xB800] =	vst v63  }
0x2c: {  	_ = 	snop  }
0x2d: {  	[tilespmem:s13], [sflag:$0x9] =	stream.linear.gather [hbm4b:s6+s3], $0x1400, $0x38;
	[tilespmem:$0xB800] =	vst v63  }
0x2e: {  	[spmem:s15], [sflag:s14] =	dma.local [hbm:s7], $0xA00  }
0x2f: {  	_ =	swait.ge [sflag:s16], $0xA00  }
0x30: {  	[sflag:s16] =	ssyncset.done $0x0  }
0x31: {  	[sflag:s16] =	ssyncadd.s32 $0xFFFFF600  }
0x32: {  	_ =	swait.ge [sflag:s10], $0x1400  }
0x33: {  	[sflag:s10] =	ssyncset.done $0x0  }
0x34: {  	[sflag:s10] =	ssyncadd.s32 $0xFFFFEC00  }
0x35: {  	[tilespmem:s17], [sflag:$0x2] =	stream.indirect.gather [hbm4b:s4+s11], $0x20, s11, s11, $0xb8;
	[tilespmem:$0xB800] =	vst v63  }
0x36: {  	[bflag:$0x0] =	sbarrier.arrive $0xFFFF  }
0x37: {  	_ =	swait.ge [sflag:s18], $0x1000  }
0x38: {  	[sflag:s18] =	ssyncset.done $0x0  }
0x39: {  	[sflag:s18] =	ssyncadd.s32 $0xFFFFF000  }
0x3a: {  	[spmem:s2] =	stream.indirect.scatter.add.f32 [tilespmem:s12], [sflag:$0x5], $0x20, s13, s11, $0xb8;
	[tilespmem:$0xB800] =	vst v63  }
0x3b: {  	s0 =	simm.s32 $0x100  }
0x3c: {  	[tilespmem:s20], [sflag:$0x3] =	stream.indirect.gather [hbm4b:s4+s11], $0x20, s0, s11, $0xb8;
	[tilespmem:$0xB800] =	vst v63  }
0x3d: {  	_ =	swait.ge [sflag:s21], $0x1000  }
0x3e: {  	[sflag:s21] =	ssyncset.done $0x0  }
0x3f: {  	s26 =	simm.s32 $0x1480;
	[sflag:s21] =	ssyncadd.s32 $0xFFFFF000  }
0x40: {  	[spmem:s2] =	stream.indirect.scatter.add.f32 [tilespmem:s17], [sflag:$0x6], $0x20, s26, s11, $0xb8;
	[tilespmem:$0xB800] =	vst v63  }
0x41: {  	s29 =	simm.s32 $0x180  }
0x42: {  	[tilespmem:s24], [sflag:$0x4] =	stream.indirect.gather [hbm4b:s4+s11], $0x20, s29, s11, $0xb8;
	[tilespmem:$0xB800] =	vst v63  }
0x43: {  	_ =	swait.ge [sflag:s25], $0x1000  }
0x44: {  	[sflag:s25] =	ssyncset.done $0x0  }
0x45: {  	s31 =	simm.s32 $0x1500;
	[sflag:s25] =	ssyncadd.s32 $0xFFFFF000  }
0x46: {  	[spmem:s2] =	stream.indirect.scatter.add.f32 [tilespmem:s20], [sflag:$0x7], $0x20, s31, s11, $0xb8;
	[tilespmem:$0xB800] =	vst v63  }
0x47: {  	_ =	swait.ge [sflag:s28], $0x1000  }
0x48: {  	[sflag:s28] =	ssyncset.done $0x0  }
0x49: {  	s26 =	simm.s32 $0x200;
	[sflag:s28] =	ssyncadd.s32 $0xFFFFF000  }
0x4a: {  	[tilespmem:s12], [sflag:$0x1] =	stream.indirect.gather [hbm4b:s4+s11], $0x20, s26, s11, $0xb8;
	[tilespmem:$0xB800] =	vst v63  }
0x4b: {  	_ =	swait.ge [sflag:s30], $0x1000  }
0x4c: {  	[sflag:s30] =	ssyncset.done $0x0  }
0x4d: {  	s29 =	simm.s32 $0x1580;
	[sflag:s30] =	ssyncadd.s32 $0xFFFFF000  }
0x4e: {  	[spmem:s2] =	stream.indirect.scatter.add.f32 [tilespmem:s24], [sflag:$0x8], $0x20, s29, s11, $0xb8;
	[tilespmem:$0xB800] =	vst v63  }
0x4f: {  	_ =	swait.ge [sflag:s1], $0x1000  }
0x50: {  	[sflag:s1] =	ssyncset.done $0x0  }
0x51: {  	s31 =	simm.s32 $0x280;
	s26 =	simm.s32 $0x0;
	[sflag:s1] =	ssyncadd.s32 $0xFFFFF000  }
0x52: {  	[tilespmem:s17], [sflag:$0x2] =	stream.indirect.gather [hbm4b:s4+s11], $0x20, s31, s11, $0xb8;
	[tilespmem:$0xB800] =	vst v63  }
.LBB2_2:
0x53: {  	_ =	swait.ge [sflag:s18], $0x1000  }
0x54: {  	s29 =	sshra.s32 s26, $0x2;
	[sflag:s18] =	ssyncset.done $0x0  }
0x55: {  	s31 =	sadd.s32 $0x1600, s29;
	[sflag:s18] =	ssyncadd.s32 $0xFFFFF000  }
0x56: {  	[spmem:s2] =	stream.indirect.scatter.add.f32 [tilespmem:s12], [sflag:$0x5], $0x20, s31, s11, $0xb8;
	[tilespmem:$0xB800] =	vst v63  }
0x57: {  	_ =	swait.ge [sflag:s19], $0x1000  }
0x58: {  	[sflag:s19] =	ssyncset.done $0x0  }
0x59: {  	s31 =	sadd.s32 $0x300, s29;
	[sflag:s19] =	ssyncadd.s32 $0xFFFFF000  }
0x5a: {  	[tilespmem:s20], [sflag:$0x3] =	stream.indirect.gather [hbm4b:s4+s11], $0x20, s31, s11, $0xb8;
	[tilespmem:$0xB800] =	vst v63  }
0x5b: {  	_ =	swait.ge [sflag:s21], $0x1000  }
0x5c: {  	[sflag:s21] =	ssyncset.done $0x0  }
0x5d: {  	s31 =	sadd.s32 $0x1680, s29;
	[sflag:s21] =	ssyncadd.s32 $0xFFFFF000  }
0x5e: {  	[spmem:s2] =	stream.indirect.scatter.add.f32 [tilespmem:s17], [sflag:$0x6], $0x20, s31, s11, $0xb8;
	[tilespmem:$0xB800] =	vst v63  }
0x5f: {  	_ =	swait.ge [sflag:s22], $0x1000  }
0x60: {  	[sflag:s22] =	ssyncset.done $0x0  }
0x61: {  	p0 =	seq.s32 s26, $0x4000;
	s31 =	sadd.s32 $0x380, s29;
	[sflag:s22] =	ssyncadd.s32 $0xFFFFF000  }
0x62: {  	[tilespmem:s24], [sflag:$0x4] =	stream.indirect.gather [hbm4b:s4+s11], $0x20, s31, s11, $0xb8;
	[tilespmem:$0xB800] =	vst v63  }
.Ltmp2:
0x63: {  	_ =	swait.ge [sflag:s25], $0x1000;
	(pc) =	sbr.rel @p0 .LBB2_4-.Ltmp2, $4  }
0x64: {  	[sflag:s25] =	ssyncset.done $0x0  }
0x65: {  	s31 =	sadd.s32 $0x1700, s29;
	[sflag:s25] =	ssyncadd.s32 $0xFFFFF000  }
0x66: {  	[spmem:s2] =	stream.indirect.scatter.add.f32 [tilespmem:s20], [sflag:$0x7], $0x20, s31, s11, $0xb8;
	[tilespmem:$0xB800] =	vst v63  }
0x67: {  	s31 =	sadd.s32 $0x1780, s29  }
0x68: {  	_ =	swait.ge [sflag:s28], $0x1000  }
0x69: {  	[sflag:s28] =	ssyncset.done $0x0  }
0x6a: {  	s0 =	sadd.s32 $0x400, s29;
	[sflag:s28] =	ssyncadd.s32 $0xFFFFF000  }
0x6b: {  	[tilespmem:s12], [sflag:$0x1] =	stream.indirect.gather [hbm4b:s4+s11], $0x20, s0, s11, $0xb8;
	[tilespmem:$0xB800] =	vst v63  }
0x6c: {  	_ =	swait.ge [sflag:s30], $0x1000  }
0x6d: {  	[sflag:s30] =	ssyncset.done $0x0  }
0x6e: {  	[sflag:s30] =	ssyncadd.s32 $0xFFFFF000  }
0x6f: {  	[spmem:s2] =	stream.indirect.scatter.add.f32 [tilespmem:s24], [sflag:$0x8], $0x20, s31, s11, $0xb8;
	[tilespmem:$0xB800] =	vst v63  }
.Ltmp3:
0x70: {  	_ = 	snop;
	(pc) =	sbr.rel .LBB2_2-.Ltmp3, $4  }
0x71: {  	_ =	swait.ge [sflag:s1], $0x1000  }
0x72: {  	[sflag:s1] =	ssyncset.done $0x0  }
0x73: {  	s26 =	sadd.s32 $0x800, s26;
	s31 =	sadd.s32 $0x480, s29;
	[sflag:s1] =	ssyncadd.s32 $0xFFFFF000  }
0x74: {  	[tilespmem:s17], [sflag:$0x2] =	stream.indirect.gather [hbm4b:s4+s11], $0x20, s31, s11, $0xb8;
	[tilespmem:$0xB800] =	vst v63  }
.LBB2_5:
0x75: {  	_ =	sfence.sel $0x180000  }
0x76: {  	[bflag:$0x0] =	sbarrier.arrive $0xFFFF  }
0x77: {  	_ =	strace $0x9000004D  }
0x78: {  	s0 =	stileid.u32;
	[bflag:$0x2] =	sbarrier.arrive $0xFFFF  }
0x79: {  	p0 =	sne.s32 s0, $0x0;
	s0 =	rddreg [dreg:$0x2]  }
0x7a: {  	s0 =	sadd.s32 @!p0 $0x100000, s0  }
0x7b: {  	[sflag:s0] =	ssyncadd.tile.s32 @!p0 $0x1;
	_ =	shalt  }
.Lfunc_end2:
_tile_overlayer_lowered:
.L_overlay_start_2:
0x7c: {  	(tag) =	ssettag $0x2  }
0x7d: {  	s0 =	rddreg [dreg:$0x0];
	s2 =	stileid.u32  }
0x7e: {  	s1 =	rddreg [dreg:$0x1];
	p0 =	sne.s32 s2, $0x0  }
0x7f: {  	s3 =	rddreg [dreg:$0x2];
	[bflag:$0x3] =	sbarrier.arrive $0xFFFF;
	s2 =	simm.s32 @!p0 $0x1C0A  }
0x80: {  	[timem:s3], [sflag:s2] =	dma.local @!p0 [hbm:s0], s1  }
0x81: {  	s0 =	simm.s32 @!p0 $0xA  }
0x82: {  	_ =	swait.ge @!p0 [sflag:s0], s1  }
0x83: {  	s1 =	ssub.s32 @!p0 $0x0, s1;
	[sflag:s0] =	ssyncset.done @!p0 $0x0  }
0x84: {  	[sflag:s0] =	ssyncadd.s32 @!p0 s1  }
0x85: {  	[bflag:$0x3] =	sbarrier.arrive $0xFFFF  }
0x86: {  	_ =	shalt  }

// kernel: kernel.25.cloned.1.call-start
scs
__scs_entry_jumppad:
0x0: {  	(pc) =	sbr.rel $0x88, $3  }
0x1: {  	(tag) =	ssettag $0x0;
	lr =	simm.s32 $0x1  }
0x2: {  	[smem:$0x3F8E] =	sst lr;
	_ =	strace $0xD0000000  }
0x3: {  	_ = 	snop  }
0x4: {  	_ = 	snop  }
0x5: {  	_ = 	snop  }
0x6: {  	_ = 	snop  }
0x7: {  	_ = 	snop  }
__scs_overlays_trampoline_lowered:
0x8: {  	[smem:$0x3F9D] =	sst s0  }
0x9: {  	[smem:$0x3F9E] =	sst s1  }
0xa: {  	[smem:$0x3F9F] =	sst s2  }
0xb: {  	[smem:$0x3FA0] =	sst s3  }
0xc: {  	[smem:$0x3FA1] =	sst s4  }
0xd: {  	[smem:$0x3FA2] =	sst s5  }
0xe: {  	[smem:$0x3FA3] =	sst s6  }
0xf: {  	[smem:$0x3FA4] =	sst s7  }
0x10: {  	[smem:$0x3FA5] =	sst s8  }
0x11: {  	[smem:$0x3FA6] =	sst s9;
	s0 =	simm.s32 @!p0 $0x0  }
0x12: {  	s1 =	sld [smem:$0x3F8C];
	s0 =	simm.s32 @p0 $0x1  }
0x13: {  	[smem:$0x3FA7] =	sst s0;
	s0 =	simm.s32 @!p1 $0x0  }
0x14: {  	s2 =	sld [smem:$0x3F8B];
	s0 =	simm.s32 @p1 $0x1  }
0x15: {  	[smem:$0x3FA8] =	sst s0;
	s0 =	simm.s32 @!p2 $0x0  }
0x16: {  	s3 =	sld [smem:$0x3FDB];
	s0 =	simm.s32 @p2 $0x1  }
0x17: {  	s4 =	simm.s32 $0x1BF5;
	[smem:$0x3FAA] =	sst s0  }
0x18: {  	s0 =	sld [smem:$0x3F8D];
	_ =	swait.ge [sflag:s4], $0x0  }
0x19: {  	s7 =	sld [smem:$0x3F8E]  }
0x1a: {  	s8 =	sadd.s32 $0xFFFFE003, lr  }
0x1b: {  	s9 =	sadd.s32 $0xFFFFFEF7, lr;
	s5 =	simm.s32 $0xFFFFFFFF;
	p2 =	slt.u32 s8, $0xFFFFF086  }
0x1c: {  	p1 =	slt.u32 s9, $0xF7A;
	s5 =	simm.s32 @!p2 $0x0  }
0x1d: {  	s5 =	simm.s32 @p1 $0x1;
	p0 =	seq.s32 s7, s2  }
0x1e: {  	s7 =	smul.u32 @!p0 $0xF7A, s2;
	p2 =	seq.s32 @!p0 s5, $0x0  }
0x1f: {  	s9 =	smul.u32 $0xF7A, s1;
	s8 =	simm.s32 @!p0 $0x1BF5;
	p2 =	por !p2, p0  }
0x20: {  	[sflag:s8] =	ssyncset.s32 @!p0 $0xFFFFF086;
	s6 =	sadd.s32 @!p0 s3, s7;
	s7 =	simm.s32 @!p0 $0x108  }
0x21: {  	s3 =	sadd.s32 s3, s9;
	s6 =	sadd.s32 @!p0 $0x88, s6;
	s7 =	simm.s32 @p2 $0x1082  }
0x22: {  	[simem:s7], [sflag:s8] =	dma.local @!p0 [hbm:s6], $0xF7A  }
0x23: {  	s9 =	sor.u32 $0xD0000000, s2;
	s6 =	simm.s32 $0x108;
	_ =	swait.ge @!p0 [sflag:s8], $0x0  }
0x24: {  	s3 =	sadd.s32 $0x88, s3;
	s6 =	simm.s32 @!p1 $0x1082;
	[sflag:s4] =	ssyncset.s32 $0xFFFFF086  }
0x25: {  	[simem:s6], [sflag:s4] =	dma.local [hbm:s3], $0xF7A  }
0x26: {  	[smem:$0x3F8E] =	sst s1;
	(tag) =	ssettag s2;
	_ =	strace s9  }
0x27: {  	s1 =	sld [smem:$0x3F9E]  }
0x28: {  	s2 =	sld [smem:$0x3F9F]  }
0x29: {  	s4 =	sld [smem:$0x3FA1]  }
0x2a: {  	p0 =	seq.s32 s5, $0x0;
	s5 =	sld [smem:$0x3FA2]  }
0x2b: {  	s6 =	sld [smem:$0x3FA3]  }
0x2c: {  	s7 =	sld [smem:$0x3FA4]  }
0x2d: {  	s3 =	simm.s32 $0x108;
	s8 =	sld [smem:$0x3FA5]  }
0x2e: {  	s3 =	simm.s32 @!p0 $0x1082;
	s9 =	sld [smem:$0x3FA6]  }
0x2f: {  	lr =	sadd.s32 s0, s3;
	s0 =	sld [smem:$0x3F9D]  }
0x30: {  	s3 =	sld [smem:$0x3FA0]  }
0x31: {  	[smem:$0x3FA9] =	sst s10  }
0x32: {  	s10 =	sld [smem:$0x3FA7];
	_ =	sdelay $0x3  }
0x33: {  	p0 =	seq.s32 s10, $0x1;
	s10 =	sld [smem:$0x3FA9];
	_ =	sdelay $0x3  }
0x34: {  	[smem:$0x3FA9] =	sst s10  }
0x35: {  	s10 =	sld [smem:$0x3FA8];
	_ =	sdelay $0x3  }
0x36: {  	p1 =	seq.s32 s10, $0x1;
	s10 =	sld [smem:$0x3FA9];
	_ =	sdelay $0x3  }
0x37: {  	[smem:$0x3FA9] =	sst s10  }
0x38: {  	s10 =	sld [smem:$0x3FAA]  }
0x39: {  	_ = 	snop;
	(pc) =	sbr.ind lr, $3  }
0x3a: {  	_ = 	snop  }
0x3b: {  	_ = 	snop  }
0x3c: {  	p2 =	seq.s32 s10, $0x1;
	s10 =	sld [smem:$0x3FA9]  }
0x3d: {  	_ =	shalt  }
0x3e: {  	_ =	shalt  }
0x3f: {  	_ =	shalt  }
0x40: {  	_ =	shalt  }
0x41: {  	_ =	shalt  }
0x42: {  	_ =	shalt  }
0x43: {  	_ =	shalt  }
0x44: {  	_ =	shalt  }
0x45: {  	_ =	shalt  }
0x46: {  	_ =	shalt  }
0x47: {  	_ =	shalt  }
0x48: {  	_ =	shalt  }
0x49: {  	_ =	shalt  }
0x4a: {  	_ =	shalt  }
0x4b: {  	_ =	shalt  }
0x4c: {  	_ =	shalt  }
0x4d: {  	_ =	shalt  }
0x4e: {  	_ =	shalt  }
0x4f: {  	_ =	shalt  }
0x50: {  	_ =	shalt  }
0x51: {  	_ =	shalt  }
0x52: {  	_ =	shalt  }
0x53: {  	_ =	shalt  }
0x54: {  	_ =	shalt  }
0x55: {  	_ =	shalt  }
0x56: {  	_ =	shalt  }
0x57: {  	_ =	shalt  }
0x58: {  	_ =	shalt  }
0x59: {  	_ =	shalt  }
0x5a: {  	_ =	shalt  }
0x5b: {  	_ =	shalt  }
0x5c: {  	_ =	shalt  }
0x5d: {  	_ =	shalt  }
0x5e: {  	_ =	shalt  }
0x5f: {  	_ =	shalt  }
0x60: {  	_ =	shalt  }
0x61: {  	_ =	shalt  }
0x62: {  	_ =	shalt  }
0x63: {  	_ =	shalt  }
0x64: {  	_ =	shalt  }
0x65: {  	_ =	shalt  }
0x66: {  	_ =	shalt  }
0x67: {  	_ =	shalt  }
0x68: {  	_ =	shalt  }
0x69: {  	_ =	shalt  }
0x6a: {  	_ =	shalt  }
0x6b: {  	_ =	shalt  }
0x6c: {  	_ =	shalt  }
0x6d: {  	_ =	shalt  }
0x6e: {  	_ =	shalt  }
0x6f: {  	_ =	shalt  }
0x70: {  	_ =	shalt  }
0x71: {  	_ =	shalt  }
0x72: {  	_ =	shalt  }
0x73: {  	_ =	shalt  }
0x74: {  	_ =	shalt  }
0x75: {  	_ =	shalt  }
0x76: {  	_ =	shalt  }
0x77: {  	_ =	shalt  }
0x78: {  	_ =	shalt  }
0x79: {  	_ =	shalt  }
0x7a: {  	_ =	shalt  }
0x7b: {  	_ =	shalt  }
0x7c: {  	_ =	shalt  }
0x7d: {  	_ =	shalt  }
0x7e: {  	_ =	shalt  }
0x7f: {  	_ =	shalt  }
0x80: {  	_ =	shalt  }
0x81: {  	_ =	shalt  }
0x82: {  	_ =	shalt  }
0x83: {  	_ =	shalt  }
0x84: {  	_ =	shalt  }
0x85: {  	_ =	shalt  }
0x86: {  	_ =	shalt  }
0x87: {  	_ =	shalt  }
.Lfunc_end0:
.L_simem_size_0:
called_computation.3_lowered:
.L_overlay_start_0:
0x88: {  	s2 =	sld [smem:$0x3FD9]  }
0x89: {  	s3 =	sld [smem:$0x3FFE];
	_ =	sdelay $0x1  }
0x8a: {  	s1 =	srdreg.scid  }
0x8b: {  	s0 =	sand.u32 $0x1, s1  }
0x8c: {  	s16 =	sshll.u32 s0, $0xA;
	s2 =	sadd.s32 s3, s2  }
0x8d: {  	s2 =	sadd.s32 s2, s16  }
0x8e: {  	[smem:$0x3FB5] =	sst s2  }
0x8f: {  	_ = 	snop  }
0x90: {  	(tm) =	ssettm $0x1  }
0x91: {  	s17 =	sld [smem:$0x3FFB];
	_ =	sdelay $0x3  }
0x92: {  	_ =	strace s17  }
0x93: {  	s2 =	sld [smem:$0x3FFC];
	_ =	sdelay $0x3  }
0x94: {  	_ =	strace s2  }
0x95: {  	s2 =	sld [smem:$0x3FFD];
	_ =	sdelay $0x3  }
0x96: {  	_ =	strace s2  }
0x97: {  	_ =	strace $0x8FFFFFFF  }
0x98: {  	s18 =	sld [smem:$0x3FDB];
	_ =	sdelay $0x1  }
0x99: {  	s19 =	simm.s32 $_scs_section_size  }
0x9a: {  	s4 =	simm.s32 $_size__tile_overlayer_lowered;
	s5 =	simm.s32 $_tile_overlayer_lowered  }
0x9b: {  	s22 =	simm.s32 $0x1BFF;
	s21 =	sshll.u32 s5, $0x1;
	s2 =	sadd.s32 s19, s18  }
0x9c: {  	s6 =	simm.s32 $0x0;
	s20 =	sshll.u32 s4, $0x1;
	s4 =	sadd.s32 s21, s2  }
0x9d: {  	[timem:s6], [sflag:s22] =	dma.local [hbm:s4], s20  }
0x9e: {  	_ =	swait.ge [sflag:s22], s20  }
0x9f: {  	s3 =	ssub.s32 $0x0, s20;
	[sflag:s22] =	ssyncset.done $0x0  }
0xa0: {  	[sflag:s22] =	ssyncadd.s32 s3;
	_ =	sdelay $0x1  }
0xa1: {  	s23 =	simm.s32 $0x1B8B  }
0xa2: {  	_ =	swait.ge [sflag:s23], $0x1  }
0xa3: {  	[sflag:s23] =	ssyncset.done $0x0  }
0xa4: {  	s25 =	simm.s32 $0x1B8E;
	s24 =	sld [smem:$0x3FFE];
	[sflag:s23] =	ssyncadd.s32 $0xFFFFFFFF  }
0xa5: {  	s26 =	simm.s32 $execute0_lowered;
	[smem:$0x3FD2] =	sst s25  }
0xa6: {  	s4 =	sshll.u32 s26, $0x1;
	_ =	strace $0x8000004F;
	[dreg:$0x1] =	wrdreg $0xFFFFFFFF  }
0xa7: {  	s28 =	simm.s32 $_size_execute0_lowered;
	s2 =	sadd.s32 s2, s4;
	[dreg:$0x0] =	wrdreg $0x0  }
0xa8: {  	s4 =	sshll.u32 s28, $0x1;
	[dreg:$0x2] =	wrdreg s2  }
0xa9: {  	[dreg:$0x3] =	wrdreg s4  }
0xaa: {  	[dreg:$0x4] =	wrdreg $0xC0  }
0xab: {  	_ =	task [dreg:s6], $0x5FFFF  }
0xac: {  	[dreg:$0x1] =	wrdreg $0xFFFFFFFF  }
0xad: {  	[dreg:$0x0] =	wrdreg $0x60  }
0xae: {  	[dreg:$0x2] =	wrdreg s24  }
0xaf: {  	[dreg:$0x3] =	wrdreg $0x88000  }
0xb0: {  	[dreg:$0x4] =	wrdreg $0x9  }
0xb1: {  	_ =	task.clear_ibuf [dreg:s6], $0x5FFFF;
	_ =	strace $0x9000004F  }
0xb2: {  	s29 =	simm.s32 $0x9;
	_ =	strace $0x80000051  }
0xb3: {  	_ =	swait.ge [sflag:s29], $0x1  }
0xb4: {  	[sflag:s29] =	ssyncadd.s32 $0xFFFFFFFF  }
0xb5: {  	_ =	strace $0x90000051  }
0xb6: {  	_ =	sfence  }
0xb7: {  	s30 =	sld [smem:$0x0];
	_ =	sdelay $0x2  }
0xb8: {  	s31 =	sshll.u32 s1, $0xD;
	s1 =	sshrl.u32 s1, $0x2  }
0xb9: {  	s3 =	sand.u32 $0x4000, s31;
	s1 =	sadd.s32 s1, s30  }
0xba: {  	s0 =	sor.u32 s3, s0;
	s1 =	sshll.u32 s1, $0x11  }
0xbb: {  	s0 =	sor.u32 s1, s0  }
0xbc: {  	s0 =	sadd.s32 $0x8F2B, s0  }
0xbd: {  	[sflag:s0] =	ssyncadd.remote.s32 $0x1  }
0xbe: {  	_ =	sfence.sel $0xFFFF  }
0xbf: {  	[dreg:$0x0] =	wrdreg $0xFFFFFFFF;
	(pc) =	sbr.abs _section_cstart, $3  }
0xc0: {  	[dreg:$0x1] =	wrdreg $0xFFFFFFFF  }
0xc1: {  	_ =	task.clear_ibuf [dreg:s6], $0x2FFFF;
	_ =	strace $0x9FFFFFFF  }
0xc2: {  	(tm) =	ssettm $0x7FFFFFFF  }
0xc3: {  	_ =	shalt  }
tec
execute0_lowered:
.L_overlay_start_1:
0x0: {  	(tag) =	ssettag $0x1  }
0x1: {  	s0 =	srdreg.scid;
	s5 =	rddreg [dreg:$0x0]  }
0x2: {  	s12 =	stileid.u32;
	s2 =	rddreg [dreg:$0x1];
	s3 =	simm.s32 $0x0  }
0x3: {  	s11 =	simm.s32 $0x80;
	s13 =	simm.s32 $0x1400;
	s16 =	simm.s32 $0xA  }
0x4: {  	s17 =	simm.s32 $0x4000;
	s18 =	simm.s32 $0x1;
	s20 =	simm.s32 $0x5800  }
0x5: {  	s21 =	simm.s32 $0x2;
	s24 =	simm.s32 $0x7000;
	s25 =	simm.s32 $0x3  }
0x6: {  	s28 =	simm.s32 $0x5;
	s30 =	simm.s32 $0x4;
	s19 =	simm.s32 $0x7  }
0x7: {  	s22 =	simm.s32 $0x8;
	s23 =	simm.s32 $0x0;
	s0 =	sand.u32 $0x1, s0  }
0x8: {  	s7 =	smul.u32 $0x7800, s12;
	[smem:$0x7FF] =	sst s3;
	s4 =	sadd.s32 $0xE600, s5  }
0x9: {  	s31 =	sshll.u32 s12, $0x6;
	s1 =	sshll.u32 s0, $0x4;
	s6 =	smul.u32 $0x78000, s0  }
0xa: {  	_ =	strace $0x80000050;
	s0 =	ssub.s32 $0x2, s0;
	s14 =	sor.u32 $0x1C0A, s31  }
0xb: {  	s1 =	sor.u32 s12, s1;
	s8 =	sshrl.u32 s7, $0x3;
	s9 =	sshrl.u32 s0, $0x1  }
0xc: {  	s29 =	sadd.s32 s7, s2;
	s12 =	simm.s32 $0x2800;
	s1 =	smul.u32 $0x280, s1  }
.Ltmp0:
0xd: {  	s6 =	sadd.s32 s7, s6;
	s8 =	sadd.s32 s8, s5;
	(pc) =	sbr.rel .LBB2_1-.Ltmp0, $4  }
0xe: {  	s0 =	ssub.s32 s0, s9;
	s15 =	sshrl.u32 s29, $0x3;
	s6 =	sshrl.u32 s6, $0x3  }
0xf: {  	s7 =	sadd.s32 $0x1D200, s8;
	s9 =	smax.u32 s0, $0x1;
	s1 =	sadd.s32 s1, s5  }
0x10: {  	s10 =	sadd.s32 s6, s5;
	s5 =	sadd.s32 $0x9600, s1;
	s6 =	sadd.s32 $0x4600, s1  }
0x11: {  	s8 =	sadd.s32 $0x2C200, s10;
	s10 =	simm.s32 $0x9;
	s1 =	simm.s32 $0x6  }
.LBB2_4:
0x12: {  	_ =	swait.ge [sflag:s30], $0x1800  }
0x13: {  	[sflag:s30] =	ssyncset.done $0x0  }
0x14: {  	[sflag:s30] =	ssyncadd.s32 $0xFFFFE800  }
0x15: {  	[spmem:s2] =	stream.indirect.scatter.add.f32 [tilespmem:s24], [sflag:$0x8], $0x30, s31, s11, $0xb8;
	[tilespmem:$0x10000] =	vst v63  }
0x16: {  	_ =	swait.ge [sflag:s28], $0x1800  }
0x17: {  	[sflag:s28] =	ssyncset.done $0x0  }
0x18: {  	[sflag:s28] =	ssyncadd.s32 $0xFFFFE800  }
0x19: {  	_ =	swait.ge [sflag:s1], $0x1800  }
0x1a: {  	[sflag:s1] =	ssyncset.done $0x0  }
0x1b: {  	[sflag:s1] =	ssyncadd.s32 $0xFFFFE800  }
0x1c: {  	_ =	swait.ge [sflag:s19], $0x1800  }
0x1d: {  	[sflag:s19] =	ssyncset.done $0x0  }
0x1e: {  	[sflag:s19] =	ssyncadd.s32 $0xFFFFE800  }
0x1f: {  	_ =	swait.ge [sflag:s22], $0x1800  }
0x20: {  	s23 =	sadd.s32 $0x1, s23;
	[sflag:s22] =	ssyncset.done $0x0  }
0x21: {  	p0 =	sne.s32 s23, s9;
	[sflag:s22] =	ssyncadd.s32 $0xFFFFE800  }
.Ltmp1:
0x22: {  	[bflag:$0x0] =	sbarrier.arrive $0xFFFF;
	(pc) =	sbr.rel @!p0 .LBB2_5-.Ltmp1, $4  }
0x23: {  	[hbm:s8], [sflag:s14] =	dma.local [spmem:s15], $0xF00  }
0x24: {  	_ =	swait.ge [sflag:s16], $0xF00  }
0x25: {  	[sflag:s16] =	ssyncset.done $0x0  }
0x26: {  	[sflag:s16] =	ssyncadd.s32 $0xFFFFF100  }
.LBB2_1:
0x27: {  	[tilespmem:s3], [sflag:$0x9] =	stream.linear.gather [hbm4b:s5+s3], $0x1400, $0x38;
	[tilespmem:$0x10000] =	vst v63  }
0x28: {  	_ =	swait.ge [sflag:s10], $0x1400  }
0x29: {  	[sflag:s10] =	ssyncset.done $0x0  }
0x2a: {  	[sflag:s10] =	ssyncadd.s32 $0xFFFFEC00  }
0x2b: {  	[tilespmem:s12], [sflag:$0x1] =	stream.indirect.gather [hbm4b:s4+s11], $0x30, s3, s11, $0xb8;
	[tilespmem:$0x10000] =	vst v63  }
0x2c: {  	_ = 	snop  }
0x2d: {  	[tilespmem:s13], [sflag:$0x9] =	stream.linear.gather [hbm4b:s6+s3], $0x1400, $0x38;
	[tilespmem:$0x10000] =	vst v63  }
0x2e: {  	[spmem:s15], [sflag:s14] =	dma.local [hbm:s7], $0xF00  }
0x2f: {  	_ =	swait.ge [sflag:s16], $0xF00  }
0x30: {  	[sflag:s16] =	ssyncset.done $0x0  }
0x31: {  	[sflag:s16] =	ssyncadd.s32 $0xFFFFF100  }
0x32: {  	_ =	swait.ge [sflag:s10], $0x1400  }
0x33: {  	[sflag:s10] =	ssyncset.done $0x0  }
0x34: {  	[sflag:s10] =	ssyncadd.s32 $0xFFFFEC00  }
0x35: {  	[tilespmem:s17], [sflag:$0x2] =	stream.indirect.gather [hbm4b:s4+s11], $0x30, s11, s11, $0xb8;
	[tilespmem:$0x10000] =	vst v63  }
0x36: {  	[bflag:$0x0] =	sbarrier.arrive $0xFFFF  }
0x37: {  	_ =	swait.ge [sflag:s18], $0x1800  }
0x38: {  	[sflag:s18] =	ssyncset.done $0x0  }
0x39: {  	[sflag:s18] =	ssyncadd.s32 $0xFFFFE800  }
0x3a: {  	[spmem:s2] =	stream.indirect.scatter.add.f32 [tilespmem:s12], [sflag:$0x5], $0x30, s13, s11, $0xb8;
	[tilespmem:$0x10000] =	vst v63  }
0x3b: {  	s0 =	simm.s32 $0x100  }
0x3c: {  	[tilespmem:s20], [sflag:$0x3] =	stream.indirect.gather [hbm4b:s4+s11], $0x30, s0, s11, $0xb8;
	[tilespmem:$0x10000] =	vst v63  }
0x3d: {  	_ =	swait.ge [sflag:s21], $0x1800  }
0x3e: {  	[sflag:s21] =	ssyncset.done $0x0  }
0x3f: {  	s26 =	simm.s32 $0x1480;
	[sflag:s21] =	ssyncadd.s32 $0xFFFFE800  }
0x40: {  	[spmem:s2] =	stream.indirect.scatter.add.f32 [tilespmem:s17], [sflag:$0x6], $0x30, s26, s11, $0xb8;
	[tilespmem:$0x10000] =	vst v63  }
0x41: {  	s29 =	simm.s32 $0x180  }
0x42: {  	[tilespmem:s24], [sflag:$0x4] =	stream.indirect.gather [hbm4b:s4+s11], $0x30, s29, s11, $0xb8;
	[tilespmem:$0x10000] =	vst v63  }
0x43: {  	_ =	swait.ge [sflag:s25], $0x1800  }
0x44: {  	[sflag:s25] =	ssyncset.done $0x0  }
0x45: {  	s31 =	simm.s32 $0x1500;
	[sflag:s25] =	ssyncadd.s32 $0xFFFFE800  }
0x46: {  	[spmem:s2] =	stream.indirect.scatter.add.f32 [tilespmem:s20], [sflag:$0x7], $0x30, s31, s11, $0xb8;
	[tilespmem:$0x10000] =	vst v63  }
0x47: {  	_ =	swait.ge [sflag:s28], $0x1800  }
0x48: {  	[sflag:s28] =	ssyncset.done $0x0  }
0x49: {  	s26 =	simm.s32 $0x200;
	[sflag:s28] =	ssyncadd.s32 $0xFFFFE800  }
0x4a: {  	[tilespmem:s12], [sflag:$0x1] =	stream.indirect.gather [hbm4b:s4+s11], $0x30, s26, s11, $0xb8;
	[tilespmem:$0x10000] =	vst v63  }
0x4b: {  	_ =	swait.ge [sflag:s30], $0x1800  }
0x4c: {  	[sflag:s30] =	ssyncset.done $0x0  }
0x4d: {  	s29 =	simm.s32 $0x1580;
	[sflag:s30] =	ssyncadd.s32 $0xFFFFE800  }
0x4e: {  	[spmem:s2] =	stream.indirect.scatter.add.f32 [tilespmem:s24], [sflag:$0x8], $0x30, s29, s11, $0xb8;
	[tilespmem:$0x10000] =	vst v63  }
0x4f: {  	_ =	swait.ge [sflag:s1], $0x1800  }
0x50: {  	[sflag:s1] =	ssyncset.done $0x0  }
0x51: {  	s31 =	simm.s32 $0x280;
	s26 =	simm.s32 $0x0;
	[sflag:s1] =	ssyncadd.s32 $0xFFFFE800  }
0x52: {  	[tilespmem:s17], [sflag:$0x2] =	stream.indirect.gather [hbm4b:s4+s11], $0x30, s31, s11, $0xb8;
	[tilespmem:$0x10000] =	vst v63  }
.LBB2_2:
0x53: {  	_ =	swait.ge [sflag:s18], $0x1800  }
0x54: {  	s29 =	sshra.s32 s26, $0x2;
	[sflag:s18] =	ssyncset.done $0x0  }
0x55: {  	s31 =	sadd.s32 $0x1600, s29;
	[sflag:s18] =	ssyncadd.s32 $0xFFFFE800  }
0x56: {  	[spmem:s2] =	stream.indirect.scatter.add.f32 [tilespmem:s12], [sflag:$0x5], $0x30, s31, s11, $0xb8;
	[tilespmem:$0x10000] =	vst v63  }
0x57: {  	_ =	swait.ge [sflag:s19], $0x1800  }
0x58: {  	[sflag:s19] =	ssyncset.done $0x0  }
0x59: {  	s31 =	sadd.s32 $0x300, s29;
	[sflag:s19] =	ssyncadd.s32 $0xFFFFE800  }
0x5a: {  	[tilespmem:s20], [sflag:$0x3] =	stream.indirect.gather [hbm4b:s4+s11], $0x30, s31, s11, $0xb8;
	[tilespmem:$0x10000] =	vst v63  }
0x5b: {  	_ =	swait.ge [sflag:s21], $0x1800  }
0x5c: {  	[sflag:s21] =	ssyncset.done $0x0  }
0x5d: {  	s31 =	sadd.s32 $0x1680, s29;
	[sflag:s21] =	ssyncadd.s32 $0xFFFFE800  }
0x5e: {  	[spmem:s2] =	stream.indirect.scatter.add.f32 [tilespmem:s17], [sflag:$0x6], $0x30, s31, s11, $0xb8;
	[tilespmem:$0x10000] =	vst v63  }
0x5f: {  	_ =	swait.ge [sflag:s22], $0x1800  }
0x60: {  	[sflag:s22] =	ssyncset.done $0x0  }
0x61: {  	p0 =	seq.s32 s26, $0x4000;
	s31 =	sadd.s32 $0x380, s29;
	[sflag:s22] =	ssyncadd.s32 $0xFFFFE800  }
0x62: {  	[tilespmem:s24], [sflag:$0x4] =	stream.indirect.gather [hbm4b:s4+s11], $0x30, s31, s11, $0xb8;
	[tilespmem:$0x10000] =	vst v63  }
.Ltmp2:
0x63: {  	_ =	swait.ge [sflag:s25], $0x1800;
	(pc) =	sbr.rel @p0 .LBB2_4-.Ltmp2, $4  }
0x64: {  	[sflag:s25] =	ssyncset.done $0x0  }
0x65: {  	s31 =	sadd.s32 $0x1700, s29;
	[sflag:s25] =	ssyncadd.s32 $0xFFFFE800  }
0x66: {  	[spmem:s2] =	stream.indirect.scatter.add.f32 [tilespmem:s20], [sflag:$0x7], $0x30, s31, s11, $0xb8;
	[tilespmem:$0x10000] =	vst v63  }
0x67: {  	s31 =	sadd.s32 $0x1780, s29  }
0x68: {  	_ =	swait.ge [sflag:s28], $0x1800  }
0x69: {  	[sflag:s28] =	ssyncset.done $0x0  }
0x6a: {  	s0 =	sadd.s32 $0x400, s29;
	[sflag:s28] =	ssyncadd.s32 $0xFFFFE800  }
0x6b: {  	[tilespmem:s12], [sflag:$0x1] =	stream.indirect.gather [hbm4b:s4+s11], $0x30, s0, s11, $0xb8;
	[tilespmem:$0x10000] =	vst v63  }
0x6c: {  	_ =	swait.ge [sflag:s30], $0x1800  }
0x6d: {  	[sflag:s30] =	ssyncset.done $0x0  }
0x6e: {  	[sflag:s30] =	ssyncadd.s32 $0xFFFFE800  }
0x6f: {  	[spmem:s2] =	stream.indirect.scatter.add.f32 [tilespmem:s24], [sflag:$0x8], $0x30, s31, s11, $0xb8;
	[tilespmem:$0x10000] =	vst v63  }
.Ltmp3:
0x70: {  	_ = 	snop;
	(pc) =	sbr.rel .LBB2_2-.Ltmp3, $4  }
0x71: {  	_ =	swait.ge [sflag:s1], $0x1800  }
0x72: {  	[sflag:s1] =	ssyncset.done $0x0  }
0x73: {  	s26 =	sadd.s32 $0x800, s26;
	s31 =	sadd.s32 $0x480, s29;
	[sflag:s1] =	ssyncadd.s32 $0xFFFFE800  }
0x74: {  	[tilespmem:s17], [sflag:$0x2] =	stream.indirect.gather [hbm4b:s4+s11], $0x30, s31, s11, $0xb8;
	[tilespmem:$0x10000] =	vst v63  }
.LBB2_5:
0x75: {  	_ =	sfence.sel $0x180000  }
0x76: {  	[bflag:$0x0] =	sbarrier.arrive $0xFFFF  }
0x77: {  	_ =	strace $0x90000050  }
0x78: {  	s0 =	stileid.u32;
	[bflag:$0x2] =	sbarrier.arrive $0xFFFF  }
0x79: {  	p0 =	sne.s32 s0, $0x0;
	s0 =	rddreg [dreg:$0x2]  }
0x7a: {  	s0 =	sadd.s32 @!p0 $0x100000, s0  }
0x7b: {  	[sflag:s0] =	ssyncadd.tile.s32 @!p0 $0x1;
	_ =	shalt  }
.Lfunc_end2:
_tile_overlayer_lowered:
.L_overlay_start_2:
0x7c: {  	(tag) =	ssettag $0x2  }
0x7d: {  	s0 =	rddreg [dreg:$0x0];
	s2 =	stileid.u32  }
0x7e: {  	s1 =	rddreg [dreg:$0x1];
	p0 =	sne.s32 s2, $0x0  }
0x7f: {  	s3 =	rddreg [dreg:$0x2];
	[bflag:$0x3] =	sbarrier.arrive $0xFFFF;
	s2 =	simm.s32 @!p0 $0x1C0A  }
0x80: {  	[timem:s3], [sflag:s2] =	dma.local @!p0 [hbm:s0], s1  }
0x81: {  	s0 =	simm.s32 @!p0 $0xA  }
0x82: {  	_ =	swait.ge @!p0 [sflag:s0], s1  }
0x83: {  	s1 =	ssub.s32 @!p0 $0x0, s1;
	[sflag:s0] =	ssyncset.done @!p0 $0x0  }
0x84: {  	[sflag:s0] =	ssyncadd.s32 @!p0 s1  }
0x85: {  	[bflag:$0x3] =	sbarrier.arrive $0xFFFF  }
0x86: {  	_ =	shalt  }

// kernel: kernel.28.cloned.1.call-start
scs
__scs_entry_jumppad:
0x0: {  	(pc) =	sbr.rel $0x88, $3  }
0x1: {  	(tag) =	ssettag $0x0;
	lr =	simm.s32 $0x1  }
0x2: {  	[smem:$0x3F8E] =	sst lr;
	_ =	strace $0xD0000000  }
0x3: {  	_ = 	snop  }
0x4: {  	_ = 	snop  }
0x5: {  	_ = 	snop  }
0x6: {  	_ = 	snop  }
0x7: {  	_ = 	snop  }
__scs_overlays_trampoline_lowered:
0x8: {  	[smem:$0x3F9D] =	sst s0  }
0x9: {  	[smem:$0x3F9E] =	sst s1  }
0xa: {  	[smem:$0x3F9F] =	sst s2  }
0xb: {  	[smem:$0x3FA0] =	sst s3  }
0xc: {  	[smem:$0x3FA1] =	sst s4  }
0xd: {  	[smem:$0x3FA2] =	sst s5  }
0xe: {  	[smem:$0x3FA3] =	sst s6  }
0xf: {  	[smem:$0x3FA4] =	sst s7  }
0x10: {  	[smem:$0x3FA5] =	sst s8  }
0x11: {  	[smem:$0x3FA6] =	sst s9;
	s0 =	simm.s32 @!p0 $0x0  }
0x12: {  	s1 =	sld [smem:$0x3F8C];
	s0 =	simm.s32 @p0 $0x1  }
0x13: {  	[smem:$0x3FA7] =	sst s0;
	s0 =	simm.s32 @!p1 $0x0  }
0x14: {  	s2 =	sld [smem:$0x3F8B];
	s0 =	simm.s32 @p1 $0x1  }
0x15: {  	[smem:$0x3FA8] =	sst s0;
	s0 =	simm.s32 @!p2 $0x0  }
0x16: {  	s3 =	sld [smem:$0x3FDB];
	s0 =	simm.s32 @p2 $0x1  }
0x17: {  	s4 =	simm.s32 $0x1BF5;
	[smem:$0x3FAA] =	sst s0  }
0x18: {  	s0 =	sld [smem:$0x3F8D];
	_ =	swait.ge [sflag:s4], $0x0  }
0x19: {  	s7 =	sld [smem:$0x3F8E]  }
0x1a: {  	s8 =	sadd.s32 $0xFFFFE003, lr  }
0x1b: {  	s9 =	sadd.s32 $0xFFFFFEF7, lr;
	s5 =	simm.s32 $0xFFFFFFFF;
	p2 =	slt.u32 s8, $0xFFFFF086  }
0x1c: {  	p1 =	slt.u32 s9, $0xF7A;
	s5 =	simm.s32 @!p2 $0x0  }
0x1d: {  	s5 =	simm.s32 @p1 $0x1;
	p0 =	seq.s32 s7, s2  }
0x1e: {  	s7 =	smul.u32 @!p0 $0xF7A, s2;
	p2 =	seq.s32 @!p0 s5, $0x0  }
0x1f: {  	s9 =	smul.u32 $0xF7A, s1;
	s8 =	simm.s32 @!p0 $0x1BF5;
	p2 =	por !p2, p0  }
0x20: {  	[sflag:s8] =	ssyncset.s32 @!p0 $0xFFFFF086;
	s6 =	sadd.s32 @!p0 s3, s7;
	s7 =	simm.s32 @!p0 $0x108  }
0x21: {  	s3 =	sadd.s32 s3, s9;
	s6 =	sadd.s32 @!p0 $0x88, s6;
	s7 =	simm.s32 @p2 $0x1082  }
0x22: {  	[simem:s7], [sflag:s8] =	dma.local @!p0 [hbm:s6], $0xF7A  }
0x23: {  	s9 =	sor.u32 $0xD0000000, s2;
	s6 =	simm.s32 $0x108;
	_ =	swait.ge @!p0 [sflag:s8], $0x0  }
0x24: {  	s3 =	sadd.s32 $0x88, s3;
	s6 =	simm.s32 @!p1 $0x1082;
	[sflag:s4] =	ssyncset.s32 $0xFFFFF086  }
0x25: {  	[simem:s6], [sflag:s4] =	dma.local [hbm:s3], $0xF7A  }
0x26: {  	[smem:$0x3F8E] =	sst s1;
	(tag) =	ssettag s2;
	_ =	strace s9  }
0x27: {  	s1 =	sld [smem:$0x3F9E]  }
0x28: {  	s2 =	sld [smem:$0x3F9F]  }
0x29: {  	s4 =	sld [smem:$0x3FA1]  }
0x2a: {  	p0 =	seq.s32 s5, $0x0;
	s5 =	sld [smem:$0x3FA2]  }
0x2b: {  	s6 =	sld [smem:$0x3FA3]  }
0x2c: {  	s7 =	sld [smem:$0x3FA4]  }
0x2d: {  	s3 =	simm.s32 $0x108;
	s8 =	sld [smem:$0x3FA5]  }
0x2e: {  	s3 =	simm.s32 @!p0 $0x1082;
	s9 =	sld [smem:$0x3FA6]  }
0x2f: {  	lr =	sadd.s32 s0, s3;
	s0 =	sld [smem:$0x3F9D]  }
0x30: {  	s3 =	sld [smem:$0x3FA0]  }
0x31: {  	[smem:$0x3FA9] =	sst s10  }
0x32: {  	s10 =	sld [smem:$0x3FA7];
	_ =	sdelay $0x3  }
0x33: {  	p0 =	seq.s32 s10, $0x1;
	s10 =	sld [smem:$0x3FA9];
	_ =	sdelay $0x3  }
0x34: {  	[smem:$0x3FA9] =	sst s10  }
0x35: {  	s10 =	sld [smem:$0x3FA8];
	_ =	sdelay $0x3  }
0x36: {  	p1 =	seq.s32 s10, $0x1;
	s10 =	sld [smem:$0x3FA9];
	_ =	sdelay $0x3  }
0x37: {  	[smem:$0x3FA9] =	sst s10  }
0x38: {  	s10 =	sld [smem:$0x3FAA]  }
0x39: {  	_ = 	snop;
	(pc) =	sbr.ind lr, $3  }
0x3a: {  	_ = 	snop  }
0x3b: {  	_ = 	snop  }
0x3c: {  	p2 =	seq.s32 s10, $0x1;
	s10 =	sld [smem:$0x3FA9]  }
0x3d: {  	_ =	shalt  }
0x3e: {  	_ =	shalt  }
0x3f: {  	_ =	shalt  }
0x40: {  	_ =	shalt  }
0x41: {  	_ =	shalt  }
0x42: {  	_ =	shalt  }
0x43: {  	_ =	shalt  }
0x44: {  	_ =	shalt  }
0x45: {  	_ =	shalt  }
0x46: {  	_ =	shalt  }
0x47: {  	_ =	shalt  }
0x48: {  	_ =	shalt  }
0x49: {  	_ =	shalt  }
0x4a: {  	_ =	shalt  }
0x4b: {  	_ =	shalt  }
0x4c: {  	_ =	shalt  }
0x4d: {  	_ =	shalt  }
0x4e: {  	_ =	shalt  }
0x4f: {  	_ =	shalt  }
0x50: {  	_ =	shalt  }
0x51: {  	_ =	shalt  }
0x52: {  	_ =	shalt  }
0x53: {  	_ =	shalt  }
0x54: {  	_ =	shalt  }
0x55: {  	_ =	shalt  }
0x56: {  	_ =	shalt  }
0x57: {  	_ =	shalt  }
0x58: {  	_ =	shalt  }
0x59: {  	_ =	shalt  }
0x5a: {  	_ =	shalt  }
0x5b: {  	_ =	shalt  }
0x5c: {  	_ =	shalt  }
0x5d: {  	_ =	shalt  }
0x5e: {  	_ =	shalt  }
0x5f: {  	_ =	shalt  }
0x60: {  	_ =	shalt  }
0x61: {  	_ =	shalt  }
0x62: {  	_ =	shalt  }
0x63: {  	_ =	shalt  }
0x64: {  	_ =	shalt  }
0x65: {  	_ =	shalt  }
0x66: {  	_ =	shalt  }
0x67: {  	_ =	shalt  }
0x68: {  	_ =	shalt  }
0x69: {  	_ =	shalt  }
0x6a: {  	_ =	shalt  }
0x6b: {  	_ =	shalt  }
0x6c: {  	_ =	shalt  }
0x6d: {  	_ =	shalt  }
0x6e: {  	_ =	shalt  }
0x6f: {  	_ =	shalt  }
0x70: {  	_ =	shalt  }
0x71: {  	_ =	shalt  }
0x72: {  	_ =	shalt  }
0x73: {  	_ =	shalt  }
0x74: {  	_ =	shalt  }
0x75: {  	_ =	shalt  }
0x76: {  	_ =	shalt  }
0x77: {  	_ =	shalt  }
0x78: {  	_ =	shalt  }
0x79: {  	_ =	shalt  }
0x7a: {  	_ =	shalt  }
0x7b: {  	_ =	shalt  }
0x7c: {  	_ =	shalt  }
0x7d: {  	_ =	shalt  }
0x7e: {  	_ =	shalt  }
0x7f: {  	_ =	shalt  }
0x80: {  	_ =	shalt  }
0x81: {  	_ =	shalt  }
0x82: {  	_ =	shalt  }
0x83: {  	_ =	shalt  }
0x84: {  	_ =	shalt  }
0x85: {  	_ =	shalt  }
0x86: {  	_ =	shalt  }
0x87: {  	_ =	shalt  }
.Lfunc_end0:
.L_simem_size_0:
called_computation.4_lowered:
.L_overlay_start_0:
0x88: {  	s2 =	sld [smem:$0x3FD9]  }
0x89: {  	s3 =	sld [smem:$0x3FFE];
	_ =	sdelay $0x1  }
0x8a: {  	s1 =	srdreg.scid  }
0x8b: {  	s0 =	sand.u32 $0x1, s1  }
0x8c: {  	s16 =	sshll.u32 s0, $0xA;
	s2 =	sadd.s32 s3, s2  }
0x8d: {  	s2 =	sadd.s32 s2, s16  }
0x8e: {  	[smem:$0x3FB5] =	sst s2  }
0x8f: {  	_ = 	snop  }
0x90: {  	(tm) =	ssettm $0x1  }
0x91: {  	s17 =	sld [smem:$0x3FFB];
	_ =	sdelay $0x3  }
0x92: {  	_ =	strace s17  }
0x93: {  	s2 =	sld [smem:$0x3FFC];
	_ =	sdelay $0x3  }
0x94: {  	_ =	strace s2  }
0x95: {  	s2 =	sld [smem:$0x3FFD];
	_ =	sdelay $0x3  }
0x96: {  	_ =	strace s2  }
0x97: {  	_ =	strace $0x8FFFFFFF  }
0x98: {  	s18 =	sld [smem:$0x3FDB];
	_ =	sdelay $0x1  }
0x99: {  	s19 =	simm.s32 $_scs_section_size  }
0x9a: {  	s4 =	simm.s32 $_size__tile_overlayer_lowered;
	s5 =	simm.s32 $_tile_overlayer_lowered  }
0x9b: {  	s22 =	simm.s32 $0x1BFF;
	s21 =	sshll.u32 s5, $0x1;
	s2 =	sadd.s32 s19, s18  }
0x9c: {  	s6 =	simm.s32 $0x0;
	s20 =	sshll.u32 s4, $0x1;
	s4 =	sadd.s32 s21, s2  }
0x9d: {  	[timem:s6], [sflag:s22] =	dma.local [hbm:s4], s20  }
0x9e: {  	_ =	swait.ge [sflag:s22], s20  }
0x9f: {  	s3 =	ssub.s32 $0x0, s20;
	[sflag:s22] =	ssyncset.done $0x0  }
0xa0: {  	[sflag:s22] =	ssyncadd.s32 s3;
	_ =	sdelay $0x1  }
0xa1: {  	s23 =	simm.s32 $0x1B8B  }
0xa2: {  	_ =	swait.ge [sflag:s23], $0x1  }
0xa3: {  	[sflag:s23] =	ssyncset.done $0x0  }
0xa4: {  	s25 =	simm.s32 $0x1B8E;
	s24 =	sld [smem:$0x3FFE];
	[sflag:s23] =	ssyncadd.s32 $0xFFFFFFFF  }
0xa5: {  	s26 =	simm.s32 $execute0_lowered;
	[smem:$0x3FD2] =	sst s25  }
0xa6: {  	s4 =	sshll.u32 s26, $0x1;
	_ =	strace $0x80000052;
	[dreg:$0x1] =	wrdreg $0xFFFFFFFF  }
0xa7: {  	s28 =	simm.s32 $_size_execute0_lowered;
	s2 =	sadd.s32 s2, s4;
	[dreg:$0x0] =	wrdreg $0x0  }
0xa8: {  	s4 =	sshll.u32 s28, $0x1;
	[dreg:$0x2] =	wrdreg s2  }
0xa9: {  	[dreg:$0x3] =	wrdreg s4  }
0xaa: {  	[dreg:$0x4] =	wrdreg $0xC0  }
0xab: {  	_ =	task [dreg:s6], $0x5FFFF  }
0xac: {  	[dreg:$0x1] =	wrdreg $0xFFFFFFFF  }
0xad: {  	[dreg:$0x0] =	wrdreg $0x60  }
0xae: {  	[dreg:$0x2] =	wrdreg s24  }
0xaf: {  	[dreg:$0x3] =	wrdreg $0xA8000  }
0xb0: {  	[dreg:$0x4] =	wrdreg $0x9  }
0xb1: {  	_ =	task.clear_ibuf [dreg:s6], $0x5FFFF;
	_ =	strace $0x90000052  }
0xb2: {  	s29 =	simm.s32 $0x9;
	_ =	strace $0x80000054  }
0xb3: {  	_ =	swait.ge [sflag:s29], $0x1  }
0xb4: {  	[sflag:s29] =	ssyncadd.s32 $0xFFFFFFFF  }
0xb5: {  	_ =	strace $0x90000054  }
0xb6: {  	_ =	sfence  }
0xb7: {  	s30 =	sld [smem:$0x0];
	_ =	sdelay $0x2  }
0xb8: {  	s31 =	sshll.u32 s1, $0xD;
	s1 =	sshrl.u32 s1, $0x2  }
0xb9: {  	s3 =	sand.u32 $0x4000, s31;
	s1 =	sadd.s32 s1, s30  }
0xba: {  	s0 =	sor.u32 s3, s0;
	s1 =	sshll.u32 s1, $0x11  }
0xbb: {  	s0 =	sor.u32 s1, s0  }
0xbc: {  	s0 =	sadd.s32 $0x8F2B, s0  }
0xbd: {  	[sflag:s0] =	ssyncadd.remote.s32 $0x1  }
0xbe: {  	_ =	sfence.sel $0xFFFF  }
0xbf: {  	[dreg:$0x0] =	wrdreg $0xFFFFFFFF;
	(pc) =	sbr.abs _section_cstart, $3  }
0xc0: {  	[dreg:$0x1] =	wrdreg $0xFFFFFFFF  }
0xc1: {  	_ =	task.clear_ibuf [dreg:s6], $0x2FFFF;
	_ =	strace $0x9FFFFFFF  }
0xc2: {  	(tm) =	ssettm $0x7FFFFFFF  }
0xc3: {  	_ =	shalt  }
tec
execute0_lowered:
.L_overlay_start_1:
0x0: {  	(tag) =	ssettag $0x1  }
0x1: {  	s0 =	srdreg.scid;
	s5 =	rddreg [dreg:$0x0]  }
0x2: {  	s12 =	stileid.u32;
	s2 =	rddreg [dreg:$0x1];
	s3 =	simm.s32 $0x0  }
0x3: {  	s11 =	simm.s32 $0x80;
	s13 =	simm.s32 $0x1400;
	s16 =	simm.s32 $0xA  }
0x4: {  	s17 =	simm.s32 $0x4800;
	s18 =	simm.s32 $0x1;
	s20 =	simm.s32 $0x6800  }
0x5: {  	s21 =	simm.s32 $0x2;
	s24 =	simm.s32 $0x8800;
	s25 =	simm.s32 $0x3  }
0x6: {  	s28 =	simm.s32 $0x5;
	s30 =	simm.s32 $0x4;
	s19 =	simm.s32 $0x7  }
0x7: {  	s22 =	simm.s32 $0x8;
	s23 =	simm.s32 $0x0;
	s0 =	sand.u32 $0x1, s0  }
0x8: {  	s7 =	smul.u32 $0xA000, s12;
	[smem:$0x7FF] =	sst s3;
	s4 =	sadd.s32 $0xE600, s5  }
0x9: {  	s31 =	sshll.u32 s12, $0x6;
	s1 =	sshll.u32 s0, $0x4;
	s6 =	smul.u32 $0xA0000, s0  }
0xa: {  	_ =	strace $0x80000053;
	s0 =	ssub.s32 $0x2, s0;
	s14 =	sor.u32 $0x1C0A, s31  }
0xb: {  	s1 =	sor.u32 s12, s1;
	s8 =	sshrl.u32 s7, $0x3;
	s9 =	sshrl.u32 s0, $0x1  }
0xc: {  	s29 =	sadd.s32 s7, s2;
	s12 =	simm.s32 $0x2800;
	s1 =	smul.u32 $0x280, s1  }
.Ltmp0:
0xd: {  	s6 =	sadd.s32 s7, s6;
	s8 =	sadd.s32 s8, s5;
	(pc) =	sbr.rel .LBB2_1-.Ltmp0, $4  }
0xe: {  	s0 =	ssub.s32 s0, s9;
	s15 =	sshrl.u32 s29, $0x3;
	s6 =	sshrl.u32 s6, $0x3  }
0xf: {  	s7 =	sadd.s32 $0x22000, s8;
	s9 =	smax.u32 s0, $0x1;
	s1 =	sadd.s32 s1, s5  }
0x10: {  	s10 =	sadd.s32 s6, s5;
	s5 =	sadd.s32 $0x9600, s1;
	s6 =	sadd.s32 $0x4600, s1  }
0x11: {  	s8 =	sadd.s32 $0x36000, s10;
	s10 =	simm.s32 $0x9;
	s1 =	simm.s32 $0x6  }
.LBB2_4:
0x12: {  	_ =	swait.ge [sflag:s30], $0x2000  }
0x13: {  	[sflag:s30] =	ssyncset.done $0x0  }
0x14: {  	[sflag:s30] =	ssyncadd.s32 $0xFFFFE000  }
0x15: {  	[spmem:s2] =	stream.indirect.scatter.add.f32 [tilespmem:s24], [sflag:$0x8], $0x40, s31, s11, $0xb8;
	[tilespmem:$0x14800] =	vst v63  }
0x16: {  	_ =	swait.ge [sflag:s28], $0x2000  }
0x17: {  	[sflag:s28] =	ssyncset.done $0x0  }
0x18: {  	[sflag:s28] =	ssyncadd.s32 $0xFFFFE000  }
0x19: {  	_ =	swait.ge [sflag:s1], $0x2000  }
0x1a: {  	[sflag:s1] =	ssyncset.done $0x0  }
0x1b: {  	[sflag:s1] =	ssyncadd.s32 $0xFFFFE000  }
0x1c: {  	_ =	swait.ge [sflag:s19], $0x2000  }
0x1d: {  	[sflag:s19] =	ssyncset.done $0x0  }
0x1e: {  	[sflag:s19] =	ssyncadd.s32 $0xFFFFE000  }
0x1f: {  	_ =	swait.ge [sflag:s22], $0x2000  }
0x20: {  	s23 =	sadd.s32 $0x1, s23;
	[sflag:s22] =	ssyncset.done $0x0  }
0x21: {  	p0 =	sne.s32 s23, s9;
	[sflag:s22] =	ssyncadd.s32 $0xFFFFE000  }
.Ltmp1:
0x22: {  	[bflag:$0x0] =	sbarrier.arrive $0xFFFF;
	(pc) =	sbr.rel @!p0 .LBB2_5-.Ltmp1, $4  }
0x23: {  	[hbm:s8], [sflag:s14] =	dma.local [spmem:s15], $0x1400  }
0x24: {  	_ =	swait.ge [sflag:s16], $0x1400  }
0x25: {  	[sflag:s16] =	ssyncset.done $0x0  }
0x26: {  	[sflag:s16] =	ssyncadd.s32 $0xFFFFEC00  }
.LBB2_1:
0x27: {  	[tilespmem:s3], [sflag:$0x9] =	stream.linear.gather [hbm4b:s5+s3], $0x1400, $0x38;
	[tilespmem:$0x14800] =	vst v63  }
0x28: {  	_ =	swait.ge [sflag:s10], $0x1400  }
0x29: {  	[sflag:s10] =	ssyncset.done $0x0  }
0x2a: {  	[sflag:s10] =	ssyncadd.s32 $0xFFFFEC00  }
0x2b: {  	[tilespmem:s12], [sflag:$0x1] =	stream.indirect.gather [hbm4b:s4+s11], $0x40, s3, s11, $0xb8;
	[tilespmem:$0x14800] =	vst v63  }
0x2c: {  	_ = 	snop  }
0x2d: {  	[tilespmem:s13], [sflag:$0x9] =	stream.linear.gather [hbm4b:s6+s3], $0x1400, $0x38;
	[tilespmem:$0x14800] =	vst v63  }
0x2e: {  	[spmem:s15], [sflag:s14] =	dma.local [hbm:s7], $0x1400  }
0x2f: {  	_ =	swait.ge [sflag:s16], $0x1400  }
0x30: {  	[sflag:s16] =	ssyncset.done $0x0  }
0x31: {  	[sflag:s16] =	ssyncadd.s32 $0xFFFFEC00  }
0x32: {  	_ =	swait.ge [sflag:s10], $0x1400  }
0x33: {  	[sflag:s10] =	ssyncset.done $0x0  }
0x34: {  	[sflag:s10] =	ssyncadd.s32 $0xFFFFEC00  }
0x35: {  	[tilespmem:s17], [sflag:$0x2] =	stream.indirect.gather [hbm4b:s4+s11], $0x40, s11, s11, $0xb8;
	[tilespmem:$0x14800] =	vst v63  }
0x36: {  	[bflag:$0x0] =	sbarrier.arrive $0xFFFF  }
0x37: {  	_ =	swait.ge [sflag:s18], $0x2000  }
0x38: {  	[sflag:s18] =	ssyncset.done $0x0  }
0x39: {  	[sflag:s18] =	ssyncadd.s32 $0xFFFFE000  }
0x3a: {  	[spmem:s2] =	stream.indirect.scatter.add.f32 [tilespmem:s12], [sflag:$0x5], $0x40, s13, s11, $0xb8;
	[tilespmem:$0x14800] =	vst v63  }
0x3b: {  	s0 =	simm.s32 $0x100  }
0x3c: {  	[tilespmem:s20], [sflag:$0x3] =	stream.indirect.gather [hbm4b:s4+s11], $0x40, s0, s11, $0xb8;
	[tilespmem:$0x14800] =	vst v63  }
0x3d: {  	_ =	swait.ge [sflag:s21], $0x2000  }
0x3e: {  	[sflag:s21] =	ssyncset.done $0x0  }
0x3f: {  	s26 =	simm.s32 $0x1480;
	[sflag:s21] =	ssyncadd.s32 $0xFFFFE000  }
0x40: {  	[spmem:s2] =	stream.indirect.scatter.add.f32 [tilespmem:s17], [sflag:$0x6], $0x40, s26, s11, $0xb8;
	[tilespmem:$0x14800] =	vst v63  }
0x41: {  	s29 =	simm.s32 $0x180  }
0x42: {  	[tilespmem:s24], [sflag:$0x4] =	stream.indirect.gather [hbm4b:s4+s11], $0x40, s29, s11, $0xb8;
	[tilespmem:$0x14800] =	vst v63  }
0x43: {  	_ =	swait.ge [sflag:s25], $0x2000  }
0x44: {  	[sflag:s25] =	ssyncset.done $0x0  }
0x45: {  	s31 =	simm.s32 $0x1500;
	[sflag:s25] =	ssyncadd.s32 $0xFFFFE000  }
0x46: {  	[spmem:s2] =	stream.indirect.scatter.add.f32 [tilespmem:s20], [sflag:$0x7], $0x40, s31, s11, $0xb8;
	[tilespmem:$0x14800] =	vst v63  }
0x47: {  	_ =	swait.ge [sflag:s28], $0x2000  }
0x48: {  	[sflag:s28] =	ssyncset.done $0x0  }
0x49: {  	s26 =	simm.s32 $0x200;
	[sflag:s28] =	ssyncadd.s32 $0xFFFFE000  }
0x4a: {  	[tilespmem:s12], [sflag:$0x1] =	stream.indirect.gather [hbm4b:s4+s11], $0x40, s26, s11, $0xb8;
	[tilespmem:$0x14800] =	vst v63  }
0x4b: {  	_ =	swait.ge [sflag:s30], $0x2000  }
0x4c: {  	[sflag:s30] =	ssyncset.done $0x0  }
0x4d: {  	s29 =	simm.s32 $0x1580;
	[sflag:s30] =	ssyncadd.s32 $0xFFFFE000  }
0x4e: {  	[spmem:s2] =	stream.indirect.scatter.add.f32 [tilespmem:s24], [sflag:$0x8], $0x40, s29, s11, $0xb8;
	[tilespmem:$0x14800] =	vst v63  }
0x4f: {  	_ =	swait.ge [sflag:s1], $0x2000  }
0x50: {  	[sflag:s1] =	ssyncset.done $0x0  }
0x51: {  	s31 =	simm.s32 $0x280;
	s26 =	simm.s32 $0x0;
	[sflag:s1] =	ssyncadd.s32 $0xFFFFE000  }
0x52: {  	[tilespmem:s17], [sflag:$0x2] =	stream.indirect.gather [hbm4b:s4+s11], $0x40, s31, s11, $0xb8;
	[tilespmem:$0x14800] =	vst v63  }
.LBB2_2:
0x53: {  	_ =	swait.ge [sflag:s18], $0x2000  }
0x54: {  	s29 =	sshra.s32 s26, $0x2;
	[sflag:s18] =	ssyncset.done $0x0  }
0x55: {  	s31 =	sadd.s32 $0x1600, s29;
	[sflag:s18] =	ssyncadd.s32 $0xFFFFE000  }
0x56: {  	[spmem:s2] =	stream.indirect.scatter.add.f32 [tilespmem:s12], [sflag:$0x5], $0x40, s31, s11, $0xb8;
	[tilespmem:$0x14800] =	vst v63  }
0x57: {  	_ =	swait.ge [sflag:s19], $0x2000  }
0x58: {  	[sflag:s19] =	ssyncset.done $0x0  }
0x59: {  	s31 =	sadd.s32 $0x300, s29;
	[sflag:s19] =	ssyncadd.s32 $0xFFFFE000  }
0x5a: {  	[tilespmem:s20], [sflag:$0x3] =	stream.indirect.gather [hbm4b:s4+s11], $0x40, s31, s11, $0xb8;
	[tilespmem:$0x14800] =	vst v63  }
0x5b: {  	_ =	swait.ge [sflag:s21], $0x2000  }
0x5c: {  	[sflag:s21] =	ssyncset.done $0x0  }
0x5d: {  	s31 =	sadd.s32 $0x1680, s29;
	[sflag:s21] =	ssyncadd.s32 $0xFFFFE000  }
0x5e: {  	[spmem:s2] =	stream.indirect.scatter.add.f32 [tilespmem:s17], [sflag:$0x6], $0x40, s31, s11, $0xb8;
	[tilespmem:$0x14800] =	vst v63  }
0x5f: {  	_ =	swait.ge [sflag:s22], $0x2000  }
0x60: {  	[sflag:s22] =	ssyncset.done $0x0  }
0x61: {  	p0 =	seq.s32 s26, $0x4000;
	s31 =	sadd.s32 $0x380, s29;
	[sflag:s22] =	ssyncadd.s32 $0xFFFFE000  }
0x62: {  	[tilespmem:s24], [sflag:$0x4] =	stream.indirect.gather [hbm4b:s4+s11], $0x40, s31, s11, $0xb8;
	[tilespmem:$0x14800] =	vst v63  }
.Ltmp2:
0x63: {  	_ =	swait.ge [sflag:s25], $0x2000;
	(pc) =	sbr.rel @p0 .LBB2_4-.Ltmp2, $4  }
0x64: {  	[sflag:s25] =	ssyncset.done $0x0  }
0x65: {  	s31 =	sadd.s32 $0x1700, s29;
	[sflag:s25] =	ssyncadd.s32 $0xFFFFE000  }
0x66: {  	[spmem:s2] =	stream.indirect.scatter.add.f32 [tilespmem:s20], [sflag:$0x7], $0x40, s31, s11, $0xb8;
	[tilespmem:$0x14800] =	vst v63  }
0x67: {  	s31 =	sadd.s32 $0x1780, s29  }
0x68: {  	_ =	swait.ge [sflag:s28], $0x2000  }
0x69: {  	[sflag:s28] =	ssyncset.done $0x0  }
0x6a: {  	s0 =	sadd.s32 $0x400, s29;
	[sflag:s28] =	ssyncadd.s32 $0xFFFFE000  }
0x6b: {  	[tilespmem:s12], [sflag:$0x1] =	stream.indirect.gather [hbm4b:s4+s11], $0x40, s0, s11, $0xb8;
	[tilespmem:$0x14800] =	vst v63  }
0x6c: {  	_ =	swait.ge [sflag:s30], $0x2000  }
0x6d: {  	[sflag:s30] =	ssyncset.done $0x0  }
0x6e: {  	[sflag:s30] =	ssyncadd.s32 $0xFFFFE000  }
0x6f: {  	[spmem:s2] =	stream.indirect.scatter.add.f32 [tilespmem:s24], [sflag:$0x8], $0x40, s31, s11, $0xb8;
	[tilespmem:$0x14800] =	vst v63  }
.Ltmp3:
0x70: {  	_ = 	snop;
	(pc) =	sbr.rel .LBB2_2-.Ltmp3, $4  }
0x71: {  	_ =	swait.ge [sflag:s1], $0x2000  }
0x72: {  	[sflag:s1] =	ssyncset.done $0x0  }
0x73: {  	s26 =	sadd.s32 $0x800, s26;
	s31 =	sadd.s32 $0x480, s29;
	[sflag:s1] =	ssyncadd.s32 $0xFFFFE000  }
0x74: {  	[tilespmem:s17], [sflag:$0x2] =	stream.indirect.gather [hbm4b:s4+s11], $0x40, s31, s11, $0xb8;
	[tilespmem:$0x14800] =	vst v63  }
.LBB2_5:
0x75: {  	_ =	sfence.sel $0x180000  }
0x76: {  	[bflag:$0x0] =	sbarrier.arrive $0xFFFF  }
0x77: {  	_ =	strace $0x90000053  }
0x78: {  	s0 =	stileid.u32;
	[bflag:$0x2] =	sbarrier.arrive $0xFFFF  }
0x79: {  	p0 =	sne.s32 s0, $0x0;
	s0 =	rddreg [dreg:$0x2]  }
0x7a: {  	s0 =	sadd.s32 @!p0 $0x100000, s0  }
0x7b: {  	[sflag:s0] =	ssyncadd.tile.s32 @!p0 $0x1;
	_ =	shalt  }
.Lfunc_end2:
_tile_overlayer_lowered:
.L_overlay_start_2:
0x7c: {  	(tag) =	ssettag $0x2  }
0x7d: {  	s0 =	rddreg [dreg:$0x0];
	s2 =	stileid.u32  }
0x7e: {  	s1 =	rddreg [dreg:$0x1];
	p0 =	sne.s32 s2, $0x0  }
0x7f: {  	s3 =	rddreg [dreg:$0x2];
	[bflag:$0x3] =	sbarrier.arrive $0xFFFF;
	s2 =	simm.s32 @!p0 $0x1C0A  }
0x80: {  	[timem:s3], [sflag:s2] =	dma.local @!p0 [hbm:s0], s1  }
0x81: {  	s0 =	simm.s32 @!p0 $0xA  }
0x82: {  	_ =	swait.ge @!p0 [sflag:s0], s1  }
0x83: {  	s1 =	ssub.s32 @!p0 $0x0, s1;
	[sflag:s0] =	ssyncset.done @!p0 $0x0  }
0x84: {  	[sflag:s0] =	ssyncadd.s32 @!p0 s1  }
0x85: {  	[bflag:$0x3] =	sbarrier.arrive $0xFFFF  }
0x86: {  	_ =	shalt  }

// kernel: kernel.31.cloned.1.call-start
scs
__scs_entry_jumppad:
0x0: {  	(pc) =	sbr.rel $0x88, $3  }
0x1: {  	(tag) =	ssettag $0x0;
	lr =	simm.s32 $0x1  }
0x2: {  	[smem:$0x3F8E] =	sst lr;
	_ =	strace $0xD0000000  }
0x3: {  	_ = 	snop  }
0x4: {  	_ = 	snop  }
0x5: {  	_ = 	snop  }
0x6: {  	_ = 	snop  }
0x7: {  	_ = 	snop  }
__scs_overlays_trampoline_lowered:
0x8: {  	[smem:$0x3F9D] =	sst s0  }
0x9: {  	[smem:$0x3F9E] =	sst s1  }
0xa: {  	[smem:$0x3F9F] =	sst s2  }
0xb: {  	[smem:$0x3FA0] =	sst s3  }
0xc: {  	[smem:$0x3FA1] =	sst s4  }
0xd: {  	[smem:$0x3FA2] =	sst s5  }
0xe: {  	[smem:$0x3FA3] =	sst s6  }
0xf: {  	[smem:$0x3FA4] =	sst s7  }
0x10: {  	[smem:$0x3FA5] =	sst s8  }
0x11: {  	[smem:$0x3FA6] =	sst s9;
	s0 =	simm.s32 @!p0 $0x0  }
0x12: {  	s1 =	sld [smem:$0x3F8C];
	s0 =	simm.s32 @p0 $0x1  }
0x13: {  	[smem:$0x3FA7] =	sst s0;
	s0 =	simm.s32 @!p1 $0x0  }
0x14: {  	s2 =	sld [smem:$0x3F8B];
	s0 =	simm.s32 @p1 $0x1  }
0x15: {  	[smem:$0x3FA8] =	sst s0;
	s0 =	simm.s32 @!p2 $0x0  }
0x16: {  	s3 =	sld [smem:$0x3FDB];
	s0 =	simm.s32 @p2 $0x1  }
0x17: {  	s4 =	simm.s32 $0x1BF5;
	[smem:$0x3FAA] =	sst s0  }
0x18: {  	s0 =	sld [smem:$0x3F8D];
	_ =	swait.ge [sflag:s4], $0x0  }
0x19: {  	s7 =	sld [smem:$0x3F8E]  }
0x1a: {  	s8 =	sadd.s32 $0xFFFFE003, lr  }
0x1b: {  	s9 =	sadd.s32 $0xFFFFFEF7, lr;
	s5 =	simm.s32 $0xFFFFFFFF;
	p2 =	slt.u32 s8, $0xFFFFF086  }
0x1c: {  	p1 =	slt.u32 s9, $0xF7A;
	s5 =	simm.s32 @!p2 $0x0  }
0x1d: {  	s5 =	simm.s32 @p1 $0x1;
	p0 =	seq.s32 s7, s2  }
0x1e: {  	s7 =	smul.u32 @!p0 $0xF7A, s2;
	p2 =	seq.s32 @!p0 s5, $0x0  }
0x1f: {  	s9 =	smul.u32 $0xF7A, s1;
	s8 =	simm.s32 @!p0 $0x1BF5;
	p2 =	por !p2, p0  }
0x20: {  	[sflag:s8] =	ssyncset.s32 @!p0 $0xFFFFF086;
	s6 =	sadd.s32 @!p0 s3, s7;
	s7 =	simm.s32 @!p0 $0x108  }
0x21: {  	s3 =	sadd.s32 s3, s9;
	s6 =	sadd.s32 @!p0 $0x88, s6;
	s7 =	simm.s32 @p2 $0x1082  }
0x22: {  	[simem:s7], [sflag:s8] =	dma.local @!p0 [hbm:s6], $0xF7A  }
0x23: {  	s9 =	sor.u32 $0xD0000000, s2;
	s6 =	simm.s32 $0x108;
	_ =	swait.ge @!p0 [sflag:s8], $0x0  }
0x24: {  	s3 =	sadd.s32 $0x88, s3;
	s6 =	simm.s32 @!p1 $0x1082;
	[sflag:s4] =	ssyncset.s32 $0xFFFFF086  }
0x25: {  	[simem:s6], [sflag:s4] =	dma.local [hbm:s3], $0xF7A  }
0x26: {  	[smem:$0x3F8E] =	sst s1;
	(tag) =	ssettag s2;
	_ =	strace s9  }
0x27: {  	s1 =	sld [smem:$0x3F9E]  }
0x28: {  	s2 =	sld [smem:$0x3F9F]  }
0x29: {  	s4 =	sld [smem:$0x3FA1]  }
0x2a: {  	p0 =	seq.s32 s5, $0x0;
	s5 =	sld [smem:$0x3FA2]  }
0x2b: {  	s6 =	sld [smem:$0x3FA3]  }
0x2c: {  	s7 =	sld [smem:$0x3FA4]  }
0x2d: {  	s3 =	simm.s32 $0x108;
	s8 =	sld [smem:$0x3FA5]  }
0x2e: {  	s3 =	simm.s32 @!p0 $0x1082;
	s9 =	sld [smem:$0x3FA6]  }
0x2f: {  	lr =	sadd.s32 s0, s3;
	s0 =	sld [smem:$0x3F9D]  }
0x30: {  	s3 =	sld [smem:$0x3FA0]  }
0x31: {  	[smem:$0x3FA9] =	sst s10  }
0x32: {  	s10 =	sld [smem:$0x3FA7];
	_ =	sdelay $0x3  }
0x33: {  	p0 =	seq.s32 s10, $0x1;
	s10 =	sld [smem:$0x3FA9];
	_ =	sdelay $0x3  }
0x34: {  	[smem:$0x3FA9] =	sst s10  }
0x35: {  	s10 =	sld [smem:$0x3FA8];
	_ =	sdelay $0x3  }
0x36: {  	p1 =	seq.s32 s10, $0x1;
	s10 =	sld [smem:$0x3FA9];
	_ =	sdelay $0x3  }
0x37: {  	[smem:$0x3FA9] =	sst s10  }
0x38: {  	s10 =	sld [smem:$0x3FAA]  }
0x39: {  	_ = 	snop;
	(pc) =	sbr.ind lr, $3  }
0x3a: {  	_ = 	snop  }
0x3b: {  	_ = 	snop  }
0x3c: {  	p2 =	seq.s32 s10, $0x1;
	s10 =	sld [smem:$0x3FA9]  }
0x3d: {  	_ =	shalt  }
0x3e: {  	_ =	shalt  }
0x3f: {  	_ =	shalt  }
0x40: {  	_ =	shalt  }
0x41: {  	_ =	shalt  }
0x42: {  	_ =	shalt  }
0x43: {  	_ =	shalt  }
0x44: {  	_ =	shalt  }
0x45: {  	_ =	shalt  }
0x46: {  	_ =	shalt  }
0x47: {  	_ =	shalt  }
0x48: {  	_ =	shalt  }
0x49: {  	_ =	shalt  }
0x4a: {  	_ =	shalt  }
0x4b: {  	_ =	shalt  }
0x4c: {  	_ =	shalt  }
0x4d: {  	_ =	shalt  }
0x4e: {  	_ =	shalt  }
0x4f: {  	_ =	shalt  }
0x50: {  	_ =	shalt  }
0x51: {  	_ =	shalt  }
0x52: {  	_ =	shalt  }
0x53: {  	_ =	shalt  }
0x54: {  	_ =	shalt  }
0x55: {  	_ =	shalt  }
0x56: {  	_ =	shalt  }
0x57: {  	_ =	shalt  }
0x58: {  	_ =	shalt  }
0x59: {  	_ =	shalt  }
0x5a: {  	_ =	shalt  }
0x5b: {  	_ =	shalt  }
0x5c: {  	_ =	shalt  }
0x5d: {  	_ =	shalt  }
0x5e: {  	_ =	shalt  }
0x5f: {  	_ =	shalt  }
0x60: {  	_ =	shalt  }
0x61: {  	_ =	shalt  }
0x62: {  	_ =	shalt  }
0x63: {  	_ =	shalt  }
0x64: {  	_ =	shalt  }
0x65: {  	_ =	shalt  }
0x66: {  	_ =	shalt  }
0x67: {  	_ =	shalt  }
0x68: {  	_ =	shalt  }
0x69: {  	_ =	shalt  }
0x6a: {  	_ =	shalt  }
0x6b: {  	_ =	shalt  }
0x6c: {  	_ =	shalt  }
0x6d: {  	_ =	shalt  }
0x6e: {  	_ =	shalt  }
0x6f: {  	_ =	shalt  }
0x70: {  	_ =	shalt  }
0x71: {  	_ =	shalt  }
0x72: {  	_ =	shalt  }
0x73: {  	_ =	shalt  }
0x74: {  	_ =	shalt  }
0x75: {  	_ =	shalt  }
0x76: {  	_ =	shalt  }
0x77: {  	_ =	shalt  }
0x78: {  	_ =	shalt  }
0x79: {  	_ =	shalt  }
0x7a: {  	_ =	shalt  }
0x7b: {  	_ =	shalt  }
0x7c: {  	_ =	shalt  }
0x7d: {  	_ =	shalt  }
0x7e: {  	_ =	shalt  }
0x7f: {  	_ =	shalt  }
0x80: {  	_ =	shalt  }
0x81: {  	_ =	shalt  }
0x82: {  	_ =	shalt  }
0x83: {  	_ =	shalt  }
0x84: {  	_ =	shalt  }
0x85: {  	_ =	shalt  }
0x86: {  	_ =	shalt  }
0x87: {  	_ =	shalt  }
.Lfunc_end0:
.L_simem_size_0:
called_computation.5_lowered:
.L_overlay_start_0:
0x88: {  	s2 =	sld [smem:$0x3FD9]  }
0x89: {  	s3 =	sld [smem:$0x3FFE];
	_ =	sdelay $0x1  }
0x8a: {  	s1 =	srdreg.scid  }
0x8b: {  	s0 =	sand.u32 $0x1, s1  }
0x8c: {  	s16 =	sshll.u32 s0, $0xA;
	s2 =	sadd.s32 s3, s2  }
0x8d: {  	s2 =	sadd.s32 s2, s16  }
0x8e: {  	[smem:$0x3FB5] =	sst s2  }
0x8f: {  	_ = 	snop  }
0x90: {  	(tm) =	ssettm $0x1  }
0x91: {  	s17 =	sld [smem:$0x3FFB];
	_ =	sdelay $0x3  }
0x92: {  	_ =	strace s17  }
0x93: {  	s2 =	sld [smem:$0x3FFC];
	_ =	sdelay $0x3  }
0x94: {  	_ =	strace s2  }
0x95: {  	s2 =	sld [smem:$0x3FFD];
	_ =	sdelay $0x3  }
0x96: {  	_ =	strace s2  }
0x97: {  	_ =	strace $0x8FFFFFFF  }
0x98: {  	s18 =	sld [smem:$0x3FDB];
	_ =	sdelay $0x1  }
0x99: {  	s19 =	simm.s32 $_scs_section_size  }
0x9a: {  	s4 =	simm.s32 $_size__tile_overlayer_lowered;
	s5 =	simm.s32 $_tile_overlayer_lowered  }
0x9b: {  	s22 =	simm.s32 $0x1BFF;
	s21 =	sshll.u32 s5, $0x1;
	s2 =	sadd.s32 s19, s18  }
0x9c: {  	s6 =	simm.s32 $0x0;
	s20 =	sshll.u32 s4, $0x1;
	s4 =	sadd.s32 s21, s2  }
0x9d: {  	[timem:s6], [sflag:s22] =	dma.local [hbm:s4], s20  }
0x9e: {  	_ =	swait.ge [sflag:s22], s20  }
0x9f: {  	s3 =	ssub.s32 $0x0, s20;
	[sflag:s22] =	ssyncset.done $0x0  }
0xa0: {  	[sflag:s22] =	ssyncadd.s32 s3;
	_ =	sdelay $0x1  }
0xa1: {  	s23 =	simm.s32 $0x1B8B  }
0xa2: {  	_ =	swait.ge [sflag:s23], $0x1  }
0xa3: {  	[sflag:s23] =	ssyncset.done $0x0  }
0xa4: {  	s25 =	simm.s32 $0x1B8E;
	s24 =	sld [smem:$0x3FFE];
	[sflag:s23] =	ssyncadd.s32 $0xFFFFFFFF  }
0xa5: {  	s26 =	simm.s32 $execute0_lowered;
	[smem:$0x3FD2] =	sst s25  }
0xa6: {  	s4 =	sshll.u32 s26, $0x1;
	_ =	strace $0x80000055;
	[dreg:$0x1] =	wrdreg $0xFFFFFFFF  }
0xa7: {  	s28 =	simm.s32 $_size_execute0_lowered;
	s2 =	sadd.s32 s2, s4;
	[dreg:$0x0] =	wrdreg $0x0  }
0xa8: {  	s4 =	sshll.u32 s28, $0x1;
	[dreg:$0x2] =	wrdreg s2  }
0xa9: {  	[dreg:$0x3] =	wrdreg s4  }
0xaa: {  	[dreg:$0x4] =	wrdreg $0xC0  }
0xab: {  	_ =	task [dreg:s6], $0x5FFFF  }
0xac: {  	[dreg:$0x1] =	wrdreg $0xFFFFFFFF  }
0xad: {  	[dreg:$0x0] =	wrdreg $0x60  }
0xae: {  	[dreg:$0x2] =	wrdreg s24  }
0xaf: {  	[dreg:$0x3] =	wrdreg $0xE8000  }
0xb0: {  	[dreg:$0x4] =	wrdreg $0x9  }
0xb1: {  	_ =	task.clear_ibuf [dreg:s6], $0x5FFFF;
	_ =	strace $0x90000055  }
0xb2: {  	s29 =	simm.s32 $0x9;
	_ =	strace $0x80000057  }
0xb3: {  	_ =	swait.ge [sflag:s29], $0x1  }
0xb4: {  	[sflag:s29] =	ssyncadd.s32 $0xFFFFFFFF  }
0xb5: {  	_ =	strace $0x90000057  }
0xb6: {  	_ =	sfence  }
0xb7: {  	s30 =	sld [smem:$0x0];
	_ =	sdelay $0x2  }
0xb8: {  	s31 =	sshll.u32 s1, $0xD;
	s1 =	sshrl.u32 s1, $0x2  }
0xb9: {  	s3 =	sand.u32 $0x4000, s31;
	s1 =	sadd.s32 s1, s30  }
0xba: {  	s0 =	sor.u32 s3, s0;
	s1 =	sshll.u32 s1, $0x11  }
0xbb: {  	s0 =	sor.u32 s1, s0  }
0xbc: {  	s0 =	sadd.s32 $0x8F2B, s0  }
0xbd: {  	[sflag:s0] =	ssyncadd.remote.s32 $0x1  }
0xbe: {  	_ =	sfence.sel $0xFFFF  }
0xbf: {  	[dreg:$0x0] =	wrdreg $0xFFFFFFFF;
	(pc) =	sbr.abs _section_cstart, $3  }
0xc0: {  	[dreg:$0x1] =	wrdreg $0xFFFFFFFF  }
0xc1: {  	_ =	task.clear_ibuf [dreg:s6], $0x2FFFF;
	_ =	strace $0x9FFFFFFF  }
0xc2: {  	(tm) =	ssettm $0x7FFFFFFF  }
0xc3: {  	_ =	shalt  }
tec
execute0_lowered:
.L_overlay_start_1:
0x0: {  	(tag) =	ssettag $0x1  }
0x1: {  	s0 =	srdreg.scid;
	s5 =	rddreg [dreg:$0x0]  }
0x2: {  	s12 =	stileid.u32;
	s2 =	rddreg [dreg:$0x1];
	s3 =	simm.s32 $0x0  }
0x3: {  	s11 =	simm.s32 $0x80;
	s13 =	simm.s32 $0x1400;
	s16 =	simm.s32 $0xA  }
0x4: {  	s17 =	simm.s32 $0x5800;
	s18 =	simm.s32 $0x1;
	s20 =	simm.s32 $0x8800  }
0x5: {  	s21 =	simm.s32 $0x2;
	s24 =	simm.s32 $0xB800;
	s25 =	simm.s32 $0x3  }
0x6: {  	s28 =	simm.s32 $0x5;
	s30 =	simm.s32 $0x4;
	s19 =	simm.s32 $0x7  }
0x7: {  	s22 =	simm.s32 $0x8;
	s23 =	simm.s32 $0x0;
	s0 =	sand.u32 $0x1, s0  }
0x8: {  	s7 =	smul.u32 $0xF000, s12;
	[smem:$0x7FF] =	sst s3;
	s4 =	sadd.s32 $0xE600, s5  }
0x9: {  	s31 =	sshll.u32 s12, $0x6;
	s1 =	sshll.u32 s0, $0x4;
	s6 =	smul.u32 $0xF0000, s0  }
0xa: {  	_ =	strace $0x80000056;
	s0 =	ssub.s32 $0x2, s0;
	s14 =	sor.u32 $0x1C0A, s31  }
0xb: {  	s1 =	sor.u32 s12, s1;
	s8 =	sshrl.u32 s7, $0x3;
	s9 =	sshrl.u32 s0, $0x1  }
0xc: {  	s29 =	sadd.s32 s7, s2;
	s12 =	simm.s32 $0x2800;
	s1 =	smul.u32 $0x280, s1  }
.Ltmp0:
0xd: {  	s6 =	sadd.s32 s7, s6;
	s8 =	sadd.s32 s8, s5;
	(pc) =	sbr.rel .LBB2_1-.Ltmp0, $4  }
0xe: {  	s0 =	ssub.s32 s0, s9;
	s15 =	sshrl.u32 s29, $0x3;
	s6 =	sshrl.u32 s6, $0x3  }
0xf: {  	s7 =	sadd.s32 $0x2BC00, s8;
	s9 =	smax.u32 s0, $0x1;
	s1 =	sadd.s32 s1, s5  }
0x10: {  	s10 =	sadd.s32 s6, s5;
	s5 =	sadd.s32 $0x9600, s1;
	s6 =	sadd.s32 $0x4600, s1  }
0x11: {  	s8 =	sadd.s32 $0x49C00, s10;
	s10 =	simm.s32 $0x9;
	s1 =	simm.s32 $0x6  }
.LBB2_4:
0x12: {  	_ =	swait.ge [sflag:s30], $0x3000  }
0x13: {  	[sflag:s30] =	ssyncset.done $0x0  }
0x14: {  	[sflag:s30] =	ssyncadd.s32 $0xFFFFD000  }
0x15: {  	[spmem:s2] =	stream.indirect.scatter.add.f32 [tilespmem:s24], [sflag:$0x8], $0x60, s31, s11, $0xb8;
	[tilespmem:$0x1D800] =	vst v63  }
0x16: {  	_ =	swait.ge [sflag:s28], $0x3000  }
0x17: {  	[sflag:s28] =	ssyncset.done $0x0  }
0x18: {  	[sflag:s28] =	ssyncadd.s32 $0xFFFFD000  }
0x19: {  	_ =	swait.ge [sflag:s1], $0x3000  }
0x1a: {  	[sflag:s1] =	ssyncset.done $0x0  }
0x1b: {  	[sflag:s1] =	ssyncadd.s32 $0xFFFFD000  }
0x1c: {  	_ =	swait.ge [sflag:s19], $0x3000  }
0x1d: {  	[sflag:s19] =	ssyncset.done $0x0  }
0x1e: {  	[sflag:s19] =	ssyncadd.s32 $0xFFFFD000  }
0x1f: {  	_ =	swait.ge [sflag:s22], $0x3000  }
0x20: {  	s23 =	sadd.s32 $0x1, s23;
	[sflag:s22] =	ssyncset.done $0x0  }
0x21: {  	p0 =	sne.s32 s23, s9;
	[sflag:s22] =	ssyncadd.s32 $0xFFFFD000  }
.Ltmp1:
0x22: {  	[bflag:$0x0] =	sbarrier.arrive $0xFFFF;
	(pc) =	sbr.rel @!p0 .LBB2_5-.Ltmp1, $4  }
0x23: {  	[hbm:s8], [sflag:s14] =	dma.local [spmem:s15], $0x1E00  }
0x24: {  	_ =	swait.ge [sflag:s16], $0x1E00  }
0x25: {  	[sflag:s16] =	ssyncset.done $0x0  }
0x26: {  	[sflag:s16] =	ssyncadd.s32 $0xFFFFE200  }
.LBB2_1:
0x27: {  	[tilespmem:s3], [sflag:$0x9] =	stream.linear.gather [hbm4b:s5+s3], $0x1400, $0x38;
	[tilespmem:$0x1D800] =	vst v63  }
0x28: {  	_ =	swait.ge [sflag:s10], $0x1400  }
0x29: {  	[sflag:s10] =	ssyncset.done $0x0  }
0x2a: {  	[sflag:s10] =	ssyncadd.s32 $0xFFFFEC00  }
0x2b: {  	[tilespmem:s12], [sflag:$0x1] =	stream.indirect.gather [hbm4b:s4+s11], $0x60, s3, s11, $0xb8;
	[tilespmem:$0x1D800] =	vst v63  }
0x2c: {  	_ = 	snop  }
0x2d: {  	[tilespmem:s13], [sflag:$0x9] =	stream.linear.gather [hbm4b:s6+s3], $0x1400, $0x38;
	[tilespmem:$0x1D800] =	vst v63  }
0x2e: {  	[spmem:s15], [sflag:s14] =	dma.local [hbm:s7], $0x1E00  }
0x2f: {  	_ =	swait.ge [sflag:s16], $0x1E00  }
0x30: {  	[sflag:s16] =	ssyncset.done $0x0  }
0x31: {  	[sflag:s16] =	ssyncadd.s32 $0xFFFFE200  }
0x32: {  	_ =	swait.ge [sflag:s10], $0x1400  }
0x33: {  	[sflag:s10] =	ssyncset.done $0x0  }
0x34: {  	[sflag:s10] =	ssyncadd.s32 $0xFFFFEC00  }
0x35: {  	[tilespmem:s17], [sflag:$0x2] =	stream.indirect.gather [hbm4b:s4+s11], $0x60, s11, s11, $0xb8;
	[tilespmem:$0x1D800] =	vst v63  }
0x36: {  	[bflag:$0x0] =	sbarrier.arrive $0xFFFF  }
0x37: {  	_ =	swait.ge [sflag:s18], $0x3000  }
0x38: {  	[sflag:s18] =	ssyncset.done $0x0  }
0x39: {  	[sflag:s18] =	ssyncadd.s32 $0xFFFFD000  }
0x3a: {  	[spmem:s2] =	stream.indirect.scatter.add.f32 [tilespmem:s12], [sflag:$0x5], $0x60, s13, s11, $0xb8;
	[tilespmem:$0x1D800] =	vst v63  }
0x3b: {  	s0 =	simm.s32 $0x100  }
0x3c: {  	[tilespmem:s20], [sflag:$0x3] =	stream.indirect.gather [hbm4b:s4+s11], $0x60, s0, s11, $0xb8;
	[tilespmem:$0x1D800] =	vst v63  }
0x3d: {  	_ =	swait.ge [sflag:s21], $0x3000  }
0x3e: {  	[sflag:s21] =	ssyncset.done $0x0  }
0x3f: {  	s26 =	simm.s32 $0x1480;
	[sflag:s21] =	ssyncadd.s32 $0xFFFFD000  }
0x40: {  	[spmem:s2] =	stream.indirect.scatter.add.f32 [tilespmem:s17], [sflag:$0x6], $0x60, s26, s11, $0xb8;
	[tilespmem:$0x1D800] =	vst v63  }
0x41: {  	s29 =	simm.s32 $0x180  }
0x42: {  	[tilespmem:s24], [sflag:$0x4] =	stream.indirect.gather [hbm4b:s4+s11], $0x60, s29, s11, $0xb8;
	[tilespmem:$0x1D800] =	vst v63  }
0x43: {  	_ =	swait.ge [sflag:s25], $0x3000  }
0x44: {  	[sflag:s25] =	ssyncset.done $0x0  }
0x45: {  	s31 =	simm.s32 $0x1500;
	[sflag:s25] =	ssyncadd.s32 $0xFFFFD000  }
0x46: {  	[spmem:s2] =	stream.indirect.scatter.add.f32 [tilespmem:s20], [sflag:$0x7], $0x60, s31, s11, $0xb8;
	[tilespmem:$0x1D800] =	vst v63  }
0x47: {  	_ =	swait.ge [sflag:s28], $0x3000  }
0x48: {  	[sflag:s28] =	ssyncset.done $0x0  }
0x49: {  	s26 =	simm.s32 $0x200;
	[sflag:s28] =	ssyncadd.s32 $0xFFFFD000  }
0x4a: {  	[tilespmem:s12], [sflag:$0x1] =	stream.indirect.gather [hbm4b:s4+s11], $0x60, s26, s11, $0xb8;
	[tilespmem:$0x1D800] =	vst v63  }
0x4b: {  	_ =	swait.ge [sflag:s30], $0x3000  }
0x4c: {  	[sflag:s30] =	ssyncset.done $0x0  }
0x4d: {  	s29 =	simm.s32 $0x1580;
	[sflag:s30] =	ssyncadd.s32 $0xFFFFD000  }
0x4e: {  	[spmem:s2] =	stream.indirect.scatter.add.f32 [tilespmem:s24], [sflag:$0x8], $0x60, s29, s11, $0xb8;
	[tilespmem:$0x1D800] =	vst v63  }
0x4f: {  	_ =	swait.ge [sflag:s1], $0x3000  }
0x50: {  	[sflag:s1] =	ssyncset.done $0x0  }
0x51: {  	s31 =	simm.s32 $0x280;
	s26 =	simm.s32 $0x0;
	[sflag:s1] =	ssyncadd.s32 $0xFFFFD000  }
0x52: {  	[tilespmem:s17], [sflag:$0x2] =	stream.indirect.gather [hbm4b:s4+s11], $0x60, s31, s11, $0xb8;
	[tilespmem:$0x1D800] =	vst v63  }
.LBB2_2:
0x53: {  	_ =	swait.ge [sflag:s18], $0x3000  }
0x54: {  	s29 =	sshra.s32 s26, $0x2;
	[sflag:s18] =	ssyncset.done $0x0  }
0x55: {  	s31 =	sadd.s32 $0x1600, s29;
	[sflag:s18] =	ssyncadd.s32 $0xFFFFD000  }
0x56: {  	[spmem:s2] =	stream.indirect.scatter.add.f32 [tilespmem:s12], [sflag:$0x5], $0x60, s31, s11, $0xb8;
	[tilespmem:$0x1D800] =	vst v63  }
0x57: {  	_ =	swait.ge [sflag:s19], $0x3000  }
0x58: {  	[sflag:s19] =	ssyncset.done $0x0  }
0x59: {  	s31 =	sadd.s32 $0x300, s29;
	[sflag:s19] =	ssyncadd.s32 $0xFFFFD000  }
0x5a: {  	[tilespmem:s20], [sflag:$0x3] =	stream.indirect.gather [hbm4b:s4+s11], $0x60, s31, s11, $0xb8;
	[tilespmem:$0x1D800] =	vst v63  }
0x5b: {  	_ =	swait.ge [sflag:s21], $0x3000  }
0x5c: {  	[sflag:s21] =	ssyncset.done $0x0  }
0x5d: {  	s31 =	sadd.s32 $0x1680, s29;
	[sflag:s21] =	ssyncadd.s32 $0xFFFFD000  }
0x5e: {  	[spmem:s2] =	stream.indirect.scatter.add.f32 [tilespmem:s17], [sflag:$0x6], $0x60, s31, s11, $0xb8;
	[tilespmem:$0x1D800] =	vst v63  }
0x5f: {  	_ =	swait.ge [sflag:s22], $0x3000  }
0x60: {  	[sflag:s22] =	ssyncset.done $0x0  }
0x61: {  	p0 =	seq.s32 s26, $0x4000;
	s31 =	sadd.s32 $0x380, s29;
	[sflag:s22] =	ssyncadd.s32 $0xFFFFD000  }
0x62: {  	[tilespmem:s24], [sflag:$0x4] =	stream.indirect.gather [hbm4b:s4+s11], $0x60, s31, s11, $0xb8;
	[tilespmem:$0x1D800] =	vst v63  }
.Ltmp2:
0x63: {  	_ =	swait.ge [sflag:s25], $0x3000;
	(pc) =	sbr.rel @p0 .LBB2_4-.Ltmp2, $4  }
0x64: {  	[sflag:s25] =	ssyncset.done $0x0  }
0x65: {  	s31 =	sadd.s32 $0x1700, s29;
	[sflag:s25] =	ssyncadd.s32 $0xFFFFD000  }
0x66: {  	[spmem:s2] =	stream.indirect.scatter.add.f32 [tilespmem:s20], [sflag:$0x7], $0x60, s31, s11, $0xb8;
	[tilespmem:$0x1D800] =	vst v63  }
0x67: {  	s31 =	sadd.s32 $0x1780, s29  }
0x68: {  	_ =	swait.ge [sflag:s28], $0x3000  }
0x69: {  	[sflag:s28] =	ssyncset.done $0x0  }
0x6a: {  	s0 =	sadd.s32 $0x400, s29;
	[sflag:s28] =	ssyncadd.s32 $0xFFFFD000  }
0x6b: {  	[tilespmem:s12], [sflag:$0x1] =	stream.indirect.gather [hbm4b:s4+s11], $0x60, s0, s11, $0xb8;
	[tilespmem:$0x1D800] =	vst v63  }
0x6c: {  	_ =	swait.ge [sflag:s30], $0x3000  }
0x6d: {  	[sflag:s30] =	ssyncset.done $0x0  }
0x6e: {  	[sflag:s30] =	ssyncadd.s32 $0xFFFFD000  }
0x6f: {  	[spmem:s2] =	stream.indirect.scatter.add.f32 [tilespmem:s24], [sflag:$0x8], $0x60, s31, s11, $0xb8;
	[tilespmem:$0x1D800] =	vst v63  }
.Ltmp3:
0x70: {  	_ = 	snop;
	(pc) =	sbr.rel .LBB2_2-.Ltmp3, $4  }
0x71: {  	_ =	swait.ge [sflag:s1], $0x3000  }
0x72: {  	[sflag:s1] =	ssyncset.done $0x0  }
0x73: {  	s26 =	sadd.s32 $0x800, s26;
	s31 =	sadd.s32 $0x480, s29;
	[sflag:s1] =	ssyncadd.s32 $0xFFFFD000  }
0x74: {  	[tilespmem:s17], [sflag:$0x2] =	stream.indirect.gather [hbm4b:s4+s11], $0x60, s31, s11, $0xb8;
	[tilespmem:$0x1D800] =	vst v63  }
.LBB2_5:
0x75: {  	_ =	sfence.sel $0x180000  }
0x76: {  	[bflag:$0x0] =	sbarrier.arrive $0xFFFF  }
0x77: {  	_ =	strace $0x90000056  }
0x78: {  	s0 =	stileid.u32;
	[bflag:$0x2] =	sbarrier.arrive $0xFFFF  }
0x79: {  	p0 =	sne.s32 s0, $0x0;
	s0 =	rddreg [dreg:$0x2]  }
0x7a: {  	s0 =	sadd.s32 @!p0 $0x100000, s0  }
0x7b: {  	[sflag:s0] =	ssyncadd.tile.s32 @!p0 $0x1;
	_ =	shalt  }
.Lfunc_end2:
_tile_overlayer_lowered:
.L_overlay_start_2:
0x7c: {  	(tag) =	ssettag $0x2  }
0x7d: {  	s0 =	rddreg [dreg:$0x0];
	s2 =	stileid.u32  }
0x7e: {  	s1 =	rddreg [dreg:$0x1];
	p0 =	sne.s32 s2, $0x0  }
0x7f: {  	s3 =	rddreg [dreg:$0x2];
	[bflag:$0x3] =	sbarrier.arrive $0xFFFF;
	s2 =	simm.s32 @!p0 $0x1C0A  }
0x80: {  	[timem:s3], [sflag:s2] =	dma.local @!p0 [hbm:s0], s1  }
0x81: {  	s0 =	simm.s32 @!p0 $0xA  }
0x82: {  	_ =	swait.ge @!p0 [sflag:s0], s1  }
0x83: {  	s1 =	ssub.s32 @!p0 $0x0, s1;
	[sflag:s0] =	ssyncset.done @!p0 $0x0  }
0x84: {  	[sflag:s0] =	ssyncadd.s32 @!p0 s1  }
0x85: {  	[bflag:$0x3] =	sbarrier.arrive $0xFFFF  }
0x86: {  	_ =	shalt  }

// kernel: kernel.34.cloned.1.call-start
scs
__scs_entry_jumppad:
0x0: {  	(pc) =	sbr.rel $0x88, $3  }
0x1: {  	(tag) =	ssettag $0x0;
	lr =	simm.s32 $0x1  }
0x2: {  	[smem:$0x3F8E] =	sst lr;
	_ =	strace $0xD0000000  }
0x3: {  	_ = 	snop  }
0x4: {  	_ = 	snop  }
0x5: {  	_ = 	snop  }
0x6: {  	_ = 	snop  }
0x7: {  	_ = 	snop  }
__scs_overlays_trampoline_lowered:
0x8: {  	[smem:$0x3F9D] =	sst s0  }
0x9: {  	[smem:$0x3F9E] =	sst s1  }
0xa: {  	[smem:$0x3F9F] =	sst s2  }
0xb: {  	[smem:$0x3FA0] =	sst s3  }
0xc: {  	[smem:$0x3FA1] =	sst s4  }
0xd: {  	[smem:$0x3FA2] =	sst s5  }
0xe: {  	[smem:$0x3FA3] =	sst s6  }
0xf: {  	[smem:$0x3FA4] =	sst s7  }
0x10: {  	[smem:$0x3FA5] =	sst s8  }
0x11: {  	[smem:$0x3FA6] =	sst s9;
	s0 =	simm.s32 @!p0 $0x0  }
0x12: {  	s1 =	sld [smem:$0x3F8C];
	s0 =	simm.s32 @p0 $0x1  }
0x13: {  	[smem:$0x3FA7] =	sst s0;
	s0 =	simm.s32 @!p1 $0x0  }
0x14: {  	s2 =	sld [smem:$0x3F8B];
	s0 =	simm.s32 @p1 $0x1  }
0x15: {  	[smem:$0x3FA8] =	sst s0;
	s0 =	simm.s32 @!p2 $0x0  }
0x16: {  	s3 =	sld [smem:$0x3FDB];
	s0 =	simm.s32 @p2 $0x1  }
0x17: {  	s4 =	simm.s32 $0x1BF5;
	[smem:$0x3FAA] =	sst s0  }
0x18: {  	s0 =	sld [smem:$0x3F8D];
	_ =	swait.ge [sflag:s4], $0x0  }
0x19: {  	s7 =	sld [smem:$0x3F8E]  }
0x1a: {  	s8 =	sadd.s32 $0xFFFFE003, lr  }
0x1b: {  	s9 =	sadd.s32 $0xFFFFFEF7, lr;
	s5 =	simm.s32 $0xFFFFFFFF;
	p2 =	slt.u32 s8, $0xFFFFF086  }
0x1c: {  	p1 =	slt.u32 s9, $0xF7A;
	s5 =	simm.s32 @!p2 $0x0  }
0x1d: {  	s5 =	simm.s32 @p1 $0x1;
	p0 =	seq.s32 s7, s2  }
0x1e: {  	s7 =	smul.u32 @!p0 $0xF7A, s2;
	p2 =	seq.s32 @!p0 s5, $0x0  }
0x1f: {  	s9 =	smul.u32 $0xF7A, s1;
	s8 =	simm.s32 @!p0 $0x1BF5;
	p2 =	por !p2, p0  }
0x20: {  	[sflag:s8] =	ssyncset.s32 @!p0 $0xFFFFF086;
	s6 =	sadd.s32 @!p0 s3, s7;
	s7 =	simm.s32 @!p0 $0x108  }
0x21: {  	s3 =	sadd.s32 s3, s9;
	s6 =	sadd.s32 @!p0 $0x88, s6;
	s7 =	simm.s32 @p2 $0x1082  }
0x22: {  	[simem:s7], [sflag:s8] =	dma.local @!p0 [hbm:s6], $0xF7A  }
0x23: {  	s9 =	sor.u32 $0xD0000000, s2;
	s6 =	simm.s32 $0x108;
	_ =	swait.ge @!p0 [sflag:s8], $0x0  }
0x24: {  	s3 =	sadd.s32 $0x88, s3;
	s6 =	simm.s32 @!p1 $0x1082;
	[sflag:s4] =	ssyncset.s32 $0xFFFFF086  }
0x25: {  	[simem:s6], [sflag:s4] =	dma.local [hbm:s3], $0xF7A  }
0x26: {  	[smem:$0x3F8E] =	sst s1;
	(tag) =	ssettag s2;
	_ =	strace s9  }
0x27: {  	s1 =	sld [smem:$0x3F9E]  }
0x28: {  	s2 =	sld [smem:$0x3F9F]  }
0x29: {  	s4 =	sld [smem:$0x3FA1]  }
0x2a: {  	p0 =	seq.s32 s5, $0x0;
	s5 =	sld [smem:$0x3FA2]  }
0x2b: {  	s6 =	sld [smem:$0x3FA3]  }
0x2c: {  	s7 =	sld [smem:$0x3FA4]  }
0x2d: {  	s3 =	simm.s32 $0x108;
	s8 =	sld [smem:$0x3FA5]  }
0x2e: {  	s3 =	simm.s32 @!p0 $0x1082;
	s9 =	sld [smem:$0x3FA6]  }
0x2f: {  	lr =	sadd.s32 s0, s3;
	s0 =	sld [smem:$0x3F9D]  }
0x30: {  	s3 =	sld [smem:$0x3FA0]  }
0x31: {  	[smem:$0x3FA9] =	sst s10  }
0x32: {  	s10 =	sld [smem:$0x3FA7];
	_ =	sdelay $0x3  }
0x33: {  	p0 =	seq.s32 s10, $0x1;
	s10 =	sld [smem:$0x3FA9];
	_ =	sdelay $0x3  }
0x34: {  	[smem:$0x3FA9] =	sst s10  }
0x35: {  	s10 =	sld [smem:$0x3FA8];
	_ =	sdelay $0x3  }
0x36: {  	p1 =	seq.s32 s10, $0x1;
	s10 =	sld [smem:$0x3FA9];
	_ =	sdelay $0x3  }
0x37: {  	[smem:$0x3FA9] =	sst s10  }
0x38: {  	s10 =	sld [smem:$0x3FAA]  }
0x39: {  	_ = 	snop;
	(pc) =	sbr.ind lr, $3  }
0x3a: {  	_ = 	snop  }
0x3b: {  	_ = 	snop  }
0x3c: {  	p2 =	seq.s32 s10, $0x1;
	s10 =	sld [smem:$0x3FA9]  }
0x3d: {  	_ =	shalt  }
0x3e: {  	_ =	shalt  }
0x3f: {  	_ =	shalt  }
0x40: {  	_ =	shalt  }
0x41: {  	_ =	shalt  }
0x42: {  	_ =	shalt  }
0x43: {  	_ =	shalt  }
0x44: {  	_ =	shalt  }
0x45: {  	_ =	shalt  }
0x46: {  	_ =	shalt  }
0x47: {  	_ =	shalt  }
0x48: {  	_ =	shalt  }
0x49: {  	_ =	shalt  }
0x4a: {  	_ =	shalt  }
0x4b: {  	_ =	shalt  }
0x4c: {  	_ =	shalt  }
0x4d: {  	_ =	shalt  }
0x4e: {  	_ =	shalt  }
0x4f: {  	_ =	shalt  }
0x50: {  	_ =	shalt  }
0x51: {  	_ =	shalt  }
0x52: {  	_ =	shalt  }
0x53: {  	_ =	shalt  }
0x54: {  	_ =	shalt  }
0x55: {  	_ =	shalt  }
0x56: {  	_ =	shalt  }
0x57: {  	_ =	shalt  }
0x58: {  	_ =	shalt  }
0x59: {  	_ =	shalt  }
0x5a: {  	_ =	shalt  }
0x5b: {  	_ =	shalt  }
0x5c: {  	_ =	shalt  }
0x5d: {  	_ =	shalt  }
0x5e: {  	_ =	shalt  }
0x5f: {  	_ =	shalt  }
0x60: {  	_ =	shalt  }
0x61: {  	_ =	shalt  }
0x62: {  	_ =	shalt  }
0x63: {  	_ =	shalt  }
0x64: {  	_ =	shalt  }
0x65: {  	_ =	shalt  }
0x66: {  	_ =	shalt  }
0x67: {  	_ =	shalt  }
0x68: {  	_ =	shalt  }
0x69: {  	_ =	shalt  }
0x6a: {  	_ =	shalt  }
0x6b: {  	_ =	shalt  }
0x6c: {  	_ =	shalt  }
0x6d: {  	_ =	shalt  }
0x6e: {  	_ =	shalt  }
0x6f: {  	_ =	shalt  }
0x70: {  	_ =	shalt  }
0x71: {  	_ =	shalt  }
0x72: {  	_ =	shalt  }
0x73: {  	_ =	shalt  }
0x74: {  	_ =	shalt  }
0x75: {  	_ =	shalt  }
0x76: {  	_ =	shalt  }
0x77: {  	_ =	shalt  }
0x78: {  	_ =	shalt  }
0x79: {  	_ =	shalt  }
0x7a: {  	_ =	shalt  }
0x7b: {  	_ =	shalt  }
0x7c: {  	_ =	shalt  }
0x7d: {  	_ =	shalt  }
0x7e: {  	_ =	shalt  }
0x7f: {  	_ =	shalt  }
0x80: {  	_ =	shalt  }
0x81: {  	_ =	shalt  }
0x82: {  	_ =	shalt  }
0x83: {  	_ =	shalt  }
0x84: {  	_ =	shalt  }
0x85: {  	_ =	shalt  }
0x86: {  	_ =	shalt  }
0x87: {  	_ =	shalt  }
.Lfunc_end0:
.L_simem_size_0:
called_computation.6_lowered:
.L_overlay_start_0:
0x88: {  	s2 =	sld [smem:$0x3FD9]  }
0x89: {  	s3 =	sld [smem:$0x3FFE];
	_ =	sdelay $0x1  }
0x8a: {  	s1 =	srdreg.scid  }
0x8b: {  	s0 =	sand.u32 $0x1, s1  }
0x8c: {  	s16 =	sshll.u32 s0, $0xA;
	s2 =	sadd.s32 s3, s2  }
0x8d: {  	s2 =	sadd.s32 s2, s16  }
0x8e: {  	[smem:$0x3FB5] =	sst s2  }
0x8f: {  	_ = 	snop  }
0x90: {  	(tm) =	ssettm $0x1  }
0x91: {  	s17 =	sld [smem:$0x3FFB];
	_ =	sdelay $0x3  }
0x92: {  	_ =	strace s17  }
0x93: {  	s2 =	sld [smem:$0x3FFC];
	_ =	sdelay $0x3  }
0x94: {  	_ =	strace s2  }
0x95: {  	s2 =	sld [smem:$0x3FFD];
	_ =	sdelay $0x3  }
0x96: {  	_ =	strace s2  }
0x97: {  	_ =	strace $0x8FFFFFFF  }
0x98: {  	s18 =	sld [smem:$0x3FDB];
	_ =	sdelay $0x1  }
0x99: {  	s19 =	simm.s32 $_scs_section_size  }
0x9a: {  	s4 =	simm.s32 $_size__tile_overlayer_lowered;
	s5 =	simm.s32 $_tile_overlayer_lowered  }
0x9b: {  	s22 =	simm.s32 $0x1BFF;
	s21 =	sshll.u32 s5, $0x1;
	s2 =	sadd.s32 s19, s18  }
0x9c: {  	s6 =	simm.s32 $0x0;
	s20 =	sshll.u32 s4, $0x1;
	s4 =	sadd.s32 s21, s2  }
0x9d: {  	[timem:s6], [sflag:s22] =	dma.local [hbm:s4], s20  }
0x9e: {  	_ =	swait.ge [sflag:s22], s20  }
0x9f: {  	s3 =	ssub.s32 $0x0, s20;
	[sflag:s22] =	ssyncset.done $0x0  }
0xa0: {  	[sflag:s22] =	ssyncadd.s32 s3;
	_ =	sdelay $0x1  }
0xa1: {  	s23 =	simm.s32 $0x1B8B  }
0xa2: {  	_ =	swait.ge [sflag:s23], $0x1  }
0xa3: {  	[sflag:s23] =	ssyncset.done $0x0  }
0xa4: {  	s25 =	simm.s32 $0x1B8E;
	s24 =	sld [smem:$0x3FFE];
	[sflag:s23] =	ssyncadd.s32 $0xFFFFFFFF  }
0xa5: {  	s26 =	simm.s32 $execute0_lowered;
	[smem:$0x3FD2] =	sst s25  }
0xa6: {  	s4 =	sshll.u32 s26, $0x1;
	_ =	strace $0x80000058;
	[dreg:$0x1] =	wrdreg $0xFFFFFFFF  }
0xa7: {  	s28 =	simm.s32 $_size_execute0_lowered;
	s2 =	sadd.s32 s2, s4;
	[dreg:$0x0] =	wrdreg $0x0  }
0xa8: {  	s4 =	sshll.u32 s28, $0x1;
	[dreg:$0x2] =	wrdreg s2  }
0xa9: {  	[dreg:$0x3] =	wrdreg s4  }
0xaa: {  	[dreg:$0x4] =	wrdreg $0xC0  }
0xab: {  	_ =	task [dreg:s6], $0x5FFFF  }
0xac: {  	[dreg:$0x1] =	wrdreg $0xFFFFFFFF  }
0xad: {  	[dreg:$0x0] =	wrdreg $0x60  }
0xae: {  	[dreg:$0x2] =	wrdreg s24  }
0xaf: {  	[dreg:$0x3] =	wrdreg $0xA8000  }
0xb0: {  	[dreg:$0x4] =	wrdreg $0x9  }
0xb1: {  	_ =	task.clear_ibuf [dreg:s6], $0x5FFFF;
	_ =	strace $0x90000058  }
0xb2: {  	s29 =	simm.s32 $0x9;
	_ =	strace $0x8000005A  }
0xb3: {  	_ =	swait.ge [sflag:s29], $0x1  }
0xb4: {  	[sflag:s29] =	ssyncadd.s32 $0xFFFFFFFF  }
0xb5: {  	_ =	strace $0x9000005A  }
0xb6: {  	_ =	sfence  }
0xb7: {  	s30 =	sld [smem:$0x0];
	_ =	sdelay $0x2  }
0xb8: {  	s31 =	sshll.u32 s1, $0xD;
	s1 =	sshrl.u32 s1, $0x2  }
0xb9: {  	s3 =	sand.u32 $0x4000, s31;
	s1 =	sadd.s32 s1, s30  }
0xba: {  	s0 =	sor.u32 s3, s0;
	s1 =	sshll.u32 s1, $0x11  }
0xbb: {  	s0 =	sor.u32 s1, s0  }
0xbc: {  	s0 =	sadd.s32 $0x8F2B, s0  }
0xbd: {  	[sflag:s0] =	ssyncadd.remote.s32 $0x1  }
0xbe: {  	_ =	sfence.sel $0xFFFF  }
0xbf: {  	[dreg:$0x0] =	wrdreg $0xFFFFFFFF;
	(pc) =	sbr.abs _section_cstart, $3  }
0xc0: {  	[dreg:$0x1] =	wrdreg $0xFFFFFFFF  }
0xc1: {  	_ =	task.clear_ibuf [dreg:s6], $0x2FFFF;
	_ =	strace $0x9FFFFFFF  }
0xc2: {  	(tm) =	ssettm $0x7FFFFFFF  }
0xc3: {  	_ =	shalt  }
tec
execute0_lowered:
.L_overlay_start_1:
0x0: {  	(tag) =	ssettag $0x1  }
0x1: {  	s6 =	rddreg [dreg:$0x0]  }
0x2: {  	s0 =	srdreg.scid;
	s2 =	rddreg [dreg:$0x1];
	s3 =	simm.s32 $0x0  }
0x3: {  	s12 =	simm.s32 $0x2800;
	s13 =	simm.s32 $0x1400;
	s16 =	simm.s32 $0x6  }
0x4: {  	s17 =	simm.s32 $0x6800;
	s18 =	simm.s32 $0x1;
	s19 =	simm.s32 $0x2  }
0x5: {  	s20 =	simm.s32 $0x3;
	s21 =	simm.s32 $0x4;
	s22 =	simm.s32 $0x2700  }
0x6: {  	s23 =	simm.s32 $0x2780;
	s5 =	sand.u32 $0x1, s0;
	s0 =	stileid.u32  }
0x7: {  	s24 =	simm.s32 $0x0;
	[smem:$0x7FF] =	sst s3;
	s8 =	smul.u32 $0x14000, s0  }
0x8: {  	s4 =	sadd.s32 $0xE600, s6;
	s1 =	sshll.u32 s5, $0x4;
	s9 =	smul.u32 $0x140000, s5  }
0x9: {  	s5 =	ssub.s32 $0x2, s5;
	s14 =	sshll.u32 s0, $0x6;
	s1 =	sor.u32 s0, s1  }
0xa: {  	s11 =	sshrl.u32 s5, $0x1;
	s14 =	sor.u32 $0x1C06, s14;
	s7 =	smul.u32 $0x280, s1  }
0xb: {  	s1 =	rddreg [dreg:$0x2];
	_ =	strace $0x80000059;
	s10 =	sshrl.u32 s8, $0x3  }
0xc: {  	s9 =	sadd.s32 s8, s9;
	s11 =	ssub.s32 s5, s11;
	s15 =	sadd.s32 s8, s2  }
0xd: {  	s10 =	sadd.s32 s10, s6;
	s9 =	sshrl.u32 s9, $0x3;
	s7 =	sadd.s32 s7, s6  }
0xe: {  	s15 =	sshrl.u32 s15, $0x3;
	s9 =	sadd.s32 s9, s6;
	s5 =	sadd.s32 $0x9600, s7  }
0xf: {  	s6 =	sadd.s32 $0x4600, s7;
	s7 =	sadd.s32 $0x35800, s10;
	s8 =	sadd.s32 $0x5D800, s9  }
0x10: {  	s9 =	smax.u32 s11, $0x1;
	s10 =	simm.s32 $0x5;
	s11 =	simm.s32 $0x80  }
.LBB2_1:
0x11: {  	[tilespmem:s3], [sflag:$0x5] =	stream.linear.gather [hbm4b:s5+s3], $0x1400, $0x38;
	[tilespmem:$0x1E800] =	vst v63  }
0x12: {  	_ =	swait.ge [sflag:s10], $0x1400  }
0x13: {  	[sflag:s10] =	ssyncset.done $0x0  }
0x14: {  	[sflag:s10] =	ssyncadd.s32 $0xFFFFEC00  }
0x15: {  	[tilespmem:s12], [sflag:$0x1] =	stream.indirect.gather [hbm4b:s4+s11], $0x80, s3, s11, $0xb8;
	[tilespmem:$0x1E800] =	vst v63  }
0x16: {  	_ = 	snop  }
0x17: {  	[tilespmem:s13], [sflag:$0x5] =	stream.linear.gather [hbm4b:s6+s3], $0x1400, $0x38;
	[tilespmem:$0x1E800] =	vst v63  }
0x18: {  	[spmem:s15], [sflag:s14] =	dma.local [hbm:s7], $0x2800  }
0x19: {  	_ =	swait.ge [sflag:s16], $0x2800  }
0x1a: {  	[sflag:s16] =	ssyncset.done $0x0  }
0x1b: {  	[sflag:s16] =	ssyncadd.s32 $0xFFFFD800  }
0x1c: {  	_ =	swait.ge [sflag:s10], $0x1400  }
0x1d: {  	[sflag:s10] =	ssyncset.done $0x0  }
0x1e: {  	[sflag:s10] =	ssyncadd.s32 $0xFFFFEC00  }
0x1f: {  	[tilespmem:s17], [sflag:$0x2] =	stream.indirect.gather [hbm4b:s4+s11], $0x80, s11, s11, $0xb8;
	[tilespmem:$0x1E800] =	vst v63  }
0x20: {  	[bflag:$0x0] =	sbarrier.arrive $0xFFFF  }
0x21: {  	_ =	swait.ge [sflag:s18], $0x4000  }
0x22: {  	[sflag:s18] =	ssyncset.done $0x0  }
0x23: {  	s25 =	simm.s32 $0x1400;
	[sflag:s18] =	ssyncadd.s32 $0xFFFFC000  }
0x24: {  	[spmem:s2] =	stream.indirect.scatter.add.f32 [tilespmem:s12], [sflag:$0x3], $0x80, s25, s11, $0xb8;
	[tilespmem:$0x1E800] =	vst v63  }
0x25: {  	_ =	swait.ge [sflag:s19], $0x4000  }
0x26: {  	[sflag:s19] =	ssyncset.done $0x0  }
0x27: {  	s30 =	simm.s32 $0x1480;
	[sflag:s19] =	ssyncadd.s32 $0xFFFFC000  }
0x28: {  	[spmem:s2] =	stream.indirect.scatter.add.f32 [tilespmem:s17], [sflag:$0x4], $0x80, s30, s11, $0xb8;
	[tilespmem:$0x1E800] =	vst v63  }
0x29: {  	_ =	swait.ge [sflag:s20], $0x4000  }
0x2a: {  	[sflag:s20] =	ssyncset.done $0x0  }
0x2b: {  	s31 =	simm.s32 $0x100;
	[sflag:s20] =	ssyncadd.s32 $0xFFFFC000  }
0x2c: {  	[tilespmem:s12], [sflag:$0x1] =	stream.indirect.gather [hbm4b:s4+s11], $0x80, s31, s11, $0xb8;
	[tilespmem:$0x1E800] =	vst v63  }
0x2d: {  	_ =	swait.ge [sflag:s21], $0x4000  }
0x2e: {  	[sflag:s21] =	ssyncset.done $0x0  }
0x2f: {  	s26 =	simm.s32 $0x180;
	s25 =	simm.s32 $0x400;
	[sflag:s21] =	ssyncadd.s32 $0xFFFFC000  }
.LBB2_2:
0x30: {  	[tilespmem:s17], [sflag:$0x2] =	stream.indirect.gather [hbm4b:s4+s11], $0x80, s26, s11, $0xb8;
	[tilespmem:$0x1E800] =	vst v63  }
0x31: {  	s26 =	smov.u32 s25  }
0x32: {  	p0 =	sne.s32 s25, $0x4800;
	s25 =	sadd.s32 $0x400, s25;
	_ =	swait.ge [sflag:s18], $0x4000  }
0x33: {  	s26 =	sshra.s32 s26, $0x2;
	[sflag:s18] =	ssyncset.done $0x0  }
0x34: {  	s28 =	sadd.s32 $0x1400, s26;
	[sflag:s18] =	ssyncadd.s32 $0xFFFFC000  }
0x35: {  	[spmem:s2] =	stream.indirect.scatter.add.f32 [tilespmem:s12], [sflag:$0x3], $0x80, s28, s11, $0xb8;
	[tilespmem:$0x1E800] =	vst v63  }
0x36: {  	_ =	swait.ge [sflag:s19], $0x4000  }
0x37: {  	[sflag:s19] =	ssyncset.done $0x0  }
0x38: {  	s28 =	sadd.s32 $0x1480, s26;
	[sflag:s19] =	ssyncadd.s32 $0xFFFFC000  }
0x39: {  	[spmem:s2] =	stream.indirect.scatter.add.f32 [tilespmem:s17], [sflag:$0x4], $0x80, s28, s11, $0xb8;
	[tilespmem:$0x1E800] =	vst v63  }
0x3a: {  	_ =	swait.ge [sflag:s20], $0x4000  }
0x3b: {  	[sflag:s20] =	ssyncset.done $0x0  }
.Ltmp0:
0x3c: {  	s28 =	sadd.s32 $0x100, s26;
	[sflag:s20] =	ssyncadd.s32 $0xFFFFC000;
	(pc) =	sbr.rel @p0 .LBB2_2-.Ltmp0, $4  }
0x3d: {  	[tilespmem:s12], [sflag:$0x1] =	stream.indirect.gather [hbm4b:s4+s11], $0x80, s28, s11, $0xb8;
	[tilespmem:$0x1E800] =	vst v63  }
0x3e: {  	_ =	swait.ge [sflag:s21], $0x4000  }
0x3f: {  	[sflag:s21] =	ssyncset.done $0x0  }
0x40: {  	s26 =	sadd.s32 $0x180, s26;
	[sflag:s21] =	ssyncadd.s32 $0xFFFFC000  }
0x41: {  	[tilespmem:s17], [sflag:$0x2] =	stream.indirect.gather [hbm4b:s4+s11], $0x80, s26, s11, $0xb8;
	[tilespmem:$0x1E800] =	vst v63  }
0x42: {  	_ =	swait.ge [sflag:s18], $0x4000  }
0x43: {  	[sflag:s18] =	ssyncset.done $0x0  }
0x44: {  	[sflag:s18] =	ssyncadd.s32 $0xFFFFC000  }
0x45: {  	[spmem:s2] =	stream.indirect.scatter.add.f32 [tilespmem:s12], [sflag:$0x3], $0x80, s22, s11, $0xb8;
	[tilespmem:$0x1E800] =	vst v63  }
0x46: {  	_ =	swait.ge [sflag:s19], $0x4000  }
0x47: {  	[sflag:s19] =	ssyncset.done $0x0  }
0x48: {  	[sflag:s19] =	ssyncadd.s32 $0xFFFFC000  }
0x49: {  	[spmem:s2] =	stream.indirect.scatter.add.f32 [tilespmem:s17], [sflag:$0x4], $0x80, s23, s11, $0xb8;
	[tilespmem:$0x1E800] =	vst v63  }
0x4a: {  	_ =	swait.ge [sflag:s20], $0x4000  }
0x4b: {  	[sflag:s20] =	ssyncset.done $0x0  }
0x4c: {  	[sflag:s20] =	ssyncadd.s32 $0xFFFFC000  }
0x4d: {  	_ =	swait.ge [sflag:s21], $0x4000  }
0x4e: {  	s24 =	sadd.s32 $0x1, s24;
	[sflag:s21] =	ssyncset.done $0x0  }
0x4f: {  	p0 =	sne.s32 s24, s9;
	[sflag:s21] =	ssyncadd.s32 $0xFFFFC000  }
.Ltmp1:
0x50: {  	[bflag:$0x0] =	sbarrier.arrive $0xFFFF;
	(pc) =	sbr.rel @p0 .LBB2_1-.Ltmp1, $4  }
0x51: {  	[hbm:s8], [sflag:s14] =	dma.local [spmem:s15], $0x2800  }
0x52: {  	_ =	swait.ge [sflag:s16], $0x2800  }
0x53: {  	[sflag:s16] =	ssyncset.done $0x0  }
0x54: {  	[sflag:s16] =	ssyncadd.s32 $0xFFFFD800  }
0x55: {  	_ =	sfence.sel $0x180000  }
0x56: {  	[bflag:$0x0] =	sbarrier.arrive $0xFFFF  }
0x57: {  	p0 =	sne.s32 s0, $0x0;
	_ =	strace $0x90000059  }
0x58: {  	s0 =	sadd.s32 @!p0 $0x100000, s1;
	[bflag:$0x2] =	sbarrier.arrive $0xFFFF  }
0x59: {  	[sflag:s0] =	ssyncadd.tile.s32 @!p0 $0x1;
	_ =	shalt  }
.Lfunc_end2:
_tile_overlayer_lowered:
.L_overlay_start_2:
0x5a: {  	(tag) =	ssettag $0x2  }
0x5b: {  	s0 =	rddreg [dreg:$0x0];
	s2 =	stileid.u32  }
0x5c: {  	s1 =	rddreg [dreg:$0x1];
	p0 =	sne.s32 s2, $0x0  }
0x5d: {  	s3 =	rddreg [dreg:$0x2];
	[bflag:$0x3] =	sbarrier.arrive $0xFFFF;
	s2 =	simm.s32 @!p0 $0x1C06  }
0x5e: {  	[timem:s3], [sflag:s2] =	dma.local @!p0 [hbm:s0], s1  }
0x5f: {  	s0 =	simm.s32 @!p0 $0x6  }
0x60: {  	_ =	swait.ge @!p0 [sflag:s0], s1  }
0x61: {  	s1 =	ssub.s32 @!p0 $0x0, s1;
	[sflag:s0] =	ssyncset.done @!p0 $0x0  }
0x62: {  	[sflag:s0] =	ssyncadd.s32 @!p0 s1  }
0x63: {  	[bflag:$0x3] =	sbarrier.arrive $0xFFFF  }
0x64: {  	_ =	shalt  }

</sc_bundles>
